<compile_context>
chip_gen: v7x
topology: tpu7x:2x2x1
jax: 0.10.2.dev20260603
libtpu: 0.0.44.dev20260713+nightly
codegen_flags: <defaults>
</compile_context>

<pallas_src>
import functools

import jax
import jax.numpy as jnp
from jax import lax
from jax.experimental import pallas as pl
from jax.experimental.pallas import tpu as pltpu
from jax.experimental.pallas import tpu_sc as plsc

NUM_EXPERTS = 8
TOP_K = 2
D_MODEL = 1024
D_FF = 4096
OUT_DIM = 7
N_TOK = 2048

LANES = 128
TF = 1024
NF = D_FF // TF
TMG = 128
NTG = 40
R = NTG * TMG
NARROW = 16


def _gelu(x):
    x3 = x * x * x
    return 0.5 * x * (1.0 + jnp.tanh(0.7978845608028654 * (x + 0.044715 * x3)))


def _route_body(x_ref, wg_ref, bg_ref, r8_ref, te_ref, s1_ref, s2_ref):
    l = jnp.dot(x_ref[...], wg_ref[...], preferred_element_type=jnp.float32)
    l = l + bg_ref[...]
    lane = lax.broadcasted_iota(jnp.int32, l.shape, 1)
    neg = jnp.float32(-jnp.inf)
    l = jnp.where(lane < NUM_EXPERTS, l, neg)
    m1 = jnp.max(l, axis=1, keepdims=True)
    a1 = jnp.min(jnp.where(l == m1, lane, LANES), axis=1, keepdims=True)
    l2 = jnp.where(lane == a1, neg, l)
    m2 = jnp.max(l2, axis=1, keepdims=True)
    a2 = jnp.min(jnp.where(l2 == m2, lane, LANES), axis=1, keepdims=True)
    w1 = 1.0 / (1.0 + jnp.exp(m2 - m1))
    w2 = 1.0 - w1

    lane8 = lax.broadcasted_iota(jnp.int32, (N_TOK, NUM_EXPERTS), 1)
    one1 = (lane8 == a1).astype(jnp.float32)
    one2 = (lane8 == a2).astype(jnp.float32)

    tl = (lax.broadcasted_iota(jnp.int32, (128, 128), 0)
          > lax.broadcasted_iota(jnp.int32, (128, 128), 1)).astype(jnp.float32)
    c1 = jnp.zeros((1, NUM_EXPERTS), jnp.float32)
    c2 = jnp.zeros((1, NUM_EXPERTS), jnp.float32)
    for b in range(N_TOK // 128):
        sl = pl.ds(b * 128, 128)
        o1b = one1[b * 128:(b + 1) * 128, :]
        o2b = one2[b * 128:(b + 1) * 128, :]
        s1_ref[sl, :] = jnp.dot(tl, o1b, preferred_element_type=jnp.float32) + c1
        s2_ref[sl, :] = jnp.dot(tl, o2b, preferred_element_type=jnp.float32) + c2
        c1 = c1 + jnp.sum(o1b, axis=0, keepdims=True)
        c2 = c2 + jnp.sum(o2b, axis=0, keepdims=True)

    counts = c1 + c2
    padc = jnp.floor((counts + 127.0) * (1.0 / 128.0)) * 128.0
    su = (lax.broadcasted_iota(jnp.int32, (NUM_EXPERTS, NUM_EXPERTS), 0)
          < lax.broadcasted_iota(jnp.int32, (NUM_EXPERTS, NUM_EXPERTS), 1)
          ).astype(jnp.float32)
    offs = jnp.dot(padc, su, preferred_element_type=jnp.float32)
    ends = offs + padc

    rp1 = jnp.sum(one1 * (offs + s1_ref[...]), axis=1, keepdims=True)
    rp2 = jnp.sum(one2 * (offs + c1 + s2_ref[...]), axis=1, keepdims=True)

    r8 = (jnp.where(lane8 == 0, rp1, 0.0)
          + jnp.where(lane8 == 1, rp2, 0.0)
          + jnp.where(lane8 == 2, w1, 0.0)
          + jnp.where(lane8 == 3, w2, 0.0))
    r8_ref[...] = r8

    i64 = lax.broadcasted_iota(jnp.int32, (8, 64), 1).astype(jnp.float32) * 128.0
    te = jnp.zeros((8, 64), jnp.float32)
    for e in range(NUM_EXPERTS):
        te = te + (i64 >= ends[0, e]).astype(jnp.float32)
    te_ref[...] = jnp.minimum(te, NUM_EXPERTS - 1)


def _route(x, wg_pad, bg_pad):
    return pl.pallas_call(
        _route_body,
        grid=(1,),
        in_specs=[
            pl.BlockSpec((N_TOK, D_MODEL), lambda i: (0, 0)),
            pl.BlockSpec((D_MODEL, LANES), lambda i: (0, 0)),
            pl.BlockSpec((1, LANES), lambda i: (0, 0)),
        ],
        out_specs=[
            pl.BlockSpec((N_TOK, NUM_EXPERTS), lambda i: (0, 0)),
            pl.BlockSpec((8, 64), lambda i: (0, 0)),
        ],
        out_shape=[
            jax.ShapeDtypeStruct((N_TOK, NUM_EXPERTS), jnp.float32),
            jax.ShapeDtypeStruct((8, 64), jnp.float32),
        ],
        scratch_shapes=[
            pltpu.VMEM((N_TOK, NUM_EXPERTS), jnp.float32),
            pltpu.VMEM((N_TOK, NUM_EXPERTS), jnp.float32),
        ],
    )(x, wg_pad, bg_pad)


def _sc_mesh():
    return plsc.VectorSubcoreMesh(core_axis_name="c", subcore_axis_name="s")


def _dispatch(x, rp1, rp2):
    per_w = N_TOK // 32

    @functools.partial(
        pl.kernel,
        mesh=_sc_mesh(),
        out_type=jax.ShapeDtypeStruct((R, D_MODEL), jnp.float32),
        scratch_types=[
            pltpu.VMEM((per_w,), jnp.int32),
            pltpu.VMEM((per_w,), jnp.int32),
            pltpu.VMEM((per_w, D_MODEL), jnp.float32),
            pltpu.SemaphoreType.DMA,
            pltpu.SemaphoreType.DMA,
        ],
    )
    def dispatch_k(x_hbm, rp1_hbm, rp2_hbm, xs_hbm, i1b, i2b, xb, semA, semB):
        c = lax.axis_index("c")
        s = lax.axis_index("s")
        wid = s * 2 + c
        base = pl.multiple_of(wid * per_w, 64)
        pltpu.sync_copy(rp1_hbm.at[pl.ds(base, per_w)], i1b)
        pltpu.sync_copy(rp2_hbm.at[pl.ds(base, per_w)], i2b)
        pltpu.sync_copy(x_hbm.at[pl.ds(base, per_w)], xb)
        cp1 = pltpu.async_copy(xb, xs_hbm.at[i1b], semA)
        cp2 = pltpu.async_copy(xb, xs_hbm.at[i2b], semB)
        cp1.wait()
        cp2.wait()

    return dispatch_k(x, rp1, rp2)


def _group_body(te_ref, xs_ref, w1_ref, b1_ref, w2_ref, b2_ref, ys_ref):
    i = pl.program_id(0)
    f = pl.program_id(1)
    e = te_ref[i]
    fsl = pl.ds(f * TF, TF)
    x = xs_ref[...]
    h = jnp.dot(x, w1_ref[0, 0], preferred_element_type=jnp.float32)
    hb = _gelu(h + b1_ref[e, 0, fsl])
    part = jnp.dot(hb, w2_ref[e, fsl, :], preferred_element_type=jnp.float32)

    @pl.when(f == 0)
    def _():
        ys_ref[...] = jnp.zeros((TMG, LANES), jnp.float32) + b2_ref[e, 0, :]

    ys_ref[:, 0:OUT_DIM] += part


def _group(te, xs, W1_r, b1_r, W2, b2_pad):
    grid_spec = pltpu.PrefetchScalarGridSpec(
        num_scalar_prefetch=1,
        grid=(NTG, NF),
        in_specs=[
            pl.BlockSpec((TMG, D_MODEL), lambda i, f, te: (i, 0)),
            pl.BlockSpec((1, 1, D_MODEL, TF), lambda i, f, te: (te[i], 0, 0, f)),
            pl.BlockSpec((NUM_EXPERTS, 1, D_FF), lambda i, f, te: (0, 0, 0)),
            pl.BlockSpec((NUM_EXPERTS, D_FF, OUT_DIM), lambda i, f, te: (0, 0, 0)),
            pl.BlockSpec((NUM_EXPERTS, 1, LANES), lambda i, f, te: (0, 0, 0)),
        ],
        out_specs=pl.BlockSpec((TMG, LANES), lambda i, f, te: (i, 0)),
    )
    return pl.pallas_call(
        _group_body,
        grid_spec=grid_spec,
        out_shape=jax.ShapeDtypeStruct((R, LANES), jnp.float32),
    )(te, xs, W1_r, b1_r, W2, b2_pad)


def _combine(rp1, rp2, w1v, w2v, ys, lab16):
    per_w = N_TOK // 32

    @functools.partial(
        pl.kernel,
        mesh=_sc_mesh(),
        out_type=jax.ShapeDtypeStruct((N_TOK, NARROW), jnp.float32),
        scratch_types=[
            pltpu.VMEM((per_w,), jnp.int32),
            pltpu.VMEM((per_w,), jnp.int32),
            pltpu.VMEM((per_w,), jnp.float32),
            pltpu.VMEM((per_w,), jnp.float32),
            pltpu.VMEM((per_w, NARROW), jnp.float32),
            pltpu.VMEM((per_w, LANES), jnp.float32),
            pltpu.VMEM((per_w, LANES), jnp.float32),
            pltpu.VMEM((per_w, NARROW), jnp.float32),
            pltpu.SemaphoreType.DMA,
        ],
    )
    def combine_k(rp1_hbm, rp2_hbm, w1_hbm, w2_hbm, ys_hbm, lab_hbm, out_hbm,
                  i1b, i2b, w1b, w2b, lbuf, y1, y2, obuf, sem):
        c = lax.axis_index("c")
        s = lax.axis_index("s")
        wid = s * 2 + c
        base = pl.multiple_of(wid * per_w, 64)
        pltpu.sync_copy(rp1_hbm.at[pl.ds(base, per_w)], i1b)
        pltpu.sync_copy(rp2_hbm.at[pl.ds(base, per_w)], i2b)
        pltpu.sync_copy(w1_hbm.at[pl.ds(base, per_w)], w1b)
        pltpu.sync_copy(w2_hbm.at[pl.ds(base, per_w)], w2b)
        pltpu.sync_copy(lab_hbm.at[pl.ds(base, per_w)], lbuf)
        cp1 = pltpu.async_copy(ys_hbm.at[i1b], y1, sem)
        cp2 = pltpu.async_copy(ys_hbm.at[i2b], y2, sem)
        cp1.wait()
        cp2.wait()
        for g in range(per_w // 16):
            w1g = w1b[pl.ds(g * 16, 16)]
            w2g = w2b[pl.ds(g * 16, 16)]
            for k in range(16):
                j = g * 16 + k
                obuf[j] = (w1g[k] * y1[j, 0:NARROW] + w2g[k] * y2[j, 0:NARROW]
                           + lbuf[j])
        pltpu.sync_copy(obuf, out_hbm.at[pl.ds(base, per_w)])

    return combine_k(rp1, rp2, w1v, w2v, ys, lab16)


def kernel(inputs, label, Wg, bg, W1, b1, W2, b2):
    wg_pad = jnp.zeros((D_MODEL, LANES), jnp.float32).at[:, :NUM_EXPERTS].set(Wg)
    bg_pad = jnp.zeros((1, LANES), jnp.float32).at[0, :NUM_EXPERTS].set(bg)
    r8, te8 = _route(inputs, wg_pad, bg_pad)
    rp1 = r8[:, 0].astype(jnp.int32)
    rp2 = r8[:, 1].astype(jnp.int32)
    w1v = r8[:, 2]
    w2v = r8[:, 3]
    te = te8[0, :NTG].astype(jnp.int32)

    xs = _dispatch(inputs, rp1, rp2)

    W1_r = W1.reshape(NUM_EXPERTS, 1, D_MODEL, D_FF)
    b2_pad = jnp.zeros((NUM_EXPERTS, 1, LANES), jnp.float32).at[
        :, 0, :OUT_DIM].set(b2)
    b1_r = b1.reshape(NUM_EXPERTS, 1, D_FF)
    ys = _group(te, xs, W1_r, b1_r, W2, b2_pad)

    lab16 = jnp.zeros((N_TOK, NARROW), jnp.float32).at[:, :OUT_DIM].set(label)
    out = _combine(rp1, rp2, w1v, w2v, ys, lab16)
    return out[:, :OUT_DIM]

# --- scband reference (transcript-rebuilt; emitter-appended) ---
"""Pipeline reference for scband-moe-layer-58076547776731 (READ-ONLY COPY).

The authoritative reference and input builder live on the scoring server;
editing this copy changes nothing except your own understanding.
"""

import jax, jax.numpy as jnp
import numpy as np

NUM_EXPERTS = 8
TOP_K = 2
D_MODEL = 1024
D_FF = 4096
OUT_DIM = 7
N_TOK = 2048


def setup_inputs(seed: int = 0) -> dict:
    key = jax.random.key(seed)
    ks = jax.random.split(key, 8)
    inputs = jax.random.normal(ks[0], (N_TOK, D_MODEL), dtype=jnp.float32)
    label = jax.random.normal(ks[1], (N_TOK, OUT_DIM), dtype=jnp.float32)
    Wg = jax.random.normal(ks[2], (D_MODEL, NUM_EXPERTS), dtype=jnp.float32) * (1.0 / np.sqrt(D_MODEL))
    bg = jnp.zeros((NUM_EXPERTS,), dtype=jnp.float32)
    W1 = jax.random.normal(ks[3], (NUM_EXPERTS, D_MODEL, D_FF), dtype=jnp.float32) * (1.0 / np.sqrt(D_MODEL))
    b1 = jnp.zeros((NUM_EXPERTS, D_FF), dtype=jnp.float32)
    W2 = jax.random.normal(ks[4], (NUM_EXPERTS, D_FF, OUT_DIM), dtype=jnp.float32) * (1.0 / np.sqrt(D_FF))
    b2 = jnp.zeros((NUM_EXPERTS, OUT_DIM), dtype=jnp.float32)
    return {"inputs": inputs, "label": label, "Wg": Wg, "bg": bg, "W1": W1, "b1": b1, "W2": W2, "b2": b2}


def reference(inputs, label, Wg, bg, W1, b1, W2, b2):
    # gate
    gate_logits = inputs @ Wg + bg
    # top-k expert selection
    weights, selected_experts = jax.lax.top_k(gate_logits, TOP_K)
    weights = jax.nn.softmax(weights.astype(jnp.float32), axis=1).astype(inputs.dtype)
    results = jnp.zeros((inputs.shape[0], OUT_DIM), dtype=inputs.dtype)
    for i in range(NUM_EXPERTS):
        # combined routing weight for expert i per token (0 if not selected)
        w_i = jnp.sum(weights * (selected_experts == i).astype(weights.dtype), axis=1)
        # expert i: two-layer MLP + label residual
        h = jax.nn.gelu(inputs @ W1[i] + b1[i])
        out_i = h @ W2[i] + b2[i] + label
        results = results + w_i[:, None] * out_i
    return results

if __name__ == "__main__":
    import jax
    _d = setup_inputs()
    print(jax.jit(kernel)(*tuple(_d.values())))

</pallas_src>

<mosaic_0001>
#map = affine_map<(d0, d1) -> (0)>
#map1 = affine_map<(d0, d1) -> (0, 0)>
module attributes {stable_mosaic.version = 14 : i64} {
  func.func @combine_k(%arg0: i32, %arg1: i32, %arg2: memref<2048xi32, #tpu.memory_space<hbm>>, %arg3: memref<2048xi32, #tpu.memory_space<hbm>>, %arg4: memref<2048xf32, #tpu.memory_space<hbm>>, %arg5: memref<2048xf32, #tpu.memory_space<hbm>>, %arg6: memref<5120x128xf32, #tpu.memory_space<hbm>>, %arg7: memref<2048x16xf32, #tpu.memory_space<hbm>>, %arg8: memref<2048x16xf32, #tpu.memory_space<hbm>>, %arg9: memref<64xi32, #tpu.memory_space<vmem>>, %arg10: memref<64xi32, #tpu.memory_space<vmem>>, %arg11: memref<64xf32, #tpu.memory_space<vmem>>, %arg12: memref<64xf32, #tpu.memory_space<vmem>>, %arg13: memref<64x16xf32, #tpu.memory_space<vmem>>, %arg14: memref<64x128xf32, #tpu.memory_space<vmem>>, %arg15: memref<64x128xf32, #tpu.memory_space<vmem>>, %arg16: memref<64x16xf32, #tpu.memory_space<vmem>>, %arg17: memref<!tpu.dma_semaphore, #tpu.memory_space<semaphore_mem>>) attributes {dimension_semantics = [#tpu.dimension_semantics<core_parallel>, #tpu.dimension_semantics<subcore_parallel>], iteration_bounds = array<i64: 2, 16>, scalar_prefetch = 0 : i64, scratch_operands = 9 : i64, tpu.core_type = #tpu.core_type<sc_vector_subcore>, window_params = [{transform_indices = #map}, {transform_indices = #map}, {transform_indices = #map}, {transform_indices = #map}, {transform_indices = #map1}, {transform_indices = #map1}, {transform_indices = #map1}]} {
    %mul3A = arith.constant 2 : i32
    %mul3A_0 = arith.muli %arg1, %mul3A : i32
    %add3A = arith.addi %mul3A_0, %arg0 : i32
    %mul3A_1 = arith.constant 64 : i32
    %mul3A_2 = arith.muli %add3A, %mul3A_1 : i32
    %multiple_of3A = tpu.assume_multiple %mul3A_2, 64 : i32
    "tpu.region"() ({
      %run_scoped3A = tpu.sem_alloc : memref<!tpu.dma_semaphore, #tpu.memory_space<semaphore_mem>>
      %dma_start3A_2017 = tpu.memref_slice %arg2[%multiple_of3A] : memref<2048xi32, #tpu.memory_space<hbm>> -> memref<64xi32, #tpu.memory_space<hbm>>
      %dma_start3A_2018 = tpu.memref_slice %arg2[%multiple_of3A] : memref<2048xi32, #tpu.memory_space<hbm>> -> memref<64xi32, #tpu.memory_space<hbm>>
      tpu.enqueue_dma source(%dma_start3A_2018 : memref<64xi32, #tpu.memory_space<hbm>>) target(%arg9 : memref<64xi32, #tpu.memory_space<vmem>>) target_semaphore(%run_scoped3A : memref<!tpu.dma_semaphore, #tpu.memory_space<semaphore_mem>>)
      %dma_wait3A_2019 = tpu.memref_slice %arg2[%multiple_of3A] : memref<2048xi32, #tpu.memory_space<hbm>> -> memref<64xi32, #tpu.memory_space<hbm>>
      %dma_wait3A_2020 = tpu.memref_slice %arg2[%multiple_of3A] : memref<2048xi32, #tpu.memory_space<hbm>> -> memref<64xi32, #tpu.memory_space<hbm>>
      tpu.wait_dma2 semaphore(%run_scoped3A : memref<!tpu.dma_semaphore, #tpu.memory_space<semaphore_mem>>) src(%dma_wait3A_2020 : memref<64xi32, #tpu.memory_space<hbm>>) dst(%arg9 : memref<64xi32, #tpu.memory_space<vmem>>)
      tpu.yield
    }) : () -> ()
    "tpu.region"() ({
      %run_scoped3A = tpu.sem_alloc : memref<!tpu.dma_semaphore, #tpu.memory_space<semaphore_mem>>
      %dma_start3A_2017 = tpu.memref_slice %arg3[%multiple_of3A] : memref<2048xi32, #tpu.memory_space<hbm>> -> memref<64xi32, #tpu.memory_space<hbm>>
      %dma_start3A_2018 = tpu.memref_slice %arg3[%multiple_of3A] : memref<2048xi32, #tpu.memory_space<hbm>> -> memref<64xi32, #tpu.memory_space<hbm>>
      tpu.enqueue_dma source(%dma_start3A_2018 : memref<64xi32, #tpu.memory_space<hbm>>) target(%arg10 : memref<64xi32, #tpu.memory_space<vmem>>) target_semaphore(%run_scoped3A : memref<!tpu.dma_semaphore, #tpu.memory_space<semaphore_mem>>)
      %dma_wait3A_2019 = tpu.memref_slice %arg3[%multiple_of3A] : memref<2048xi32, #tpu.memory_space<hbm>> -> memref<64xi32, #tpu.memory_space<hbm>>
      %dma_wait3A_2020 = tpu.memref_slice %arg3[%multiple_of3A] : memref<2048xi32, #tpu.memory_space<hbm>> -> memref<64xi32, #tpu.memory_space<hbm>>
      tpu.wait_dma2 semaphore(%run_scoped3A : memref<!tpu.dma_semaphore, #tpu.memory_space<semaphore_mem>>) src(%dma_wait3A_2020 : memref<64xi32, #tpu.memory_space<hbm>>) dst(%arg10 : memref<64xi32, #tpu.memory_space<vmem>>)
      tpu.yield
    }) : () -> ()
    "tpu.region"() ({
      %run_scoped3A = tpu.sem_alloc : memref<!tpu.dma_semaphore, #tpu.memory_space<semaphore_mem>>
      %dma_start3A_2017 = tpu.memref_slice %arg4[%multiple_of3A] : memref<2048xf32, #tpu.memory_space<hbm>> -> memref<64xf32, #tpu.memory_space<hbm>>
      %dma_start3A_2018 = tpu.memref_slice %arg4[%multiple_of3A] : memref<2048xf32, #tpu.memory_space<hbm>> -> memref<64xf32, #tpu.memory_space<hbm>>
      tpu.enqueue_dma source(%dma_start3A_2018 : memref<64xf32, #tpu.memory_space<hbm>>) target(%arg11 : memref<64xf32, #tpu.memory_space<vmem>>) target_semaphore(%run_scoped3A : memref<!tpu.dma_semaphore, #tpu.memory_space<semaphore_mem>>)
      %dma_wait3A_2019 = tpu.memref_slice %arg4[%multiple_of3A] : memref<2048xf32, #tpu.memory_space<hbm>> -> memref<64xf32, #tpu.memory_space<hbm>>
      %dma_wait3A_2020 = tpu.memref_slice %arg4[%multiple_of3A] : memref<2048xf32, #tpu.memory_space<hbm>> -> memref<64xf32, #tpu.memory_space<hbm>>
      tpu.wait_dma2 semaphore(%run_scoped3A : memref<!tpu.dma_semaphore, #tpu.memory_space<semaphore_mem>>) src(%dma_wait3A_2020 : memref<64xf32, #tpu.memory_space<hbm>>) dst(%arg11 : memref<64xf32, #tpu.memory_space<vmem>>)
      tpu.yield
    }) : () -> ()
    "tpu.region"() ({
      %run_scoped3A = tpu.sem_alloc : memref<!tpu.dma_semaphore, #tpu.memory_space<semaphore_mem>>
      %dma_start3A_2017 = tpu.memref_slice %arg5[%multiple_of3A] : memref<2048xf32, #tpu.memory_space<hbm>> -> memref<64xf32, #tpu.memory_space<hbm>>
      %dma_start3A_2018 = tpu.memref_slice %arg5[%multiple_of3A] : memref<2048xf32, #tpu.memory_space<hbm>> -> memref<64xf32, #tpu.memory_space<hbm>>
      tpu.enqueue_dma source(%dma_start3A_2018 : memref<64xf32, #tpu.memory_space<hbm>>) target(%arg12 : memref<64xf32, #tpu.memory_space<vmem>>) target_semaphore(%run_scoped3A : memref<!tpu.dma_semaphore, #tpu.memory_space<semaphore_mem>>)
      %dma_wait3A_2019 = tpu.memref_slice %arg5[%multiple_of3A] : memref<2048xf32, #tpu.memory_space<hbm>> -> memref<64xf32, #tpu.memory_space<hbm>>
      %dma_wait3A_2020 = tpu.memref_slice %arg5[%multiple_of3A] : memref<2048xf32, #tpu.memory_space<hbm>> -> memref<64xf32, #tpu.memory_space<hbm>>
      tpu.wait_dma2 semaphore(%run_scoped3A : memref<!tpu.dma_semaphore, #tpu.memory_space<semaphore_mem>>) src(%dma_wait3A_2020 : memref<64xf32, #tpu.memory_space<hbm>>) dst(%arg12 : memref<64xf32, #tpu.memory_space<vmem>>)
      tpu.yield
    }) : () -> ()
    "tpu.region"() ({
      %run_scoped3A = tpu.sem_alloc : memref<!tpu.dma_semaphore, #tpu.memory_space<semaphore_mem>>
      %dma_start3A_2017 = arith.constant 0 : i32
      %dma_start3A_2018 = tpu.memref_slice %arg7[%multiple_of3A, %dma_start3A_2017] : memref<2048x16xf32, #tpu.memory_space<hbm>> -> memref<64x16xf32, #tpu.memory_space<hbm>>
      %dma_start3A_2019 = arith.constant 0 : i32
      %dma_start3A_2020 = tpu.memref_slice %arg7[%multiple_of3A, %dma_start3A_2019] : memref<2048x16xf32, #tpu.memory_space<hbm>> -> memref<64x16xf32, #tpu.memory_space<hbm>>
      tpu.enqueue_dma source(%dma_start3A_2020 : memref<64x16xf32, #tpu.memory_space<hbm>>) target(%arg13 : memref<64x16xf32, #tpu.memory_space<vmem>>) target_semaphore(%run_scoped3A : memref<!tpu.dma_semaphore, #tpu.memory_space<semaphore_mem>>)
      %dma_wait3A_2021 = arith.constant 0 : i32
      %dma_wait3A_2022 = tpu.memref_slice %arg7[%multiple_of3A, %dma_wait3A_2021] : memref<2048x16xf32, #tpu.memory_space<hbm>> -> memref<64x16xf32, #tpu.memory_space<hbm>>
      %dma_wait3A_2023 = arith.constant 0 : i32
      %dma_wait3A_2024 = tpu.memref_slice %arg7[%multiple_of3A, %dma_wait3A_2023] : memref<2048x16xf32, #tpu.memory_space<hbm>> -> memref<64x16xf32, #tpu.memory_space<hbm>>
      tpu.wait_dma2 semaphore(%run_scoped3A : memref<!tpu.dma_semaphore, #tpu.memory_space<semaphore_mem>>) src(%dma_wait3A_2024 : memref<64x16xf32, #tpu.memory_space<hbm>>) dst(%arg13 : memref<64x16xf32, #tpu.memory_space<vmem>>)
      tpu.yield
    }) : () -> ()
    %dma_start3A = arith.constant 0 : i32
    %dma_start3A_3 = arith.constant 0 : i32
    %dma_start3A_4 = tpu.memref_slice %arg6[%dma_start3A, %dma_start3A_3] : memref<5120x128xf32, #tpu.memory_space<hbm>> -> memref<5120x128xf32, #tpu.memory_space<hbm>>
    tpu.enqueue_indirect_dma source(%dma_start3A_4 : memref<5120x128xf32, #tpu.memory_space<hbm>>) target(%arg14 : memref<64x128xf32, #tpu.memory_space<vmem>>) offsets(%arg9 : memref<64xi32, #tpu.memory_space<vmem>>) semaphore(%arg17 : memref<!tpu.dma_semaphore, #tpu.memory_space<semaphore_mem>>)
    %dma_start3A_5 = arith.constant 0 : i32
    %dma_start3A_6 = arith.constant 0 : i32
    %dma_start3A_7 = tpu.memref_slice %arg6[%dma_start3A_5, %dma_start3A_6] : memref<5120x128xf32, #tpu.memory_space<hbm>> -> memref<5120x128xf32, #tpu.memory_space<hbm>>
    tpu.enqueue_indirect_dma source(%dma_start3A_7 : memref<5120x128xf32, #tpu.memory_space<hbm>>) target(%arg15 : memref<64x128xf32, #tpu.memory_space<vmem>>) offsets(%arg10 : memref<64xi32, #tpu.memory_space<vmem>>) semaphore(%arg17 : memref<!tpu.dma_semaphore, #tpu.memory_space<semaphore_mem>>)
    %dma_wait3A = arith.constant 0 : i32
    %dma_wait3A_8 = arith.constant 0 : i32
    %dma_wait3A_9 = tpu.memref_slice %arg6[%dma_wait3A, %dma_wait3A_8] : memref<5120x128xf32, #tpu.memory_space<hbm>> -> memref<5120x128xf32, #tpu.memory_space<hbm>>
    tpu.wait_indirect_dma semaphore(%arg17 : memref<!tpu.dma_semaphore, #tpu.memory_space<semaphore_mem>>) src(%dma_wait3A_9 : memref<5120x128xf32, #tpu.memory_space<hbm>>) dst(%arg14 : memref<64x128xf32, #tpu.memory_space<vmem>>)
    %dma_wait3A_10 = arith.constant 0 : i32
    %dma_wait3A_11 = arith.constant 0 : i32
    %dma_wait3A_12 = tpu.memref_slice %arg6[%dma_wait3A_10, %dma_wait3A_11] : memref<5120x128xf32, #tpu.memory_space<hbm>> -> memref<5120x128xf32, #tpu.memory_space<hbm>>
    tpu.wait_indirect_dma semaphore(%arg17 : memref<!tpu.dma_semaphore, #tpu.memory_space<semaphore_mem>>) src(%dma_wait3A_12 : memref<5120x128xf32, #tpu.memory_space<hbm>>) dst(%arg15 : memref<64x128xf32, #tpu.memory_space<vmem>>)
    %get3A = arith.constant 0 : index
    %get3A_13 = tpu.vector_load %arg11[%get3A] {strides = array<i32>} : memref<64xf32, #tpu.memory_space<vmem>>, vector<16xf32>,
    %get3A_14 = vector.shape_cast %get3A_13 : vector<16xf32> to vector<16xf32>
    %get3A_15 = arith.constant 0 : index
    %get3A_16 = tpu.vector_load %arg12[%get3A_15] {strides = array<i32>} : memref<64xf32, #tpu.memory_space<vmem>>, vector<16xf32>,
    %get3A_17 = vector.shape_cast %get3A_16 : vector<16xf32> to vector<16xf32>
    %slice3A = vector.extract_strided_slice %get3A_14 {offsets = [0], sizes = [1], strides = [1]} : vector<16xf32> to vector<1xf32>
    %squeeze3A = vector.extract %slice3A[0] : f32 from vector<1xf32>
    %get3A_18 = arith.constant 0 : i32
    %get3A_19 = arith.index_cast %get3A_18 : i32 to index
    %get3A_20 = arith.constant 0 : index
    %get3A_21 = tpu.vector_load %arg14[%get3A_19, %get3A_20] {strides = array<i32>} : memref<64x128xf32, #tpu.memory_space<vmem>>, vector<1x16xf32>,
    %get3A_22 = vector.shape_cast %get3A_21 : vector<1x16xf32> to vector<16xf32>
    %mul3A_23 = vector.broadcast %squeeze3A : f32 to vector<16xf32>
    %mul3A_24 = arith.mulf %mul3A_23, %get3A_22 : vector<16xf32>
    %slice3A_25 = vector.extract_strided_slice %get3A_17 {offsets = [0], sizes = [1], strides = [1]} : vector<16xf32> to vector<1xf32>
    %squeeze3A_26 = vector.extract %slice3A_25[0] : f32 from vector<1xf32>
    %get3A_27 = arith.constant 0 : i32
    %get3A_28 = arith.index_cast %get3A_27 : i32 to index
    %get3A_29 = arith.constant 0 : index
    %get3A_30 = tpu.vector_load %arg15[%get3A_28, %get3A_29] {strides = array<i32>} : memref<64x128xf32, #tpu.memory_space<vmem>>, vector<1x16xf32>,
    %get3A_31 = vector.shape_cast %get3A_30 : vector<1x16xf32> to vector<16xf32>
    %mul3A_32 = vector.broadcast %squeeze3A_26 : f32 to vector<16xf32>
    %mul3A_33 = arith.mulf %mul3A_32, %get3A_31 : vector<16xf32>
    %add3A_34 = arith.addf %mul3A_24, %mul3A_33 : vector<16xf32>
    %get3A_35 = arith.constant 0 : i32
    %get3A_36 = arith.index_cast %get3A_35 : i32 to index
    %get3A_37 = arith.constant 0 : index
    %get3A_38 = tpu.vector_load %arg13[%get3A_36, %get3A_37] {strides = array<i32>} : memref<64x16xf32, #tpu.memory_space<vmem>>, vector<1x16xf32>,
    %get3A_39 = vector.shape_cast %get3A_38 : vector<1x16xf32> to vector<16xf32>
    %add3A_40 = arith.addf %add3A_34, %get3A_39 : vector<16xf32>
    %swap3A = arith.constant 0 : i32
    %swap3A_41 = arith.index_cast %swap3A : i32 to index
    %swap3A_42 = arith.constant 0 : index
    %swap3A_43 = tpu.vector_load %arg16[%swap3A_41, %swap3A_42] {strides = array<i32>} : memref<64x16xf32, #tpu.memory_space<vmem>>, vector<1x16xf32>,
    %swap3A_44 = vector.shape_cast %swap3A_43 : vector<1x16xf32> to vector<16xf32>
    %swap3A_45 = vector.shape_cast %add3A_40 : vector<16xf32> to vector<1x16xf32>
    tpu.vector_store %arg16[%swap3A_41, %swap3A_42], %swap3A_45 {strides = array<i32>} : memref<64x16xf32, #tpu.memory_space<vmem>>, vector<1x16xf32>,
    %slice3A_46 = vector.extract_strided_slice %get3A_14 {offsets = [1], sizes = [1], strides = [1]} : vector<16xf32> to vector<1xf32>
    %squeeze3A_47 = vector.extract %slice3A_46[0] : f32 from vector<1xf32>
    %get3A_48 = arith.constant 1 : i32
    %get3A_49 = arith.index_cast %get3A_48 : i32 to index
    %get3A_50 = arith.constant 0 : index
    %get3A_51 = tpu.vector_load %arg14[%get3A_49, %get3A_50] {strides = array<i32>} : memref<64x128xf32, #tpu.memory_space<vmem>>, vector<1x16xf32>,
    %get3A_52 = vector.shape_cast %get3A_51 : vector<1x16xf32> to vector<16xf32>
    %mul3A_53 = vector.broadcast %squeeze3A_47 : f32 to vector<16xf32>
    %mul3A_54 = arith.mulf %mul3A_53, %get3A_52 : vector<16xf32>
    %slice3A_55 = vector.extract_strided_slice %get3A_17 {offsets = [1], sizes = [1], strides = [1]} : vector<16xf32> to vector<1xf32>
    %squeeze3A_56 = vector.extract %slice3A_55[0] : f32 from vector<1xf32>
    %get3A_57 = arith.constant 1 : i32
    %get3A_58 = arith.index_cast %get3A_57 : i32 to index
    %get3A_59 = arith.constant 0 : index
    %get3A_60 = tpu.vector_load %arg15[%get3A_58, %get3A_59] {strides = array<i32>} : memref<64x128xf32, #tpu.memory_space<vmem>>, vector<1x16xf32>,
    %get3A_61 = vector.shape_cast %get3A_60 : vector<1x16xf32> to vector<16xf32>
    %mul3A_62 = vector.broadcast %squeeze3A_56 : f32 to vector<16xf32>
    %mul3A_63 = arith.mulf %mul3A_62, %get3A_61 : vector<16xf32>
    %add3A_64 = arith.addf %mul3A_54, %mul3A_63 : vector<16xf32>
    %get3A_65 = arith.constant 1 : i32
    %get3A_66 = arith.index_cast %get3A_65 : i32 to index
    %get3A_67 = arith.constant 0 : index
    %get3A_68 = tpu.vector_load %arg13[%get3A_66, %get3A_67] {strides = array<i32>} : memref<64x16xf32, #tpu.memory_space<vmem>>, vector<1x16xf32>,
    %get3A_69 = vector.shape_cast %get3A_68 : vector<1x16xf32> to vector<16xf32>
    %add3A_70 = arith.addf %add3A_64, %get3A_69 : vector<16xf32>
    %swap3A_71 = arith.constant 1 : i32
    %swap3A_72 = arith.index_cast %swap3A_71 : i32 to index
    %swap3A_73 = arith.constant 0 : index
    %swap3A_74 = tpu.vector_load %arg16[%swap3A_72, %swap3A_73] {strides = array<i32>} : memref<64x16xf32, #tpu.memory_space<vmem>>, vector<1x16xf32>,
    %swap3A_75 = vector.shape_cast %swap3A_74 : vector<1x16xf32> to vector<16xf32>
    %swap3A_76 = vector.shape_cast %add3A_70 : vector<16xf32> to vector<1x16xf32>
    tpu.vector_store %arg16[%swap3A_72, %swap3A_73], %swap3A_76 {strides = array<i32>} : memref<64x16xf32, #tpu.memory_space<vmem>>, vector<1x16xf32>,
    %slice3A_77 = vector.extract_strided_slice %get3A_14 {offsets = [2], sizes = [1], strides = [1]} : vector<16xf32> to vector<1xf32>
    %squeeze3A_78 = vector.extract %slice3A_77[0] : f32 from vector<1xf32>
    %get3A_79 = arith.constant 2 : i32
    %get3A_80 = arith.index_cast %get3A_79 : i32 to index
    %get3A_81 = arith.constant 0 : index
    %get3A_82 = tpu.vector_load %arg14[%get3A_80, %get3A_81] {strides = array<i32>} : memref<64x128xf32, #tpu.memory_space<vmem>>, vector<1x16xf32>,
    %get3A_83 = vector.shape_cast %get3A_82 : vector<1x16xf32> to vector<16xf32>
    %mul3A_84 = vector.broadcast %squeeze3A_78 : f32 to vector<16xf32>
    %mul3A_85 = arith.mulf %mul3A_84, %get3A_83 : vector<16xf32>
    %slice3A_86 = vector.extract_strided_slice %get3A_17 {offsets = [2], sizes = [1], strides = [1]} : vector<16xf32> to vector<1xf32>
    %squeeze3A_87 = vector.extract %slice3A_86[0] : f32 from vector<1xf32>
    %get3A_88 = arith.constant 2 : i32
    %get3A_89 = arith.index_cast %get3A_88 : i32 to index
    %get3A_90 = arith.constant 0 : index
    %get3A_91 = tpu.vector_load %arg15[%get3A_89, %get3A_90] {strides = array<i32>} : memref<64x128xf32, #tpu.memory_space<vmem>>, vector<1x16xf32>,
    %get3A_92 = vector.shape_cast %get3A_91 : vector<1x16xf32> to vector<16xf32>
    %mul3A_93 = vector.broadcast %squeeze3A_87 : f32 to vector<16xf32>
    %mul3A_94 = arith.mulf %mul3A_93, %get3A_92 : vector<16xf32>
    %add3A_95 = arith.addf %mul3A_85, %mul3A_94 : vector<16xf32>
    %get3A_96 = arith.constant 2 : i32
    %get3A_97 = arith.index_cast %get3A_96 : i32 to index
    %get3A_98 = arith.constant 0 : index
    %get3A_99 = tpu.vector_load %arg13[%get3A_97, %get3A_98] {strides = array<i32>} : memref<64x16xf32, #tpu.memory_space<vmem>>, vector<1x16xf32>,
    %get3A_100 = vector.shape_cast %get3A_99 : vector<1x16xf32> to vector<16xf32>
    %add3A_101 = arith.addf %add3A_95, %get3A_100 : vector<16xf32>
    %swap3A_102 = arith.constant 2 : i32
    %swap3A_103 = arith.index_cast %swap3A_102 : i32 to index
    %swap3A_104 = arith.constant 0 : index
    %swap3A_105 = tpu.vector_load %arg16[%swap3A_103, %swap3A_104] {strides = array<i32>} : memref<64x16xf32, #tpu.memory_space<vmem>>, vector<1x16xf32>,
    %swap3A_106 = vector.shape_cast %swap3A_105 : vector<1x16xf32> to vector<16xf32>
    %swap3A_107 = vector.shape_cast %add3A_101 : vector<16xf32> to vector<1x16xf32>
    tpu.vector_store %arg16[%swap3A_103, %swap3A_104], %swap3A_107 {strides = array<i32>} : memref<64x16xf32, #tpu.memory_space<vmem>>, vector<1x16xf32>,
    %slice3A_108 = vector.extract_strided_slice %get3A_14 {offsets = [3], sizes = [1], strides = [1]} : vector<16xf32> to vector<1xf32>
    %squeeze3A_109 = vector.extract %slice3A_108[0] : f32 from vector<1xf32>
    %get3A_110 = arith.constant 3 : i32
    %get3A_111 = arith.index_cast %get3A_110 : i32 to index
    %get3A_112 = arith.constant 0 : index
    %get3A_113 = tpu.vector_load %arg14[%get3A_111, %get3A_112] {strides = array<i32>} : memref<64x128xf32, #tpu.memory_space<vmem>>, vector<1x16xf32>,
    %get3A_114 = vector.shape_cast %get3A_113 : vector<1x16xf32> to vector<16xf32>
    %mul3A_115 = vector.broadcast %squeeze3A_109 : f32 to vector<16xf32>
    %mul3A_116 = arith.mulf %mul3A_115, %get3A_114 : vector<16xf32>
    %slice3A_117 = vector.extract_strided_slice %get3A_17 {offsets = [3], sizes = [1], strides = [1]} : vector<16xf32> to vector<1xf32>
    %squeeze3A_118 = vector.extract %slice3A_117[0] : f32 from vector<1xf32>
    %get3A_119 = arith.constant 3 : i32
    %get3A_120 = arith.index_cast %get3A_119 : i32 to index
    %get3A_121 = arith.constant 0 : index
    %get3A_122 = tpu.vector_load %arg15[%get3A_120, %get3A_121] {strides = array<i32>} : memref<64x128xf32, #tpu.memory_space<vmem>>, vector<1x16xf32>,
    %get3A_123 = vector.shape_cast %get3A_122 : vector<1x16xf32> to vector<16xf32>
    %mul3A_124 = vector.broadcast %squeeze3A_118 : f32 to vector<16xf32>
    %mul3A_125 = arith.mulf %mul3A_124, %get3A_123 : vector<16xf32>
    %add3A_126 = arith.addf %mul3A_116, %mul3A_125 : vector<16xf32>
    %get3A_127 = arith.constant 3 : i32
    %get3A_128 = arith.index_cast %get3A_127 : i32 to index
    %get3A_129 = arith.constant 0 : index
    %get3A_130 = tpu.vector_load %arg13[%get3A_128, %get3A_129] {strides = array<i32>} : memref<64x16xf32, #tpu.memory_space<vmem>>, vector<1x16xf32>,
    %get3A_131 = vector.shape_cast %get3A_130 : vector<1x16xf32> to vector<16xf32>
    %add3A_132 = arith.addf %add3A_126, %get3A_131 : vector<16xf32>
    %swap3A_133 = arith.constant 3 : i32
    %swap3A_134 = arith.index_cast %swap3A_133 : i32 to index
    %swap3A_135 = arith.constant 0 : index
    %swap3A_136 = tpu.vector_load %arg16[%swap3A_134, %swap3A_135] {strides = array<i32>} : memref<64x16xf32, #tpu.memory_space<vmem>>, vector<1x16xf32>,
    %swap3A_137 = vector.shape_cast %swap3A_136 : vector<1x16xf32> to vector<16xf32>
    %swap3A_138 = vector.shape_cast %add3A_132 : vector<16xf32> to vector<1x16xf32>
    tpu.vector_store %arg16[%swap3A_134, %swap3A_135], %swap3A_138 {strides = array<i32>} : memref<64x16xf32, #tpu.memory_space<vmem>>, vector<1x16xf32>,
    %slice3A_139 = vector.extract_strided_slice %get3A_14 {offsets = [4], sizes = [1], strides = [1]} : vector<16xf32> to vector<1xf32>
    %squeeze3A_140 = vector.extract %slice3A_139[0] : f32 from vector<1xf32>
    %get3A_141 = arith.constant 4 : i32
    %get3A_142 = arith.index_cast %get3A_141 : i32 to index
    %get3A_143 = arith.constant 0 : index
    %get3A_144 = tpu.vector_load %arg14[%get3A_142, %get3A_143] {strides = array<i32>} : memref<64x128xf32, #tpu.memory_space<vmem>>, vector<1x16xf32>,
    %get3A_145 = vector.shape_cast %get3A_144 : vector<1x16xf32> to vector<16xf32>
    %mul3A_146 = vector.broadcast %squeeze3A_140 : f32 to vector<16xf32>
    %mul3A_147 = arith.mulf %mul3A_146, %get3A_145 : vector<16xf32>
    %slice3A_148 = vector.extract_strided_slice %get3A_17 {offsets = [4], sizes = [1], strides = [1]} : vector<16xf32> to vector<1xf32>
    %squeeze3A_149 = vector.extract %slice3A_148[0] : f32 from vector<1xf32>
    %get3A_150 = arith.constant 4 : i32
    %get3A_151 = arith.index_cast %get3A_150 : i32 to index
    %get3A_152 = arith.constant 0 : index
    %get3A_153 = tpu.vector_load %arg15[%get3A_151, %get3A_152] {strides = array<i32>} : memref<64x128xf32, #tpu.memory_space<vmem>>, vector<1x16xf32>,
    %get3A_154 = vector.shape_cast %get3A_153 : vector<1x16xf32> to vector<16xf32>
    %mul3A_155 = vector.broadcast %squeeze3A_149 : f32 to vector<16xf32>
    %mul3A_156 = arith.mulf %mul3A_155, %get3A_154 : vector<16xf32>
    %add3A_157 = arith.addf %mul3A_147, %mul3A_156 : vector<16xf32>
    %get3A_158 = arith.constant 4 : i32
    %get3A_159 = arith.index_cast %get3A_158 : i32 to index
    %get3A_160 = arith.constant 0 : index
    %get3A_161 = tpu.vector_load %arg13[%get3A_159, %get3A_160] {strides = array<i32>} : memref<64x16xf32, #tpu.memory_space<vmem>>, vector<1x16xf32>,
    %get3A_162 = vector.shape_cast %get3A_161 : vector<1x16xf32> to vector<16xf32>
    %add3A_163 = arith.addf %add3A_157, %get3A_162 : vector<16xf32>
    %swap3A_164 = arith.constant 4 : i32
    %swap3A_165 = arith.index_cast %swap3A_164 : i32 to index
    %swap3A_166 = arith.constant 0 : index
    %swap3A_167 = tpu.vector_load %arg16[%swap3A_165, %swap3A_166] {strides = array<i32>} : memref<64x16xf32, #tpu.memory_space<vmem>>, vector<1x16xf32>,
    %swap3A_168 = vector.shape_cast %swap3A_167 : vector<1x16xf32> to vector<16xf32>
    %swap3A_169 = vector.shape_cast %add3A_163 : vector<16xf32> to vector<1x16xf32>
    tpu.vector_store %arg16[%swap3A_165, %swap3A_166], %swap3A_169 {strides = array<i32>} : memref<64x16xf32, #tpu.memory_space<vmem>>, vector<1x16xf32>,
    %slice3A_170 = vector.extract_strided_slice %get3A_14 {offsets = [5], sizes = [1], strides = [1]} : vector<16xf32> to vector<1xf32>
    %squeeze3A_171 = vector.extract %slice3A_170[0] : f32 from vector<1xf32>
    %get3A_172 = arith.constant 5 : i32
    %get3A_173 = arith.index_cast %get3A_172 : i32 to index
    %get3A_174 = arith.constant 0 : index
    %get3A_175 = tpu.vector_load %arg14[%get3A_173, %get3A_174] {strides = array<i32>} : memref<64x128xf32, #tpu.memory_space<vmem>>, vector<1x16xf32>,
    %get3A_176 = vector.shape_cast %get3A_175 : vector<1x16xf32> to vector<16xf32>
    %mul3A_177 = vector.broadcast %squeeze3A_171 : f32 to vector<16xf32>
    %mul3A_178 = arith.mulf %mul3A_177, %get3A_176 : vector<16xf32>
    %slice3A_179 = vector.extract_strided_slice %get3A_17 {offsets = [5], sizes = [1], strides = [1]} : vector<16xf32> to vector<1xf32>
    %squeeze3A_180 = vector.extract %slice3A_179[0] : f32 from vector<1xf32>
    %get3A_181 = arith.constant 5 : i32
    %get3A_182 = arith.index_cast %get3A_181 : i32 to index
    %get3A_183 = arith.constant 0 : index
    %get3A_184 = tpu.vector_load %arg15[%get3A_182, %get3A_183] {strides = array<i32>} : memref<64x128xf32, #tpu.memory_space<vmem>>, vector<1x16xf32>,
    %get3A_185 = vector.shape_cast %get3A_184 : vector<1x16xf32> to vector<16xf32>
    %mul3A_186 = vector.broadcast %squeeze3A_180 : f32 to vector<16xf32>
    %mul3A_187 = arith.mulf %mul3A_186, %get3A_185 : vector<16xf32>
    %add3A_188 = arith.addf %mul3A_178, %mul3A_187 : vector<16xf32>
    %get3A_189 = arith.constant 5 : i32
    %get3A_190 = arith.index_cast %get3A_189 : i32 to index
    %get3A_191 = arith.constant 0 : index
    %get3A_192 = tpu.vector_load %arg13[%get3A_190, %get3A_191] {strides = array<i32>} : memref<64x16xf32, #tpu.memory_space<vmem>>, vector<1x16xf32>,
    %get3A_193 = vector.shape_cast %get3A_192 : vector<1x16xf32> to vector<16xf32>
    %add3A_194 = arith.addf %add3A_188, %get3A_193 : vector<16xf32>
    %swap3A_195 = arith.constant 5 : i32
    %swap3A_196 = arith.index_cast %swap3A_195 : i32 to index
    %swap3A_197 = arith.constant 0 : index
    %swap3A_198 = tpu.vector_load %arg16[%swap3A_196, %swap3A_197] {strides = array<i32>} : memref<64x16xf32, #tpu.memory_space<vmem>>, vector<1x16xf32>,
    %swap3A_199 = vector.shape_cast %swap3A_198 : vector<1x16xf32> to vector<16xf32>
    %swap3A_200 = vector.shape_cast %add3A_194 : vector<16xf32> to vector<1x16xf32>
    tpu.vector_store %arg16[%swap3A_196, %swap3A_197], %swap3A_200 {strides = array<i32>} : memref<64x16xf32, #tpu.memory_space<vmem>>, vector<1x16xf32>,
    %slice3A_201 = vector.extract_strided_slice %get3A_14 {offsets = [6], sizes = [1], strides = [1]} : vector<16xf32> to vector<1xf32>
    %squeeze3A_202 = vector.extract %slice3A_201[0] : f32 from vector<1xf32>
    %get3A_203 = arith.constant 6 : i32
    %get3A_204 = arith.index_cast %get3A_203 : i32 to index
    %get3A_205 = arith.constant 0 : index
    %get3A_206 = tpu.vector_load %arg14[%get3A_204, %get3A_205] {strides = array<i32>} : memref<64x128xf32, #tpu.memory_space<vmem>>, vector<1x16xf32>,
    %get3A_207 = vector.shape_cast %get3A_206 : vector<1x16xf32> to vector<16xf32>
    %mul3A_208 = vector.broadcast %squeeze3A_202 : f32 to vector<16xf32>
    %mul3A_209 = arith.mulf %mul3A_208, %get3A_207 : vector<16xf32>
    %slice3A_210 = vector.extract_strided_slice %get3A_17 {offsets = [6], sizes = [1], strides = [1]} : vector<16xf32> to vector<1xf32>
    %squeeze3A_211 = vector.extract %slice3A_210[0] : f32 from vector<1xf32>
    %get3A_212 = arith.constant 6 : i32
    %get3A_213 = arith.index_cast %get3A_212 : i32 to index
    %get3A_214 = arith.constant 0 : index
    %get3A_215 = tpu.vector_load %arg15[%get3A_213, %get3A_214] {strides = array<i32>} : memref<64x128xf32, #tpu.memory_space<vmem>>, vector<1x16xf32>,
    %get3A_216 = vector.shape_cast %get3A_215 : vector<1x16xf32> to vector<16xf32>
    %mul3A_217 = vector.broadcast %squeeze3A_211 : f32 to vector<16xf32>
    %mul3A_218 = arith.mulf %mul3A_217, %get3A_216 : vector<16xf32>
    %add3A_219 = arith.addf %mul3A_209, %mul3A_218 : vector<16xf32>
    %get3A_220 = arith.constant 6 : i32
    %get3A_221 = arith.index_cast %get3A_220 : i32 to index
    %get3A_222 = arith.constant 0 : index
    %get3A_223 = tpu.vector_load %arg13[%get3A_221, %get3A_222] {strides = array<i32>} : memref<64x16xf32, #tpu.memory_space<vmem>>, vector<1x16xf32>,
    %get3A_224 = vector.shape_cast %get3A_223 : vector<1x16xf32> to vector<16xf32>
    %add3A_225 = arith.addf %add3A_219, %get3A_224 : vector<16xf32>
    %swap3A_226 = arith.constant 6 : i32
    %swap3A_227 = arith.index_cast %swap3A_226 : i32 to index
    %swap3A_228 = arith.constant 0 : index
    %swap3A_229 = tpu.vector_load %arg16[%swap3A_227, %swap3A_228] {strides = array<i32>} : memref<64x16xf32, #tpu.memory_space<vmem>>, vector<1x16xf32>,
    %swap3A_230 = vector.shape_cast %swap3A_229 : vector<1x16xf32> to vector<16xf32>
    %swap3A_231 = vector.shape_cast %add3A_225 : vector<16xf32> to vector<1x16xf32>
    tpu.vector_store %arg16[%swap3A_227, %swap3A_228], %swap3A_231 {strides = array<i32>} : memref<64x16xf32, #tpu.memory_space<vmem>>, vector<1x16xf32>,
    %slice3A_232 = vector.extract_strided_slice %get3A_14 {offsets = [7], sizes = [1], strides = [1]} : vector<16xf32> to vector<1xf32>
    %squeeze3A_233 = vector.extract %slice3A_232[0] : f32 from vector<1xf32>
    %get3A_234 = arith.constant 7 : i32
    %get3A_235 = arith.index_cast %get3A_234 : i32 to index
    %get3A_236 = arith.constant 0 : index
    %get3A_237 = tpu.vector_load %arg14[%get3A_235, %get3A_236] {strides = array<i32>} : memref<64x128xf32, #tpu.memory_space<vmem>>, vector<1x16xf32>,
    %get3A_238 = vector.shape_cast %get3A_237 : vector<1x16xf32> to vector<16xf32>
    %mul3A_239 = vector.broadcast %squeeze3A_233 : f32 to vector<16xf32>
    %mul3A_240 = arith.mulf %mul3A_239, %get3A_238 : vector<16xf32>
    %slice3A_241 = vector.extract_strided_slice %get3A_17 {offsets = [7], sizes = [1], strides = [1]} : vector<16xf32> to vector<1xf32>
    %squeeze3A_242 = vector.extract %slice3A_241[0] : f32 from vector<1xf32>
    %get3A_243 = arith.constant 7 : i32
    %get3A_244 = arith.index_cast %get3A_243 : i32 to index
    %get3A_245 = arith.constant 0 : index
    %get3A_246 = tpu.vector_load %arg15[%get3A_244, %get3A_245] {strides = array<i32>} : memref<64x128xf32, #tpu.memory_space<vmem>>, vector<1x16xf32>,
    %get3A_247 = vector.shape_cast %get3A_246 : vector<1x16xf32> to vector<16xf32>
    %mul3A_248 = vector.broadcast %squeeze3A_242 : f32 to vector<16xf32>
    %mul3A_249 = arith.mulf %mul3A_248, %get3A_247 : vector<16xf32>
    %add3A_250 = arith.addf %mul3A_240, %mul3A_249 : vector<16xf32>
    %get3A_251 = arith.constant 7 : i32
    %get3A_252 = arith.index_cast %get3A_251 : i32 to index
    %get3A_253 = arith.constant 0 : index
    %get3A_254 = tpu.vector_load %arg13[%get3A_252, %get3A_253] {strides = array<i32>} : memref<64x16xf32, #tpu.memory_space<vmem>>, vector<1x16xf32>,
    %get3A_255 = vector.shape_cast %get3A_254 : vector<1x16xf32> to vector<16xf32>
    %add3A_256 = arith.addf %add3A_250, %get3A_255 : vector<16xf32>
    %swap3A_257 = arith.constant 7 : i32
    %swap3A_258 = arith.index_cast %swap3A_257 : i32 to index
    %swap3A_259 = arith.constant 0 : index
    %swap3A_260 = tpu.vector_load %arg16[%swap3A_258, %swap3A_259] {strides = array<i32>} : memref<64x16xf32, #tpu.memory_space<vmem>>, vector<1x16xf32>,
    %swap3A_261 = vector.shape_cast %swap3A_260 : vector<1x16xf32> to vector<16xf32>
    %swap3A_262 = vector.shape_cast %add3A_256 : vector<16xf32> to vector<1x16xf32>
    tpu.vector_store %arg16[%swap3A_258, %swap3A_259], %swap3A_262 {strides = array<i32>} : memref<64x16xf32, #tpu.memory_space<vmem>>, vector<1x16xf32>,
    %slice3A_263 = vector.extract_strided_slice %get3A_14 {offsets = [8], sizes = [1], strides = [1]} : vector<16xf32> to vector<1xf32>
    %squeeze3A_264 = vector.extract %slice3A_263[0] : f32 from vector<1xf32>
    %get3A_265 = arith.constant 8 : i32
    %get3A_266 = arith.index_cast %get3A_265 : i32 to index
    %get3A_267 = arith.constant 0 : index
    %get3A_268 = tpu.vector_load %arg14[%get3A_266, %get3A_267] {strides = array<i32>} : memref<64x128xf32, #tpu.memory_space<vmem>>, vector<1x16xf32>,
    %get3A_269 = vector.shape_cast %get3A_268 : vector<1x16xf32> to vector<16xf32>
    %mul3A_270 = vector.broadcast %squeeze3A_264 : f32 to vector<16xf32>
    %mul3A_271 = arith.mulf %mul3A_270, %get3A_269 : vector<16xf32>
    %slice3A_272 = vector.extract_strided_slice %get3A_17 {offsets = [8], sizes = [1], strides = [1]} : vector<16xf32> to vector<1xf32>
    %squeeze3A_273 = vector.extract %slice3A_272[0] : f32 from vector<1xf32>
    %get3A_274 = arith.constant 8 : i32
    %get3A_275 = arith.index_cast %get3A_274 : i32 to index
    %get3A_276 = arith.constant 0 : index
    %get3A_277 = tpu.vector_load %arg15[%get3A_275, %get3A_276] {strides = array<i32>} : memref<64x128xf32, #tpu.memory_space<vmem>>, vector<1x16xf32>,
    %get3A_278 = vector.shape_cast %get3A_277 : vector<1x16xf32> to vector<16xf32>
    %mul3A_279 = vector.broadcast %squeeze3A_273 : f32 to vector<16xf32>
    %mul3A_280 = arith.mulf %mul3A_279, %get3A_278 : vector<16xf32>
    %add3A_281 = arith.addf %mul3A_271, %mul3A_280 : vector<16xf32>
    %get3A_282 = arith.constant 8 : i32
    %get3A_283 = arith.index_cast %get3A_282 : i32 to index
    %get3A_284 = arith.constant 0 : index
    %get3A_285 = tpu.vector_load %arg13[%get3A_283, %get3A_284] {strides = array<i32>} : memref<64x16xf32, #tpu.memory_space<vmem>>, vector<1x16xf32>,
    %get3A_286 = vector.shape_cast %get3A_285 : vector<1x16xf32> to vector<16xf32>
    %add3A_287 = arith.addf %add3A_281, %get3A_286 : vector<16xf32>
    %swap3A_288 = arith.constant 8 : i32
    %swap3A_289 = arith.index_cast %swap3A_288 : i32 to index
    %swap3A_290 = arith.constant 0 : index
    %swap3A_291 = tpu.vector_load %arg16[%swap3A_289, %swap3A_290] {strides = array<i32>} : memref<64x16xf32, #tpu.memory_space<vmem>>, vector<1x16xf32>,
    %swap3A_292 = vector.shape_cast %swap3A_291 : vector<1x16xf32> to vector<16xf32>
    %swap3A_293 = vector.shape_cast %add3A_287 : vector<16xf32> to vector<1x16xf32>
    tpu.vector_store %arg16[%swap3A_289, %swap3A_290], %swap3A_293 {strides = array<i32>} : memref<64x16xf32, #tpu.memory_space<vmem>>, vector<1x16xf32>,
    %slice3A_294 = vector.extract_strided_slice %get3A_14 {offsets = [9], sizes = [1], strides = [1]} : vector<16xf32> to vector<1xf32>
    %squeeze3A_295 = vector.extract %slice3A_294[0] : f32 from vector<1xf32>
    %get3A_296 = arith.constant 9 : i32
    %get3A_297 = arith.index_cast %get3A_296 : i32 to index
    %get3A_298 = arith.constant 0 : index
    %get3A_299 = tpu.vector_load %arg14[%get3A_297, %get3A_298] {strides = array<i32>} : memref<64x128xf32, #tpu.memory_space<vmem>>, vector<1x16xf32>,
    %get3A_300 = vector.shape_cast %get3A_299 : vector<1x16xf32> to vector<16xf32>
    %mul3A_301 = vector.broadcast %squeeze3A_295 : f32 to vector<16xf32>
    %mul3A_302 = arith.mulf %mul3A_301, %get3A_300 : vector<16xf32>
    %slice3A_303 = vector.extract_strided_slice %get3A_17 {offsets = [9], sizes = [1], strides = [1]} : vector<16xf32> to vector<1xf32>
    %squeeze3A_304 = vector.extract %slice3A_303[0] : f32 from vector<1xf32>
    %get3A_305 = arith.constant 9 : i32
    %get3A_306 = arith.index_cast %get3A_305 : i32 to index
    %get3A_307 = arith.constant 0 : index
    %get3A_308 = tpu.vector_load %arg15[%get3A_306, %get3A_307] {strides = array<i32>} : memref<64x128xf32, #tpu.memory_space<vmem>>, vector<1x16xf32>,
    %get3A_309 = vector.shape_cast %get3A_308 : vector<1x16xf32> to vector<16xf32>
    %mul3A_310 = vector.broadcast %squeeze3A_304 : f32 to vector<16xf32>
    %mul3A_311 = arith.mulf %mul3A_310, %get3A_309 : vector<16xf32>
    %add3A_312 = arith.addf %mul3A_302, %mul3A_311 : vector<16xf32>
    %get3A_313 = arith.constant 9 : i32
    %get3A_314 = arith.index_cast %get3A_313 : i32 to index
    %get3A_315 = arith.constant 0 : index
    %get3A_316 = tpu.vector_load %arg13[%get3A_314, %get3A_315] {strides = array<i32>} : memref<64x16xf32, #tpu.memory_space<vmem>>, vector<1x16xf32>,
    %get3A_317 = vector.shape_cast %get3A_316 : vector<1x16xf32> to vector<16xf32>
    %add3A_318 = arith.addf %add3A_312, %get3A_317 : vector<16xf32>
    %swap3A_319 = arith.constant 9 : i32
    %swap3A_320 = arith.index_cast %swap3A_319 : i32 to index
    %swap3A_321 = arith.constant 0 : index
    %swap3A_322 = tpu.vector_load %arg16[%swap3A_320, %swap3A_321] {strides = array<i32>} : memref<64x16xf32, #tpu.memory_space<vmem>>, vector<1x16xf32>,
    %swap3A_323 = vector.shape_cast %swap3A_322 : vector<1x16xf32> to vector<16xf32>
    %swap3A_324 = vector.shape_cast %add3A_318 : vector<16xf32> to vector<1x16xf32>
    tpu.vector_store %arg16[%swap3A_320, %swap3A_321], %swap3A_324 {strides = array<i32>} : memref<64x16xf32, #tpu.memory_space<vmem>>, vector<1x16xf32>,
    %slice3A_325 = vector.extract_strided_slice %get3A_14 {offsets = [10], sizes = [1], strides = [1]} : vector<16xf32> to vector<1xf32>
    %squeeze3A_326 = vector.extract %slice3A_325[0] : f32 from vector<1xf32>
    %get3A_327 = arith.constant 10 : i32
    %get3A_328 = arith.index_cast %get3A_327 : i32 to index
    %get3A_329 = arith.constant 0 : index
    %get3A_330 = tpu.vector_load %arg14[%get3A_328, %get3A_329] {strides = array<i32>} : memref<64x128xf32, #tpu.memory_space<vmem>>, vector<1x16xf32>,
    %get3A_331 = vector.shape_cast %get3A_330 : vector<1x16xf32> to vector<16xf32>
    %mul3A_332 = vector.broadcast %squeeze3A_326 : f32 to vector<16xf32>
    %mul3A_333 = arith.mulf %mul3A_332, %get3A_331 : vector<16xf32>
    %slice3A_334 = vector.extract_strided_slice %get3A_17 {offsets = [10], sizes = [1], strides = [1]} : vector<16xf32> to vector<1xf32>
    %squeeze3A_335 = vector.extract %slice3A_334[0] : f32 from vector<1xf32>
    %get3A_336 = arith.constant 10 : i32
    %get3A_337 = arith.index_cast %get3A_336 : i32 to index
    %get3A_338 = arith.constant 0 : index
    %get3A_339 = tpu.vector_load %arg15[%get3A_337, %get3A_338] {strides = array<i32>} : memref<64x128xf32, #tpu.memory_space<vmem>>, vector<1x16xf32>,
    %get3A_340 = vector.shape_cast %get3A_339 : vector<1x16xf32> to vector<16xf32>
    %mul3A_341 = vector.broadcast %squeeze3A_335 : f32 to vector<16xf32>
    %mul3A_342 = arith.mulf %mul3A_341, %get3A_340 : vector<16xf32>
    %add3A_343 = arith.addf %mul3A_333, %mul3A_342 : vector<16xf32>
    %get3A_344 = arith.constant 10 : i32
    %get3A_345 = arith.index_cast %get3A_344 : i32 to index
    %get3A_346 = arith.constant 0 : index
    %get3A_347 = tpu.vector_load %arg13[%get3A_345, %get3A_346] {strides = array<i32>} : memref<64x16xf32, #tpu.memory_space<vmem>>, vector<1x16xf32>,
    %get3A_348 = vector.shape_cast %get3A_347 : vector<1x16xf32> to vector<16xf32>
    %add3A_349 = arith.addf %add3A_343, %get3A_348 : vector<16xf32>
    %swap3A_350 = arith.constant 10 : i32
    %swap3A_351 = arith.index_cast %swap3A_350 : i32 to index
    %swap3A_352 = arith.constant 0 : index
    %swap3A_353 = tpu.vector_load %arg16[%swap3A_351, %swap3A_352] {strides = array<i32>} : memref<64x16xf32, #tpu.memory_space<vmem>>, vector<1x16xf32>,
    %swap3A_354 = vector.shape_cast %swap3A_353 : vector<1x16xf32> to vector<16xf32>
    %swap3A_355 = vector.shape_cast %add3A_349 : vector<16xf32> to vector<1x16xf32>
    tpu.vector_store %arg16[%swap3A_351, %swap3A_352], %swap3A_355 {strides = array<i32>} : memref<64x16xf32, #tpu.memory_space<vmem>>, vector<1x16xf32>,
    %slice3A_356 = vector.extract_strided_slice %get3A_14 {offsets = [11], sizes = [1], strides = [1]} : vector<16xf32> to vector<1xf32>
    %squeeze3A_357 = vector.extract %slice3A_356[0] : f32 from vector<1xf32>
    %get3A_358 = arith.constant 11 : i32
    %get3A_359 = arith.index_cast %get3A_358 : i32 to index
    %get3A_360 = arith.constant 0 : index
    %get3A_361 = tpu.vector_load %arg14[%get3A_359, %get3A_360] {strides = array<i32>} : memref<64x128xf32, #tpu.memory_space<vmem>>, vector<1x16xf32>,
    %get3A_362 = vector.shape_cast %get3A_361 : vector<1x16xf32> to vector<16xf32>
    %mul3A_363 = vector.broadcast %squeeze3A_357 : f32 to vector<16xf32>
    %mul3A_364 = arith.mulf %mul3A_363, %get3A_362 : vector<16xf32>
    %slice3A_365 = vector.extract_strided_slice %get3A_17 {offsets = [11], sizes = [1], strides = [1]} : vector<16xf32> to vector<1xf32>
    %squeeze3A_366 = vector.extract %slice3A_365[0] : f32 from vector<1xf32>
    %get3A_367 = arith.constant 11 : i32
    %get3A_368 = arith.index_cast %get3A_367 : i32 to index
    %get3A_369 = arith.constant 0 : index
    %get3A_370 = tpu.vector_load %arg15[%get3A_368, %get3A_369] {strides = array<i32>} : memref<64x128xf32, #tpu.memory_space<vmem>>, vector<1x16xf32>,
    %get3A_371 = vector.shape_cast %get3A_370 : vector<1x16xf32> to vector<16xf32>
    %mul3A_372 = vector.broadcast %squeeze3A_366 : f32 to vector<16xf32>
    %mul3A_373 = arith.mulf %mul3A_372, %get3A_371 : vector<16xf32>
    %add3A_374 = arith.addf %mul3A_364, %mul3A_373 : vector<16xf32>
    %get3A_375 = arith.constant 11 : i32
    %get3A_376 = arith.index_cast %get3A_375 : i32 to index
    %get3A_377 = arith.constant 0 : index
    %get3A_378 = tpu.vector_load %arg13[%get3A_376, %get3A_377] {strides = array<i32>} : memref<64x16xf32, #tpu.memory_space<vmem>>, vector<1x16xf32>,
    %get3A_379 = vector.shape_cast %get3A_378 : vector<1x16xf32> to vector<16xf32>
    %add3A_380 = arith.addf %add3A_374, %get3A_379 : vector<16xf32>
    %swap3A_381 = arith.constant 11 : i32
    %swap3A_382 = arith.index_cast %swap3A_381 : i32 to index
    %swap3A_383 = arith.constant 0 : index
    %swap3A_384 = tpu.vector_load %arg16[%swap3A_382, %swap3A_383] {strides = array<i32>} : memref<64x16xf32, #tpu.memory_space<vmem>>, vector<1x16xf32>,
    %swap3A_385 = vector.shape_cast %swap3A_384 : vector<1x16xf32> to vector<16xf32>
    %swap3A_386 = vector.shape_cast %add3A_380 : vector<16xf32> to vector<1x16xf32>
    tpu.vector_store %arg16[%swap3A_382, %swap3A_383], %swap3A_386 {strides = array<i32>} : memref<64x16xf32, #tpu.memory_space<vmem>>, vector<1x16xf32>,
    %slice3A_387 = vector.extract_strided_slice %get3A_14 {offsets = [12], sizes = [1], strides = [1]} : vector<16xf32> to vector<1xf32>
    %squeeze3A_388 = vector.extract %slice3A_387[0] : f32 from vector<1xf32>
    %get3A_389 = arith.constant 12 : i32
    %get3A_390 = arith.index_cast %get3A_389 : i32 to index
    %get3A_391 = arith.constant 0 : index
    %get3A_392 = tpu.vector_load %arg14[%get3A_390, %get3A_391] {strides = array<i32>} : memref<64x128xf32, #tpu.memory_space<vmem>>, vector<1x16xf32>,
    %get3A_393 = vector.shape_cast %get3A_392 : vector<1x16xf32> to vector<16xf32>
    %mul3A_394 = vector.broadcast %squeeze3A_388 : f32 to vector<16xf32>
    %mul3A_395 = arith.mulf %mul3A_394, %get3A_393 : vector<16xf32>
    %slice3A_396 = vector.extract_strided_slice %get3A_17 {offsets = [12], sizes = [1], strides = [1]} : vector<16xf32> to vector<1xf32>
    %squeeze3A_397 = vector.extract %slice3A_396[0] : f32 from vector<1xf32>
    %get3A_398 = arith.constant 12 : i32
    %get3A_399 = arith.index_cast %get3A_398 : i32 to index
    %get3A_400 = arith.constant 0 : index
    %get3A_401 = tpu.vector_load %arg15[%get3A_399, %get3A_400] {strides = array<i32>} : memref<64x128xf32, #tpu.memory_space<vmem>>, vector<1x16xf32>,
    %get3A_402 = vector.shape_cast %get3A_401 : vector<1x16xf32> to vector<16xf32>
    %mul3A_403 = vector.broadcast %squeeze3A_397 : f32 to vector<16xf32>
    %mul3A_404 = arith.mulf %mul3A_403, %get3A_402 : vector<16xf32>
    %add3A_405 = arith.addf %mul3A_395, %mul3A_404 : vector<16xf32>
    %get3A_406 = arith.constant 12 : i32
    %get3A_407 = arith.index_cast %get3A_406 : i32 to index
    %get3A_408 = arith.constant 0 : index
    %get3A_409 = tpu.vector_load %arg13[%get3A_407, %get3A_408] {strides = array<i32>} : memref<64x16xf32, #tpu.memory_space<vmem>>, vector<1x16xf32>,
    %get3A_410 = vector.shape_cast %get3A_409 : vector<1x16xf32> to vector<16xf32>
    %add3A_411 = arith.addf %add3A_405, %get3A_410 : vector<16xf32>
    %swap3A_412 = arith.constant 12 : i32
    %swap3A_413 = arith.index_cast %swap3A_412 : i32 to index
    %swap3A_414 = arith.constant 0 : index
    %swap3A_415 = tpu.vector_load %arg16[%swap3A_413, %swap3A_414] {strides = array<i32>} : memref<64x16xf32, #tpu.memory_space<vmem>>, vector<1x16xf32>,
    %swap3A_416 = vector.shape_cast %swap3A_415 : vector<1x16xf32> to vector<16xf32>
    %swap3A_417 = vector.shape_cast %add3A_411 : vector<16xf32> to vector<1x16xf32>
    tpu.vector_store %arg16[%swap3A_413, %swap3A_414], %swap3A_417 {strides = array<i32>} : memref<64x16xf32, #tpu.memory_space<vmem>>, vector<1x16xf32>,
    %slice3A_418 = vector.extract_strided_slice %get3A_14 {offsets = [13], sizes = [1], strides = [1]} : vector<16xf32> to vector<1xf32>
    %squeeze3A_419 = vector.extract %slice3A_418[0] : f32 from vector<1xf32>
    %get3A_420 = arith.constant 13 : i32
    %get3A_421 = arith.index_cast %get3A_420 : i32 to index
    %get3A_422 = arith.constant 0 : index
    %get3A_423 = tpu.vector_load %arg14[%get3A_421, %get3A_422] {strides = array<i32>} : memref<64x128xf32, #tpu.memory_space<vmem>>, vector<1x16xf32>,
    %get3A_424 = vector.shape_cast %get3A_423 : vector<1x16xf32> to vector<16xf32>
    %mul3A_425 = vector.broadcast %squeeze3A_419 : f32 to vector<16xf32>
    %mul3A_426 = arith.mulf %mul3A_425, %get3A_424 : vector<16xf32>
    %slice3A_427 = vector.extract_strided_slice %get3A_17 {offsets = [13], sizes = [1], strides = [1]} : vector<16xf32> to vector<1xf32>
    %squeeze3A_428 = vector.extract %slice3A_427[0] : f32 from vector<1xf32>
    %get3A_429 = arith.constant 13 : i32
    %get3A_430 = arith.index_cast %get3A_429 : i32 to index
    %get3A_431 = arith.constant 0 : index
    %get3A_432 = tpu.vector_load %arg15[%get3A_430, %get3A_431] {strides = array<i32>} : memref<64x128xf32, #tpu.memory_space<vmem>>, vector<1x16xf32>,
    %get3A_433 = vector.shape_cast %get3A_432 : vector<1x16xf32> to vector<16xf32>
    %mul3A_434 = vector.broadcast %squeeze3A_428 : f32 to vector<16xf32>
    %mul3A_435 = arith.mulf %mul3A_434, %get3A_433 : vector<16xf32>
    %add3A_436 = arith.addf %mul3A_426, %mul3A_435 : vector<16xf32>
    %get3A_437 = arith.constant 13 : i32
    %get3A_438 = arith.index_cast %get3A_437 : i32 to index
    %get3A_439 = arith.constant 0 : index
    %get3A_440 = tpu.vector_load %arg13[%get3A_438, %get3A_439] {strides = array<i32>} : memref<64x16xf32, #tpu.memory_space<vmem>>, vector<1x16xf32>,
    %get3A_441 = vector.shape_cast %get3A_440 : vector<1x16xf32> to vector<16xf32>
    %add3A_442 = arith.addf %add3A_436, %get3A_441 : vector<16xf32>
    %swap3A_443 = arith.constant 13 : i32
    %swap3A_444 = arith.index_cast %swap3A_443 : i32 to index
    %swap3A_445 = arith.constant 0 : index
    %swap3A_446 = tpu.vector_load %arg16[%swap3A_444, %swap3A_445] {strides = array<i32>} : memref<64x16xf32, #tpu.memory_space<vmem>>, vector<1x16xf32>,
    %swap3A_447 = vector.shape_cast %swap3A_446 : vector<1x16xf32> to vector<16xf32>
    %swap3A_448 = vector.shape_cast %add3A_442 : vector<16xf32> to vector<1x16xf32>
    tpu.vector_store %arg16[%swap3A_444, %swap3A_445], %swap3A_448 {strides = array<i32>} : memref<64x16xf32, #tpu.memory_space<vmem>>, vector<1x16xf32>,
    %slice3A_449 = vector.extract_strided_slice %get3A_14 {offsets = [14], sizes = [1], strides = [1]} : vector<16xf32> to vector<1xf32>
    %squeeze3A_450 = vector.extract %slice3A_449[0] : f32 from vector<1xf32>
    %get3A_451 = arith.constant 14 : i32
    %get3A_452 = arith.index_cast %get3A_451 : i32 to index
    %get3A_453 = arith.constant 0 : index
    %get3A_454 = tpu.vector_load %arg14[%get3A_452, %get3A_453] {strides = array<i32>} : memref<64x128xf32, #tpu.memory_space<vmem>>, vector<1x16xf32>,
    %get3A_455 = vector.shape_cast %get3A_454 : vector<1x16xf32> to vector<16xf32>
    %mul3A_456 = vector.broadcast %squeeze3A_450 : f32 to vector<16xf32>
    %mul3A_457 = arith.mulf %mul3A_456, %get3A_455 : vector<16xf32>
    %slice3A_458 = vector.extract_strided_slice %get3A_17 {offsets = [14], sizes = [1], strides = [1]} : vector<16xf32> to vector<1xf32>
    %squeeze3A_459 = vector.extract %slice3A_458[0] : f32 from vector<1xf32>
    %get3A_460 = arith.constant 14 : i32
    %get3A_461 = arith.index_cast %get3A_460 : i32 to index
    %get3A_462 = arith.constant 0 : index
    %get3A_463 = tpu.vector_load %arg15[%get3A_461, %get3A_462] {strides = array<i32>} : memref<64x128xf32, #tpu.memory_space<vmem>>, vector<1x16xf32>,
    %get3A_464 = vector.shape_cast %get3A_463 : vector<1x16xf32> to vector<16xf32>
    %mul3A_465 = vector.broadcast %squeeze3A_459 : f32 to vector<16xf32>
    %mul3A_466 = arith.mulf %mul3A_465, %get3A_464 : vector<16xf32>
    %add3A_467 = arith.addf %mul3A_457, %mul3A_466 : vector<16xf32>
    %get3A_468 = arith.constant 14 : i32
    %get3A_469 = arith.index_cast %get3A_468 : i32 to index
    %get3A_470 = arith.constant 0 : index
    %get3A_471 = tpu.vector_load %arg13[%get3A_469, %get3A_470] {strides = array<i32>} : memref<64x16xf32, #tpu.memory_space<vmem>>, vector<1x16xf32>,
    %get3A_472 = vector.shape_cast %get3A_471 : vector<1x16xf32> to vector<16xf32>
    %add3A_473 = arith.addf %add3A_467, %get3A_472 : vector<16xf32>
    %swap3A_474 = arith.constant 14 : i32
    %swap3A_475 = arith.index_cast %swap3A_474 : i32 to index
    %swap3A_476 = arith.constant 0 : index
    %swap3A_477 = tpu.vector_load %arg16[%swap3A_475, %swap3A_476] {strides = array<i32>} : memref<64x16xf32, #tpu.memory_space<vmem>>, vector<1x16xf32>,
    %swap3A_478 = vector.shape_cast %swap3A_477 : vector<1x16xf32> to vector<16xf32>
    %swap3A_479 = vector.shape_cast %add3A_473 : vector<16xf32> to vector<1x16xf32>
    tpu.vector_store %arg16[%swap3A_475, %swap3A_476], %swap3A_479 {strides = array<i32>} : memref<64x16xf32, #tpu.memory_space<vmem>>, vector<1x16xf32>,
    %slice3A_480 = vector.extract_strided_slice %get3A_14 {offsets = [15], sizes = [1], strides = [1]} : vector<16xf32> to vector<1xf32>
    %squeeze3A_481 = vector.extract %slice3A_480[0] : f32 from vector<1xf32>
    %get3A_482 = arith.constant 15 : i32
    %get3A_483 = arith.index_cast %get3A_482 : i32 to index
    %get3A_484 = arith.constant 0 : index
    %get3A_485 = tpu.vector_load %arg14[%get3A_483, %get3A_484] {strides = array<i32>} : memref<64x128xf32, #tpu.memory_space<vmem>>, vector<1x16xf32>,
    %get3A_486 = vector.shape_cast %get3A_485 : vector<1x16xf32> to vector<16xf32>
    %mul3A_487 = vector.broadcast %squeeze3A_481 : f32 to vector<16xf32>
    %mul3A_488 = arith.mulf %mul3A_487, %get3A_486 : vector<16xf32>
    %slice3A_489 = vector.extract_strided_slice %get3A_17 {offsets = [15], sizes = [1], strides = [1]} : vector<16xf32> to vector<1xf32>
    %squeeze3A_490 = vector.extract %slice3A_489[0] : f32 from vector<1xf32>
    %get3A_491 = arith.constant 15 : i32
    %get3A_492 = arith.index_cast %get3A_491 : i32 to index
    %get3A_493 = arith.constant 0 : index
    %get3A_494 = tpu.vector_load %arg15[%get3A_492, %get3A_493] {strides = array<i32>} : memref<64x128xf32, #tpu.memory_space<vmem>>, vector<1x16xf32>,
    %get3A_495 = vector.shape_cast %get3A_494 : vector<1x16xf32> to vector<16xf32>
    %mul3A_496 = vector.broadcast %squeeze3A_490 : f32 to vector<16xf32>
    %mul3A_497 = arith.mulf %mul3A_496, %get3A_495 : vector<16xf32>
    %add3A_498 = arith.addf %mul3A_488, %mul3A_497 : vector<16xf32>
    %get3A_499 = arith.constant 15 : i32
    %get3A_500 = arith.index_cast %get3A_499 : i32 to index
    %get3A_501 = arith.constant 0 : index
    %get3A_502 = tpu.vector_load %arg13[%get3A_500, %get3A_501] {strides = array<i32>} : memref<64x16xf32, #tpu.memory_space<vmem>>, vector<1x16xf32>,
    %get3A_503 = vector.shape_cast %get3A_502 : vector<1x16xf32> to vector<16xf32>
    %add3A_504 = arith.addf %add3A_498, %get3A_503 : vector<16xf32>
    %swap3A_505 = arith.constant 15 : i32
    %swap3A_506 = arith.index_cast %swap3A_505 : i32 to index
    %swap3A_507 = arith.constant 0 : index
    %swap3A_508 = tpu.vector_load %arg16[%swap3A_506, %swap3A_507] {strides = array<i32>} : memref<64x16xf32, #tpu.memory_space<vmem>>, vector<1x16xf32>,
    %swap3A_509 = vector.shape_cast %swap3A_508 : vector<1x16xf32> to vector<16xf32>
    %swap3A_510 = vector.shape_cast %add3A_504 : vector<16xf32> to vector<1x16xf32>
    tpu.vector_store %arg16[%swap3A_506, %swap3A_507], %swap3A_510 {strides = array<i32>} : memref<64x16xf32, #tpu.memory_space<vmem>>, vector<1x16xf32>,
    %get3A_511 = arith.constant 16 : index
    %get3A_512 = tpu.vector_load %arg11[%get3A_511] {strides = array<i32>} : memref<64xf32, #tpu.memory_space<vmem>>, vector<16xf32>,
    %get3A_513 = vector.shape_cast %get3A_512 : vector<16xf32> to vector<16xf32>
    %get3A_514 = arith.constant 16 : index
    %get3A_515 = tpu.vector_load %arg12[%get3A_514] {strides = array<i32>} : memref<64xf32, #tpu.memory_space<vmem>>, vector<16xf32>,
    %get3A_516 = vector.shape_cast %get3A_515 : vector<16xf32> to vector<16xf32>
    %slice3A_517 = vector.extract_strided_slice %get3A_513 {offsets = [0], sizes = [1], strides = [1]} : vector<16xf32> to vector<1xf32>
    %squeeze3A_518 = vector.extract %slice3A_517[0] : f32 from vector<1xf32>
    %get3A_519 = arith.constant 16 : i32
    %get3A_520 = arith.index_cast %get3A_519 : i32 to index
    %get3A_521 = arith.constant 0 : index
    %get3A_522 = tpu.vector_load %arg14[%get3A_520, %get3A_521] {strides = array<i32>} : memref<64x128xf32, #tpu.memory_space<vmem>>, vector<1x16xf32>,
    %get3A_523 = vector.shape_cast %get3A_522 : vector<1x16xf32> to vector<16xf32>
    %mul3A_524 = vector.broadcast %squeeze3A_518 : f32 to vector<16xf32>
    %mul3A_525 = arith.mulf %mul3A_524, %get3A_523 : vector<16xf32>
    %slice3A_526 = vector.extract_strided_slice %get3A_516 {offsets = [0], sizes = [1], strides = [1]} : vector<16xf32> to vector<1xf32>
    %squeeze3A_527 = vector.extract %slice3A_526[0] : f32 from vector<1xf32>
    %get3A_528 = arith.constant 16 : i32
    %get3A_529 = arith.index_cast %get3A_528 : i32 to index
    %get3A_530 = arith.constant 0 : index
    %get3A_531 = tpu.vector_load %arg15[%get3A_529, %get3A_530] {strides = array<i32>} : memref<64x128xf32, #tpu.memory_space<vmem>>, vector<1x16xf32>,
    %get3A_532 = vector.shape_cast %get3A_531 : vector<1x16xf32> to vector<16xf32>
    %mul3A_533 = vector.broadcast %squeeze3A_527 : f32 to vector<16xf32>
    %mul3A_534 = arith.mulf %mul3A_533, %get3A_532 : vector<16xf32>
    %add3A_535 = arith.addf %mul3A_525, %mul3A_534 : vector<16xf32>
    %get3A_536 = arith.constant 16 : i32
    %get3A_537 = arith.index_cast %get3A_536 : i32 to index
    %get3A_538 = arith.constant 0 : index
    %get3A_539 = tpu.vector_load %arg13[%get3A_537, %get3A_538] {strides = array<i32>} : memref<64x16xf32, #tpu.memory_space<vmem>>, vector<1x16xf32>,
    %get3A_540 = vector.shape_cast %get3A_539 : vector<1x16xf32> to vector<16xf32>
    %add3A_541 = arith.addf %add3A_535, %get3A_540 : vector<16xf32>
    %swap3A_542 = arith.constant 16 : i32
    %swap3A_543 = arith.index_cast %swap3A_542 : i32 to index
    %swap3A_544 = arith.constant 0 : index
    %swap3A_545 = tpu.vector_load %arg16[%swap3A_543, %swap3A_544] {strides = array<i32>} : memref<64x16xf32, #tpu.memory_space<vmem>>, vector<1x16xf32>,
    %swap3A_546 = vector.shape_cast %swap3A_545 : vector<1x16xf32> to vector<16xf32>
    %swap3A_547 = vector.shape_cast %add3A_541 : vector<16xf32> to vector<1x16xf32>
    tpu.vector_store %arg16[%swap3A_543, %swap3A_544], %swap3A_547 {strides = array<i32>} : memref<64x16xf32, #tpu.memory_space<vmem>>, vector<1x16xf32>,
    %slice3A_548 = vector.extract_strided_slice %get3A_513 {offsets = [1], sizes = [1], strides = [1]} : vector<16xf32> to vector<1xf32>
    %squeeze3A_549 = vector.extract %slice3A_548[0] : f32 from vector<1xf32>
    %get3A_550 = arith.constant 17 : i32
    %get3A_551 = arith.index_cast %get3A_550 : i32 to index
    %get3A_552 = arith.constant 0 : index
    %get3A_553 = tpu.vector_load %arg14[%get3A_551, %get3A_552] {strides = array<i32>} : memref<64x128xf32, #tpu.memory_space<vmem>>, vector<1x16xf32>,
    %get3A_554 = vector.shape_cast %get3A_553 : vector<1x16xf32> to vector<16xf32>
    %mul3A_555 = vector.broadcast %squeeze3A_549 : f32 to vector<16xf32>
    %mul3A_556 = arith.mulf %mul3A_555, %get3A_554 : vector<16xf32>
    %slice3A_557 = vector.extract_strided_slice %get3A_516 {offsets = [1], sizes = [1], strides = [1]} : vector<16xf32> to vector<1xf32>
    %squeeze3A_558 = vector.extract %slice3A_557[0] : f32 from vector<1xf32>
    %get3A_559 = arith.constant 17 : i32
    %get3A_560 = arith.index_cast %get3A_559 : i32 to index
    %get3A_561 = arith.constant 0 : index
    %get3A_562 = tpu.vector_load %arg15[%get3A_560, %get3A_561] {strides = array<i32>} : memref<64x128xf32, #tpu.memory_space<vmem>>, vector<1x16xf32>,
    %get3A_563 = vector.shape_cast %get3A_562 : vector<1x16xf32> to vector<16xf32>
    %mul3A_564 = vector.broadcast %squeeze3A_558 : f32 to vector<16xf32>
    %mul3A_565 = arith.mulf %mul3A_564, %get3A_563 : vector<16xf32>
    %add3A_566 = arith.addf %mul3A_556, %mul3A_565 : vector<16xf32>
    %get3A_567 = arith.constant 17 : i32
    %get3A_568 = arith.index_cast %get3A_567 : i32 to index
    %get3A_569 = arith.constant 0 : index
    %get3A_570 = tpu.vector_load %arg13[%get3A_568, %get3A_569] {strides = array<i32>} : memref<64x16xf32, #tpu.memory_space<vmem>>, vector<1x16xf32>,
    %get3A_571 = vector.shape_cast %get3A_570 : vector<1x16xf32> to vector<16xf32>
    %add3A_572 = arith.addf %add3A_566, %get3A_571 : vector<16xf32>
    %swap3A_573 = arith.constant 17 : i32
    %swap3A_574 = arith.index_cast %swap3A_573 : i32 to index
    %swap3A_575 = arith.constant 0 : index
    %swap3A_576 = tpu.vector_load %arg16[%swap3A_574, %swap3A_575] {strides = array<i32>} : memref<64x16xf32, #tpu.memory_space<vmem>>, vector<1x16xf32>,
    %swap3A_577 = vector.shape_cast %swap3A_576 : vector<1x16xf32> to vector<16xf32>
    %swap3A_578 = vector.shape_cast %add3A_572 : vector<16xf32> to vector<1x16xf32>
    tpu.vector_store %arg16[%swap3A_574, %swap3A_575], %swap3A_578 {strides = array<i32>} : memref<64x16xf32, #tpu.memory_space<vmem>>, vector<1x16xf32>,
    %slice3A_579 = vector.extract_strided_slice %get3A_513 {offsets = [2], sizes = [1], strides = [1]} : vector<16xf32> to vector<1xf32>
    %squeeze3A_580 = vector.extract %slice3A_579[0] : f32 from vector<1xf32>
    %get3A_581 = arith.constant 18 : i32
    %get3A_582 = arith.index_cast %get3A_581 : i32 to index
    %get3A_583 = arith.constant 0 : index
    %get3A_584 = tpu.vector_load %arg14[%get3A_582, %get3A_583] {strides = array<i32>} : memref<64x128xf32, #tpu.memory_space<vmem>>, vector<1x16xf32>,
    %get3A_585 = vector.shape_cast %get3A_584 : vector<1x16xf32> to vector<16xf32>
    %mul3A_586 = vector.broadcast %squeeze3A_580 : f32 to vector<16xf32>
    %mul3A_587 = arith.mulf %mul3A_586, %get3A_585 : vector<16xf32>
    %slice3A_588 = vector.extract_strided_slice %get3A_516 {offsets = [2], sizes = [1], strides = [1]} : vector<16xf32> to vector<1xf32>
    %squeeze3A_589 = vector.extract %slice3A_588[0] : f32 from vector<1xf32>
    %get3A_590 = arith.constant 18 : i32
    %get3A_591 = arith.index_cast %get3A_590 : i32 to index
    %get3A_592 = arith.constant 0 : index
    %get3A_593 = tpu.vector_load %arg15[%get3A_591, %get3A_592] {strides = array<i32>} : memref<64x128xf32, #tpu.memory_space<vmem>>, vector<1x16xf32>,
    %get3A_594 = vector.shape_cast %get3A_593 : vector<1x16xf32> to vector<16xf32>
    %mul3A_595 = vector.broadcast %squeeze3A_589 : f32 to vector<16xf32>
    %mul3A_596 = arith.mulf %mul3A_595, %get3A_594 : vector<16xf32>
    %add3A_597 = arith.addf %mul3A_587, %mul3A_596 : vector<16xf32>
    %get3A_598 = arith.constant 18 : i32
    %get3A_599 = arith.index_cast %get3A_598 : i32 to index
    %get3A_600 = arith.constant 0 : index
    %get3A_601 = tpu.vector_load %arg13[%get3A_599, %get3A_600] {strides = array<i32>} : memref<64x16xf32, #tpu.memory_space<vmem>>, vector<1x16xf32>,
    %get3A_602 = vector.shape_cast %get3A_601 : vector<1x16xf32> to vector<16xf32>
    %add3A_603 = arith.addf %add3A_597, %get3A_602 : vector<16xf32>
    %swap3A_604 = arith.constant 18 : i32
    %swap3A_605 = arith.index_cast %swap3A_604 : i32 to index
    %swap3A_606 = arith.constant 0 : index
    %swap3A_607 = tpu.vector_load %arg16[%swap3A_605, %swap3A_606] {strides = array<i32>} : memref<64x16xf32, #tpu.memory_space<vmem>>, vector<1x16xf32>,
    %swap3A_608 = vector.shape_cast %swap3A_607 : vector<1x16xf32> to vector<16xf32>
    %swap3A_609 = vector.shape_cast %add3A_603 : vector<16xf32> to vector<1x16xf32>
    tpu.vector_store %arg16[%swap3A_605, %swap3A_606], %swap3A_609 {strides = array<i32>} : memref<64x16xf32, #tpu.memory_space<vmem>>, vector<1x16xf32>,
    %slice3A_610 = vector.extract_strided_slice %get3A_513 {offsets = [3], sizes = [1], strides = [1]} : vector<16xf32> to vector<1xf32>
    %squeeze3A_611 = vector.extract %slice3A_610[0] : f32 from vector<1xf32>
    %get3A_612 = arith.constant 19 : i32
    %get3A_613 = arith.index_cast %get3A_612 : i32 to index
    %get3A_614 = arith.constant 0 : index
    %get3A_615 = tpu.vector_load %arg14[%get3A_613, %get3A_614] {strides = array<i32>} : memref<64x128xf32, #tpu.memory_space<vmem>>, vector<1x16xf32>,
    %get3A_616 = vector.shape_cast %get3A_615 : vector<1x16xf32> to vector<16xf32>
    %mul3A_617 = vector.broadcast %squeeze3A_611 : f32 to vector<16xf32>
    %mul3A_618 = arith.mulf %mul3A_617, %get3A_616 : vector<16xf32>
    %slice3A_619 = vector.extract_strided_slice %get3A_516 {offsets = [3], sizes = [1], strides = [1]} : vector<16xf32> to vector<1xf32>
    %squeeze3A_620 = vector.extract %slice3A_619[0] : f32 from vector<1xf32>
    %get3A_621 = arith.constant 19 : i32
    %get3A_622 = arith.index_cast %get3A_621 : i32 to index
    %get3A_623 = arith.constant 0 : index
    %get3A_624 = tpu.vector_load %arg15[%get3A_622, %get3A_623] {strides = array<i32>} : memref<64x128xf32, #tpu.memory_space<vmem>>, vector<1x16xf32>,
    %get3A_625 = vector.shape_cast %get3A_624 : vector<1x16xf32> to vector<16xf32>
    %mul3A_626 = vector.broadcast %squeeze3A_620 : f32 to vector<16xf32>
    %mul3A_627 = arith.mulf %mul3A_626, %get3A_625 : vector<16xf32>
    %add3A_628 = arith.addf %mul3A_618, %mul3A_627 : vector<16xf32>
    %get3A_629 = arith.constant 19 : i32
    %get3A_630 = arith.index_cast %get3A_629 : i32 to index
    %get3A_631 = arith.constant 0 : index
    %get3A_632 = tpu.vector_load %arg13[%get3A_630, %get3A_631] {strides = array<i32>} : memref<64x16xf32, #tpu.memory_space<vmem>>, vector<1x16xf32>,
    %get3A_633 = vector.shape_cast %get3A_632 : vector<1x16xf32> to vector<16xf32>
    %add3A_634 = arith.addf %add3A_628, %get3A_633 : vector<16xf32>
    %swap3A_635 = arith.constant 19 : i32
    %swap3A_636 = arith.index_cast %swap3A_635 : i32 to index
    %swap3A_637 = arith.constant 0 : index
    %swap3A_638 = tpu.vector_load %arg16[%swap3A_636, %swap3A_637] {strides = array<i32>} : memref<64x16xf32, #tpu.memory_space<vmem>>, vector<1x16xf32>,
    %swap3A_639 = vector.shape_cast %swap3A_638 : vector<1x16xf32> to vector<16xf32>
    %swap3A_640 = vector.shape_cast %add3A_634 : vector<16xf32> to vector<1x16xf32>
    tpu.vector_store %arg16[%swap3A_636, %swap3A_637], %swap3A_640 {strides = array<i32>} : memref<64x16xf32, #tpu.memory_space<vmem>>, vector<1x16xf32>,
    %slice3A_641 = vector.extract_strided_slice %get3A_513 {offsets = [4], sizes = [1], strides = [1]} : vector<16xf32> to vector<1xf32>
    %squeeze3A_642 = vector.extract %slice3A_641[0] : f32 from vector<1xf32>
    %get3A_643 = arith.constant 20 : i32
    %get3A_644 = arith.index_cast %get3A_643 : i32 to index
    %get3A_645 = arith.constant 0 : index
    %get3A_646 = tpu.vector_load %arg14[%get3A_644, %get3A_645] {strides = array<i32>} : memref<64x128xf32, #tpu.memory_space<vmem>>, vector<1x16xf32>,
    %get3A_647 = vector.shape_cast %get3A_646 : vector<1x16xf32> to vector<16xf32>
    %mul3A_648 = vector.broadcast %squeeze3A_642 : f32 to vector<16xf32>
    %mul3A_649 = arith.mulf %mul3A_648, %get3A_647 : vector<16xf32>
    %slice3A_650 = vector.extract_strided_slice %get3A_516 {offsets = [4], sizes = [1], strides = [1]} : vector<16xf32> to vector<1xf32>
    %squeeze3A_651 = vector.extract %slice3A_650[0] : f32 from vector<1xf32>
    %get3A_652 = arith.constant 20 : i32
    %get3A_653 = arith.index_cast %get3A_652 : i32 to index
    %get3A_654 = arith.constant 0 : index
    %get3A_655 = tpu.vector_load %arg15[%get3A_653, %get3A_654] {strides = array<i32>} : memref<64x128xf32, #tpu.memory_space<vmem>>, vector<1x16xf32>,
    %get3A_656 = vector.shape_cast %get3A_655 : vector<1x16xf32> to vector<16xf32>
    %mul3A_657 = vector.broadcast %squeeze3A_651 : f32 to vector<16xf32>
    %mul3A_658 = arith.mulf %mul3A_657, %get3A_656 : vector<16xf32>
    %add3A_659 = arith.addf %mul3A_649, %mul3A_658 : vector<16xf32>
    %get3A_660 = arith.constant 20 : i32
    %get3A_661 = arith.index_cast %get3A_660 : i32 to index
    %get3A_662 = arith.constant 0 : index
    %get3A_663 = tpu.vector_load %arg13[%get3A_661, %get3A_662] {strides = array<i32>} : memref<64x16xf32, #tpu.memory_space<vmem>>, vector<1x16xf32>,
    %get3A_664 = vector.shape_cast %get3A_663 : vector<1x16xf32> to vector<16xf32>
    %add3A_665 = arith.addf %add3A_659, %get3A_664 : vector<16xf32>
    %swap3A_666 = arith.constant 20 : i32
    %swap3A_667 = arith.index_cast %swap3A_666 : i32 to index
    %swap3A_668 = arith.constant 0 : index
    %swap3A_669 = tpu.vector_load %arg16[%swap3A_667, %swap3A_668] {strides = array<i32>} : memref<64x16xf32, #tpu.memory_space<vmem>>, vector<1x16xf32>,
    %swap3A_670 = vector.shape_cast %swap3A_669 : vector<1x16xf32> to vector<16xf32>
    %swap3A_671 = vector.shape_cast %add3A_665 : vector<16xf32> to vector<1x16xf32>
    tpu.vector_store %arg16[%swap3A_667, %swap3A_668], %swap3A_671 {strides = array<i32>} : memref<64x16xf32, #tpu.memory_space<vmem>>, vector<1x16xf32>,
    %slice3A_672 = vector.extract_strided_slice %get3A_513 {offsets = [5], sizes = [1], strides = [1]} : vector<16xf32> to vector<1xf32>
    %squeeze3A_673 = vector.extract %slice3A_672[0] : f32 from vector<1xf32>
    %get3A_674 = arith.constant 21 : i32
    %get3A_675 = arith.index_cast %get3A_674 : i32 to index
    %get3A_676 = arith.constant 0 : index
    %get3A_677 = tpu.vector_load %arg14[%get3A_675, %get3A_676] {strides = array<i32>} : memref<64x128xf32, #tpu.memory_space<vmem>>, vector<1x16xf32>,
    %get3A_678 = vector.shape_cast %get3A_677 : vector<1x16xf32> to vector<16xf32>
    %mul3A_679 = vector.broadcast %squeeze3A_673 : f32 to vector<16xf32>
    %mul3A_680 = arith.mulf %mul3A_679, %get3A_678 : vector<16xf32>
    %slice3A_681 = vector.extract_strided_slice %get3A_516 {offsets = [5], sizes = [1], strides = [1]} : vector<16xf32> to vector<1xf32>
    %squeeze3A_682 = vector.extract %slice3A_681[0] : f32 from vector<1xf32>
    %get3A_683 = arith.constant 21 : i32
    %get3A_684 = arith.index_cast %get3A_683 : i32 to index
    %get3A_685 = arith.constant 0 : index
    %get3A_686 = tpu.vector_load %arg15[%get3A_684, %get3A_685] {strides = array<i32>} : memref<64x128xf32, #tpu.memory_space<vmem>>, vector<1x16xf32>,
    %get3A_687 = vector.shape_cast %get3A_686 : vector<1x16xf32> to vector<16xf32>
    %mul3A_688 = vector.broadcast %squeeze3A_682 : f32 to vector<16xf32>
    %mul3A_689 = arith.mulf %mul3A_688, %get3A_687 : vector<16xf32>
    %add3A_690 = arith.addf %mul3A_680, %mul3A_689 : vector<16xf32>
    %get3A_691 = arith.constant 21 : i32
    %get3A_692 = arith.index_cast %get3A_691 : i32 to index
    %get3A_693 = arith.constant 0 : index
    %get3A_694 = tpu.vector_load %arg13[%get3A_692, %get3A_693] {strides = array<i32>} : memref<64x16xf32, #tpu.memory_space<vmem>>, vector<1x16xf32>,
    %get3A_695 = vector.shape_cast %get3A_694 : vector<1x16xf32> to vector<16xf32>
    %add3A_696 = arith.addf %add3A_690, %get3A_695 : vector<16xf32>
    %swap3A_697 = arith.constant 21 : i32
    %swap3A_698 = arith.index_cast %swap3A_697 : i32 to index
    %swap3A_699 = arith.constant 0 : index
    %swap3A_700 = tpu.vector_load %arg16[%swap3A_698, %swap3A_699] {strides = array<i32>} : memref<64x16xf32, #tpu.memory_space<vmem>>, vector<1x16xf32>,
    %swap3A_701 = vector.shape_cast %swap3A_700 : vector<1x16xf32> to vector<16xf32>
    %swap3A_702 = vector.shape_cast %add3A_696 : vector<16xf32> to vector<1x16xf32>
    tpu.vector_store %arg16[%swap3A_698, %swap3A_699], %swap3A_702 {strides = array<i32>} : memref<64x16xf32, #tpu.memory_space<vmem>>, vector<1x16xf32>,
    %slice3A_703 = vector.extract_strided_slice %get3A_513 {offsets = [6], sizes = [1], strides = [1]} : vector<16xf32> to vector<1xf32>
    %squeeze3A_704 = vector.extract %slice3A_703[0] : f32 from vector<1xf32>
    %get3A_705 = arith.constant 22 : i32
    %get3A_706 = arith.index_cast %get3A_705 : i32 to index
    %get3A_707 = arith.constant 0 : index
    %get3A_708 = tpu.vector_load %arg14[%get3A_706, %get3A_707] {strides = array<i32>} : memref<64x128xf32, #tpu.memory_space<vmem>>, vector<1x16xf32>,
    %get3A_709 = vector.shape_cast %get3A_708 : vector<1x16xf32> to vector<16xf32>
    %mul3A_710 = vector.broadcast %squeeze3A_704 : f32 to vector<16xf32>
    %mul3A_711 = arith.mulf %mul3A_710, %get3A_709 : vector<16xf32>
    %slice3A_712 = vector.extract_strided_slice %get3A_516 {offsets = [6], sizes = [1], strides = [1]} : vector<16xf32> to vector<1xf32>
    %squeeze3A_713 = vector.extract %slice3A_712[0] : f32 from vector<1xf32>
    %get3A_714 = arith.constant 22 : i32
    %get3A_715 = arith.index_cast %get3A_714 : i32 to index
    %get3A_716 = arith.constant 0 : index
    %get3A_717 = tpu.vector_load %arg15[%get3A_715, %get3A_716] {strides = array<i32>} : memref<64x128xf32, #tpu.memory_space<vmem>>, vector<1x16xf32>,
    %get3A_718 = vector.shape_cast %get3A_717 : vector<1x16xf32> to vector<16xf32>
    %mul3A_719 = vector.broadcast %squeeze3A_713 : f32 to vector<16xf32>
    %mul3A_720 = arith.mulf %mul3A_719, %get3A_718 : vector<16xf32>
    %add3A_721 = arith.addf %mul3A_711, %mul3A_720 : vector<16xf32>
    %get3A_722 = arith.constant 22 : i32
    %get3A_723 = arith.index_cast %get3A_722 : i32 to index
    %get3A_724 = arith.constant 0 : index
    %get3A_725 = tpu.vector_load %arg13[%get3A_723, %get3A_724] {strides = array<i32>} : memref<64x16xf32, #tpu.memory_space<vmem>>, vector<1x16xf32>,
    %get3A_726 = vector.shape_cast %get3A_725 : vector<1x16xf32> to vector<16xf32>
    %add3A_727 = arith.addf %add3A_721, %get3A_726 : vector<16xf32>
    %swap3A_728 = arith.constant 22 : i32
    %swap3A_729 = arith.index_cast %swap3A_728 : i32 to index
    %swap3A_730 = arith.constant 0 : index
    %swap3A_731 = tpu.vector_load %arg16[%swap3A_729, %swap3A_730] {strides = array<i32>} : memref<64x16xf32, #tpu.memory_space<vmem>>, vector<1x16xf32>,
    %swap3A_732 = vector.shape_cast %swap3A_731 : vector<1x16xf32> to vector<16xf32>
    %swap3A_733 = vector.shape_cast %add3A_727 : vector<16xf32> to vector<1x16xf32>
    tpu.vector_store %arg16[%swap3A_729, %swap3A_730], %swap3A_733 {strides = array<i32>} : memref<64x16xf32, #tpu.memory_space<vmem>>, vector<1x16xf32>,
    %slice3A_734 = vector.extract_strided_slice %get3A_513 {offsets = [7], sizes = [1], strides = [1]} : vector<16xf32> to vector<1xf32>
    %squeeze3A_735 = vector.extract %slice3A_734[0] : f32 from vector<1xf32>
    %get3A_736 = arith.constant 23 : i32
    %get3A_737 = arith.index_cast %get3A_736 : i32 to index
    %get3A_738 = arith.constant 0 : index
    %get3A_739 = tpu.vector_load %arg14[%get3A_737, %get3A_738] {strides = array<i32>} : memref<64x128xf32, #tpu.memory_space<vmem>>, vector<1x16xf32>,
    %get3A_740 = vector.shape_cast %get3A_739 : vector<1x16xf32> to vector<16xf32>
    %mul3A_741 = vector.broadcast %squeeze3A_735 : f32 to vector<16xf32>
    %mul3A_742 = arith.mulf %mul3A_741, %get3A_740 : vector<16xf32>
    %slice3A_743 = vector.extract_strided_slice %get3A_516 {offsets = [7], sizes = [1], strides = [1]} : vector<16xf32> to vector<1xf32>
    %squeeze3A_744 = vector.extract %slice3A_743[0] : f32 from vector<1xf32>
    %get3A_745 = arith.constant 23 : i32
    %get3A_746 = arith.index_cast %get3A_745 : i32 to index
    %get3A_747 = arith.constant 0 : index
    %get3A_748 = tpu.vector_load %arg15[%get3A_746, %get3A_747] {strides = array<i32>} : memref<64x128xf32, #tpu.memory_space<vmem>>, vector<1x16xf32>,
    %get3A_749 = vector.shape_cast %get3A_748 : vector<1x16xf32> to vector<16xf32>
    %mul3A_750 = vector.broadcast %squeeze3A_744 : f32 to vector<16xf32>
    %mul3A_751 = arith.mulf %mul3A_750, %get3A_749 : vector<16xf32>
    %add3A_752 = arith.addf %mul3A_742, %mul3A_751 : vector<16xf32>
    %get3A_753 = arith.constant 23 : i32
    %get3A_754 = arith.index_cast %get3A_753 : i32 to index
    %get3A_755 = arith.constant 0 : index
    %get3A_756 = tpu.vector_load %arg13[%get3A_754, %get3A_755] {strides = array<i32>} : memref<64x16xf32, #tpu.memory_space<vmem>>, vector<1x16xf32>,
    %get3A_757 = vector.shape_cast %get3A_756 : vector<1x16xf32> to vector<16xf32>
    %add3A_758 = arith.addf %add3A_752, %get3A_757 : vector<16xf32>
    %swap3A_759 = arith.constant 23 : i32
    %swap3A_760 = arith.index_cast %swap3A_759 : i32 to index
    %swap3A_761 = arith.constant 0 : index
    %swap3A_762 = tpu.vector_load %arg16[%swap3A_760, %swap3A_761] {strides = array<i32>} : memref<64x16xf32, #tpu.memory_space<vmem>>, vector<1x16xf32>,
    %swap3A_763 = vector.shape_cast %swap3A_762 : vector<1x16xf32> to vector<16xf32>
    %swap3A_764 = vector.shape_cast %add3A_758 : vector<16xf32> to vector<1x16xf32>
    tpu.vector_store %arg16[%swap3A_760, %swap3A_761], %swap3A_764 {strides = array<i32>} : memref<64x16xf32, #tpu.memory_space<vmem>>, vector<1x16xf32>,
    %slice3A_765 = vector.extract_strided_slice %get3A_513 {offsets = [8], sizes = [1], strides = [1]} : vector<16xf32> to vector<1xf32>
    %squeeze3A_766 = vector.extract %slice3A_765[0] : f32 from vector<1xf32>
    %get3A_767 = arith.constant 24 : i32
    %get3A_768 = arith.index_cast %get3A_767 : i32 to index
    %get3A_769 = arith.constant 0 : index
    %get3A_770 = tpu.vector_load %arg14[%get3A_768, %get3A_769] {strides = array<i32>} : memref<64x128xf32, #tpu.memory_space<vmem>>, vector<1x16xf32>,
    %get3A_771 = vector.shape_cast %get3A_770 : vector<1x16xf32> to vector<16xf32>
    %mul3A_772 = vector.broadcast %squeeze3A_766 : f32 to vector<16xf32>
    %mul3A_773 = arith.mulf %mul3A_772, %get3A_771 : vector<16xf32>
    %slice3A_774 = vector.extract_strided_slice %get3A_516 {offsets = [8], sizes = [1], strides = [1]} : vector<16xf32> to vector<1xf32>
    %squeeze3A_775 = vector.extract %slice3A_774[0] : f32 from vector<1xf32>
    %get3A_776 = arith.constant 24 : i32
    %get3A_777 = arith.index_cast %get3A_776 : i32 to index
    %get3A_778 = arith.constant 0 : index
    %get3A_779 = tpu.vector_load %arg15[%get3A_777, %get3A_778] {strides = array<i32>} : memref<64x128xf32, #tpu.memory_space<vmem>>, vector<1x16xf32>,
    %get3A_780 = vector.shape_cast %get3A_779 : vector<1x16xf32> to vector<16xf32>
    %mul3A_781 = vector.broadcast %squeeze3A_775 : f32 to vector<16xf32>
    %mul3A_782 = arith.mulf %mul3A_781, %get3A_780 : vector<16xf32>
    %add3A_783 = arith.addf %mul3A_773, %mul3A_782 : vector<16xf32>
    %get3A_784 = arith.constant 24 : i32
    %get3A_785 = arith.index_cast %get3A_784 : i32 to index
    %get3A_786 = arith.constant 0 : index
    %get3A_787 = tpu.vector_load %arg13[%get3A_785, %get3A_786] {strides = array<i32>} : memref<64x16xf32, #tpu.memory_space<vmem>>, vector<1x16xf32>,
    %get3A_788 = vector.shape_cast %get3A_787 : vector<1x16xf32> to vector<16xf32>
    %add3A_789 = arith.addf %add3A_783, %get3A_788 : vector<16xf32>
    %swap3A_790 = arith.constant 24 : i32
    %swap3A_791 = arith.index_cast %swap3A_790 : i32 to index
    %swap3A_792 = arith.constant 0 : index
    %swap3A_793 = tpu.vector_load %arg16[%swap3A_791, %swap3A_792] {strides = array<i32>} : memref<64x16xf32, #tpu.memory_space<vmem>>, vector<1x16xf32>,
    %swap3A_794 = vector.shape_cast %swap3A_793 : vector<1x16xf32> to vector<16xf32>
    %swap3A_795 = vector.shape_cast %add3A_789 : vector<16xf32> to vector<1x16xf32>
    tpu.vector_store %arg16[%swap3A_791, %swap3A_792], %swap3A_795 {strides = array<i32>} : memref<64x16xf32, #tpu.memory_space<vmem>>, vector<1x16xf32>,
    %slice3A_796 = vector.extract_strided_slice %get3A_513 {offsets = [9], sizes = [1], strides = [1]} : vector<16xf32> to vector<1xf32>
    %squeeze3A_797 = vector.extract %slice3A_796[0] : f32 from vector<1xf32>
    %get3A_798 = arith.constant 25 : i32
    %get3A_799 = arith.index_cast %get3A_798 : i32 to index
    %get3A_800 = arith.constant 0 : index
    %get3A_801 = tpu.vector_load %arg14[%get3A_799, %get3A_800] {strides = array<i32>} : memref<64x128xf32, #tpu.memory_space<vmem>>, vector<1x16xf32>,
    %get3A_802 = vector.shape_cast %get3A_801 : vector<1x16xf32> to vector<16xf32>
    %mul3A_803 = vector.broadcast %squeeze3A_797 : f32 to vector<16xf32>
    %mul3A_804 = arith.mulf %mul3A_803, %get3A_802 : vector<16xf32>
    %slice3A_805 = vector.extract_strided_slice %get3A_516 {offsets = [9], sizes = [1], strides = [1]} : vector<16xf32> to vector<1xf32>
    %squeeze3A_806 = vector.extract %slice3A_805[0] : f32 from vector<1xf32>
    %get3A_807 = arith.constant 25 : i32
    %get3A_808 = arith.index_cast %get3A_807 : i32 to index
    %get3A_809 = arith.constant 0 : index
    %get3A_810 = tpu.vector_load %arg15[%get3A_808, %get3A_809] {strides = array<i32>} : memref<64x128xf32, #tpu.memory_space<vmem>>, vector<1x16xf32>,
    %get3A_811 = vector.shape_cast %get3A_810 : vector<1x16xf32> to vector<16xf32>
    %mul3A_812 = vector.broadcast %squeeze3A_806 : f32 to vector<16xf32>
    %mul3A_813 = arith.mulf %mul3A_812, %get3A_811 : vector<16xf32>
    %add3A_814 = arith.addf %mul3A_804, %mul3A_813 : vector<16xf32>
    %get3A_815 = arith.constant 25 : i32
    %get3A_816 = arith.index_cast %get3A_815 : i32 to index
    %get3A_817 = arith.constant 0 : index
    %get3A_818 = tpu.vector_load %arg13[%get3A_816, %get3A_817] {strides = array<i32>} : memref<64x16xf32, #tpu.memory_space<vmem>>, vector<1x16xf32>,
    %get3A_819 = vector.shape_cast %get3A_818 : vector<1x16xf32> to vector<16xf32>
    %add3A_820 = arith.addf %add3A_814, %get3A_819 : vector<16xf32>
    %swap3A_821 = arith.constant 25 : i32
    %swap3A_822 = arith.index_cast %swap3A_821 : i32 to index
    %swap3A_823 = arith.constant 0 : index
    %swap3A_824 = tpu.vector_load %arg16[%swap3A_822, %swap3A_823] {strides = array<i32>} : memref<64x16xf32, #tpu.memory_space<vmem>>, vector<1x16xf32>,
    %swap3A_825 = vector.shape_cast %swap3A_824 : vector<1x16xf32> to vector<16xf32>
    %swap3A_826 = vector.shape_cast %add3A_820 : vector<16xf32> to vector<1x16xf32>
    tpu.vector_store %arg16[%swap3A_822, %swap3A_823], %swap3A_826 {strides = array<i32>} : memref<64x16xf32, #tpu.memory_space<vmem>>, vector<1x16xf32>,
    %slice3A_827 = vector.extract_strided_slice %get3A_513 {offsets = [10], sizes = [1], strides = [1]} : vector<16xf32> to vector<1xf32>
    %squeeze3A_828 = vector.extract %slice3A_827[0] : f32 from vector<1xf32>
    %get3A_829 = arith.constant 26 : i32
    %get3A_830 = arith.index_cast %get3A_829 : i32 to index
    %get3A_831 = arith.constant 0 : index
    %get3A_832 = tpu.vector_load %arg14[%get3A_830, %get3A_831] {strides = array<i32>} : memref<64x128xf32, #tpu.memory_space<vmem>>, vector<1x16xf32>,
    %get3A_833 = vector.shape_cast %get3A_832 : vector<1x16xf32> to vector<16xf32>
    %mul3A_834 = vector.broadcast %squeeze3A_828 : f32 to vector<16xf32>
    %mul3A_835 = arith.mulf %mul3A_834, %get3A_833 : vector<16xf32>
    %slice3A_836 = vector.extract_strided_slice %get3A_516 {offsets = [10], sizes = [1], strides = [1]} : vector<16xf32> to vector<1xf32>
    %squeeze3A_837 = vector.extract %slice3A_836[0] : f32 from vector<1xf32>
    %get3A_838 = arith.constant 26 : i32
    %get3A_839 = arith.index_cast %get3A_838 : i32 to index
    %get3A_840 = arith.constant 0 : index
    %get3A_841 = tpu.vector_load %arg15[%get3A_839, %get3A_840] {strides = array<i32>} : memref<64x128xf32, #tpu.memory_space<vmem>>, vector<1x16xf32>,
    %get3A_842 = vector.shape_cast %get3A_841 : vector<1x16xf32> to vector<16xf32>
    %mul3A_843 = vector.broadcast %squeeze3A_837 : f32 to vector<16xf32>
    %mul3A_844 = arith.mulf %mul3A_843, %get3A_842 : vector<16xf32>
    %add3A_845 = arith.addf %mul3A_835, %mul3A_844 : vector<16xf32>
    %get3A_846 = arith.constant 26 : i32
    %get3A_847 = arith.index_cast %get3A_846 : i32 to index
    %get3A_848 = arith.constant 0 : index
    %get3A_849 = tpu.vector_load %arg13[%get3A_847, %get3A_848] {strides = array<i32>} : memref<64x16xf32, #tpu.memory_space<vmem>>, vector<1x16xf32>,
    %get3A_850 = vector.shape_cast %get3A_849 : vector<1x16xf32> to vector<16xf32>
    %add3A_851 = arith.addf %add3A_845, %get3A_850 : vector<16xf32>
    %swap3A_852 = arith.constant 26 : i32
    %swap3A_853 = arith.index_cast %swap3A_852 : i32 to index
    %swap3A_854 = arith.constant 0 : index
    %swap3A_855 = tpu.vector_load %arg16[%swap3A_853, %swap3A_854] {strides = array<i32>} : memref<64x16xf32, #tpu.memory_space<vmem>>, vector<1x16xf32>,
    %swap3A_856 = vector.shape_cast %swap3A_855 : vector<1x16xf32> to vector<16xf32>
    %swap3A_857 = vector.shape_cast %add3A_851 : vector<16xf32> to vector<1x16xf32>
    tpu.vector_store %arg16[%swap3A_853, %swap3A_854], %swap3A_857 {strides = array<i32>} : memref<64x16xf32, #tpu.memory_space<vmem>>, vector<1x16xf32>,
    %slice3A_858 = vector.extract_strided_slice %get3A_513 {offsets = [11], sizes = [1], strides = [1]} : vector<16xf32> to vector<1xf32>
    %squeeze3A_859 = vector.extract %slice3A_858[0] : f32 from vector<1xf32>
    %get3A_860 = arith.constant 27 : i32
    %get3A_861 = arith.index_cast %get3A_860 : i32 to index
    %get3A_862 = arith.constant 0 : index
    %get3A_863 = tpu.vector_load %arg14[%get3A_861, %get3A_862] {strides = array<i32>} : memref<64x128xf32, #tpu.memory_space<vmem>>, vector<1x16xf32>,
    %get3A_864 = vector.shape_cast %get3A_863 : vector<1x16xf32> to vector<16xf32>
    %mul3A_865 = vector.broadcast %squeeze3A_859 : f32 to vector<16xf32>
    %mul3A_866 = arith.mulf %mul3A_865, %get3A_864 : vector<16xf32>
    %slice3A_867 = vector.extract_strided_slice %get3A_516 {offsets = [11], sizes = [1], strides = [1]} : vector<16xf32> to vector<1xf32>
    %squeeze3A_868 = vector.extract %slice3A_867[0] : f32 from vector<1xf32>
    %get3A_869 = arith.constant 27 : i32
    %get3A_870 = arith.index_cast %get3A_869 : i32 to index
    %get3A_871 = arith.constant 0 : index
    %get3A_872 = tpu.vector_load %arg15[%get3A_870, %get3A_871] {strides = array<i32>} : memref<64x128xf32, #tpu.memory_space<vmem>>, vector<1x16xf32>,
    %get3A_873 = vector.shape_cast %get3A_872 : vector<1x16xf32> to vector<16xf32>
    %mul3A_874 = vector.broadcast %squeeze3A_868 : f32 to vector<16xf32>
    %mul3A_875 = arith.mulf %mul3A_874, %get3A_873 : vector<16xf32>
    %add3A_876 = arith.addf %mul3A_866, %mul3A_875 : vector<16xf32>
    %get3A_877 = arith.constant 27 : i32
    %get3A_878 = arith.index_cast %get3A_877 : i32 to index
    %get3A_879 = arith.constant 0 : index
    %get3A_880 = tpu.vector_load %arg13[%get3A_878, %get3A_879] {strides = array<i32>} : memref<64x16xf32, #tpu.memory_space<vmem>>, vector<1x16xf32>,
    %get3A_881 = vector.shape_cast %get3A_880 : vector<1x16xf32> to vector<16xf32>
    %add3A_882 = arith.addf %add3A_876, %get3A_881 : vector<16xf32>
    %swap3A_883 = arith.constant 27 : i32
    %swap3A_884 = arith.index_cast %swap3A_883 : i32 to index
    %swap3A_885 = arith.constant 0 : index
    %swap3A_886 = tpu.vector_load %arg16[%swap3A_884, %swap3A_885] {strides = array<i32>} : memref<64x16xf32, #tpu.memory_space<vmem>>, vector<1x16xf32>,
    %swap3A_887 = vector.shape_cast %swap3A_886 : vector<1x16xf32> to vector<16xf32>
    %swap3A_888 = vector.shape_cast %add3A_882 : vector<16xf32> to vector<1x16xf32>
    tpu.vector_store %arg16[%swap3A_884, %swap3A_885], %swap3A_888 {strides = array<i32>} : memref<64x16xf32, #tpu.memory_space<vmem>>, vector<1x16xf32>,
    %slice3A_889 = vector.extract_strided_slice %get3A_513 {offsets = [12], sizes = [1], strides = [1]} : vector<16xf32> to vector<1xf32>
    %squeeze3A_890 = vector.extract %slice3A_889[0] : f32 from vector<1xf32>
    %get3A_891 = arith.constant 28 : i32
    %get3A_892 = arith.index_cast %get3A_891 : i32 to index
    %get3A_893 = arith.constant 0 : index
    %get3A_894 = tpu.vector_load %arg14[%get3A_892, %get3A_893] {strides = array<i32>} : memref<64x128xf32, #tpu.memory_space<vmem>>, vector<1x16xf32>,
    %get3A_895 = vector.shape_cast %get3A_894 : vector<1x16xf32> to vector<16xf32>
    %mul3A_896 = vector.broadcast %squeeze3A_890 : f32 to vector<16xf32>
    %mul3A_897 = arith.mulf %mul3A_896, %get3A_895 : vector<16xf32>
    %slice3A_898 = vector.extract_strided_slice %get3A_516 {offsets = [12], sizes = [1], strides = [1]} : vector<16xf32> to vector<1xf32>
    %squeeze3A_899 = vector.extract %slice3A_898[0] : f32 from vector<1xf32>
    %get3A_900 = arith.constant 28 : i32
    %get3A_901 = arith.index_cast %get3A_900 : i32 to index
    %get3A_902 = arith.constant 0 : index
    %get3A_903 = tpu.vector_load %arg15[%get3A_901, %get3A_902] {strides = array<i32>} : memref<64x128xf32, #tpu.memory_space<vmem>>, vector<1x16xf32>,
    %get3A_904 = vector.shape_cast %get3A_903 : vector<1x16xf32> to vector<16xf32>
    %mul3A_905 = vector.broadcast %squeeze3A_899 : f32 to vector<16xf32>
    %mul3A_906 = arith.mulf %mul3A_905, %get3A_904 : vector<16xf32>
    %add3A_907 = arith.addf %mul3A_897, %mul3A_906 : vector<16xf32>
    %get3A_908 = arith.constant 28 : i32
    %get3A_909 = arith.index_cast %get3A_908 : i32 to index
    %get3A_910 = arith.constant 0 : index
    %get3A_911 = tpu.vector_load %arg13[%get3A_909, %get3A_910] {strides = array<i32>} : memref<64x16xf32, #tpu.memory_space<vmem>>, vector<1x16xf32>,
    %get3A_912 = vector.shape_cast %get3A_911 : vector<1x16xf32> to vector<16xf32>
    %add3A_913 = arith.addf %add3A_907, %get3A_912 : vector<16xf32>
    %swap3A_914 = arith.constant 28 : i32
    %swap3A_915 = arith.index_cast %swap3A_914 : i32 to index
    %swap3A_916 = arith.constant 0 : index
    %swap3A_917 = tpu.vector_load %arg16[%swap3A_915, %swap3A_916] {strides = array<i32>} : memref<64x16xf32, #tpu.memory_space<vmem>>, vector<1x16xf32>,
    %swap3A_918 = vector.shape_cast %swap3A_917 : vector<1x16xf32> to vector<16xf32>
    %swap3A_919 = vector.shape_cast %add3A_913 : vector<16xf32> to vector<1x16xf32>
    tpu.vector_store %arg16[%swap3A_915, %swap3A_916], %swap3A_919 {strides = array<i32>} : memref<64x16xf32, #tpu.memory_space<vmem>>, vector<1x16xf32>,
    %slice3A_920 = vector.extract_strided_slice %get3A_513 {offsets = [13], sizes = [1], strides = [1]} : vector<16xf32> to vector<1xf32>
    %squeeze3A_921 = vector.extract %slice3A_920[0] : f32 from vector<1xf32>
    %get3A_922 = arith.constant 29 : i32
    %get3A_923 = arith.index_cast %get3A_922 : i32 to index
    %get3A_924 = arith.constant 0 : index
    %get3A_925 = tpu.vector_load %arg14[%get3A_923, %get3A_924] {strides = array<i32>} : memref<64x128xf32, #tpu.memory_space<vmem>>, vector<1x16xf32>,
    %get3A_926 = vector.shape_cast %get3A_925 : vector<1x16xf32> to vector<16xf32>
    %mul3A_927 = vector.broadcast %squeeze3A_921 : f32 to vector<16xf32>
    %mul3A_928 = arith.mulf %mul3A_927, %get3A_926 : vector<16xf32>
    %slice3A_929 = vector.extract_strided_slice %get3A_516 {offsets = [13], sizes = [1], strides = [1]} : vector<16xf32> to vector<1xf32>
    %squeeze3A_930 = vector.extract %slice3A_929[0] : f32 from vector<1xf32>
    %get3A_931 = arith.constant 29 : i32
    %get3A_932 = arith.index_cast %get3A_931 : i32 to index
    %get3A_933 = arith.constant 0 : index
    %get3A_934 = tpu.vector_load %arg15[%get3A_932, %get3A_933] {strides = array<i32>} : memref<64x128xf32, #tpu.memory_space<vmem>>, vector<1x16xf32>,
    %get3A_935 = vector.shape_cast %get3A_934 : vector<1x16xf32> to vector<16xf32>
    %mul3A_936 = vector.broadcast %squeeze3A_930 : f32 to vector<16xf32>
    %mul3A_937 = arith.mulf %mul3A_936, %get3A_935 : vector<16xf32>
    %add3A_938 = arith.addf %mul3A_928, %mul3A_937 : vector<16xf32>
    %get3A_939 = arith.constant 29 : i32
    %get3A_940 = arith.index_cast %get3A_939 : i32 to index
    %get3A_941 = arith.constant 0 : index
    %get3A_942 = tpu.vector_load %arg13[%get3A_940, %get3A_941] {strides = array<i32>} : memref<64x16xf32, #tpu.memory_space<vmem>>, vector<1x16xf32>,
    %get3A_943 = vector.shape_cast %get3A_942 : vector<1x16xf32> to vector<16xf32>
    %add3A_944 = arith.addf %add3A_938, %get3A_943 : vector<16xf32>
    %swap3A_945 = arith.constant 29 : i32
    %swap3A_946 = arith.index_cast %swap3A_945 : i32 to index
    %swap3A_947 = arith.constant 0 : index
    %swap3A_948 = tpu.vector_load %arg16[%swap3A_946, %swap3A_947] {strides = array<i32>} : memref<64x16xf32, #tpu.memory_space<vmem>>, vector<1x16xf32>,
    %swap3A_949 = vector.shape_cast %swap3A_948 : vector<1x16xf32> to vector<16xf32>
    %swap3A_950 = vector.shape_cast %add3A_944 : vector<16xf32> to vector<1x16xf32>
    tpu.vector_store %arg16[%swap3A_946, %swap3A_947], %swap3A_950 {strides = array<i32>} : memref<64x16xf32, #tpu.memory_space<vmem>>, vector<1x16xf32>,
    %slice3A_951 = vector.extract_strided_slice %get3A_513 {offsets = [14], sizes = [1], strides = [1]} : vector<16xf32> to vector<1xf32>
    %squeeze3A_952 = vector.extract %slice3A_951[0] : f32 from vector<1xf32>
    %get3A_953 = arith.constant 30 : i32
    %get3A_954 = arith.index_cast %get3A_953 : i32 to index
    %get3A_955 = arith.constant 0 : index
    %get3A_956 = tpu.vector_load %arg14[%get3A_954, %get3A_955] {strides = array<i32>} : memref<64x128xf32, #tpu.memory_space<vmem>>, vector<1x16xf32>,
    %get3A_957 = vector.shape_cast %get3A_956 : vector<1x16xf32> to vector<16xf32>
    %mul3A_958 = vector.broadcast %squeeze3A_952 : f32 to vector<16xf32>
    %mul3A_959 = arith.mulf %mul3A_958, %get3A_957 : vector<16xf32>
    %slice3A_960 = vector.extract_strided_slice %get3A_516 {offsets = [14], sizes = [1], strides = [1]} : vector<16xf32> to vector<1xf32>
    %squeeze3A_961 = vector.extract %slice3A_960[0] : f32 from vector<1xf32>
    %get3A_962 = arith.constant 30 : i32
    %get3A_963 = arith.index_cast %get3A_962 : i32 to index
    %get3A_964 = arith.constant 0 : index
    %get3A_965 = tpu.vector_load %arg15[%get3A_963, %get3A_964] {strides = array<i32>} : memref<64x128xf32, #tpu.memory_space<vmem>>, vector<1x16xf32>,
    %get3A_966 = vector.shape_cast %get3A_965 : vector<1x16xf32> to vector<16xf32>
    %mul3A_967 = vector.broadcast %squeeze3A_961 : f32 to vector<16xf32>
    %mul3A_968 = arith.mulf %mul3A_967, %get3A_966 : vector<16xf32>
    %add3A_969 = arith.addf %mul3A_959, %mul3A_968 : vector<16xf32>
    %get3A_970 = arith.constant 30 : i32
    %get3A_971 = arith.index_cast %get3A_970 : i32 to index
    %get3A_972 = arith.constant 0 : index
    %get3A_973 = tpu.vector_load %arg13[%get3A_971, %get3A_972] {strides = array<i32>} : memref<64x16xf32, #tpu.memory_space<vmem>>, vector<1x16xf32>,
    %get3A_974 = vector.shape_cast %get3A_973 : vector<1x16xf32> to vector<16xf32>
    %add3A_975 = arith.addf %add3A_969, %get3A_974 : vector<16xf32>
    %swap3A_976 = arith.constant 30 : i32
    %swap3A_977 = arith.index_cast %swap3A_976 : i32 to index
    %swap3A_978 = arith.constant 0 : index
    %swap3A_979 = tpu.vector_load %arg16[%swap3A_977, %swap3A_978] {strides = array<i32>} : memref<64x16xf32, #tpu.memory_space<vmem>>, vector<1x16xf32>,
    %swap3A_980 = vector.shape_cast %swap3A_979 : vector<1x16xf32> to vector<16xf32>
    %swap3A_981 = vector.shape_cast %add3A_975 : vector<16xf32> to vector<1x16xf32>
    tpu.vector_store %arg16[%swap3A_977, %swap3A_978], %swap3A_981 {strides = array<i32>} : memref<64x16xf32, #tpu.memory_space<vmem>>, vector<1x16xf32>,
    %slice3A_982 = vector.extract_strided_slice %get3A_513 {offsets = [15], sizes = [1], strides = [1]} : vector<16xf32> to vector<1xf32>
    %squeeze3A_983 = vector.extract %slice3A_982[0] : f32 from vector<1xf32>
    %get3A_984 = arith.constant 31 : i32
    %get3A_985 = arith.index_cast %get3A_984 : i32 to index
    %get3A_986 = arith.constant 0 : index
    %get3A_987 = tpu.vector_load %arg14[%get3A_985, %get3A_986] {strides = array<i32>} : memref<64x128xf32, #tpu.memory_space<vmem>>, vector<1x16xf32>,
    %get3A_988 = vector.shape_cast %get3A_987 : vector<1x16xf32> to vector<16xf32>
    %mul3A_989 = vector.broadcast %squeeze3A_983 : f32 to vector<16xf32>
    %mul3A_990 = arith.mulf %mul3A_989, %get3A_988 : vector<16xf32>
    %slice3A_991 = vector.extract_strided_slice %get3A_516 {offsets = [15], sizes = [1], strides = [1]} : vector<16xf32> to vector<1xf32>
    %squeeze3A_992 = vector.extract %slice3A_991[0] : f32 from vector<1xf32>
    %get3A_993 = arith.constant 31 : i32
    %get3A_994 = arith.index_cast %get3A_993 : i32 to index
    %get3A_995 = arith.constant 0 : index
    %get3A_996 = tpu.vector_load %arg15[%get3A_994, %get3A_995] {strides = array<i32>} : memref<64x128xf32, #tpu.memory_space<vmem>>, vector<1x16xf32>,
    %get3A_997 = vector.shape_cast %get3A_996 : vector<1x16xf32> to vector<16xf32>
    %mul3A_998 = vector.broadcast %squeeze3A_992 : f32 to vector<16xf32>
    %mul3A_999 = arith.mulf %mul3A_998, %get3A_997 : vector<16xf32>
    %add3A_1000 = arith.addf %mul3A_990, %mul3A_999 : vector<16xf32>
    %get3A_1001 = arith.constant 31 : i32
    %get3A_1002 = arith.index_cast %get3A_1001 : i32 to index
    %get3A_1003 = arith.constant 0 : index
    %get3A_1004 = tpu.vector_load %arg13[%get3A_1002, %get3A_1003] {strides = array<i32>} : memref<64x16xf32, #tpu.memory_space<vmem>>, vector<1x16xf32>,
    %get3A_1005 = vector.shape_cast %get3A_1004 : vector<1x16xf32> to vector<16xf32>
    %add3A_1006 = arith.addf %add3A_1000, %get3A_1005 : vector<16xf32>
    %swap3A_1007 = arith.constant 31 : i32
    %swap3A_1008 = arith.index_cast %swap3A_1007 : i32 to index
    %swap3A_1009 = arith.constant 0 : index
    %swap3A_1010 = tpu.vector_load %arg16[%swap3A_1008, %swap3A_1009] {strides = array<i32>} : memref<64x16xf32, #tpu.memory_space<vmem>>, vector<1x16xf32>,
    %swap3A_1011 = vector.shape_cast %swap3A_1010 : vector<1x16xf32> to vector<16xf32>
    %swap3A_1012 = vector.shape_cast %add3A_1006 : vector<16xf32> to vector<1x16xf32>
    tpu.vector_store %arg16[%swap3A_1008, %swap3A_1009], %swap3A_1012 {strides = array<i32>} : memref<64x16xf32, #tpu.memory_space<vmem>>, vector<1x16xf32>,
    %get3A_1013 = arith.constant 32 : index
    %get3A_1014 = tpu.vector_load %arg11[%get3A_1013] {strides = array<i32>} : memref<64xf32, #tpu.memory_space<vmem>>, vector<16xf32>,
    %get3A_1015 = vector.shape_cast %get3A_1014 : vector<16xf32> to vector<16xf32>
    %get3A_1016 = arith.constant 32 : index
    %get3A_1017 = tpu.vector_load %arg12[%get3A_1016] {strides = array<i32>} : memref<64xf32, #tpu.memory_space<vmem>>, vector<16xf32>,
    %get3A_1018 = vector.shape_cast %get3A_1017 : vector<16xf32> to vector<16xf32>
    %slice3A_1019 = vector.extract_strided_slice %get3A_1015 {offsets = [0], sizes = [1], strides = [1]} : vector<16xf32> to vector<1xf32>
    %squeeze3A_1020 = vector.extract %slice3A_1019[0] : f32 from vector<1xf32>
    %get3A_1021 = arith.constant 32 : i32
    %get3A_1022 = arith.index_cast %get3A_1021 : i32 to index
    %get3A_1023 = arith.constant 0 : index
    %get3A_1024 = tpu.vector_load %arg14[%get3A_1022, %get3A_1023] {strides = array<i32>} : memref<64x128xf32, #tpu.memory_space<vmem>>, vector<1x16xf32>,
    %get3A_1025 = vector.shape_cast %get3A_1024 : vector<1x16xf32> to vector<16xf32>
    %mul3A_1026 = vector.broadcast %squeeze3A_1020 : f32 to vector<16xf32>
    %mul3A_1027 = arith.mulf %mul3A_1026, %get3A_1025 : vector<16xf32>
    %slice3A_1028 = vector.extract_strided_slice %get3A_1018 {offsets = [0], sizes = [1], strides = [1]} : vector<16xf32> to vector<1xf32>
    %squeeze3A_1029 = vector.extract %slice3A_1028[0] : f32 from vector<1xf32>
    %get3A_1030 = arith.constant 32 : i32
    %get3A_1031 = arith.index_cast %get3A_1030 : i32 to index
    %get3A_1032 = arith.constant 0 : index
    %get3A_1033 = tpu.vector_load %arg15[%get3A_1031, %get3A_1032] {strides = array<i32>} : memref<64x128xf32, #tpu.memory_space<vmem>>, vector<1x16xf32>,
    %get3A_1034 = vector.shape_cast %get3A_1033 : vector<1x16xf32> to vector<16xf32>
    %mul3A_1035 = vector.broadcast %squeeze3A_1029 : f32 to vector<16xf32>
    %mul3A_1036 = arith.mulf %mul3A_1035, %get3A_1034 : vector<16xf32>
    %add3A_1037 = arith.addf %mul3A_1027, %mul3A_1036 : vector<16xf32>
    %get3A_1038 = arith.constant 32 : i32
    %get3A_1039 = arith.index_cast %get3A_1038 : i32 to index
    %get3A_1040 = arith.constant 0 : index
    %get3A_1041 = tpu.vector_load %arg13[%get3A_1039, %get3A_1040] {strides = array<i32>} : memref<64x16xf32, #tpu.memory_space<vmem>>, vector<1x16xf32>,
    %get3A_1042 = vector.shape_cast %get3A_1041 : vector<1x16xf32> to vector<16xf32>
    %add3A_1043 = arith.addf %add3A_1037, %get3A_1042 : vector<16xf32>
    %swap3A_1044 = arith.constant 32 : i32
    %swap3A_1045 = arith.index_cast %swap3A_1044 : i32 to index
    %swap3A_1046 = arith.constant 0 : index
    %swap3A_1047 = tpu.vector_load %arg16[%swap3A_1045, %swap3A_1046] {strides = array<i32>} : memref<64x16xf32, #tpu.memory_space<vmem>>, vector<1x16xf32>,
    %swap3A_1048 = vector.shape_cast %swap3A_1047 : vector<1x16xf32> to vector<16xf32>
    %swap3A_1049 = vector.shape_cast %add3A_1043 : vector<16xf32> to vector<1x16xf32>
    tpu.vector_store %arg16[%swap3A_1045, %swap3A_1046], %swap3A_1049 {strides = array<i32>} : memref<64x16xf32, #tpu.memory_space<vmem>>, vector<1x16xf32>,
    %slice3A_1050 = vector.extract_strided_slice %get3A_1015 {offsets = [1], sizes = [1], strides = [1]} : vector<16xf32> to vector<1xf32>
    %squeeze3A_1051 = vector.extract %slice3A_1050[0] : f32 from vector<1xf32>
    %get3A_1052 = arith.constant 33 : i32
    %get3A_1053 = arith.index_cast %get3A_1052 : i32 to index
    %get3A_1054 = arith.constant 0 : index
    %get3A_1055 = tpu.vector_load %arg14[%get3A_1053, %get3A_1054] {strides = array<i32>} : memref<64x128xf32, #tpu.memory_space<vmem>>, vector<1x16xf32>,
    %get3A_1056 = vector.shape_cast %get3A_1055 : vector<1x16xf32> to vector<16xf32>
    %mul3A_1057 = vector.broadcast %squeeze3A_1051 : f32 to vector<16xf32>
    %mul3A_1058 = arith.mulf %mul3A_1057, %get3A_1056 : vector<16xf32>
    %slice3A_1059 = vector.extract_strided_slice %get3A_1018 {offsets = [1], sizes = [1], strides = [1]} : vector<16xf32> to vector<1xf32>
    %squeeze3A_1060 = vector.extract %slice3A_1059[0] : f32 from vector<1xf32>
    %get3A_1061 = arith.constant 33 : i32
    %get3A_1062 = arith.index_cast %get3A_1061 : i32 to index
    %get3A_1063 = arith.constant 0 : index
    %get3A_1064 = tpu.vector_load %arg15[%get3A_1062, %get3A_1063] {strides = array<i32>} : memref<64x128xf32, #tpu.memory_space<vmem>>, vector<1x16xf32>,
    %get3A_1065 = vector.shape_cast %get3A_1064 : vector<1x16xf32> to vector<16xf32>
    %mul3A_1066 = vector.broadcast %squeeze3A_1060 : f32 to vector<16xf32>
    %mul3A_1067 = arith.mulf %mul3A_1066, %get3A_1065 : vector<16xf32>
    %add3A_1068 = arith.addf %mul3A_1058, %mul3A_1067 : vector<16xf32>
    %get3A_1069 = arith.constant 33 : i32
    %get3A_1070 = arith.index_cast %get3A_1069 : i32 to index
    %get3A_1071 = arith.constant 0 : index
    %get3A_1072 = tpu.vector_load %arg13[%get3A_1070, %get3A_1071] {strides = array<i32>} : memref<64x16xf32, #tpu.memory_space<vmem>>, vector<1x16xf32>,
    %get3A_1073 = vector.shape_cast %get3A_1072 : vector<1x16xf32> to vector<16xf32>
    %add3A_1074 = arith.addf %add3A_1068, %get3A_1073 : vector<16xf32>
    %swap3A_1075 = arith.constant 33 : i32
    %swap3A_1076 = arith.index_cast %swap3A_1075 : i32 to index
    %swap3A_1077 = arith.constant 0 : index
    %swap3A_1078 = tpu.vector_load %arg16[%swap3A_1076, %swap3A_1077] {strides = array<i32>} : memref<64x16xf32, #tpu.memory_space<vmem>>, vector<1x16xf32>,
    %swap3A_1079 = vector.shape_cast %swap3A_1078 : vector<1x16xf32> to vector<16xf32>
    %swap3A_1080 = vector.shape_cast %add3A_1074 : vector<16xf32> to vector<1x16xf32>
    tpu.vector_store %arg16[%swap3A_1076, %swap3A_1077], %swap3A_1080 {strides = array<i32>} : memref<64x16xf32, #tpu.memory_space<vmem>>, vector<1x16xf32>,
    %slice3A_1081 = vector.extract_strided_slice %get3A_1015 {offsets = [2], sizes = [1], strides = [1]} : vector<16xf32> to vector<1xf32>
    %squeeze3A_1082 = vector.extract %slice3A_1081[0] : f32 from vector<1xf32>
    %get3A_1083 = arith.constant 34 : i32
    %get3A_1084 = arith.index_cast %get3A_1083 : i32 to index
    %get3A_1085 = arith.constant 0 : index
    %get3A_1086 = tpu.vector_load %arg14[%get3A_1084, %get3A_1085] {strides = array<i32>} : memref<64x128xf32, #tpu.memory_space<vmem>>, vector<1x16xf32>,
    %get3A_1087 = vector.shape_cast %get3A_1086 : vector<1x16xf32> to vector<16xf32>
    %mul3A_1088 = vector.broadcast %squeeze3A_1082 : f32 to vector<16xf32>
    %mul3A_1089 = arith.mulf %mul3A_1088, %get3A_1087 : vector<16xf32>
    %slice3A_1090 = vector.extract_strided_slice %get3A_1018 {offsets = [2], sizes = [1], strides = [1]} : vector<16xf32> to vector<1xf32>
    %squeeze3A_1091 = vector.extract %slice3A_1090[0] : f32 from vector<1xf32>
    %get3A_1092 = arith.constant 34 : i32
    %get3A_1093 = arith.index_cast %get3A_1092 : i32 to index
    %get3A_1094 = arith.constant 0 : index
    %get3A_1095 = tpu.vector_load %arg15[%get3A_1093, %get3A_1094] {strides = array<i32>} : memref<64x128xf32, #tpu.memory_space<vmem>>, vector<1x16xf32>,
    %get3A_1096 = vector.shape_cast %get3A_1095 : vector<1x16xf32> to vector<16xf32>
    %mul3A_1097 = vector.broadcast %squeeze3A_1091 : f32 to vector<16xf32>
    %mul3A_1098 = arith.mulf %mul3A_1097, %get3A_1096 : vector<16xf32>
    %add3A_1099 = arith.addf %mul3A_1089, %mul3A_1098 : vector<16xf32>
    %get3A_1100 = arith.constant 34 : i32
    %get3A_1101 = arith.index_cast %get3A_1100 : i32 to index
    %get3A_1102 = arith.constant 0 : index
    %get3A_1103 = tpu.vector_load %arg13[%get3A_1101, %get3A_1102] {strides = array<i32>} : memref<64x16xf32, #tpu.memory_space<vmem>>, vector<1x16xf32>,
    %get3A_1104 = vector.shape_cast %get3A_1103 : vector<1x16xf32> to vector<16xf32>
    %add3A_1105 = arith.addf %add3A_1099, %get3A_1104 : vector<16xf32>
    %swap3A_1106 = arith.constant 34 : i32
    %swap3A_1107 = arith.index_cast %swap3A_1106 : i32 to index
    %swap3A_1108 = arith.constant 0 : index
    %swap3A_1109 = tpu.vector_load %arg16[%swap3A_1107, %swap3A_1108] {strides = array<i32>} : memref<64x16xf32, #tpu.memory_space<vmem>>, vector<1x16xf32>,
    %swap3A_1110 = vector.shape_cast %swap3A_1109 : vector<1x16xf32> to vector<16xf32>
    %swap3A_1111 = vector.shape_cast %add3A_1105 : vector<16xf32> to vector<1x16xf32>
    tpu.vector_store %arg16[%swap3A_1107, %swap3A_1108], %swap3A_1111 {strides = array<i32>} : memref<64x16xf32, #tpu.memory_space<vmem>>, vector<1x16xf32>,
    %slice3A_1112 = vector.extract_strided_slice %get3A_1015 {offsets = [3], sizes = [1], strides = [1]} : vector<16xf32> to vector<1xf32>
    %squeeze3A_1113 = vector.extract %slice3A_1112[0] : f32 from vector<1xf32>
    %get3A_1114 = arith.constant 35 : i32
    %get3A_1115 = arith.index_cast %get3A_1114 : i32 to index
    %get3A_1116 = arith.constant 0 : index
    %get3A_1117 = tpu.vector_load %arg14[%get3A_1115, %get3A_1116] {strides = array<i32>} : memref<64x128xf32, #tpu.memory_space<vmem>>, vector<1x16xf32>,
    %get3A_1118 = vector.shape_cast %get3A_1117 : vector<1x16xf32> to vector<16xf32>
    %mul3A_1119 = vector.broadcast %squeeze3A_1113 : f32 to vector<16xf32>
    %mul3A_1120 = arith.mulf %mul3A_1119, %get3A_1118 : vector<16xf32>
    %slice3A_1121 = vector.extract_strided_slice %get3A_1018 {offsets = [3], sizes = [1], strides = [1]} : vector<16xf32> to vector<1xf32>
    %squeeze3A_1122 = vector.extract %slice3A_1121[0] : f32 from vector<1xf32>
    %get3A_1123 = arith.constant 35 : i32
    %get3A_1124 = arith.index_cast %get3A_1123 : i32 to index
    %get3A_1125 = arith.constant 0 : index
    %get3A_1126 = tpu.vector_load %arg15[%get3A_1124, %get3A_1125] {strides = array<i32>} : memref<64x128xf32, #tpu.memory_space<vmem>>, vector<1x16xf32>,
    %get3A_1127 = vector.shape_cast %get3A_1126 : vector<1x16xf32> to vector<16xf32>
    %mul3A_1128 = vector.broadcast %squeeze3A_1122 : f32 to vector<16xf32>
    %mul3A_1129 = arith.mulf %mul3A_1128, %get3A_1127 : vector<16xf32>
    %add3A_1130 = arith.addf %mul3A_1120, %mul3A_1129 : vector<16xf32>
    %get3A_1131 = arith.constant 35 : i32
    %get3A_1132 = arith.index_cast %get3A_1131 : i32 to index
    %get3A_1133 = arith.constant 0 : index
    %get3A_1134 = tpu.vector_load %arg13[%get3A_1132, %get3A_1133] {strides = array<i32>} : memref<64x16xf32, #tpu.memory_space<vmem>>, vector<1x16xf32>,
    %get3A_1135 = vector.shape_cast %get3A_1134 : vector<1x16xf32> to vector<16xf32>
    %add3A_1136 = arith.addf %add3A_1130, %get3A_1135 : vector<16xf32>
    %swap3A_1137 = arith.constant 35 : i32
    %swap3A_1138 = arith.index_cast %swap3A_1137 : i32 to index
    %swap3A_1139 = arith.constant 0 : index
    %swap3A_1140 = tpu.vector_load %arg16[%swap3A_1138, %swap3A_1139] {strides = array<i32>} : memref<64x16xf32, #tpu.memory_space<vmem>>, vector<1x16xf32>,
    %swap3A_1141 = vector.shape_cast %swap3A_1140 : vector<1x16xf32> to vector<16xf32>
    %swap3A_1142 = vector.shape_cast %add3A_1136 : vector<16xf32> to vector<1x16xf32>
    tpu.vector_store %arg16[%swap3A_1138, %swap3A_1139], %swap3A_1142 {strides = array<i32>} : memref<64x16xf32, #tpu.memory_space<vmem>>, vector<1x16xf32>,
    %slice3A_1143 = vector.extract_strided_slice %get3A_1015 {offsets = [4], sizes = [1], strides = [1]} : vector<16xf32> to vector<1xf32>
    %squeeze3A_1144 = vector.extract %slice3A_1143[0] : f32 from vector<1xf32>
    %get3A_1145 = arith.constant 36 : i32
    %get3A_1146 = arith.index_cast %get3A_1145 : i32 to index
    %get3A_1147 = arith.constant 0 : index
    %get3A_1148 = tpu.vector_load %arg14[%get3A_1146, %get3A_1147] {strides = array<i32>} : memref<64x128xf32, #tpu.memory_space<vmem>>, vector<1x16xf32>,
    %get3A_1149 = vector.shape_cast %get3A_1148 : vector<1x16xf32> to vector<16xf32>
    %mul3A_1150 = vector.broadcast %squeeze3A_1144 : f32 to vector<16xf32>
    %mul3A_1151 = arith.mulf %mul3A_1150, %get3A_1149 : vector<16xf32>
    %slice3A_1152 = vector.extract_strided_slice %get3A_1018 {offsets = [4], sizes = [1], strides = [1]} : vector<16xf32> to vector<1xf32>
    %squeeze3A_1153 = vector.extract %slice3A_1152[0] : f32 from vector<1xf32>
    %get3A_1154 = arith.constant 36 : i32
    %get3A_1155 = arith.index_cast %get3A_1154 : i32 to index
    %get3A_1156 = arith.constant 0 : index
    %get3A_1157 = tpu.vector_load %arg15[%get3A_1155, %get3A_1156] {strides = array<i32>} : memref<64x128xf32, #tpu.memory_space<vmem>>, vector<1x16xf32>,
    %get3A_1158 = vector.shape_cast %get3A_1157 : vector<1x16xf32> to vector<16xf32>
    %mul3A_1159 = vector.broadcast %squeeze3A_1153 : f32 to vector<16xf32>
    %mul3A_1160 = arith.mulf %mul3A_1159, %get3A_1158 : vector<16xf32>
    %add3A_1161 = arith.addf %mul3A_1151, %mul3A_1160 : vector<16xf32>
    %get3A_1162 = arith.constant 36 : i32
    %get3A_1163 = arith.index_cast %get3A_1162 : i32 to index
    %get3A_1164 = arith.constant 0 : index
    %get3A_1165 = tpu.vector_load %arg13[%get3A_1163, %get3A_1164] {strides = array<i32>} : memref<64x16xf32, #tpu.memory_space<vmem>>, vector<1x16xf32>,
    %get3A_1166 = vector.shape_cast %get3A_1165 : vector<1x16xf32> to vector<16xf32>
    %add3A_1167 = arith.addf %add3A_1161, %get3A_1166 : vector<16xf32>
    %swap3A_1168 = arith.constant 36 : i32
    %swap3A_1169 = arith.index_cast %swap3A_1168 : i32 to index
    %swap3A_1170 = arith.constant 0 : index
    %swap3A_1171 = tpu.vector_load %arg16[%swap3A_1169, %swap3A_1170] {strides = array<i32>} : memref<64x16xf32, #tpu.memory_space<vmem>>, vector<1x16xf32>,
    %swap3A_1172 = vector.shape_cast %swap3A_1171 : vector<1x16xf32> to vector<16xf32>
    %swap3A_1173 = vector.shape_cast %add3A_1167 : vector<16xf32> to vector<1x16xf32>
    tpu.vector_store %arg16[%swap3A_1169, %swap3A_1170], %swap3A_1173 {strides = array<i32>} : memref<64x16xf32, #tpu.memory_space<vmem>>, vector<1x16xf32>,
    %slice3A_1174 = vector.extract_strided_slice %get3A_1015 {offsets = [5], sizes = [1], strides = [1]} : vector<16xf32> to vector<1xf32>
    %squeeze3A_1175 = vector.extract %slice3A_1174[0] : f32 from vector<1xf32>
    %get3A_1176 = arith.constant 37 : i32
    %get3A_1177 = arith.index_cast %get3A_1176 : i32 to index
    %get3A_1178 = arith.constant 0 : index
    %get3A_1179 = tpu.vector_load %arg14[%get3A_1177, %get3A_1178] {strides = array<i32>} : memref<64x128xf32, #tpu.memory_space<vmem>>, vector<1x16xf32>,
    %get3A_1180 = vector.shape_cast %get3A_1179 : vector<1x16xf32> to vector<16xf32>
    %mul3A_1181 = vector.broadcast %squeeze3A_1175 : f32 to vector<16xf32>
    %mul3A_1182 = arith.mulf %mul3A_1181, %get3A_1180 : vector<16xf32>
    %slice3A_1183 = vector.extract_strided_slice %get3A_1018 {offsets = [5], sizes = [1], strides = [1]} : vector<16xf32> to vector<1xf32>
    %squeeze3A_1184 = vector.extract %slice3A_1183[0] : f32 from vector<1xf32>
    %get3A_1185 = arith.constant 37 : i32
    %get3A_1186 = arith.index_cast %get3A_1185 : i32 to index
    %get3A_1187 = arith.constant 0 : index
    %get3A_1188 = tpu.vector_load %arg15[%get3A_1186, %get3A_1187] {strides = array<i32>} : memref<64x128xf32, #tpu.memory_space<vmem>>, vector<1x16xf32>,
    %get3A_1189 = vector.shape_cast %get3A_1188 : vector<1x16xf32> to vector<16xf32>
    %mul3A_1190 = vector.broadcast %squeeze3A_1184 : f32 to vector<16xf32>
    %mul3A_1191 = arith.mulf %mul3A_1190, %get3A_1189 : vector<16xf32>
    %add3A_1192 = arith.addf %mul3A_1182, %mul3A_1191 : vector<16xf32>
    %get3A_1193 = arith.constant 37 : i32
    %get3A_1194 = arith.index_cast %get3A_1193 : i32 to index
    %get3A_1195 = arith.constant 0 : index
    %get3A_1196 = tpu.vector_load %arg13[%get3A_1194, %get3A_1195] {strides = array<i32>} : memref<64x16xf32, #tpu.memory_space<vmem>>, vector<1x16xf32>,
    %get3A_1197 = vector.shape_cast %get3A_1196 : vector<1x16xf32> to vector<16xf32>
    %add3A_1198 = arith.addf %add3A_1192, %get3A_1197 : vector<16xf32>
    %swap3A_1199 = arith.constant 37 : i32
    %swap3A_1200 = arith.index_cast %swap3A_1199 : i32 to index
    %swap3A_1201 = arith.constant 0 : index
    %swap3A_1202 = tpu.vector_load %arg16[%swap3A_1200, %swap3A_1201] {strides = array<i32>} : memref<64x16xf32, #tpu.memory_space<vmem>>, vector<1x16xf32>,
    %swap3A_1203 = vector.shape_cast %swap3A_1202 : vector<1x16xf32> to vector<16xf32>
    %swap3A_1204 = vector.shape_cast %add3A_1198 : vector<16xf32> to vector<1x16xf32>
    tpu.vector_store %arg16[%swap3A_1200, %swap3A_1201], %swap3A_1204 {strides = array<i32>} : memref<64x16xf32, #tpu.memory_space<vmem>>, vector<1x16xf32>,
    %slice3A_1205 = vector.extract_strided_slice %get3A_1015 {offsets = [6], sizes = [1], strides = [1]} : vector<16xf32> to vector<1xf32>
    %squeeze3A_1206 = vector.extract %slice3A_1205[0] : f32 from vector<1xf32>
    %get3A_1207 = arith.constant 38 : i32
    %get3A_1208 = arith.index_cast %get3A_1207 : i32 to index
    %get3A_1209 = arith.constant 0 : index
    %get3A_1210 = tpu.vector_load %arg14[%get3A_1208, %get3A_1209] {strides = array<i32>} : memref<64x128xf32, #tpu.memory_space<vmem>>, vector<1x16xf32>,
    %get3A_1211 = vector.shape_cast %get3A_1210 : vector<1x16xf32> to vector<16xf32>
    %mul3A_1212 = vector.broadcast %squeeze3A_1206 : f32 to vector<16xf32>
    %mul3A_1213 = arith.mulf %mul3A_1212, %get3A_1211 : vector<16xf32>
    %slice3A_1214 = vector.extract_strided_slice %get3A_1018 {offsets = [6], sizes = [1], strides = [1]} : vector<16xf32> to vector<1xf32>
    %squeeze3A_1215 = vector.extract %slice3A_1214[0] : f32 from vector<1xf32>
    %get3A_1216 = arith.constant 38 : i32
    %get3A_1217 = arith.index_cast %get3A_1216 : i32 to index
    %get3A_1218 = arith.constant 0 : index
    %get3A_1219 = tpu.vector_load %arg15[%get3A_1217, %get3A_1218] {strides = array<i32>} : memref<64x128xf32, #tpu.memory_space<vmem>>, vector<1x16xf32>,
    %get3A_1220 = vector.shape_cast %get3A_1219 : vector<1x16xf32> to vector<16xf32>
    %mul3A_1221 = vector.broadcast %squeeze3A_1215 : f32 to vector<16xf32>
    %mul3A_1222 = arith.mulf %mul3A_1221, %get3A_1220 : vector<16xf32>
    %add3A_1223 = arith.addf %mul3A_1213, %mul3A_1222 : vector<16xf32>
    %get3A_1224 = arith.constant 38 : i32
    %get3A_1225 = arith.index_cast %get3A_1224 : i32 to index
    %get3A_1226 = arith.constant 0 : index
    %get3A_1227 = tpu.vector_load %arg13[%get3A_1225, %get3A_1226] {strides = array<i32>} : memref<64x16xf32, #tpu.memory_space<vmem>>, vector<1x16xf32>,
    %get3A_1228 = vector.shape_cast %get3A_1227 : vector<1x16xf32> to vector<16xf32>
    %add3A_1229 = arith.addf %add3A_1223, %get3A_1228 : vector<16xf32>
    %swap3A_1230 = arith.constant 38 : i32
    %swap3A_1231 = arith.index_cast %swap3A_1230 : i32 to index
    %swap3A_1232 = arith.constant 0 : index
    %swap3A_1233 = tpu.vector_load %arg16[%swap3A_1231, %swap3A_1232] {strides = array<i32>} : memref<64x16xf32, #tpu.memory_space<vmem>>, vector<1x16xf32>,
    %swap3A_1234 = vector.shape_cast %swap3A_1233 : vector<1x16xf32> to vector<16xf32>
    %swap3A_1235 = vector.shape_cast %add3A_1229 : vector<16xf32> to vector<1x16xf32>
    tpu.vector_store %arg16[%swap3A_1231, %swap3A_1232], %swap3A_1235 {strides = array<i32>} : memref<64x16xf32, #tpu.memory_space<vmem>>, vector<1x16xf32>,
    %slice3A_1236 = vector.extract_strided_slice %get3A_1015 {offsets = [7], sizes = [1], strides = [1]} : vector<16xf32> to vector<1xf32>
    %squeeze3A_1237 = vector.extract %slice3A_1236[0] : f32 from vector<1xf32>
    %get3A_1238 = arith.constant 39 : i32
    %get3A_1239 = arith.index_cast %get3A_1238 : i32 to index
    %get3A_1240 = arith.constant 0 : index
    %get3A_1241 = tpu.vector_load %arg14[%get3A_1239, %get3A_1240] {strides = array<i32>} : memref<64x128xf32, #tpu.memory_space<vmem>>, vector<1x16xf32>,
    %get3A_1242 = vector.shape_cast %get3A_1241 : vector<1x16xf32> to vector<16xf32>
    %mul3A_1243 = vector.broadcast %squeeze3A_1237 : f32 to vector<16xf32>
    %mul3A_1244 = arith.mulf %mul3A_1243, %get3A_1242 : vector<16xf32>
    %slice3A_1245 = vector.extract_strided_slice %get3A_1018 {offsets = [7], sizes = [1], strides = [1]} : vector<16xf32> to vector<1xf32>
    %squeeze3A_1246 = vector.extract %slice3A_1245[0] : f32 from vector<1xf32>
    %get3A_1247 = arith.constant 39 : i32
    %get3A_1248 = arith.index_cast %get3A_1247 : i32 to index
    %get3A_1249 = arith.constant 0 : index
    %get3A_1250 = tpu.vector_load %arg15[%get3A_1248, %get3A_1249] {strides = array<i32>} : memref<64x128xf32, #tpu.memory_space<vmem>>, vector<1x16xf32>,
    %get3A_1251 = vector.shape_cast %get3A_1250 : vector<1x16xf32> to vector<16xf32>
    %mul3A_1252 = vector.broadcast %squeeze3A_1246 : f32 to vector<16xf32>
    %mul3A_1253 = arith.mulf %mul3A_1252, %get3A_1251 : vector<16xf32>
    %add3A_1254 = arith.addf %mul3A_1244, %mul3A_1253 : vector<16xf32>
    %get3A_1255 = arith.constant 39 : i32
    %get3A_1256 = arith.index_cast %get3A_1255 : i32 to index
    %get3A_1257 = arith.constant 0 : index
    %get3A_1258 = tpu.vector_load %arg13[%get3A_1256, %get3A_1257] {strides = array<i32>} : memref<64x16xf32, #tpu.memory_space<vmem>>, vector<1x16xf32>,
    %get3A_1259 = vector.shape_cast %get3A_1258 : vector<1x16xf32> to vector<16xf32>
    %add3A_1260 = arith.addf %add3A_1254, %get3A_1259 : vector<16xf32>
    %swap3A_1261 = arith.constant 39 : i32
    %swap3A_1262 = arith.index_cast %swap3A_1261 : i32 to index
    %swap3A_1263 = arith.constant 0 : index
    %swap3A_1264 = tpu.vector_load %arg16[%swap3A_1262, %swap3A_1263] {strides = array<i32>} : memref<64x16xf32, #tpu.memory_space<vmem>>, vector<1x16xf32>,
    %swap3A_1265 = vector.shape_cast %swap3A_1264 : vector<1x16xf32> to vector<16xf32>
    %swap3A_1266 = vector.shape_cast %add3A_1260 : vector<16xf32> to vector<1x16xf32>
    tpu.vector_store %arg16[%swap3A_1262, %swap3A_1263], %swap3A_1266 {strides = array<i32>} : memref<64x16xf32, #tpu.memory_space<vmem>>, vector<1x16xf32>,
    %slice3A_1267 = vector.extract_strided_slice %get3A_1015 {offsets = [8], sizes = [1], strides = [1]} : vector<16xf32> to vector<1xf32>
    %squeeze3A_1268 = vector.extract %slice3A_1267[0] : f32 from vector<1xf32>
    %get3A_1269 = arith.constant 40 : i32
    %get3A_1270 = arith.index_cast %get3A_1269 : i32 to index
    %get3A_1271 = arith.constant 0 : index
    %get3A_1272 = tpu.vector_load %arg14[%get3A_1270, %get3A_1271] {strides = array<i32>} : memref<64x128xf32, #tpu.memory_space<vmem>>, vector<1x16xf32>,
    %get3A_1273 = vector.shape_cast %get3A_1272 : vector<1x16xf32> to vector<16xf32>
    %mul3A_1274 = vector.broadcast %squeeze3A_1268 : f32 to vector<16xf32>
    %mul3A_1275 = arith.mulf %mul3A_1274, %get3A_1273 : vector<16xf32>
    %slice3A_1276 = vector.extract_strided_slice %get3A_1018 {offsets = [8], sizes = [1], strides = [1]} : vector<16xf32> to vector<1xf32>
    %squeeze3A_1277 = vector.extract %slice3A_1276[0] : f32 from vector<1xf32>
    %get3A_1278 = arith.constant 40 : i32
    %get3A_1279 = arith.index_cast %get3A_1278 : i32 to index
    %get3A_1280 = arith.constant 0 : index
    %get3A_1281 = tpu.vector_load %arg15[%get3A_1279, %get3A_1280] {strides = array<i32>} : memref<64x128xf32, #tpu.memory_space<vmem>>, vector<1x16xf32>,
    %get3A_1282 = vector.shape_cast %get3A_1281 : vector<1x16xf32> to vector<16xf32>
    %mul3A_1283 = vector.broadcast %squeeze3A_1277 : f32 to vector<16xf32>
    %mul3A_1284 = arith.mulf %mul3A_1283, %get3A_1282 : vector<16xf32>
    %add3A_1285 = arith.addf %mul3A_1275, %mul3A_1284 : vector<16xf32>
    %get3A_1286 = arith.constant 40 : i32
    %get3A_1287 = arith.index_cast %get3A_1286 : i32 to index
    %get3A_1288 = arith.constant 0 : index
    %get3A_1289 = tpu.vector_load %arg13[%get3A_1287, %get3A_1288] {strides = array<i32>} : memref<64x16xf32, #tpu.memory_space<vmem>>, vector<1x16xf32>,
    %get3A_1290 = vector.shape_cast %get3A_1289 : vector<1x16xf32> to vector<16xf32>
    %add3A_1291 = arith.addf %add3A_1285, %get3A_1290 : vector<16xf32>
    %swap3A_1292 = arith.constant 40 : i32
    %swap3A_1293 = arith.index_cast %swap3A_1292 : i32 to index
    %swap3A_1294 = arith.constant 0 : index
    %swap3A_1295 = tpu.vector_load %arg16[%swap3A_1293, %swap3A_1294] {strides = array<i32>} : memref<64x16xf32, #tpu.memory_space<vmem>>, vector<1x16xf32>,
    %swap3A_1296 = vector.shape_cast %swap3A_1295 : vector<1x16xf32> to vector<16xf32>
    %swap3A_1297 = vector.shape_cast %add3A_1291 : vector<16xf32> to vector<1x16xf32>
    tpu.vector_store %arg16[%swap3A_1293, %swap3A_1294], %swap3A_1297 {strides = array<i32>} : memref<64x16xf32, #tpu.memory_space<vmem>>, vector<1x16xf32>,
    %slice3A_1298 = vector.extract_strided_slice %get3A_1015 {offsets = [9], sizes = [1], strides = [1]} : vector<16xf32> to vector<1xf32>
    %squeeze3A_1299 = vector.extract %slice3A_1298[0] : f32 from vector<1xf32>
    %get3A_1300 = arith.constant 41 : i32
    %get3A_1301 = arith.index_cast %get3A_1300 : i32 to index
    %get3A_1302 = arith.constant 0 : index
    %get3A_1303 = tpu.vector_load %arg14[%get3A_1301, %get3A_1302] {strides = array<i32>} : memref<64x128xf32, #tpu.memory_space<vmem>>, vector<1x16xf32>,
    %get3A_1304 = vector.shape_cast %get3A_1303 : vector<1x16xf32> to vector<16xf32>
    %mul3A_1305 = vector.broadcast %squeeze3A_1299 : f32 to vector<16xf32>
    %mul3A_1306 = arith.mulf %mul3A_1305, %get3A_1304 : vector<16xf32>
    %slice3A_1307 = vector.extract_strided_slice %get3A_1018 {offsets = [9], sizes = [1], strides = [1]} : vector<16xf32> to vector<1xf32>
    %squeeze3A_1308 = vector.extract %slice3A_1307[0] : f32 from vector<1xf32>
    %get3A_1309 = arith.constant 41 : i32
    %get3A_1310 = arith.index_cast %get3A_1309 : i32 to index
    %get3A_1311 = arith.constant 0 : index
    %get3A_1312 = tpu.vector_load %arg15[%get3A_1310, %get3A_1311] {strides = array<i32>} : memref<64x128xf32, #tpu.memory_space<vmem>>, vector<1x16xf32>,
    %get3A_1313 = vector.shape_cast %get3A_1312 : vector<1x16xf32> to vector<16xf32>
    %mul3A_1314 = vector.broadcast %squeeze3A_1308 : f32 to vector<16xf32>
    %mul3A_1315 = arith.mulf %mul3A_1314, %get3A_1313 : vector<16xf32>
    %add3A_1316 = arith.addf %mul3A_1306, %mul3A_1315 : vector<16xf32>
    %get3A_1317 = arith.constant 41 : i32
    %get3A_1318 = arith.index_cast %get3A_1317 : i32 to index
    %get3A_1319 = arith.constant 0 : index
    %get3A_1320 = tpu.vector_load %arg13[%get3A_1318, %get3A_1319] {strides = array<i32>} : memref<64x16xf32, #tpu.memory_space<vmem>>, vector<1x16xf32>,
    %get3A_1321 = vector.shape_cast %get3A_1320 : vector<1x16xf32> to vector<16xf32>
    %add3A_1322 = arith.addf %add3A_1316, %get3A_1321 : vector<16xf32>
    %swap3A_1323 = arith.constant 41 : i32
    %swap3A_1324 = arith.index_cast %swap3A_1323 : i32 to index
    %swap3A_1325 = arith.constant 0 : index
    %swap3A_1326 = tpu.vector_load %arg16[%swap3A_1324, %swap3A_1325] {strides = array<i32>} : memref<64x16xf32, #tpu.memory_space<vmem>>, vector<1x16xf32>,
    %swap3A_1327 = vector.shape_cast %swap3A_1326 : vector<1x16xf32> to vector<16xf32>
    %swap3A_1328 = vector.shape_cast %add3A_1322 : vector<16xf32> to vector<1x16xf32>
    tpu.vector_store %arg16[%swap3A_1324, %swap3A_1325], %swap3A_1328 {strides = array<i32>} : memref<64x16xf32, #tpu.memory_space<vmem>>, vector<1x16xf32>,
    %slice3A_1329 = vector.extract_strided_slice %get3A_1015 {offsets = [10], sizes = [1], strides = [1]} : vector<16xf32> to vector<1xf32>
    %squeeze3A_1330 = vector.extract %slice3A_1329[0] : f32 from vector<1xf32>
    %get3A_1331 = arith.constant 42 : i32
    %get3A_1332 = arith.index_cast %get3A_1331 : i32 to index
    %get3A_1333 = arith.constant 0 : index
    %get3A_1334 = tpu.vector_load %arg14[%get3A_1332, %get3A_1333] {strides = array<i32>} : memref<64x128xf32, #tpu.memory_space<vmem>>, vector<1x16xf32>,
    %get3A_1335 = vector.shape_cast %get3A_1334 : vector<1x16xf32> to vector<16xf32>
    %mul3A_1336 = vector.broadcast %squeeze3A_1330 : f32 to vector<16xf32>
    %mul3A_1337 = arith.mulf %mul3A_1336, %get3A_1335 : vector<16xf32>
    %slice3A_1338 = vector.extract_strided_slice %get3A_1018 {offsets = [10], sizes = [1], strides = [1]} : vector<16xf32> to vector<1xf32>
    %squeeze3A_1339 = vector.extract %slice3A_1338[0] : f32 from vector<1xf32>
    %get3A_1340 = arith.constant 42 : i32
    %get3A_1341 = arith.index_cast %get3A_1340 : i32 to index
    %get3A_1342 = arith.constant 0 : index
    %get3A_1343 = tpu.vector_load %arg15[%get3A_1341, %get3A_1342] {strides = array<i32>} : memref<64x128xf32, #tpu.memory_space<vmem>>, vector<1x16xf32>,
    %get3A_1344 = vector.shape_cast %get3A_1343 : vector<1x16xf32> to vector<16xf32>
    %mul3A_1345 = vector.broadcast %squeeze3A_1339 : f32 to vector<16xf32>
    %mul3A_1346 = arith.mulf %mul3A_1345, %get3A_1344 : vector<16xf32>
    %add3A_1347 = arith.addf %mul3A_1337, %mul3A_1346 : vector<16xf32>
    %get3A_1348 = arith.constant 42 : i32
    %get3A_1349 = arith.index_cast %get3A_1348 : i32 to index
    %get3A_1350 = arith.constant 0 : index
    %get3A_1351 = tpu.vector_load %arg13[%get3A_1349, %get3A_1350] {strides = array<i32>} : memref<64x16xf32, #tpu.memory_space<vmem>>, vector<1x16xf32>,
    %get3A_1352 = vector.shape_cast %get3A_1351 : vector<1x16xf32> to vector<16xf32>
    %add3A_1353 = arith.addf %add3A_1347, %get3A_1352 : vector<16xf32>
    %swap3A_1354 = arith.constant 42 : i32
    %swap3A_1355 = arith.index_cast %swap3A_1354 : i32 to index
    %swap3A_1356 = arith.constant 0 : index
    %swap3A_1357 = tpu.vector_load %arg16[%swap3A_1355, %swap3A_1356] {strides = array<i32>} : memref<64x16xf32, #tpu.memory_space<vmem>>, vector<1x16xf32>,
    %swap3A_1358 = vector.shape_cast %swap3A_1357 : vector<1x16xf32> to vector<16xf32>
    %swap3A_1359 = vector.shape_cast %add3A_1353 : vector<16xf32> to vector<1x16xf32>
    tpu.vector_store %arg16[%swap3A_1355, %swap3A_1356], %swap3A_1359 {strides = array<i32>} : memref<64x16xf32, #tpu.memory_space<vmem>>, vector<1x16xf32>,
    %slice3A_1360 = vector.extract_strided_slice %get3A_1015 {offsets = [11], sizes = [1], strides = [1]} : vector<16xf32> to vector<1xf32>
    %squeeze3A_1361 = vector.extract %slice3A_1360[0] : f32 from vector<1xf32>
    %get3A_1362 = arith.constant 43 : i32
    %get3A_1363 = arith.index_cast %get3A_1362 : i32 to index
    %get3A_1364 = arith.constant 0 : index
    %get3A_1365 = tpu.vector_load %arg14[%get3A_1363, %get3A_1364] {strides = array<i32>} : memref<64x128xf32, #tpu.memory_space<vmem>>, vector<1x16xf32>,
    %get3A_1366 = vector.shape_cast %get3A_1365 : vector<1x16xf32> to vector<16xf32>
    %mul3A_1367 = vector.broadcast %squeeze3A_1361 : f32 to vector<16xf32>
    %mul3A_1368 = arith.mulf %mul3A_1367, %get3A_1366 : vector<16xf32>
    %slice3A_1369 = vector.extract_strided_slice %get3A_1018 {offsets = [11], sizes = [1], strides = [1]} : vector<16xf32> to vector<1xf32>
    %squeeze3A_1370 = vector.extract %slice3A_1369[0] : f32 from vector<1xf32>
    %get3A_1371 = arith.constant 43 : i32
    %get3A_1372 = arith.index_cast %get3A_1371 : i32 to index
    %get3A_1373 = arith.constant 0 : index
    %get3A_1374 = tpu.vector_load %arg15[%get3A_1372, %get3A_1373] {strides = array<i32>} : memref<64x128xf32, #tpu.memory_space<vmem>>, vector<1x16xf32>,
    %get3A_1375 = vector.shape_cast %get3A_1374 : vector<1x16xf32> to vector<16xf32>
    %mul3A_1376 = vector.broadcast %squeeze3A_1370 : f32 to vector<16xf32>
    %mul3A_1377 = arith.mulf %mul3A_1376, %get3A_1375 : vector<16xf32>
    %add3A_1378 = arith.addf %mul3A_1368, %mul3A_1377 : vector<16xf32>
    %get3A_1379 = arith.constant 43 : i32
    %get3A_1380 = arith.index_cast %get3A_1379 : i32 to index
    %get3A_1381 = arith.constant 0 : index
    %get3A_1382 = tpu.vector_load %arg13[%get3A_1380, %get3A_1381] {strides = array<i32>} : memref<64x16xf32, #tpu.memory_space<vmem>>, vector<1x16xf32>,
    %get3A_1383 = vector.shape_cast %get3A_1382 : vector<1x16xf32> to vector<16xf32>
    %add3A_1384 = arith.addf %add3A_1378, %get3A_1383 : vector<16xf32>
    %swap3A_1385 = arith.constant 43 : i32
    %swap3A_1386 = arith.index_cast %swap3A_1385 : i32 to index
    %swap3A_1387 = arith.constant 0 : index
    %swap3A_1388 = tpu.vector_load %arg16[%swap3A_1386, %swap3A_1387] {strides = array<i32>} : memref<64x16xf32, #tpu.memory_space<vmem>>, vector<1x16xf32>,
    %swap3A_1389 = vector.shape_cast %swap3A_1388 : vector<1x16xf32> to vector<16xf32>
    %swap3A_1390 = vector.shape_cast %add3A_1384 : vector<16xf32> to vector<1x16xf32>
    tpu.vector_store %arg16[%swap3A_1386, %swap3A_1387], %swap3A_1390 {strides = array<i32>} : memref<64x16xf32, #tpu.memory_space<vmem>>, vector<1x16xf32>,
    %slice3A_1391 = vector.extract_strided_slice %get3A_1015 {offsets = [12], sizes = [1], strides = [1]} : vector<16xf32> to vector<1xf32>
    %squeeze3A_1392 = vector.extract %slice3A_1391[0] : f32 from vector<1xf32>
    %get3A_1393 = arith.constant 44 : i32
    %get3A_1394 = arith.index_cast %get3A_1393 : i32 to index
    %get3A_1395 = arith.constant 0 : index
    %get3A_1396 = tpu.vector_load %arg14[%get3A_1394, %get3A_1395] {strides = array<i32>} : memref<64x128xf32, #tpu.memory_space<vmem>>, vector<1x16xf32>,
    %get3A_1397 = vector.shape_cast %get3A_1396 : vector<1x16xf32> to vector<16xf32>
    %mul3A_1398 = vector.broadcast %squeeze3A_1392 : f32 to vector<16xf32>
    %mul3A_1399 = arith.mulf %mul3A_1398, %get3A_1397 : vector<16xf32>
    %slice3A_1400 = vector.extract_strided_slice %get3A_1018 {offsets = [12], sizes = [1], strides = [1]} : vector<16xf32> to vector<1xf32>
    %squeeze3A_1401 = vector.extract %slice3A_1400[0] : f32 from vector<1xf32>
    %get3A_1402 = arith.constant 44 : i32
    %get3A_1403 = arith.index_cast %get3A_1402 : i32 to index
    %get3A_1404 = arith.constant 0 : index
    %get3A_1405 = tpu.vector_load %arg15[%get3A_1403, %get3A_1404] {strides = array<i32>} : memref<64x128xf32, #tpu.memory_space<vmem>>, vector<1x16xf32>,
    %get3A_1406 = vector.shape_cast %get3A_1405 : vector<1x16xf32> to vector<16xf32>
    %mul3A_1407 = vector.broadcast %squeeze3A_1401 : f32 to vector<16xf32>
    %mul3A_1408 = arith.mulf %mul3A_1407, %get3A_1406 : vector<16xf32>
    %add3A_1409 = arith.addf %mul3A_1399, %mul3A_1408 : vector<16xf32>
    %get3A_1410 = arith.constant 44 : i32
    %get3A_1411 = arith.index_cast %get3A_1410 : i32 to index
    %get3A_1412 = arith.constant 0 : index
    %get3A_1413 = tpu.vector_load %arg13[%get3A_1411, %get3A_1412] {strides = array<i32>} : memref<64x16xf32, #tpu.memory_space<vmem>>, vector<1x16xf32>,
    %get3A_1414 = vector.shape_cast %get3A_1413 : vector<1x16xf32> to vector<16xf32>
    %add3A_1415 = arith.addf %add3A_1409, %get3A_1414 : vector<16xf32>
    %swap3A_1416 = arith.constant 44 : i32
    %swap3A_1417 = arith.index_cast %swap3A_1416 : i32 to index
    %swap3A_1418 = arith.constant 0 : index
    %swap3A_1419 = tpu.vector_load %arg16[%swap3A_1417, %swap3A_1418] {strides = array<i32>} : memref<64x16xf32, #tpu.memory_space<vmem>>, vector<1x16xf32>,
    %swap3A_1420 = vector.shape_cast %swap3A_1419 : vector<1x16xf32> to vector<16xf32>
    %swap3A_1421 = vector.shape_cast %add3A_1415 : vector<16xf32> to vector<1x16xf32>
    tpu.vector_store %arg16[%swap3A_1417, %swap3A_1418], %swap3A_1421 {strides = array<i32>} : memref<64x16xf32, #tpu.memory_space<vmem>>, vector<1x16xf32>,
    %slice3A_1422 = vector.extract_strided_slice %get3A_1015 {offsets = [13], sizes = [1], strides = [1]} : vector<16xf32> to vector<1xf32>
    %squeeze3A_1423 = vector.extract %slice3A_1422[0] : f32 from vector<1xf32>
    %get3A_1424 = arith.constant 45 : i32
    %get3A_1425 = arith.index_cast %get3A_1424 : i32 to index
    %get3A_1426 = arith.constant 0 : index
    %get3A_1427 = tpu.vector_load %arg14[%get3A_1425, %get3A_1426] {strides = array<i32>} : memref<64x128xf32, #tpu.memory_space<vmem>>, vector<1x16xf32>,
    %get3A_1428 = vector.shape_cast %get3A_1427 : vector<1x16xf32> to vector<16xf32>
    %mul3A_1429 = vector.broadcast %squeeze3A_1423 : f32 to vector<16xf32>
    %mul3A_1430 = arith.mulf %mul3A_1429, %get3A_1428 : vector<16xf32>
    %slice3A_1431 = vector.extract_strided_slice %get3A_1018 {offsets = [13], sizes = [1], strides = [1]} : vector<16xf32> to vector<1xf32>
    %squeeze3A_1432 = vector.extract %slice3A_1431[0] : f32 from vector<1xf32>
    %get3A_1433 = arith.constant 45 : i32
    %get3A_1434 = arith.index_cast %get3A_1433 : i32 to index
    %get3A_1435 = arith.constant 0 : index
    %get3A_1436 = tpu.vector_load %arg15[%get3A_1434, %get3A_1435] {strides = array<i32>} : memref<64x128xf32, #tpu.memory_space<vmem>>, vector<1x16xf32>,
    %get3A_1437 = vector.shape_cast %get3A_1436 : vector<1x16xf32> to vector<16xf32>
    %mul3A_1438 = vector.broadcast %squeeze3A_1432 : f32 to vector<16xf32>
    %mul3A_1439 = arith.mulf %mul3A_1438, %get3A_1437 : vector<16xf32>
    %add3A_1440 = arith.addf %mul3A_1430, %mul3A_1439 : vector<16xf32>
    %get3A_1441 = arith.constant 45 : i32
    %get3A_1442 = arith.index_cast %get3A_1441 : i32 to index
    %get3A_1443 = arith.constant 0 : index
    %get3A_1444 = tpu.vector_load %arg13[%get3A_1442, %get3A_1443] {strides = array<i32>} : memref<64x16xf32, #tpu.memory_space<vmem>>, vector<1x16xf32>,
    %get3A_1445 = vector.shape_cast %get3A_1444 : vector<1x16xf32> to vector<16xf32>
    %add3A_1446 = arith.addf %add3A_1440, %get3A_1445 : vector<16xf32>
    %swap3A_1447 = arith.constant 45 : i32
    %swap3A_1448 = arith.index_cast %swap3A_1447 : i32 to index
    %swap3A_1449 = arith.constant 0 : index
    %swap3A_1450 = tpu.vector_load %arg16[%swap3A_1448, %swap3A_1449] {strides = array<i32>} : memref<64x16xf32, #tpu.memory_space<vmem>>, vector<1x16xf32>,
    %swap3A_1451 = vector.shape_cast %swap3A_1450 : vector<1x16xf32> to vector<16xf32>
    %swap3A_1452 = vector.shape_cast %add3A_1446 : vector<16xf32> to vector<1x16xf32>
    tpu.vector_store %arg16[%swap3A_1448, %swap3A_1449], %swap3A_1452 {strides = array<i32>} : memref<64x16xf32, #tpu.memory_space<vmem>>, vector<1x16xf32>,
    %slice3A_1453 = vector.extract_strided_slice %get3A_1015 {offsets = [14], sizes = [1], strides = [1]} : vector<16xf32> to vector<1xf32>
    %squeeze3A_1454 = vector.extract %slice3A_1453[0] : f32 from vector<1xf32>
    %get3A_1455 = arith.constant 46 : i32
    %get3A_1456 = arith.index_cast %get3A_1455 : i32 to index
    %get3A_1457 = arith.constant 0 : index
    %get3A_1458 = tpu.vector_load %arg14[%get3A_1456, %get3A_1457] {strides = array<i32>} : memref<64x128xf32, #tpu.memory_space<vmem>>, vector<1x16xf32>,
    %get3A_1459 = vector.shape_cast %get3A_1458 : vector<1x16xf32> to vector<16xf32>
    %mul3A_1460 = vector.broadcast %squeeze3A_1454 : f32 to vector<16xf32>
    %mul3A_1461 = arith.mulf %mul3A_1460, %get3A_1459 : vector<16xf32>
    %slice3A_1462 = vector.extract_strided_slice %get3A_1018 {offsets = [14], sizes = [1], strides = [1]} : vector<16xf32> to vector<1xf32>
    %squeeze3A_1463 = vector.extract %slice3A_1462[0] : f32 from vector<1xf32>
    %get3A_1464 = arith.constant 46 : i32
    %get3A_1465 = arith.index_cast %get3A_1464 : i32 to index
    %get3A_1466 = arith.constant 0 : index
    %get3A_1467 = tpu.vector_load %arg15[%get3A_1465, %get3A_1466] {strides = array<i32>} : memref<64x128xf32, #tpu.memory_space<vmem>>, vector<1x16xf32>,
    %get3A_1468 = vector.shape_cast %get3A_1467 : vector<1x16xf32> to vector<16xf32>
    %mul3A_1469 = vector.broadcast %squeeze3A_1463 : f32 to vector<16xf32>
    %mul3A_1470 = arith.mulf %mul3A_1469, %get3A_1468 : vector<16xf32>
    %add3A_1471 = arith.addf %mul3A_1461, %mul3A_1470 : vector<16xf32>
    %get3A_1472 = arith.constant 46 : i32
    %get3A_1473 = arith.index_cast %get3A_1472 : i32 to index
    %get3A_1474 = arith.constant 0 : index
    %get3A_1475 = tpu.vector_load %arg13[%get3A_1473, %get3A_1474] {strides = array<i32>} : memref<64x16xf32, #tpu.memory_space<vmem>>, vector<1x16xf32>,
    %get3A_1476 = vector.shape_cast %get3A_1475 : vector<1x16xf32> to vector<16xf32>
    %add3A_1477 = arith.addf %add3A_1471, %get3A_1476 : vector<16xf32>
    %swap3A_1478 = arith.constant 46 : i32
    %swap3A_1479 = arith.index_cast %swap3A_1478 : i32 to index
    %swap3A_1480 = arith.constant 0 : index
    %swap3A_1481 = tpu.vector_load %arg16[%swap3A_1479, %swap3A_1480] {strides = array<i32>} : memref<64x16xf32, #tpu.memory_space<vmem>>, vector<1x16xf32>,
    %swap3A_1482 = vector.shape_cast %swap3A_1481 : vector<1x16xf32> to vector<16xf32>
    %swap3A_1483 = vector.shape_cast %add3A_1477 : vector<16xf32> to vector<1x16xf32>
    tpu.vector_store %arg16[%swap3A_1479, %swap3A_1480], %swap3A_1483 {strides = array<i32>} : memref<64x16xf32, #tpu.memory_space<vmem>>, vector<1x16xf32>,
    %slice3A_1484 = vector.extract_strided_slice %get3A_1015 {offsets = [15], sizes = [1], strides = [1]} : vector<16xf32> to vector<1xf32>
    %squeeze3A_1485 = vector.extract %slice3A_1484[0] : f32 from vector<1xf32>
    %get3A_1486 = arith.constant 47 : i32
    %get3A_1487 = arith.index_cast %get3A_1486 : i32 to index
    %get3A_1488 = arith.constant 0 : index
    %get3A_1489 = tpu.vector_load %arg14[%get3A_1487, %get3A_1488] {strides = array<i32>} : memref<64x128xf32, #tpu.memory_space<vmem>>, vector<1x16xf32>,
    %get3A_1490 = vector.shape_cast %get3A_1489 : vector<1x16xf32> to vector<16xf32>
    %mul3A_1491 = vector.broadcast %squeeze3A_1485 : f32 to vector<16xf32>
    %mul3A_1492 = arith.mulf %mul3A_1491, %get3A_1490 : vector<16xf32>
    %slice3A_1493 = vector.extract_strided_slice %get3A_1018 {offsets = [15], sizes = [1], strides = [1]} : vector<16xf32> to vector<1xf32>
    %squeeze3A_1494 = vector.extract %slice3A_1493[0] : f32 from vector<1xf32>
    %get3A_1495 = arith.constant 47 : i32
    %get3A_1496 = arith.index_cast %get3A_1495 : i32 to index
    %get3A_1497 = arith.constant 0 : index
    %get3A_1498 = tpu.vector_load %arg15[%get3A_1496, %get3A_1497] {strides = array<i32>} : memref<64x128xf32, #tpu.memory_space<vmem>>, vector<1x16xf32>,
    %get3A_1499 = vector.shape_cast %get3A_1498 : vector<1x16xf32> to vector<16xf32>
    %mul3A_1500 = vector.broadcast %squeeze3A_1494 : f32 to vector<16xf32>
    %mul3A_1501 = arith.mulf %mul3A_1500, %get3A_1499 : vector<16xf32>
    %add3A_1502 = arith.addf %mul3A_1492, %mul3A_1501 : vector<16xf32>
    %get3A_1503 = arith.constant 47 : i32
    %get3A_1504 = arith.index_cast %get3A_1503 : i32 to index
    %get3A_1505 = arith.constant 0 : index
    %get3A_1506 = tpu.vector_load %arg13[%get3A_1504, %get3A_1505] {strides = array<i32>} : memref<64x16xf32, #tpu.memory_space<vmem>>, vector<1x16xf32>,
    %get3A_1507 = vector.shape_cast %get3A_1506 : vector<1x16xf32> to vector<16xf32>
    %add3A_1508 = arith.addf %add3A_1502, %get3A_1507 : vector<16xf32>
    %swap3A_1509 = arith.constant 47 : i32
    %swap3A_1510 = arith.index_cast %swap3A_1509 : i32 to index
    %swap3A_1511 = arith.constant 0 : index
    %swap3A_1512 = tpu.vector_load %arg16[%swap3A_1510, %swap3A_1511] {strides = array<i32>} : memref<64x16xf32, #tpu.memory_space<vmem>>, vector<1x16xf32>,
    %swap3A_1513 = vector.shape_cast %swap3A_1512 : vector<1x16xf32> to vector<16xf32>
    %swap3A_1514 = vector.shape_cast %add3A_1508 : vector<16xf32> to vector<1x16xf32>
    tpu.vector_store %arg16[%swap3A_1510, %swap3A_1511], %swap3A_1514 {strides = array<i32>} : memref<64x16xf32, #tpu.memory_space<vmem>>, vector<1x16xf32>,
    %get3A_1515 = arith.constant 48 : index
    %get3A_1516 = tpu.vector_load %arg11[%get3A_1515] {strides = array<i32>} : memref<64xf32, #tpu.memory_space<vmem>>, vector<16xf32>,
    %get3A_1517 = vector.shape_cast %get3A_1516 : vector<16xf32> to vector<16xf32>
    %get3A_1518 = arith.constant 48 : index
    %get3A_1519 = tpu.vector_load %arg12[%get3A_1518] {strides = array<i32>} : memref<64xf32, #tpu.memory_space<vmem>>, vector<16xf32>,
    %get3A_1520 = vector.shape_cast %get3A_1519 : vector<16xf32> to vector<16xf32>
    %slice3A_1521 = vector.extract_strided_slice %get3A_1517 {offsets = [0], sizes = [1], strides = [1]} : vector<16xf32> to vector<1xf32>
    %squeeze3A_1522 = vector.extract %slice3A_1521[0] : f32 from vector<1xf32>
    %get3A_1523 = arith.constant 48 : i32
    %get3A_1524 = arith.index_cast %get3A_1523 : i32 to index
    %get3A_1525 = arith.constant 0 : index
    %get3A_1526 = tpu.vector_load %arg14[%get3A_1524, %get3A_1525] {strides = array<i32>} : memref<64x128xf32, #tpu.memory_space<vmem>>, vector<1x16xf32>,
    %get3A_1527 = vector.shape_cast %get3A_1526 : vector<1x16xf32> to vector<16xf32>
    %mul3A_1528 = vector.broadcast %squeeze3A_1522 : f32 to vector<16xf32>
    %mul3A_1529 = arith.mulf %mul3A_1528, %get3A_1527 : vector<16xf32>
    %slice3A_1530 = vector.extract_strided_slice %get3A_1520 {offsets = [0], sizes = [1], strides = [1]} : vector<16xf32> to vector<1xf32>
    %squeeze3A_1531 = vector.extract %slice3A_1530[0] : f32 from vector<1xf32>
    %get3A_1532 = arith.constant 48 : i32
    %get3A_1533 = arith.index_cast %get3A_1532 : i32 to index
    %get3A_1534 = arith.constant 0 : index
    %get3A_1535 = tpu.vector_load %arg15[%get3A_1533, %get3A_1534] {strides = array<i32>} : memref<64x128xf32, #tpu.memory_space<vmem>>, vector<1x16xf32>,
    %get3A_1536 = vector.shape_cast %get3A_1535 : vector<1x16xf32> to vector<16xf32>
    %mul3A_1537 = vector.broadcast %squeeze3A_1531 : f32 to vector<16xf32>
    %mul3A_1538 = arith.mulf %mul3A_1537, %get3A_1536 : vector<16xf32>
    %add3A_1539 = arith.addf %mul3A_1529, %mul3A_1538 : vector<16xf32>
    %get3A_1540 = arith.constant 48 : i32
    %get3A_1541 = arith.index_cast %get3A_1540 : i32 to index
    %get3A_1542 = arith.constant 0 : index
    %get3A_1543 = tpu.vector_load %arg13[%get3A_1541, %get3A_1542] {strides = array<i32>} : memref<64x16xf32, #tpu.memory_space<vmem>>, vector<1x16xf32>,
    %get3A_1544 = vector.shape_cast %get3A_1543 : vector<1x16xf32> to vector<16xf32>
    %add3A_1545 = arith.addf %add3A_1539, %get3A_1544 : vector<16xf32>
    %swap3A_1546 = arith.constant 48 : i32
    %swap3A_1547 = arith.index_cast %swap3A_1546 : i32 to index
    %swap3A_1548 = arith.constant 0 : index
    %swap3A_1549 = tpu.vector_load %arg16[%swap3A_1547, %swap3A_1548] {strides = array<i32>} : memref<64x16xf32, #tpu.memory_space<vmem>>, vector<1x16xf32>,
    %swap3A_1550 = vector.shape_cast %swap3A_1549 : vector<1x16xf32> to vector<16xf32>
    %swap3A_1551 = vector.shape_cast %add3A_1545 : vector<16xf32> to vector<1x16xf32>
    tpu.vector_store %arg16[%swap3A_1547, %swap3A_1548], %swap3A_1551 {strides = array<i32>} : memref<64x16xf32, #tpu.memory_space<vmem>>, vector<1x16xf32>,
    %slice3A_1552 = vector.extract_strided_slice %get3A_1517 {offsets = [1], sizes = [1], strides = [1]} : vector<16xf32> to vector<1xf32>
    %squeeze3A_1553 = vector.extract %slice3A_1552[0] : f32 from vector<1xf32>
    %get3A_1554 = arith.constant 49 : i32
    %get3A_1555 = arith.index_cast %get3A_1554 : i32 to index
    %get3A_1556 = arith.constant 0 : index
    %get3A_1557 = tpu.vector_load %arg14[%get3A_1555, %get3A_1556] {strides = array<i32>} : memref<64x128xf32, #tpu.memory_space<vmem>>, vector<1x16xf32>,
    %get3A_1558 = vector.shape_cast %get3A_1557 : vector<1x16xf32> to vector<16xf32>
    %mul3A_1559 = vector.broadcast %squeeze3A_1553 : f32 to vector<16xf32>
    %mul3A_1560 = arith.mulf %mul3A_1559, %get3A_1558 : vector<16xf32>
    %slice3A_1561 = vector.extract_strided_slice %get3A_1520 {offsets = [1], sizes = [1], strides = [1]} : vector<16xf32> to vector<1xf32>
    %squeeze3A_1562 = vector.extract %slice3A_1561[0] : f32 from vector<1xf32>
    %get3A_1563 = arith.constant 49 : i32
    %get3A_1564 = arith.index_cast %get3A_1563 : i32 to index
    %get3A_1565 = arith.constant 0 : index
    %get3A_1566 = tpu.vector_load %arg15[%get3A_1564, %get3A_1565] {strides = array<i32>} : memref<64x128xf32, #tpu.memory_space<vmem>>, vector<1x16xf32>,
    %get3A_1567 = vector.shape_cast %get3A_1566 : vector<1x16xf32> to vector<16xf32>
    %mul3A_1568 = vector.broadcast %squeeze3A_1562 : f32 to vector<16xf32>
    %mul3A_1569 = arith.mulf %mul3A_1568, %get3A_1567 : vector<16xf32>
    %add3A_1570 = arith.addf %mul3A_1560, %mul3A_1569 : vector<16xf32>
    %get3A_1571 = arith.constant 49 : i32
    %get3A_1572 = arith.index_cast %get3A_1571 : i32 to index
    %get3A_1573 = arith.constant 0 : index
    %get3A_1574 = tpu.vector_load %arg13[%get3A_1572, %get3A_1573] {strides = array<i32>} : memref<64x16xf32, #tpu.memory_space<vmem>>, vector<1x16xf32>,
    %get3A_1575 = vector.shape_cast %get3A_1574 : vector<1x16xf32> to vector<16xf32>
    %add3A_1576 = arith.addf %add3A_1570, %get3A_1575 : vector<16xf32>
    %swap3A_1577 = arith.constant 49 : i32
    %swap3A_1578 = arith.index_cast %swap3A_1577 : i32 to index
    %swap3A_1579 = arith.constant 0 : index
    %swap3A_1580 = tpu.vector_load %arg16[%swap3A_1578, %swap3A_1579] {strides = array<i32>} : memref<64x16xf32, #tpu.memory_space<vmem>>, vector<1x16xf32>,
    %swap3A_1581 = vector.shape_cast %swap3A_1580 : vector<1x16xf32> to vector<16xf32>
    %swap3A_1582 = vector.shape_cast %add3A_1576 : vector<16xf32> to vector<1x16xf32>
    tpu.vector_store %arg16[%swap3A_1578, %swap3A_1579], %swap3A_1582 {strides = array<i32>} : memref<64x16xf32, #tpu.memory_space<vmem>>, vector<1x16xf32>,
    %slice3A_1583 = vector.extract_strided_slice %get3A_1517 {offsets = [2], sizes = [1], strides = [1]} : vector<16xf32> to vector<1xf32>
    %squeeze3A_1584 = vector.extract %slice3A_1583[0] : f32 from vector<1xf32>
    %get3A_1585 = arith.constant 50 : i32
    %get3A_1586 = arith.index_cast %get3A_1585 : i32 to index
    %get3A_1587 = arith.constant 0 : index
    %get3A_1588 = tpu.vector_load %arg14[%get3A_1586, %get3A_1587] {strides = array<i32>} : memref<64x128xf32, #tpu.memory_space<vmem>>, vector<1x16xf32>,
    %get3A_1589 = vector.shape_cast %get3A_1588 : vector<1x16xf32> to vector<16xf32>
    %mul3A_1590 = vector.broadcast %squeeze3A_1584 : f32 to vector<16xf32>
    %mul3A_1591 = arith.mulf %mul3A_1590, %get3A_1589 : vector<16xf32>
    %slice3A_1592 = vector.extract_strided_slice %get3A_1520 {offsets = [2], sizes = [1], strides = [1]} : vector<16xf32> to vector<1xf32>
    %squeeze3A_1593 = vector.extract %slice3A_1592[0] : f32 from vector<1xf32>
    %get3A_1594 = arith.constant 50 : i32
    %get3A_1595 = arith.index_cast %get3A_1594 : i32 to index
    %get3A_1596 = arith.constant 0 : index
    %get3A_1597 = tpu.vector_load %arg15[%get3A_1595, %get3A_1596] {strides = array<i32>} : memref<64x128xf32, #tpu.memory_space<vmem>>, vector<1x16xf32>,
    %get3A_1598 = vector.shape_cast %get3A_1597 : vector<1x16xf32> to vector<16xf32>
    %mul3A_1599 = vector.broadcast %squeeze3A_1593 : f32 to vector<16xf32>
    %mul3A_1600 = arith.mulf %mul3A_1599, %get3A_1598 : vector<16xf32>
    %add3A_1601 = arith.addf %mul3A_1591, %mul3A_1600 : vector<16xf32>
    %get3A_1602 = arith.constant 50 : i32
    %get3A_1603 = arith.index_cast %get3A_1602 : i32 to index
    %get3A_1604 = arith.constant 0 : index
    %get3A_1605 = tpu.vector_load %arg13[%get3A_1603, %get3A_1604] {strides = array<i32>} : memref<64x16xf32, #tpu.memory_space<vmem>>, vector<1x16xf32>,
    %get3A_1606 = vector.shape_cast %get3A_1605 : vector<1x16xf32> to vector<16xf32>
    %add3A_1607 = arith.addf %add3A_1601, %get3A_1606 : vector<16xf32>
    %swap3A_1608 = arith.constant 50 : i32
    %swap3A_1609 = arith.index_cast %swap3A_1608 : i32 to index
    %swap3A_1610 = arith.constant 0 : index
    %swap3A_1611 = tpu.vector_load %arg16[%swap3A_1609, %swap3A_1610] {strides = array<i32>} : memref<64x16xf32, #tpu.memory_space<vmem>>, vector<1x16xf32>,
    %swap3A_1612 = vector.shape_cast %swap3A_1611 : vector<1x16xf32> to vector<16xf32>
    %swap3A_1613 = vector.shape_cast %add3A_1607 : vector<16xf32> to vector<1x16xf32>
    tpu.vector_store %arg16[%swap3A_1609, %swap3A_1610], %swap3A_1613 {strides = array<i32>} : memref<64x16xf32, #tpu.memory_space<vmem>>, vector<1x16xf32>,
    %slice3A_1614 = vector.extract_strided_slice %get3A_1517 {offsets = [3], sizes = [1], strides = [1]} : vector<16xf32> to vector<1xf32>
    %squeeze3A_1615 = vector.extract %slice3A_1614[0] : f32 from vector<1xf32>
    %get3A_1616 = arith.constant 51 : i32
    %get3A_1617 = arith.index_cast %get3A_1616 : i32 to index
    %get3A_1618 = arith.constant 0 : index
    %get3A_1619 = tpu.vector_load %arg14[%get3A_1617, %get3A_1618] {strides = array<i32>} : memref<64x128xf32, #tpu.memory_space<vmem>>, vector<1x16xf32>,
    %get3A_1620 = vector.shape_cast %get3A_1619 : vector<1x16xf32> to vector<16xf32>
    %mul3A_1621 = vector.broadcast %squeeze3A_1615 : f32 to vector<16xf32>
    %mul3A_1622 = arith.mulf %mul3A_1621, %get3A_1620 : vector<16xf32>
    %slice3A_1623 = vector.extract_strided_slice %get3A_1520 {offsets = [3], sizes = [1], strides = [1]} : vector<16xf32> to vector<1xf32>
    %squeeze3A_1624 = vector.extract %slice3A_1623[0] : f32 from vector<1xf32>
    %get3A_1625 = arith.constant 51 : i32
    %get3A_1626 = arith.index_cast %get3A_1625 : i32 to index
    %get3A_1627 = arith.constant 0 : index
    %get3A_1628 = tpu.vector_load %arg15[%get3A_1626, %get3A_1627] {strides = array<i32>} : memref<64x128xf32, #tpu.memory_space<vmem>>, vector<1x16xf32>,
    %get3A_1629 = vector.shape_cast %get3A_1628 : vector<1x16xf32> to vector<16xf32>
    %mul3A_1630 = vector.broadcast %squeeze3A_1624 : f32 to vector<16xf32>
    %mul3A_1631 = arith.mulf %mul3A_1630, %get3A_1629 : vector<16xf32>
    %add3A_1632 = arith.addf %mul3A_1622, %mul3A_1631 : vector<16xf32>
    %get3A_1633 = arith.constant 51 : i32
    %get3A_1634 = arith.index_cast %get3A_1633 : i32 to index
    %get3A_1635 = arith.constant 0 : index
    %get3A_1636 = tpu.vector_load %arg13[%get3A_1634, %get3A_1635] {strides = array<i32>} : memref<64x16xf32, #tpu.memory_space<vmem>>, vector<1x16xf32>,
    %get3A_1637 = vector.shape_cast %get3A_1636 : vector<1x16xf32> to vector<16xf32>
    %add3A_1638 = arith.addf %add3A_1632, %get3A_1637 : vector<16xf32>
    %swap3A_1639 = arith.constant 51 : i32
    %swap3A_1640 = arith.index_cast %swap3A_1639 : i32 to index
    %swap3A_1641 = arith.constant 0 : index
    %swap3A_1642 = tpu.vector_load %arg16[%swap3A_1640, %swap3A_1641] {strides = array<i32>} : memref<64x16xf32, #tpu.memory_space<vmem>>, vector<1x16xf32>,
    %swap3A_1643 = vector.shape_cast %swap3A_1642 : vector<1x16xf32> to vector<16xf32>
    %swap3A_1644 = vector.shape_cast %add3A_1638 : vector<16xf32> to vector<1x16xf32>
    tpu.vector_store %arg16[%swap3A_1640, %swap3A_1641], %swap3A_1644 {strides = array<i32>} : memref<64x16xf32, #tpu.memory_space<vmem>>, vector<1x16xf32>,
    %slice3A_1645 = vector.extract_strided_slice %get3A_1517 {offsets = [4], sizes = [1], strides = [1]} : vector<16xf32> to vector<1xf32>
    %squeeze3A_1646 = vector.extract %slice3A_1645[0] : f32 from vector<1xf32>
    %get3A_1647 = arith.constant 52 : i32
    %get3A_1648 = arith.index_cast %get3A_1647 : i32 to index
    %get3A_1649 = arith.constant 0 : index
    %get3A_1650 = tpu.vector_load %arg14[%get3A_1648, %get3A_1649] {strides = array<i32>} : memref<64x128xf32, #tpu.memory_space<vmem>>, vector<1x16xf32>,
    %get3A_1651 = vector.shape_cast %get3A_1650 : vector<1x16xf32> to vector<16xf32>
    %mul3A_1652 = vector.broadcast %squeeze3A_1646 : f32 to vector<16xf32>
    %mul3A_1653 = arith.mulf %mul3A_1652, %get3A_1651 : vector<16xf32>
    %slice3A_1654 = vector.extract_strided_slice %get3A_1520 {offsets = [4], sizes = [1], strides = [1]} : vector<16xf32> to vector<1xf32>
    %squeeze3A_1655 = vector.extract %slice3A_1654[0] : f32 from vector<1xf32>
    %get3A_1656 = arith.constant 52 : i32
    %get3A_1657 = arith.index_cast %get3A_1656 : i32 to index
    %get3A_1658 = arith.constant 0 : index
    %get3A_1659 = tpu.vector_load %arg15[%get3A_1657, %get3A_1658] {strides = array<i32>} : memref<64x128xf32, #tpu.memory_space<vmem>>, vector<1x16xf32>,
    %get3A_1660 = vector.shape_cast %get3A_1659 : vector<1x16xf32> to vector<16xf32>
    %mul3A_1661 = vector.broadcast %squeeze3A_1655 : f32 to vector<16xf32>
    %mul3A_1662 = arith.mulf %mul3A_1661, %get3A_1660 : vector<16xf32>
    %add3A_1663 = arith.addf %mul3A_1653, %mul3A_1662 : vector<16xf32>
    %get3A_1664 = arith.constant 52 : i32
    %get3A_1665 = arith.index_cast %get3A_1664 : i32 to index
    %get3A_1666 = arith.constant 0 : index
    %get3A_1667 = tpu.vector_load %arg13[%get3A_1665, %get3A_1666] {strides = array<i32>} : memref<64x16xf32, #tpu.memory_space<vmem>>, vector<1x16xf32>,
    %get3A_1668 = vector.shape_cast %get3A_1667 : vector<1x16xf32> to vector<16xf32>
    %add3A_1669 = arith.addf %add3A_1663, %get3A_1668 : vector<16xf32>
    %swap3A_1670 = arith.constant 52 : i32
    %swap3A_1671 = arith.index_cast %swap3A_1670 : i32 to index
    %swap3A_1672 = arith.constant 0 : index
    %swap3A_1673 = tpu.vector_load %arg16[%swap3A_1671, %swap3A_1672] {strides = array<i32>} : memref<64x16xf32, #tpu.memory_space<vmem>>, vector<1x16xf32>,
    %swap3A_1674 = vector.shape_cast %swap3A_1673 : vector<1x16xf32> to vector<16xf32>
    %swap3A_1675 = vector.shape_cast %add3A_1669 : vector<16xf32> to vector<1x16xf32>
    tpu.vector_store %arg16[%swap3A_1671, %swap3A_1672], %swap3A_1675 {strides = array<i32>} : memref<64x16xf32, #tpu.memory_space<vmem>>, vector<1x16xf32>,
    %slice3A_1676 = vector.extract_strided_slice %get3A_1517 {offsets = [5], sizes = [1], strides = [1]} : vector<16xf32> to vector<1xf32>
    %squeeze3A_1677 = vector.extract %slice3A_1676[0] : f32 from vector<1xf32>
    %get3A_1678 = arith.constant 53 : i32
    %get3A_1679 = arith.index_cast %get3A_1678 : i32 to index
    %get3A_1680 = arith.constant 0 : index
    %get3A_1681 = tpu.vector_load %arg14[%get3A_1679, %get3A_1680] {strides = array<i32>} : memref<64x128xf32, #tpu.memory_space<vmem>>, vector<1x16xf32>,
    %get3A_1682 = vector.shape_cast %get3A_1681 : vector<1x16xf32> to vector<16xf32>
    %mul3A_1683 = vector.broadcast %squeeze3A_1677 : f32 to vector<16xf32>
    %mul3A_1684 = arith.mulf %mul3A_1683, %get3A_1682 : vector<16xf32>
    %slice3A_1685 = vector.extract_strided_slice %get3A_1520 {offsets = [5], sizes = [1], strides = [1]} : vector<16xf32> to vector<1xf32>
    %squeeze3A_1686 = vector.extract %slice3A_1685[0] : f32 from vector<1xf32>
    %get3A_1687 = arith.constant 53 : i32
    %get3A_1688 = arith.index_cast %get3A_1687 : i32 to index
    %get3A_1689 = arith.constant 0 : index
    %get3A_1690 = tpu.vector_load %arg15[%get3A_1688, %get3A_1689] {strides = array<i32>} : memref<64x128xf32, #tpu.memory_space<vmem>>, vector<1x16xf32>,
    %get3A_1691 = vector.shape_cast %get3A_1690 : vector<1x16xf32> to vector<16xf32>
    %mul3A_1692 = vector.broadcast %squeeze3A_1686 : f32 to vector<16xf32>
    %mul3A_1693 = arith.mulf %mul3A_1692, %get3A_1691 : vector<16xf32>
    %add3A_1694 = arith.addf %mul3A_1684, %mul3A_1693 : vector<16xf32>
    %get3A_1695 = arith.constant 53 : i32
    %get3A_1696 = arith.index_cast %get3A_1695 : i32 to index
    %get3A_1697 = arith.constant 0 : index
    %get3A_1698 = tpu.vector_load %arg13[%get3A_1696, %get3A_1697] {strides = array<i32>} : memref<64x16xf32, #tpu.memory_space<vmem>>, vector<1x16xf32>,
    %get3A_1699 = vector.shape_cast %get3A_1698 : vector<1x16xf32> to vector<16xf32>
    %add3A_1700 = arith.addf %add3A_1694, %get3A_1699 : vector<16xf32>
    %swap3A_1701 = arith.constant 53 : i32
    %swap3A_1702 = arith.index_cast %swap3A_1701 : i32 to index
    %swap3A_1703 = arith.constant 0 : index
    %swap3A_1704 = tpu.vector_load %arg16[%swap3A_1702, %swap3A_1703] {strides = array<i32>} : memref<64x16xf32, #tpu.memory_space<vmem>>, vector<1x16xf32>,
    %swap3A_1705 = vector.shape_cast %swap3A_1704 : vector<1x16xf32> to vector<16xf32>
    %swap3A_1706 = vector.shape_cast %add3A_1700 : vector<16xf32> to vector<1x16xf32>
    tpu.vector_store %arg16[%swap3A_1702, %swap3A_1703], %swap3A_1706 {strides = array<i32>} : memref<64x16xf32, #tpu.memory_space<vmem>>, vector<1x16xf32>,
    %slice3A_1707 = vector.extract_strided_slice %get3A_1517 {offsets = [6], sizes = [1], strides = [1]} : vector<16xf32> to vector<1xf32>
    %squeeze3A_1708 = vector.extract %slice3A_1707[0] : f32 from vector<1xf32>
    %get3A_1709 = arith.constant 54 : i32
    %get3A_1710 = arith.index_cast %get3A_1709 : i32 to index
    %get3A_1711 = arith.constant 0 : index
    %get3A_1712 = tpu.vector_load %arg14[%get3A_1710, %get3A_1711] {strides = array<i32>} : memref<64x128xf32, #tpu.memory_space<vmem>>, vector<1x16xf32>,
    %get3A_1713 = vector.shape_cast %get3A_1712 : vector<1x16xf32> to vector<16xf32>
    %mul3A_1714 = vector.broadcast %squeeze3A_1708 : f32 to vector<16xf32>
    %mul3A_1715 = arith.mulf %mul3A_1714, %get3A_1713 : vector<16xf32>
    %slice3A_1716 = vector.extract_strided_slice %get3A_1520 {offsets = [6], sizes = [1], strides = [1]} : vector<16xf32> to vector<1xf32>
    %squeeze3A_1717 = vector.extract %slice3A_1716[0] : f32 from vector<1xf32>
    %get3A_1718 = arith.constant 54 : i32
    %get3A_1719 = arith.index_cast %get3A_1718 : i32 to index
    %get3A_1720 = arith.constant 0 : index
    %get3A_1721 = tpu.vector_load %arg15[%get3A_1719, %get3A_1720] {strides = array<i32>} : memref<64x128xf32, #tpu.memory_space<vmem>>, vector<1x16xf32>,
    %get3A_1722 = vector.shape_cast %get3A_1721 : vector<1x16xf32> to vector<16xf32>
    %mul3A_1723 = vector.broadcast %squeeze3A_1717 : f32 to vector<16xf32>
    %mul3A_1724 = arith.mulf %mul3A_1723, %get3A_1722 : vector<16xf32>
    %add3A_1725 = arith.addf %mul3A_1715, %mul3A_1724 : vector<16xf32>
    %get3A_1726 = arith.constant 54 : i32
    %get3A_1727 = arith.index_cast %get3A_1726 : i32 to index
    %get3A_1728 = arith.constant 0 : index
    %get3A_1729 = tpu.vector_load %arg13[%get3A_1727, %get3A_1728] {strides = array<i32>} : memref<64x16xf32, #tpu.memory_space<vmem>>, vector<1x16xf32>,
    %get3A_1730 = vector.shape_cast %get3A_1729 : vector<1x16xf32> to vector<16xf32>
    %add3A_1731 = arith.addf %add3A_1725, %get3A_1730 : vector<16xf32>
    %swap3A_1732 = arith.constant 54 : i32
    %swap3A_1733 = arith.index_cast %swap3A_1732 : i32 to index
    %swap3A_1734 = arith.constant 0 : index
    %swap3A_1735 = tpu.vector_load %arg16[%swap3A_1733, %swap3A_1734] {strides = array<i32>} : memref<64x16xf32, #tpu.memory_space<vmem>>, vector<1x16xf32>,
    %swap3A_1736 = vector.shape_cast %swap3A_1735 : vector<1x16xf32> to vector<16xf32>
    %swap3A_1737 = vector.shape_cast %add3A_1731 : vector<16xf32> to vector<1x16xf32>
    tpu.vector_store %arg16[%swap3A_1733, %swap3A_1734], %swap3A_1737 {strides = array<i32>} : memref<64x16xf32, #tpu.memory_space<vmem>>, vector<1x16xf32>,
    %slice3A_1738 = vector.extract_strided_slice %get3A_1517 {offsets = [7], sizes = [1], strides = [1]} : vector<16xf32> to vector<1xf32>
    %squeeze3A_1739 = vector.extract %slice3A_1738[0] : f32 from vector<1xf32>
    %get3A_1740 = arith.constant 55 : i32
    %get3A_1741 = arith.index_cast %get3A_1740 : i32 to index
    %get3A_1742 = arith.constant 0 : index
    %get3A_1743 = tpu.vector_load %arg14[%get3A_1741, %get3A_1742] {strides = array<i32>} : memref<64x128xf32, #tpu.memory_space<vmem>>, vector<1x16xf32>,
    %get3A_1744 = vector.shape_cast %get3A_1743 : vector<1x16xf32> to vector<16xf32>
    %mul3A_1745 = vector.broadcast %squeeze3A_1739 : f32 to vector<16xf32>
    %mul3A_1746 = arith.mulf %mul3A_1745, %get3A_1744 : vector<16xf32>
    %slice3A_1747 = vector.extract_strided_slice %get3A_1520 {offsets = [7], sizes = [1], strides = [1]} : vector<16xf32> to vector<1xf32>
    %squeeze3A_1748 = vector.extract %slice3A_1747[0] : f32 from vector<1xf32>
    %get3A_1749 = arith.constant 55 : i32
    %get3A_1750 = arith.index_cast %get3A_1749 : i32 to index
    %get3A_1751 = arith.constant 0 : index
    %get3A_1752 = tpu.vector_load %arg15[%get3A_1750, %get3A_1751] {strides = array<i32>} : memref<64x128xf32, #tpu.memory_space<vmem>>, vector<1x16xf32>,
    %get3A_1753 = vector.shape_cast %get3A_1752 : vector<1x16xf32> to vector<16xf32>
    %mul3A_1754 = vector.broadcast %squeeze3A_1748 : f32 to vector<16xf32>
    %mul3A_1755 = arith.mulf %mul3A_1754, %get3A_1753 : vector<16xf32>
    %add3A_1756 = arith.addf %mul3A_1746, %mul3A_1755 : vector<16xf32>
    %get3A_1757 = arith.constant 55 : i32
    %get3A_1758 = arith.index_cast %get3A_1757 : i32 to index
    %get3A_1759 = arith.constant 0 : index
    %get3A_1760 = tpu.vector_load %arg13[%get3A_1758, %get3A_1759] {strides = array<i32>} : memref<64x16xf32, #tpu.memory_space<vmem>>, vector<1x16xf32>,
    %get3A_1761 = vector.shape_cast %get3A_1760 : vector<1x16xf32> to vector<16xf32>
    %add3A_1762 = arith.addf %add3A_1756, %get3A_1761 : vector<16xf32>
    %swap3A_1763 = arith.constant 55 : i32
    %swap3A_1764 = arith.index_cast %swap3A_1763 : i32 to index
    %swap3A_1765 = arith.constant 0 : index
    %swap3A_1766 = tpu.vector_load %arg16[%swap3A_1764, %swap3A_1765] {strides = array<i32>} : memref<64x16xf32, #tpu.memory_space<vmem>>, vector<1x16xf32>,
    %swap3A_1767 = vector.shape_cast %swap3A_1766 : vector<1x16xf32> to vector<16xf32>
    %swap3A_1768 = vector.shape_cast %add3A_1762 : vector<16xf32> to vector<1x16xf32>
    tpu.vector_store %arg16[%swap3A_1764, %swap3A_1765], %swap3A_1768 {strides = array<i32>} : memref<64x16xf32, #tpu.memory_space<vmem>>, vector<1x16xf32>,
    %slice3A_1769 = vector.extract_strided_slice %get3A_1517 {offsets = [8], sizes = [1], strides = [1]} : vector<16xf32> to vector<1xf32>
    %squeeze3A_1770 = vector.extract %slice3A_1769[0] : f32 from vector<1xf32>
    %get3A_1771 = arith.constant 56 : i32
    %get3A_1772 = arith.index_cast %get3A_1771 : i32 to index
    %get3A_1773 = arith.constant 0 : index
    %get3A_1774 = tpu.vector_load %arg14[%get3A_1772, %get3A_1773] {strides = array<i32>} : memref<64x128xf32, #tpu.memory_space<vmem>>, vector<1x16xf32>,
    %get3A_1775 = vector.shape_cast %get3A_1774 : vector<1x16xf32> to vector<16xf32>
    %mul3A_1776 = vector.broadcast %squeeze3A_1770 : f32 to vector<16xf32>
    %mul3A_1777 = arith.mulf %mul3A_1776, %get3A_1775 : vector<16xf32>
    %slice3A_1778 = vector.extract_strided_slice %get3A_1520 {offsets = [8], sizes = [1], strides = [1]} : vector<16xf32> to vector<1xf32>
    %squeeze3A_1779 = vector.extract %slice3A_1778[0] : f32 from vector<1xf32>
    %get3A_1780 = arith.constant 56 : i32
    %get3A_1781 = arith.index_cast %get3A_1780 : i32 to index
    %get3A_1782 = arith.constant 0 : index
    %get3A_1783 = tpu.vector_load %arg15[%get3A_1781, %get3A_1782] {strides = array<i32>} : memref<64x128xf32, #tpu.memory_space<vmem>>, vector<1x16xf32>,
    %get3A_1784 = vector.shape_cast %get3A_1783 : vector<1x16xf32> to vector<16xf32>
    %mul3A_1785 = vector.broadcast %squeeze3A_1779 : f32 to vector<16xf32>
    %mul3A_1786 = arith.mulf %mul3A_1785, %get3A_1784 : vector<16xf32>
    %add3A_1787 = arith.addf %mul3A_1777, %mul3A_1786 : vector<16xf32>
    %get3A_1788 = arith.constant 56 : i32
    %get3A_1789 = arith.index_cast %get3A_1788 : i32 to index
    %get3A_1790 = arith.constant 0 : index
    %get3A_1791 = tpu.vector_load %arg13[%get3A_1789, %get3A_1790] {strides = array<i32>} : memref<64x16xf32, #tpu.memory_space<vmem>>, vector<1x16xf32>,
    %get3A_1792 = vector.shape_cast %get3A_1791 : vector<1x16xf32> to vector<16xf32>
    %add3A_1793 = arith.addf %add3A_1787, %get3A_1792 : vector<16xf32>
    %swap3A_1794 = arith.constant 56 : i32
    %swap3A_1795 = arith.index_cast %swap3A_1794 : i32 to index
    %swap3A_1796 = arith.constant 0 : index
    %swap3A_1797 = tpu.vector_load %arg16[%swap3A_1795, %swap3A_1796] {strides = array<i32>} : memref<64x16xf32, #tpu.memory_space<vmem>>, vector<1x16xf32>,
    %swap3A_1798 = vector.shape_cast %swap3A_1797 : vector<1x16xf32> to vector<16xf32>
    %swap3A_1799 = vector.shape_cast %add3A_1793 : vector<16xf32> to vector<1x16xf32>
    tpu.vector_store %arg16[%swap3A_1795, %swap3A_1796], %swap3A_1799 {strides = array<i32>} : memref<64x16xf32, #tpu.memory_space<vmem>>, vector<1x16xf32>,
    %slice3A_1800 = vector.extract_strided_slice %get3A_1517 {offsets = [9], sizes = [1], strides = [1]} : vector<16xf32> to vector<1xf32>
    %squeeze3A_1801 = vector.extract %slice3A_1800[0] : f32 from vector<1xf32>
    %get3A_1802 = arith.constant 57 : i32
    %get3A_1803 = arith.index_cast %get3A_1802 : i32 to index
    %get3A_1804 = arith.constant 0 : index
    %get3A_1805 = tpu.vector_load %arg14[%get3A_1803, %get3A_1804] {strides = array<i32>} : memref<64x128xf32, #tpu.memory_space<vmem>>, vector<1x16xf32>,
    %get3A_1806 = vector.shape_cast %get3A_1805 : vector<1x16xf32> to vector<16xf32>
    %mul3A_1807 = vector.broadcast %squeeze3A_1801 : f32 to vector<16xf32>
    %mul3A_1808 = arith.mulf %mul3A_1807, %get3A_1806 : vector<16xf32>
    %slice3A_1809 = vector.extract_strided_slice %get3A_1520 {offsets = [9], sizes = [1], strides = [1]} : vector<16xf32> to vector<1xf32>
    %squeeze3A_1810 = vector.extract %slice3A_1809[0] : f32 from vector<1xf32>
    %get3A_1811 = arith.constant 57 : i32
    %get3A_1812 = arith.index_cast %get3A_1811 : i32 to index
    %get3A_1813 = arith.constant 0 : index
    %get3A_1814 = tpu.vector_load %arg15[%get3A_1812, %get3A_1813] {strides = array<i32>} : memref<64x128xf32, #tpu.memory_space<vmem>>, vector<1x16xf32>,
    %get3A_1815 = vector.shape_cast %get3A_1814 : vector<1x16xf32> to vector<16xf32>
    %mul3A_1816 = vector.broadcast %squeeze3A_1810 : f32 to vector<16xf32>
    %mul3A_1817 = arith.mulf %mul3A_1816, %get3A_1815 : vector<16xf32>
    %add3A_1818 = arith.addf %mul3A_1808, %mul3A_1817 : vector<16xf32>
    %get3A_1819 = arith.constant 57 : i32
    %get3A_1820 = arith.index_cast %get3A_1819 : i32 to index
    %get3A_1821 = arith.constant 0 : index
    %get3A_1822 = tpu.vector_load %arg13[%get3A_1820, %get3A_1821] {strides = array<i32>} : memref<64x16xf32, #tpu.memory_space<vmem>>, vector<1x16xf32>,
    %get3A_1823 = vector.shape_cast %get3A_1822 : vector<1x16xf32> to vector<16xf32>
    %add3A_1824 = arith.addf %add3A_1818, %get3A_1823 : vector<16xf32>
    %swap3A_1825 = arith.constant 57 : i32
    %swap3A_1826 = arith.index_cast %swap3A_1825 : i32 to index
    %swap3A_1827 = arith.constant 0 : index
    %swap3A_1828 = tpu.vector_load %arg16[%swap3A_1826, %swap3A_1827] {strides = array<i32>} : memref<64x16xf32, #tpu.memory_space<vmem>>, vector<1x16xf32>,
    %swap3A_1829 = vector.shape_cast %swap3A_1828 : vector<1x16xf32> to vector<16xf32>
    %swap3A_1830 = vector.shape_cast %add3A_1824 : vector<16xf32> to vector<1x16xf32>
    tpu.vector_store %arg16[%swap3A_1826, %swap3A_1827], %swap3A_1830 {strides = array<i32>} : memref<64x16xf32, #tpu.memory_space<vmem>>, vector<1x16xf32>,
    %slice3A_1831 = vector.extract_strided_slice %get3A_1517 {offsets = [10], sizes = [1], strides = [1]} : vector<16xf32> to vector<1xf32>
    %squeeze3A_1832 = vector.extract %slice3A_1831[0] : f32 from vector<1xf32>
    %get3A_1833 = arith.constant 58 : i32
    %get3A_1834 = arith.index_cast %get3A_1833 : i32 to index
    %get3A_1835 = arith.constant 0 : index
    %get3A_1836 = tpu.vector_load %arg14[%get3A_1834, %get3A_1835] {strides = array<i32>} : memref<64x128xf32, #tpu.memory_space<vmem>>, vector<1x16xf32>,
    %get3A_1837 = vector.shape_cast %get3A_1836 : vector<1x16xf32> to vector<16xf32>
    %mul3A_1838 = vector.broadcast %squeeze3A_1832 : f32 to vector<16xf32>
    %mul3A_1839 = arith.mulf %mul3A_1838, %get3A_1837 : vector<16xf32>
    %slice3A_1840 = vector.extract_strided_slice %get3A_1520 {offsets = [10], sizes = [1], strides = [1]} : vector<16xf32> to vector<1xf32>
    %squeeze3A_1841 = vector.extract %slice3A_1840[0] : f32 from vector<1xf32>
    %get3A_1842 = arith.constant 58 : i32
    %get3A_1843 = arith.index_cast %get3A_1842 : i32 to index
    %get3A_1844 = arith.constant 0 : index
    %get3A_1845 = tpu.vector_load %arg15[%get3A_1843, %get3A_1844] {strides = array<i32>} : memref<64x128xf32, #tpu.memory_space<vmem>>, vector<1x16xf32>,
    %get3A_1846 = vector.shape_cast %get3A_1845 : vector<1x16xf32> to vector<16xf32>
    %mul3A_1847 = vector.broadcast %squeeze3A_1841 : f32 to vector<16xf32>
    %mul3A_1848 = arith.mulf %mul3A_1847, %get3A_1846 : vector<16xf32>
    %add3A_1849 = arith.addf %mul3A_1839, %mul3A_1848 : vector<16xf32>
    %get3A_1850 = arith.constant 58 : i32
    %get3A_1851 = arith.index_cast %get3A_1850 : i32 to index
    %get3A_1852 = arith.constant 0 : index
    %get3A_1853 = tpu.vector_load %arg13[%get3A_1851, %get3A_1852] {strides = array<i32>} : memref<64x16xf32, #tpu.memory_space<vmem>>, vector<1x16xf32>,
    %get3A_1854 = vector.shape_cast %get3A_1853 : vector<1x16xf32> to vector<16xf32>
    %add3A_1855 = arith.addf %add3A_1849, %get3A_1854 : vector<16xf32>
    %swap3A_1856 = arith.constant 58 : i32
    %swap3A_1857 = arith.index_cast %swap3A_1856 : i32 to index
    %swap3A_1858 = arith.constant 0 : index
    %swap3A_1859 = tpu.vector_load %arg16[%swap3A_1857, %swap3A_1858] {strides = array<i32>} : memref<64x16xf32, #tpu.memory_space<vmem>>, vector<1x16xf32>,
    %swap3A_1860 = vector.shape_cast %swap3A_1859 : vector<1x16xf32> to vector<16xf32>
    %swap3A_1861 = vector.shape_cast %add3A_1855 : vector<16xf32> to vector<1x16xf32>
    tpu.vector_store %arg16[%swap3A_1857, %swap3A_1858], %swap3A_1861 {strides = array<i32>} : memref<64x16xf32, #tpu.memory_space<vmem>>, vector<1x16xf32>,
    %slice3A_1862 = vector.extract_strided_slice %get3A_1517 {offsets = [11], sizes = [1], strides = [1]} : vector<16xf32> to vector<1xf32>
    %squeeze3A_1863 = vector.extract %slice3A_1862[0] : f32 from vector<1xf32>
    %get3A_1864 = arith.constant 59 : i32
    %get3A_1865 = arith.index_cast %get3A_1864 : i32 to index
    %get3A_1866 = arith.constant 0 : index
    %get3A_1867 = tpu.vector_load %arg14[%get3A_1865, %get3A_1866] {strides = array<i32>} : memref<64x128xf32, #tpu.memory_space<vmem>>, vector<1x16xf32>,
    %get3A_1868 = vector.shape_cast %get3A_1867 : vector<1x16xf32> to vector<16xf32>
    %mul3A_1869 = vector.broadcast %squeeze3A_1863 : f32 to vector<16xf32>
    %mul3A_1870 = arith.mulf %mul3A_1869, %get3A_1868 : vector<16xf32>
    %slice3A_1871 = vector.extract_strided_slice %get3A_1520 {offsets = [11], sizes = [1], strides = [1]} : vector<16xf32> to vector<1xf32>
    %squeeze3A_1872 = vector.extract %slice3A_1871[0] : f32 from vector<1xf32>
    %get3A_1873 = arith.constant 59 : i32
    %get3A_1874 = arith.index_cast %get3A_1873 : i32 to index
    %get3A_1875 = arith.constant 0 : index
    %get3A_1876 = tpu.vector_load %arg15[%get3A_1874, %get3A_1875] {strides = array<i32>} : memref<64x128xf32, #tpu.memory_space<vmem>>, vector<1x16xf32>,
    %get3A_1877 = vector.shape_cast %get3A_1876 : vector<1x16xf32> to vector<16xf32>
    %mul3A_1878 = vector.broadcast %squeeze3A_1872 : f32 to vector<16xf32>
    %mul3A_1879 = arith.mulf %mul3A_1878, %get3A_1877 : vector<16xf32>
    %add3A_1880 = arith.addf %mul3A_1870, %mul3A_1879 : vector<16xf32>
    %get3A_1881 = arith.constant 59 : i32
    %get3A_1882 = arith.index_cast %get3A_1881 : i32 to index
    %get3A_1883 = arith.constant 0 : index
    %get3A_1884 = tpu.vector_load %arg13[%get3A_1882, %get3A_1883] {strides = array<i32>} : memref<64x16xf32, #tpu.memory_space<vmem>>, vector<1x16xf32>,
    %get3A_1885 = vector.shape_cast %get3A_1884 : vector<1x16xf32> to vector<16xf32>
    %add3A_1886 = arith.addf %add3A_1880, %get3A_1885 : vector<16xf32>
    %swap3A_1887 = arith.constant 59 : i32
    %swap3A_1888 = arith.index_cast %swap3A_1887 : i32 to index
    %swap3A_1889 = arith.constant 0 : index
    %swap3A_1890 = tpu.vector_load %arg16[%swap3A_1888, %swap3A_1889] {strides = array<i32>} : memref<64x16xf32, #tpu.memory_space<vmem>>, vector<1x16xf32>,
    %swap3A_1891 = vector.shape_cast %swap3A_1890 : vector<1x16xf32> to vector<16xf32>
    %swap3A_1892 = vector.shape_cast %add3A_1886 : vector<16xf32> to vector<1x16xf32>
    tpu.vector_store %arg16[%swap3A_1888, %swap3A_1889], %swap3A_1892 {strides = array<i32>} : memref<64x16xf32, #tpu.memory_space<vmem>>, vector<1x16xf32>,
    %slice3A_1893 = vector.extract_strided_slice %get3A_1517 {offsets = [12], sizes = [1], strides = [1]} : vector<16xf32> to vector<1xf32>
    %squeeze3A_1894 = vector.extract %slice3A_1893[0] : f32 from vector<1xf32>
    %get3A_1895 = arith.constant 60 : i32
    %get3A_1896 = arith.index_cast %get3A_1895 : i32 to index
    %get3A_1897 = arith.constant 0 : index
    %get3A_1898 = tpu.vector_load %arg14[%get3A_1896, %get3A_1897] {strides = array<i32>} : memref<64x128xf32, #tpu.memory_space<vmem>>, vector<1x16xf32>,
    %get3A_1899 = vector.shape_cast %get3A_1898 : vector<1x16xf32> to vector<16xf32>
    %mul3A_1900 = vector.broadcast %squeeze3A_1894 : f32 to vector<16xf32>
    %mul3A_1901 = arith.mulf %mul3A_1900, %get3A_1899 : vector<16xf32>
    %slice3A_1902 = vector.extract_strided_slice %get3A_1520 {offsets = [12], sizes = [1], strides = [1]} : vector<16xf32> to vector<1xf32>
    %squeeze3A_1903 = vector.extract %slice3A_1902[0] : f32 from vector<1xf32>
    %get3A_1904 = arith.constant 60 : i32
    %get3A_1905 = arith.index_cast %get3A_1904 : i32 to index
    %get3A_1906 = arith.constant 0 : index
    %get3A_1907 = tpu.vector_load %arg15[%get3A_1905, %get3A_1906] {strides = array<i32>} : memref<64x128xf32, #tpu.memory_space<vmem>>, vector<1x16xf32>,
    %get3A_1908 = vector.shape_cast %get3A_1907 : vector<1x16xf32> to vector<16xf32>
    %mul3A_1909 = vector.broadcast %squeeze3A_1903 : f32 to vector<16xf32>
    %mul3A_1910 = arith.mulf %mul3A_1909, %get3A_1908 : vector<16xf32>
    %add3A_1911 = arith.addf %mul3A_1901, %mul3A_1910 : vector<16xf32>
    %get3A_1912 = arith.constant 60 : i32
    %get3A_1913 = arith.index_cast %get3A_1912 : i32 to index
    %get3A_1914 = arith.constant 0 : index
    %get3A_1915 = tpu.vector_load %arg13[%get3A_1913, %get3A_1914] {strides = array<i32>} : memref<64x16xf32, #tpu.memory_space<vmem>>, vector<1x16xf32>,
    %get3A_1916 = vector.shape_cast %get3A_1915 : vector<1x16xf32> to vector<16xf32>
    %add3A_1917 = arith.addf %add3A_1911, %get3A_1916 : vector<16xf32>
    %swap3A_1918 = arith.constant 60 : i32
    %swap3A_1919 = arith.index_cast %swap3A_1918 : i32 to index
    %swap3A_1920 = arith.constant 0 : index
    %swap3A_1921 = tpu.vector_load %arg16[%swap3A_1919, %swap3A_1920] {strides = array<i32>} : memref<64x16xf32, #tpu.memory_space<vmem>>, vector<1x16xf32>,
    %swap3A_1922 = vector.shape_cast %swap3A_1921 : vector<1x16xf32> to vector<16xf32>
    %swap3A_1923 = vector.shape_cast %add3A_1917 : vector<16xf32> to vector<1x16xf32>
    tpu.vector_store %arg16[%swap3A_1919, %swap3A_1920], %swap3A_1923 {strides = array<i32>} : memref<64x16xf32, #tpu.memory_space<vmem>>, vector<1x16xf32>,
    %slice3A_1924 = vector.extract_strided_slice %get3A_1517 {offsets = [13], sizes = [1], strides = [1]} : vector<16xf32> to vector<1xf32>
    %squeeze3A_1925 = vector.extract %slice3A_1924[0] : f32 from vector<1xf32>
    %get3A_1926 = arith.constant 61 : i32
    %get3A_1927 = arith.index_cast %get3A_1926 : i32 to index
    %get3A_1928 = arith.constant 0 : index
    %get3A_1929 = tpu.vector_load %arg14[%get3A_1927, %get3A_1928] {strides = array<i32>} : memref<64x128xf32, #tpu.memory_space<vmem>>, vector<1x16xf32>,
    %get3A_1930 = vector.shape_cast %get3A_1929 : vector<1x16xf32> to vector<16xf32>
    %mul3A_1931 = vector.broadcast %squeeze3A_1925 : f32 to vector<16xf32>
    %mul3A_1932 = arith.mulf %mul3A_1931, %get3A_1930 : vector<16xf32>
    %slice3A_1933 = vector.extract_strided_slice %get3A_1520 {offsets = [13], sizes = [1], strides = [1]} : vector<16xf32> to vector<1xf32>
    %squeeze3A_1934 = vector.extract %slice3A_1933[0] : f32 from vector<1xf32>
    %get3A_1935 = arith.constant 61 : i32
    %get3A_1936 = arith.index_cast %get3A_1935 : i32 to index
    %get3A_1937 = arith.constant 0 : index
    %get3A_1938 = tpu.vector_load %arg15[%get3A_1936, %get3A_1937] {strides = array<i32>} : memref<64x128xf32, #tpu.memory_space<vmem>>, vector<1x16xf32>,
    %get3A_1939 = vector.shape_cast %get3A_1938 : vector<1x16xf32> to vector<16xf32>
    %mul3A_1940 = vector.broadcast %squeeze3A_1934 : f32 to vector<16xf32>
    %mul3A_1941 = arith.mulf %mul3A_1940, %get3A_1939 : vector<16xf32>
    %add3A_1942 = arith.addf %mul3A_1932, %mul3A_1941 : vector<16xf32>
    %get3A_1943 = arith.constant 61 : i32
    %get3A_1944 = arith.index_cast %get3A_1943 : i32 to index
    %get3A_1945 = arith.constant 0 : index
    %get3A_1946 = tpu.vector_load %arg13[%get3A_1944, %get3A_1945] {strides = array<i32>} : memref<64x16xf32, #tpu.memory_space<vmem>>, vector<1x16xf32>,
    %get3A_1947 = vector.shape_cast %get3A_1946 : vector<1x16xf32> to vector<16xf32>
    %add3A_1948 = arith.addf %add3A_1942, %get3A_1947 : vector<16xf32>
    %swap3A_1949 = arith.constant 61 : i32
    %swap3A_1950 = arith.index_cast %swap3A_1949 : i32 to index
    %swap3A_1951 = arith.constant 0 : index
    %swap3A_1952 = tpu.vector_load %arg16[%swap3A_1950, %swap3A_1951] {strides = array<i32>} : memref<64x16xf32, #tpu.memory_space<vmem>>, vector<1x16xf32>,
    %swap3A_1953 = vector.shape_cast %swap3A_1952 : vector<1x16xf32> to vector<16xf32>
    %swap3A_1954 = vector.shape_cast %add3A_1948 : vector<16xf32> to vector<1x16xf32>
    tpu.vector_store %arg16[%swap3A_1950, %swap3A_1951], %swap3A_1954 {strides = array<i32>} : memref<64x16xf32, #tpu.memory_space<vmem>>, vector<1x16xf32>,
    %slice3A_1955 = vector.extract_strided_slice %get3A_1517 {offsets = [14], sizes = [1], strides = [1]} : vector<16xf32> to vector<1xf32>
    %squeeze3A_1956 = vector.extract %slice3A_1955[0] : f32 from vector<1xf32>
    %get3A_1957 = arith.constant 62 : i32
    %get3A_1958 = arith.index_cast %get3A_1957 : i32 to index
    %get3A_1959 = arith.constant 0 : index
    %get3A_1960 = tpu.vector_load %arg14[%get3A_1958, %get3A_1959] {strides = array<i32>} : memref<64x128xf32, #tpu.memory_space<vmem>>, vector<1x16xf32>,
    %get3A_1961 = vector.shape_cast %get3A_1960 : vector<1x16xf32> to vector<16xf32>
    %mul3A_1962 = vector.broadcast %squeeze3A_1956 : f32 to vector<16xf32>
    %mul3A_1963 = arith.mulf %mul3A_1962, %get3A_1961 : vector<16xf32>
    %slice3A_1964 = vector.extract_strided_slice %get3A_1520 {offsets = [14], sizes = [1], strides = [1]} : vector<16xf32> to vector<1xf32>
    %squeeze3A_1965 = vector.extract %slice3A_1964[0] : f32 from vector<1xf32>
    %get3A_1966 = arith.constant 62 : i32
    %get3A_1967 = arith.index_cast %get3A_1966 : i32 to index
    %get3A_1968 = arith.constant 0 : index
    %get3A_1969 = tpu.vector_load %arg15[%get3A_1967, %get3A_1968] {strides = array<i32>} : memref<64x128xf32, #tpu.memory_space<vmem>>, vector<1x16xf32>,
    %get3A_1970 = vector.shape_cast %get3A_1969 : vector<1x16xf32> to vector<16xf32>
    %mul3A_1971 = vector.broadcast %squeeze3A_1965 : f32 to vector<16xf32>
    %mul3A_1972 = arith.mulf %mul3A_1971, %get3A_1970 : vector<16xf32>
    %add3A_1973 = arith.addf %mul3A_1963, %mul3A_1972 : vector<16xf32>
    %get3A_1974 = arith.constant 62 : i32
    %get3A_1975 = arith.index_cast %get3A_1974 : i32 to index
    %get3A_1976 = arith.constant 0 : index
    %get3A_1977 = tpu.vector_load %arg13[%get3A_1975, %get3A_1976] {strides = array<i32>} : memref<64x16xf32, #tpu.memory_space<vmem>>, vector<1x16xf32>,
    %get3A_1978 = vector.shape_cast %get3A_1977 : vector<1x16xf32> to vector<16xf32>
    %add3A_1979 = arith.addf %add3A_1973, %get3A_1978 : vector<16xf32>
    %swap3A_1980 = arith.constant 62 : i32
    %swap3A_1981 = arith.index_cast %swap3A_1980 : i32 to index
    %swap3A_1982 = arith.constant 0 : index
    %swap3A_1983 = tpu.vector_load %arg16[%swap3A_1981, %swap3A_1982] {strides = array<i32>} : memref<64x16xf32, #tpu.memory_space<vmem>>, vector<1x16xf32>,
    %swap3A_1984 = vector.shape_cast %swap3A_1983 : vector<1x16xf32> to vector<16xf32>
    %swap3A_1985 = vector.shape_cast %add3A_1979 : vector<16xf32> to vector<1x16xf32>
    tpu.vector_store %arg16[%swap3A_1981, %swap3A_1982], %swap3A_1985 {strides = array<i32>} : memref<64x16xf32, #tpu.memory_space<vmem>>, vector<1x16xf32>,
    %slice3A_1986 = vector.extract_strided_slice %get3A_1517 {offsets = [15], sizes = [1], strides = [1]} : vector<16xf32> to vector<1xf32>
    %squeeze3A_1987 = vector.extract %slice3A_1986[0] : f32 from vector<1xf32>
    %get3A_1988 = arith.constant 63 : i32
    %get3A_1989 = arith.index_cast %get3A_1988 : i32 to index
    %get3A_1990 = arith.constant 0 : index
    %get3A_1991 = tpu.vector_load %arg14[%get3A_1989, %get3A_1990] {strides = array<i32>} : memref<64x128xf32, #tpu.memory_space<vmem>>, vector<1x16xf32>,
    %get3A_1992 = vector.shape_cast %get3A_1991 : vector<1x16xf32> to vector<16xf32>
    %mul3A_1993 = vector.broadcast %squeeze3A_1987 : f32 to vector<16xf32>
    %mul3A_1994 = arith.mulf %mul3A_1993, %get3A_1992 : vector<16xf32>
    %slice3A_1995 = vector.extract_strided_slice %get3A_1520 {offsets = [15], sizes = [1], strides = [1]} : vector<16xf32> to vector<1xf32>
    %squeeze3A_1996 = vector.extract %slice3A_1995[0] : f32 from vector<1xf32>
    %get3A_1997 = arith.constant 63 : i32
    %get3A_1998 = arith.index_cast %get3A_1997 : i32 to index
    %get3A_1999 = arith.constant 0 : index
    %get3A_2000 = tpu.vector_load %arg15[%get3A_1998, %get3A_1999] {strides = array<i32>} : memref<64x128xf32, #tpu.memory_space<vmem>>, vector<1x16xf32>,
    %get3A_2001 = vector.shape_cast %get3A_2000 : vector<1x16xf32> to vector<16xf32>
    %mul3A_2002 = vector.broadcast %squeeze3A_1996 : f32 to vector<16xf32>
    %mul3A_2003 = arith.mulf %mul3A_2002, %get3A_2001 : vector<16xf32>
    %add3A_2004 = arith.addf %mul3A_1994, %mul3A_2003 : vector<16xf32>
    %get3A_2005 = arith.constant 63 : i32
    %get3A_2006 = arith.index_cast %get3A_2005 : i32 to index
    %get3A_2007 = arith.constant 0 : index
    %get3A_2008 = tpu.vector_load %arg13[%get3A_2006, %get3A_2007] {strides = array<i32>} : memref<64x16xf32, #tpu.memory_space<vmem>>, vector<1x16xf32>,
    %get3A_2009 = vector.shape_cast %get3A_2008 : vector<1x16xf32> to vector<16xf32>
    %add3A_2010 = arith.addf %add3A_2004, %get3A_2009 : vector<16xf32>
    %swap3A_2011 = arith.constant 63 : i32
    %swap3A_2012 = arith.index_cast %swap3A_2011 : i32 to index
    %swap3A_2013 = arith.constant 0 : index
    %swap3A_2014 = tpu.vector_load %arg16[%swap3A_2012, %swap3A_2013] {strides = array<i32>} : memref<64x16xf32, #tpu.memory_space<vmem>>, vector<1x16xf32>,
    %swap3A_2015 = vector.shape_cast %swap3A_2014 : vector<1x16xf32> to vector<16xf32>
    %swap3A_2016 = vector.shape_cast %add3A_2010 : vector<16xf32> to vector<1x16xf32>
    tpu.vector_store %arg16[%swap3A_2012, %swap3A_2013], %swap3A_2016 {strides = array<i32>} : memref<64x16xf32, #tpu.memory_space<vmem>>, vector<1x16xf32>,
    "tpu.region"() ({
      %run_scoped3A = tpu.sem_alloc : memref<!tpu.dma_semaphore, #tpu.memory_space<semaphore_mem>>
      %dma_start3A_2017 = arith.constant 0 : i32
      %dma_start3A_2018 = tpu.memref_slice %arg8[%multiple_of3A, %dma_start3A_2017] : memref<2048x16xf32, #tpu.memory_space<hbm>> -> memref<64x16xf32, #tpu.memory_space<hbm>>
      %dma_start3A_2019 = arith.constant 0 : i32
      %dma_start3A_2020 = tpu.memref_slice %arg8[%multiple_of3A, %dma_start3A_2019] : memref<2048x16xf32, #tpu.memory_space<hbm>> -> memref<64x16xf32, #tpu.memory_space<hbm>>
      tpu.enqueue_dma source(%arg16 : memref<64x16xf32, #tpu.memory_space<vmem>>) target(%dma_start3A_2020 : memref<64x16xf32, #tpu.memory_space<hbm>>) target_semaphore(%run_scoped3A : memref<!tpu.dma_semaphore, #tpu.memory_space<semaphore_mem>>)
      %dma_wait3A_2021 = arith.constant 0 : i32
      %dma_wait3A_2022 = tpu.memref_slice %arg8[%multiple_of3A, %dma_wait3A_2021] : memref<2048x16xf32, #tpu.memory_space<hbm>> -> memref<64x16xf32, #tpu.memory_space<hbm>>
      %dma_wait3A_2023 = arith.constant 0 : i32
      %dma_wait3A_2024 = tpu.memref_slice %arg8[%multiple_of3A, %dma_wait3A_2023] : memref<2048x16xf32, #tpu.memory_space<hbm>> -> memref<64x16xf32, #tpu.memory_space<hbm>>
      tpu.wait_dma2 semaphore(%run_scoped3A : memref<!tpu.dma_semaphore, #tpu.memory_space<semaphore_mem>>) src(%arg16 : memref<64x16xf32, #tpu.memory_space<vmem>>) dst(%dma_wait3A_2024 : memref<64x16xf32, #tpu.memory_space<hbm>>)
      tpu.yield
    }) : () -> ()
    return
  }
}

#map = affine_map<(d0, d1) -> (0, 0)>
#map1 = affine_map<(d0, d1) -> (0)>
module attributes {stable_mosaic.version = 14 : i64} {
  func.func @dispatch_k(%arg0: i32, %arg1: i32, %arg2: memref<2048x1024xf32, #tpu.memory_space<hbm>>, %arg3: memref<2048xi32, #tpu.memory_space<hbm>>, %arg4: memref<2048xi32, #tpu.memory_space<hbm>>, %arg5: memref<5120x1024xf32, #tpu.memory_space<hbm>>, %arg6: memref<64xi32, #tpu.memory_space<vmem>>, %arg7: memref<64xi32, #tpu.memory_space<vmem>>, %arg8: memref<64x1024xf32, #tpu.memory_space<vmem>>, %arg9: memref<!tpu.dma_semaphore, #tpu.memory_space<semaphore_mem>>, %arg10: memref<!tpu.dma_semaphore, #tpu.memory_space<semaphore_mem>>) attributes {dimension_semantics = [#tpu.dimension_semantics<core_parallel>, #tpu.dimension_semantics<subcore_parallel>], iteration_bounds = array<i64: 2, 16>, scalar_prefetch = 0 : i64, scratch_operands = 5 : i64, tpu.core_type = #tpu.core_type<sc_vector_subcore>, window_params = [{transform_indices = #map}, {transform_indices = #map1}, {transform_indices = #map1}, {transform_indices = #map}]} {
    %mul3A = arith.constant 2 : i32
    %mul3A_0 = arith.muli %arg1, %mul3A : i32
    %add3A = arith.addi %mul3A_0, %arg0 : i32
    %mul3A_1 = arith.constant 64 : i32
    %mul3A_2 = arith.muli %add3A, %mul3A_1 : i32
    %multiple_of3A = tpu.assume_multiple %mul3A_2, 64 : i32
    "tpu.region"() ({
      %run_scoped3A = tpu.sem_alloc : memref<!tpu.dma_semaphore, #tpu.memory_space<semaphore_mem>>
      %dma_start3A_13 = tpu.memref_slice %arg3[%multiple_of3A] : memref<2048xi32, #tpu.memory_space<hbm>> -> memref<64xi32, #tpu.memory_space<hbm>>
      %dma_start3A_14 = tpu.memref_slice %arg3[%multiple_of3A] : memref<2048xi32, #tpu.memory_space<hbm>> -> memref<64xi32, #tpu.memory_space<hbm>>
      tpu.enqueue_dma source(%dma_start3A_14 : memref<64xi32, #tpu.memory_space<hbm>>) target(%arg6 : memref<64xi32, #tpu.memory_space<vmem>>) target_semaphore(%run_scoped3A : memref<!tpu.dma_semaphore, #tpu.memory_space<semaphore_mem>>)
      %dma_wait3A_15 = tpu.memref_slice %arg3[%multiple_of3A] : memref<2048xi32, #tpu.memory_space<hbm>> -> memref<64xi32, #tpu.memory_space<hbm>>
      %dma_wait3A_16 = tpu.memref_slice %arg3[%multiple_of3A] : memref<2048xi32, #tpu.memory_space<hbm>> -> memref<64xi32, #tpu.memory_space<hbm>>
      tpu.wait_dma2 semaphore(%run_scoped3A : memref<!tpu.dma_semaphore, #tpu.memory_space<semaphore_mem>>) src(%dma_wait3A_16 : memref<64xi32, #tpu.memory_space<hbm>>) dst(%arg6 : memref<64xi32, #tpu.memory_space<vmem>>)
      tpu.yield
    }) : () -> ()
    "tpu.region"() ({
      %run_scoped3A = tpu.sem_alloc : memref<!tpu.dma_semaphore, #tpu.memory_space<semaphore_mem>>
      %dma_start3A_13 = tpu.memref_slice %arg4[%multiple_of3A] : memref<2048xi32, #tpu.memory_space<hbm>> -> memref<64xi32, #tpu.memory_space<hbm>>
      %dma_start3A_14 = tpu.memref_slice %arg4[%multiple_of3A] : memref<2048xi32, #tpu.memory_space<hbm>> -> memref<64xi32, #tpu.memory_space<hbm>>
      tpu.enqueue_dma source(%dma_start3A_14 : memref<64xi32, #tpu.memory_space<hbm>>) target(%arg7 : memref<64xi32, #tpu.memory_space<vmem>>) target_semaphore(%run_scoped3A : memref<!tpu.dma_semaphore, #tpu.memory_space<semaphore_mem>>)
      %dma_wait3A_15 = tpu.memref_slice %arg4[%multiple_of3A] : memref<2048xi32, #tpu.memory_space<hbm>> -> memref<64xi32, #tpu.memory_space<hbm>>
      %dma_wait3A_16 = tpu.memref_slice %arg4[%multiple_of3A] : memref<2048xi32, #tpu.memory_space<hbm>> -> memref<64xi32, #tpu.memory_space<hbm>>
      tpu.wait_dma2 semaphore(%run_scoped3A : memref<!tpu.dma_semaphore, #tpu.memory_space<semaphore_mem>>) src(%dma_wait3A_16 : memref<64xi32, #tpu.memory_space<hbm>>) dst(%arg7 : memref<64xi32, #tpu.memory_space<vmem>>)
      tpu.yield
    }) : () -> ()
    "tpu.region"() ({
      %run_scoped3A = tpu.sem_alloc : memref<!tpu.dma_semaphore, #tpu.memory_space<semaphore_mem>>
      %dma_start3A_13 = arith.constant 0 : i32
      %dma_start3A_14 = tpu.memref_slice %arg2[%multiple_of3A, %dma_start3A_13] : memref<2048x1024xf32, #tpu.memory_space<hbm>> -> memref<64x1024xf32, #tpu.memory_space<hbm>>
      %dma_start3A_15 = arith.constant 0 : i32
      %dma_start3A_16 = tpu.memref_slice %arg2[%multiple_of3A, %dma_start3A_15] : memref<2048x1024xf32, #tpu.memory_space<hbm>> -> memref<64x1024xf32, #tpu.memory_space<hbm>>
      tpu.enqueue_dma source(%dma_start3A_16 : memref<64x1024xf32, #tpu.memory_space<hbm>>) target(%arg8 : memref<64x1024xf32, #tpu.memory_space<vmem>>) target_semaphore(%run_scoped3A : memref<!tpu.dma_semaphore, #tpu.memory_space<semaphore_mem>>)
      %dma_wait3A_17 = arith.constant 0 : i32
      %dma_wait3A_18 = tpu.memref_slice %arg2[%multiple_of3A, %dma_wait3A_17] : memref<2048x1024xf32, #tpu.memory_space<hbm>> -> memref<64x1024xf32, #tpu.memory_space<hbm>>
      %dma_wait3A_19 = arith.constant 0 : i32
      %dma_wait3A_20 = tpu.memref_slice %arg2[%multiple_of3A, %dma_wait3A_19] : memref<2048x1024xf32, #tpu.memory_space<hbm>> -> memref<64x1024xf32, #tpu.memory_space<hbm>>
      tpu.wait_dma2 semaphore(%run_scoped3A : memref<!tpu.dma_semaphore, #tpu.memory_space<semaphore_mem>>) src(%dma_wait3A_20 : memref<64x1024xf32, #tpu.memory_space<hbm>>) dst(%arg8 : memref<64x1024xf32, #tpu.memory_space<vmem>>)
      tpu.yield
    }) : () -> ()
    %dma_start3A = arith.constant 0 : i32
    %dma_start3A_3 = arith.constant 0 : i32
    %dma_start3A_4 = tpu.memref_slice %arg5[%dma_start3A, %dma_start3A_3] : memref<5120x1024xf32, #tpu.memory_space<hbm>> -> memref<5120x1024xf32, #tpu.memory_space<hbm>>
    tpu.enqueue_indirect_dma source(%arg8 : memref<64x1024xf32, #tpu.memory_space<vmem>>) target(%dma_start3A_4 : memref<5120x1024xf32, #tpu.memory_space<hbm>>) offsets(%arg6 : memref<64xi32, #tpu.memory_space<vmem>>) semaphore(%arg9 : memref<!tpu.dma_semaphore, #tpu.memory_space<semaphore_mem>>)
    %dma_start3A_5 = arith.constant 0 : i32
    %dma_start3A_6 = arith.constant 0 : i32
    %dma_start3A_7 = tpu.memref_slice %arg5[%dma_start3A_5, %dma_start3A_6] : memref<5120x1024xf32, #tpu.memory_space<hbm>> -> memref<5120x1024xf32, #tpu.memory_space<hbm>>
    tpu.enqueue_indirect_dma source(%arg8 : memref<64x1024xf32, #tpu.memory_space<vmem>>) target(%dma_start3A_7 : memref<5120x1024xf32, #tpu.memory_space<hbm>>) offsets(%arg7 : memref<64xi32, #tpu.memory_space<vmem>>) semaphore(%arg10 : memref<!tpu.dma_semaphore, #tpu.memory_space<semaphore_mem>>)
    %dma_wait3A = arith.constant 0 : i32
    %dma_wait3A_8 = arith.constant 0 : i32
    %dma_wait3A_9 = tpu.memref_slice %arg5[%dma_wait3A, %dma_wait3A_8] : memref<5120x1024xf32, #tpu.memory_space<hbm>> -> memref<5120x1024xf32, #tpu.memory_space<hbm>>
    tpu.wait_indirect_dma semaphore(%arg9 : memref<!tpu.dma_semaphore, #tpu.memory_space<semaphore_mem>>) src(%arg8 : memref<64x1024xf32, #tpu.memory_space<vmem>>) dst(%dma_wait3A_9 : memref<5120x1024xf32, #tpu.memory_space<hbm>>)
    %dma_wait3A_10 = arith.constant 0 : i32
    %dma_wait3A_11 = arith.constant 0 : i32
    %dma_wait3A_12 = tpu.memref_slice %arg5[%dma_wait3A_10, %dma_wait3A_11] : memref<5120x1024xf32, #tpu.memory_space<hbm>> -> memref<5120x1024xf32, #tpu.memory_space<hbm>>
    tpu.wait_indirect_dma semaphore(%arg10 : memref<!tpu.dma_semaphore, #tpu.memory_space<semaphore_mem>>) src(%arg8 : memref<64x1024xf32, #tpu.memory_space<vmem>>) dst(%dma_wait3A_12 : memref<5120x1024xf32, #tpu.memory_space<hbm>>)
    return
  }
}

module attributes {stable_mosaic.version = 14 : i64} {
  func.func @_route_body(%arg0: i32, %arg1: memref<2048x1024xf32, #tpu.memory_space<vmem>>, %arg2: memref<1024x128xf32, #tpu.memory_space<vmem>>, %arg3: memref<1x128xf32, #tpu.memory_space<vmem>>, %arg4: memref<2048x8xf32, #tpu.memory_space<vmem>>, %arg5: memref<8x64xf32, #tpu.memory_space<vmem>>, %arg6: memref<2048x8xf32, #tpu.memory_space<vmem>>, %arg7: memref<2048x8xf32, #tpu.memory_space<vmem>>) attributes {dimension_semantics = [#tpu.dimension_semantics<arbitrary>], iteration_bounds = array<i64: 1>, scalar_prefetch = 0 : i64, scratch_operands = 2 : i64, tpu.core_type = #tpu.core_type<tc>, window_params = [{pipeline_mode = #tpu.pipeline_mode<synchronous>, transform_indices = @transform_0, window_bounds = array<i64: 2048, 1024>}, {pipeline_mode = #tpu.pipeline_mode<synchronous>, transform_indices = @transform_1, window_bounds = array<i64: 1024, 128>}, {pipeline_mode = #tpu.pipeline_mode<synchronous>, transform_indices = @transform_2, window_bounds = array<i64: 1, 128>}, {pipeline_mode = #tpu.pipeline_mode<synchronous>, transform_indices = @transform_3, window_bounds = array<i64: 2048, 8>}, {pipeline_mode = #tpu.pipeline_mode<synchronous>, transform_indices = @transform_4, window_bounds = array<i64: 8, 64>}]} {
    %get3A = arith.constant 0 : index
    %get3A_0 = arith.constant 0 : index
    %get3A_1 = vector.load %arg1[%get3A, %get3A_0] : memref<2048x1024xf32, #tpu.memory_space<vmem>>, vector<2048x1024xf32>
    %get3A_2 = arith.constant 0 : index
    %get3A_3 = arith.constant 0 : index
    %get3A_4 = vector.load %arg2[%get3A_2, %get3A_3] : memref<1024x128xf32, #tpu.memory_space<vmem>>, vector<1024x128xf32>
    %dot_general3A = arith.constant dense<0.000000e+00> : vector<2048x128xf32>
    %dot_general3A_5 = tpu.matmul %get3A_1, %get3A_4, %dot_general3A {dimension_numbers = #tpu.dot_dimension_numbers<[1], [0], [0], [1], [0, 0, 1, 1], [], []>, transpose_lhs_hint = false} : vector<2048x1024xf32>, vector<1024x128xf32>, vector<2048x128xf32> -> vector<2048x128xf32>
    %get3A_6 = arith.constant 0 : index
    %get3A_7 = arith.constant 0 : index
    %get3A_8 = vector.load %arg3[%get3A_6, %get3A_7] : memref<1x128xf32, #tpu.memory_space<vmem>>, vector<1x128xf32>
    %add3A = vector.broadcast %get3A_8 : vector<1x128xf32> to vector<2048x128xf32>
    %add3A_9 = arith.addf %dot_general3A_5, %add3A : vector<2048x128xf32>
    %iota3A = tpu.iota {dimensions = array<i32: 1>} : vector<2048x128xi32>
    %lt3A = arith.constant 8 : i32
    %lt3A_10 = vector.broadcast %lt3A : i32 to vector<2048x128xi32>
    %lt3A_11 = arith.cmpi slt, %iota3A, %lt3A_10 : vector<2048x128xi32>
    %jit3A = arith.constant 0xFF800000 : f32
    %broadcast_in_dim3A = vector.broadcast %jit3A : f32 to vector<2048x128xf32>
    %select_n3A = arith.select %lt3A_11, %add3A_9, %broadcast_in_dim3A : vector<2048x128xi1>, vector<2048x128xf32>
    %reduce_max3A = arith.constant dense<0xFF800000> : vector<2048xf32>
    %reduce_max3A_12 = vector.multi_reduction <maximumf>, %select_n3A, %reduce_max3A [1] : vector<2048x128xf32> to vector<2048xf32>
    %broadcast_in_dim3A_13 = vector.shape_cast %reduce_max3A_12 : vector<2048xf32> to vector<2048x1xf32>
    %eq3A = vector.broadcast %broadcast_in_dim3A_13 : vector<2048x1xf32> to vector<2048x128xf32>
    %eq3A_14 = arith.cmpf oeq, %select_n3A, %eq3A : vector<2048x128xf32>
    %jit3A_15 = arith.constant 128 : i32
    %broadcast_in_dim3A_16 = vector.broadcast %jit3A_15 : i32 to vector<2048x128xi32>
    %select_n3A_17 = arith.select %eq3A_14, %iota3A, %broadcast_in_dim3A_16 : vector<2048x128xi1>, vector<2048x128xi32>
    %reduce_min3A = arith.constant dense<2147483647> : vector<2048xi32>
    %reduce_min3A_18 = vector.multi_reduction <minsi>, %select_n3A_17, %reduce_min3A [1] : vector<2048x128xi32> to vector<2048xi32>
    %broadcast_in_dim3A_19 = vector.shape_cast %reduce_min3A_18 : vector<2048xi32> to vector<2048x1xi32>
    %eq3A_20 = vector.broadcast %broadcast_in_dim3A_19 : vector<2048x1xi32> to vector<2048x128xi32>
    %eq3A_21 = arith.cmpi eq, %iota3A, %eq3A_20 : vector<2048x128xi32>
    %jit3A_22 = arith.constant 0xFF800000 : f32
    %broadcast_in_dim3A_23 = vector.broadcast %jit3A_22 : f32 to vector<2048x128xf32>
    %select_n3A_24 = arith.select %eq3A_21, %broadcast_in_dim3A_23, %select_n3A : vector<2048x128xi1>, vector<2048x128xf32>
    %reduce_max3A_25 = arith.constant dense<0xFF800000> : vector<2048xf32>
    %reduce_max3A_26 = vector.multi_reduction <maximumf>, %select_n3A_24, %reduce_max3A_25 [1] : vector<2048x128xf32> to vector<2048xf32>
    %broadcast_in_dim3A_27 = vector.shape_cast %reduce_max3A_26 : vector<2048xf32> to vector<2048x1xf32>
    %eq3A_28 = vector.broadcast %broadcast_in_dim3A_27 : vector<2048x1xf32> to vector<2048x128xf32>
    %eq3A_29 = arith.cmpf oeq, %select_n3A_24, %eq3A_28 : vector<2048x128xf32>
    %jit3A_30 = arith.constant 128 : i32
    %broadcast_in_dim3A_31 = vector.broadcast %jit3A_30 : i32 to vector<2048x128xi32>
    %select_n3A_32 = arith.select %eq3A_29, %iota3A, %broadcast_in_dim3A_31 : vector<2048x128xi1>, vector<2048x128xi32>
    %reduce_min3A_33 = arith.constant dense<2147483647> : vector<2048xi32>
    %reduce_min3A_34 = vector.multi_reduction <minsi>, %select_n3A_32, %reduce_min3A_33 [1] : vector<2048x128xi32> to vector<2048xi32>
    %broadcast_in_dim3A_35 = vector.shape_cast %reduce_min3A_34 : vector<2048xi32> to vector<2048x1xi32>
    %sub3A = arith.subf %broadcast_in_dim3A_27, %broadcast_in_dim3A_13 : vector<2048x1xf32>
    %exp3A = math.exp %sub3A : vector<2048x1xf32>
    %add3A_36 = arith.constant 1.000000e+00 : f32
    %add3A_37 = vector.broadcast %add3A_36 : f32 to vector<2048x1xf32>
    %add3A_38 = arith.addf %add3A_37, %exp3A : vector<2048x1xf32>
    %div3A = arith.constant 1.000000e+00 : f32
    %div3A_39 = vector.broadcast %div3A : f32 to vector<2048x1xf32>
    %div3A_40 = arith.divf %div3A_39, %add3A_38 : vector<2048x1xf32>
    %sub3A_41 = arith.constant 1.000000e+00 : f32
    %sub3A_42 = vector.broadcast %sub3A_41 : f32 to vector<2048x1xf32>
    %sub3A_43 = arith.subf %sub3A_42, %div3A_40 : vector<2048x1xf32>
    %iota3A_44 = tpu.iota {dimensions = array<i32: 1>} : vector<2048x8xi32>
    %eq3A_45 = vector.broadcast %broadcast_in_dim3A_19 : vector<2048x1xi32> to vector<2048x8xi32>
    %eq3A_46 = arith.cmpi eq, %iota3A_44, %eq3A_45 : vector<2048x8xi32>
    %convert_element_type3A = arith.extui %eq3A_46 : vector<2048x8xi1> to vector<2048x8xi32>
    %convert_element_type3A_47 = arith.sitofp %convert_element_type3A : vector<2048x8xi32> to vector<2048x8xf32>
    %eq3A_48 = vector.broadcast %broadcast_in_dim3A_35 : vector<2048x1xi32> to vector<2048x8xi32>
    %eq3A_49 = arith.cmpi eq, %iota3A_44, %eq3A_48 : vector<2048x8xi32>
    %convert_element_type3A_50 = arith.extui %eq3A_49 : vector<2048x8xi1> to vector<2048x8xi32>
    %convert_element_type3A_51 = arith.sitofp %convert_element_type3A_50 : vector<2048x8xi32> to vector<2048x8xf32>
    %iota3A_52 = tpu.iota {dimensions = array<i32: 0>} : vector<128x128xi32>
    %iota3A_53 = tpu.iota {dimensions = array<i32: 1>} : vector<128x128xi32>
    %gt3A = arith.cmpi sgt, %iota3A_52, %iota3A_53 : vector<128x128xi32>
    %convert_element_type3A_54 = arith.extui %gt3A : vector<128x128xi1> to vector<128x128xi32>
    %convert_element_type3A_55 = arith.sitofp %convert_element_type3A_54 : vector<128x128xi32> to vector<128x128xf32>
    %broadcast_in_dim3A_56 = arith.constant 0.000000e+00 : f32
    %broadcast_in_dim3A_57 = vector.broadcast %broadcast_in_dim3A_56 : f32 to vector<1x8xf32>
    %broadcast_in_dim3A_58 = arith.constant 0.000000e+00 : f32
    %broadcast_in_dim3A_59 = vector.broadcast %broadcast_in_dim3A_58 : f32 to vector<1x8xf32>
    %slice3A = vector.extract_strided_slice %convert_element_type3A_47 {offsets = [0, 0], sizes = [128, 8], strides = [1, 1]} : vector<2048x8xf32> to vector<128x8xf32>
    %slice3A_60 = vector.extract_strided_slice %convert_element_type3A_51 {offsets = [0, 0], sizes = [128, 8], strides = [1, 1]} : vector<2048x8xf32> to vector<128x8xf32>
    %dot_general3A_61 = arith.constant dense<0.000000e+00> : vector<128x8xf32>
    %dot_general3A_62 = tpu.matmul %convert_element_type3A_55, %slice3A, %dot_general3A_61 {dimension_numbers = #tpu.dot_dimension_numbers<[1], [0], [0], [1], [0, 0, 1, 1], [], []>, transpose_lhs_hint = false} : vector<128x128xf32>, vector<128x8xf32>, vector<128x8xf32> -> vector<128x8xf32>
    %add3A_63 = vector.broadcast %broadcast_in_dim3A_57 : vector<1x8xf32> to vector<128x8xf32>
    %add3A_64 = arith.addf %dot_general3A_62, %add3A_63 : vector<128x8xf32>
    %swap3A = arith.constant 0 : index
    %swap3A_65 = arith.constant 0 : index
    %swap3A_66 = vector.load %arg6[%swap3A, %swap3A_65] : memref<2048x8xf32, #tpu.memory_space<vmem>>, vector<128x8xf32>
    tpu.vector_store %arg6[%swap3A, %swap3A_65], %add3A_64 {strides = array<i32>} : memref<2048x8xf32, #tpu.memory_space<vmem>>, vector<128x8xf32>,
    %dot_general3A_67 = arith.constant dense<0.000000e+00> : vector<128x8xf32>
    %dot_general3A_68 = tpu.matmul %convert_element_type3A_55, %slice3A_60, %dot_general3A_67 {dimension_numbers = #tpu.dot_dimension_numbers<[1], [0], [0], [1], [0, 0, 1, 1], [], []>, transpose_lhs_hint = false} : vector<128x128xf32>, vector<128x8xf32>, vector<128x8xf32> -> vector<128x8xf32>
    %add3A_69 = vector.broadcast %broadcast_in_dim3A_59 : vector<1x8xf32> to vector<128x8xf32>
    %add3A_70 = arith.addf %dot_general3A_68, %add3A_69 : vector<128x8xf32>
    %swap3A_71 = arith.constant 0 : index
    %swap3A_72 = arith.constant 0 : index
    %swap3A_73 = vector.load %arg7[%swap3A_71, %swap3A_72] : memref<2048x8xf32, #tpu.memory_space<vmem>>, vector<128x8xf32>
    tpu.vector_store %arg7[%swap3A_71, %swap3A_72], %add3A_70 {strides = array<i32>} : memref<2048x8xf32, #tpu.memory_space<vmem>>, vector<128x8xf32>,
    %reduce_sum3A = arith.constant dense<0.000000e+00> : vector<8xf32>
    %reduce_sum3A_74 = vector.multi_reduction <add>, %slice3A, %reduce_sum3A [0] : vector<128x8xf32> to vector<8xf32>
    %broadcast_in_dim3A_75 = vector.shape_cast %reduce_sum3A_74 : vector<8xf32> to vector<1x8xf32>
    %add3A_76 = arith.addf %broadcast_in_dim3A_57, %broadcast_in_dim3A_75 : vector<1x8xf32>
    %reduce_sum3A_77 = arith.constant dense<0.000000e+00> : vector<8xf32>
    %reduce_sum3A_78 = vector.multi_reduction <add>, %slice3A_60, %reduce_sum3A_77 [0] : vector<128x8xf32> to vector<8xf32>
    %broadcast_in_dim3A_79 = vector.shape_cast %reduce_sum3A_78 : vector<8xf32> to vector<1x8xf32>
    %add3A_80 = arith.addf %broadcast_in_dim3A_59, %broadcast_in_dim3A_79 : vector<1x8xf32>
    %slice3A_81 = vector.extract_strided_slice %convert_element_type3A_47 {offsets = [128, 0], sizes = [128, 8], strides = [1, 1]} : vector<2048x8xf32> to vector<128x8xf32>
    %slice3A_82 = vector.extract_strided_slice %convert_element_type3A_51 {offsets = [128, 0], sizes = [128, 8], strides = [1, 1]} : vector<2048x8xf32> to vector<128x8xf32>
    %dot_general3A_83 = arith.constant dense<0.000000e+00> : vector<128x8xf32>
    %dot_general3A_84 = tpu.matmul %convert_element_type3A_55, %slice3A_81, %dot_general3A_83 {dimension_numbers = #tpu.dot_dimension_numbers<[1], [0], [0], [1], [0, 0, 1, 1], [], []>, transpose_lhs_hint = false} : vector<128x128xf32>, vector<128x8xf32>, vector<128x8xf32> -> vector<128x8xf32>
    %add3A_85 = vector.broadcast %add3A_76 : vector<1x8xf32> to vector<128x8xf32>
    %add3A_86 = arith.addf %dot_general3A_84, %add3A_85 : vector<128x8xf32>
    %swap3A_87 = arith.constant 128 : index
    %swap3A_88 = arith.constant 0 : index
    %swap3A_89 = vector.load %arg6[%swap3A_87, %swap3A_88] : memref<2048x8xf32, #tpu.memory_space<vmem>>, vector<128x8xf32>
    tpu.vector_store %arg6[%swap3A_87, %swap3A_88], %add3A_86 {strides = array<i32>} : memref<2048x8xf32, #tpu.memory_space<vmem>>, vector<128x8xf32>,
    %dot_general3A_90 = arith.constant dense<0.000000e+00> : vector<128x8xf32>
    %dot_general3A_91 = tpu.matmul %convert_element_type3A_55, %slice3A_82, %dot_general3A_90 {dimension_numbers = #tpu.dot_dimension_numbers<[1], [0], [0], [1], [0, 0, 1, 1], [], []>, transpose_lhs_hint = false} : vector<128x128xf32>, vector<128x8xf32>, vector<128x8xf32> -> vector<128x8xf32>
    %add3A_92 = vector.broadcast %add3A_80 : vector<1x8xf32> to vector<128x8xf32>
    %add3A_93 = arith.addf %dot_general3A_91, %add3A_92 : vector<128x8xf32>
    %swap3A_94 = arith.constant 128 : index
    %swap3A_95 = arith.constant 0 : index
    %swap3A_96 = vector.load %arg7[%swap3A_94, %swap3A_95] : memref<2048x8xf32, #tpu.memory_space<vmem>>, vector<128x8xf32>
    tpu.vector_store %arg7[%swap3A_94, %swap3A_95], %add3A_93 {strides = array<i32>} : memref<2048x8xf32, #tpu.memory_space<vmem>>, vector<128x8xf32>,
    %reduce_sum3A_97 = arith.constant dense<0.000000e+00> : vector<8xf32>
    %reduce_sum3A_98 = vector.multi_reduction <add>, %slice3A_81, %reduce_sum3A_97 [0] : vector<128x8xf32> to vector<8xf32>
    %broadcast_in_dim3A_99 = vector.shape_cast %reduce_sum3A_98 : vector<8xf32> to vector<1x8xf32>
    %add3A_100 = arith.addf %add3A_76, %broadcast_in_dim3A_99 : vector<1x8xf32>
    %reduce_sum3A_101 = arith.constant dense<0.000000e+00> : vector<8xf32>
    %reduce_sum3A_102 = vector.multi_reduction <add>, %slice3A_82, %reduce_sum3A_101 [0] : vector<128x8xf32> to vector<8xf32>
    %broadcast_in_dim3A_103 = vector.shape_cast %reduce_sum3A_102 : vector<8xf32> to vector<1x8xf32>
    %add3A_104 = arith.addf %add3A_80, %broadcast_in_dim3A_103 : vector<1x8xf32>
    %slice3A_105 = vector.extract_strided_slice %convert_element_type3A_47 {offsets = [256, 0], sizes = [128, 8], strides = [1, 1]} : vector<2048x8xf32> to vector<128x8xf32>
    %slice3A_106 = vector.extract_strided_slice %convert_element_type3A_51 {offsets = [256, 0], sizes = [128, 8], strides = [1, 1]} : vector<2048x8xf32> to vector<128x8xf32>
    %dot_general3A_107 = arith.constant dense<0.000000e+00> : vector<128x8xf32>
    %dot_general3A_108 = tpu.matmul %convert_element_type3A_55, %slice3A_105, %dot_general3A_107 {dimension_numbers = #tpu.dot_dimension_numbers<[1], [0], [0], [1], [0, 0, 1, 1], [], []>, transpose_lhs_hint = false} : vector<128x128xf32>, vector<128x8xf32>, vector<128x8xf32> -> vector<128x8xf32>
    %add3A_109 = vector.broadcast %add3A_100 : vector<1x8xf32> to vector<128x8xf32>
    %add3A_110 = arith.addf %dot_general3A_108, %add3A_109 : vector<128x8xf32>
    %swap3A_111 = arith.constant 256 : index
    %swap3A_112 = arith.constant 0 : index
    %swap3A_113 = vector.load %arg6[%swap3A_111, %swap3A_112] : memref<2048x8xf32, #tpu.memory_space<vmem>>, vector<128x8xf32>
    tpu.vector_store %arg6[%swap3A_111, %swap3A_112], %add3A_110 {strides = array<i32>} : memref<2048x8xf32, #tpu.memory_space<vmem>>, vector<128x8xf32>,
    %dot_general3A_114 = arith.constant dense<0.000000e+00> : vector<128x8xf32>
    %dot_general3A_115 = tpu.matmul %convert_element_type3A_55, %slice3A_106, %dot_general3A_114 {dimension_numbers = #tpu.dot_dimension_numbers<[1], [0], [0], [1], [0, 0, 1, 1], [], []>, transpose_lhs_hint = false} : vector<128x128xf32>, vector<128x8xf32>, vector<128x8xf32> -> vector<128x8xf32>
    %add3A_116 = vector.broadcast %add3A_104 : vector<1x8xf32> to vector<128x8xf32>
    %add3A_117 = arith.addf %dot_general3A_115, %add3A_116 : vector<128x8xf32>
    %swap3A_118 = arith.constant 256 : index
    %swap3A_119 = arith.constant 0 : index
    %swap3A_120 = vector.load %arg7[%swap3A_118, %swap3A_119] : memref<2048x8xf32, #tpu.memory_space<vmem>>, vector<128x8xf32>
    tpu.vector_store %arg7[%swap3A_118, %swap3A_119], %add3A_117 {strides = array<i32>} : memref<2048x8xf32, #tpu.memory_space<vmem>>, vector<128x8xf32>,
    %reduce_sum3A_121 = arith.constant dense<0.000000e+00> : vector<8xf32>
    %reduce_sum3A_122 = vector.multi_reduction <add>, %slice3A_105, %reduce_sum3A_121 [0] : vector<128x8xf32> to vector<8xf32>
    %broadcast_in_dim3A_123 = vector.shape_cast %reduce_sum3A_122 : vector<8xf32> to vector<1x8xf32>
    %add3A_124 = arith.addf %add3A_100, %broadcast_in_dim3A_123 : vector<1x8xf32>
    %reduce_sum3A_125 = arith.constant dense<0.000000e+00> : vector<8xf32>
    %reduce_sum3A_126 = vector.multi_reduction <add>, %slice3A_106, %reduce_sum3A_125 [0] : vector<128x8xf32> to vector<8xf32>
    %broadcast_in_dim3A_127 = vector.shape_cast %reduce_sum3A_126 : vector<8xf32> to vector<1x8xf32>
    %add3A_128 = arith.addf %add3A_104, %broadcast_in_dim3A_127 : vector<1x8xf32>
    %slice3A_129 = vector.extract_strided_slice %convert_element_type3A_47 {offsets = [384, 0], sizes = [128, 8], strides = [1, 1]} : vector<2048x8xf32> to vector<128x8xf32>
    %slice3A_130 = vector.extract_strided_slice %convert_element_type3A_51 {offsets = [384, 0], sizes = [128, 8], strides = [1, 1]} : vector<2048x8xf32> to vector<128x8xf32>
    %dot_general3A_131 = arith.constant dense<0.000000e+00> : vector<128x8xf32>
    %dot_general3A_132 = tpu.matmul %convert_element_type3A_55, %slice3A_129, %dot_general3A_131 {dimension_numbers = #tpu.dot_dimension_numbers<[1], [0], [0], [1], [0, 0, 1, 1], [], []>, transpose_lhs_hint = false} : vector<128x128xf32>, vector<128x8xf32>, vector<128x8xf32> -> vector<128x8xf32>
    %add3A_133 = vector.broadcast %add3A_124 : vector<1x8xf32> to vector<128x8xf32>
    %add3A_134 = arith.addf %dot_general3A_132, %add3A_133 : vector<128x8xf32>
    %swap3A_135 = arith.constant 384 : index
    %swap3A_136 = arith.constant 0 : index
    %swap3A_137 = vector.load %arg6[%swap3A_135, %swap3A_136] : memref<2048x8xf32, #tpu.memory_space<vmem>>, vector<128x8xf32>
    tpu.vector_store %arg6[%swap3A_135, %swap3A_136], %add3A_134 {strides = array<i32>} : memref<2048x8xf32, #tpu.memory_space<vmem>>, vector<128x8xf32>,
    %dot_general3A_138 = arith.constant dense<0.000000e+00> : vector<128x8xf32>
    %dot_general3A_139 = tpu.matmul %convert_element_type3A_55, %slice3A_130, %dot_general3A_138 {dimension_numbers = #tpu.dot_dimension_numbers<[1], [0], [0], [1], [0, 0, 1, 1], [], []>, transpose_lhs_hint = false} : vector<128x128xf32>, vector<128x8xf32>, vector<128x8xf32> -> vector<128x8xf32>
    %add3A_140 = vector.broadcast %add3A_128 : vector<1x8xf32> to vector<128x8xf32>
    %add3A_141 = arith.addf %dot_general3A_139, %add3A_140 : vector<128x8xf32>
    %swap3A_142 = arith.constant 384 : index
    %swap3A_143 = arith.constant 0 : index
    %swap3A_144 = vector.load %arg7[%swap3A_142, %swap3A_143] : memref<2048x8xf32, #tpu.memory_space<vmem>>, vector<128x8xf32>
    tpu.vector_store %arg7[%swap3A_142, %swap3A_143], %add3A_141 {strides = array<i32>} : memref<2048x8xf32, #tpu.memory_space<vmem>>, vector<128x8xf32>,
    %reduce_sum3A_145 = arith.constant dense<0.000000e+00> : vector<8xf32>
    %reduce_sum3A_146 = vector.multi_reduction <add>, %slice3A_129, %reduce_sum3A_145 [0] : vector<128x8xf32> to vector<8xf32>
    %broadcast_in_dim3A_147 = vector.shape_cast %reduce_sum3A_146 : vector<8xf32> to vector<1x8xf32>
    %add3A_148 = arith.addf %add3A_124, %broadcast_in_dim3A_147 : vector<1x8xf32>
    %reduce_sum3A_149 = arith.constant dense<0.000000e+00> : vector<8xf32>
    %reduce_sum3A_150 = vector.multi_reduction <add>, %slice3A_130, %reduce_sum3A_149 [0] : vector<128x8xf32> to vector<8xf32>
    %broadcast_in_dim3A_151 = vector.shape_cast %reduce_sum3A_150 : vector<8xf32> to vector<1x8xf32>
    %add3A_152 = arith.addf %add3A_128, %broadcast_in_dim3A_151 : vector<1x8xf32>
    %slice3A_153 = vector.extract_strided_slice %convert_element_type3A_47 {offsets = [512, 0], sizes = [128, 8], strides = [1, 1]} : vector<2048x8xf32> to vector<128x8xf32>
    %slice3A_154 = vector.extract_strided_slice %convert_element_type3A_51 {offsets = [512, 0], sizes = [128, 8], strides = [1, 1]} : vector<2048x8xf32> to vector<128x8xf32>
    %dot_general3A_155 = arith.constant dense<0.000000e+00> : vector<128x8xf32>
    %dot_general3A_156 = tpu.matmul %convert_element_type3A_55, %slice3A_153, %dot_general3A_155 {dimension_numbers = #tpu.dot_dimension_numbers<[1], [0], [0], [1], [0, 0, 1, 1], [], []>, transpose_lhs_hint = false} : vector<128x128xf32>, vector<128x8xf32>, vector<128x8xf32> -> vector<128x8xf32>
    %add3A_157 = vector.broadcast %add3A_148 : vector<1x8xf32> to vector<128x8xf32>
    %add3A_158 = arith.addf %dot_general3A_156, %add3A_157 : vector<128x8xf32>
    %swap3A_159 = arith.constant 512 : index
    %swap3A_160 = arith.constant 0 : index
    %swap3A_161 = vector.load %arg6[%swap3A_159, %swap3A_160] : memref<2048x8xf32, #tpu.memory_space<vmem>>, vector<128x8xf32>
    tpu.vector_store %arg6[%swap3A_159, %swap3A_160], %add3A_158 {strides = array<i32>} : memref<2048x8xf32, #tpu.memory_space<vmem>>, vector<128x8xf32>,
    %dot_general3A_162 = arith.constant dense<0.000000e+00> : vector<128x8xf32>
    %dot_general3A_163 = tpu.matmul %convert_element_type3A_55, %slice3A_154, %dot_general3A_162 {dimension_numbers = #tpu.dot_dimension_numbers<[1], [0], [0], [1], [0, 0, 1, 1], [], []>, transpose_lhs_hint = false} : vector<128x128xf32>, vector<128x8xf32>, vector<128x8xf32> -> vector<128x8xf32>
    %add3A_164 = vector.broadcast %add3A_152 : vector<1x8xf32> to vector<128x8xf32>
    %add3A_165 = arith.addf %dot_general3A_163, %add3A_164 : vector<128x8xf32>
    %swap3A_166 = arith.constant 512 : index
    %swap3A_167 = arith.constant 0 : index
    %swap3A_168 = vector.load %arg7[%swap3A_166, %swap3A_167] : memref<2048x8xf32, #tpu.memory_space<vmem>>, vector<128x8xf32>
    tpu.vector_store %arg7[%swap3A_166, %swap3A_167], %add3A_165 {strides = array<i32>} : memref<2048x8xf32, #tpu.memory_space<vmem>>, vector<128x8xf32>,
    %reduce_sum3A_169 = arith.constant dense<0.000000e+00> : vector<8xf32>
    %reduce_sum3A_170 = vector.multi_reduction <add>, %slice3A_153, %reduce_sum3A_169 [0] : vector<128x8xf32> to vector<8xf32>
    %broadcast_in_dim3A_171 = vector.shape_cast %reduce_sum3A_170 : vector<8xf32> to vector<1x8xf32>
    %add3A_172 = arith.addf %add3A_148, %broadcast_in_dim3A_171 : vector<1x8xf32>
    %reduce_sum3A_173 = arith.constant dense<0.000000e+00> : vector<8xf32>
    %reduce_sum3A_174 = vector.multi_reduction <add>, %slice3A_154, %reduce_sum3A_173 [0] : vector<128x8xf32> to vector<8xf32>
    %broadcast_in_dim3A_175 = vector.shape_cast %reduce_sum3A_174 : vector<8xf32> to vector<1x8xf32>
    %add3A_176 = arith.addf %add3A_152, %broadcast_in_dim3A_175 : vector<1x8xf32>
    %slice3A_177 = vector.extract_strided_slice %convert_element_type3A_47 {offsets = [640, 0], sizes = [128, 8], strides = [1, 1]} : vector<2048x8xf32> to vector<128x8xf32>
    %slice3A_178 = vector.extract_strided_slice %convert_element_type3A_51 {offsets = [640, 0], sizes = [128, 8], strides = [1, 1]} : vector<2048x8xf32> to vector<128x8xf32>
    %dot_general3A_179 = arith.constant dense<0.000000e+00> : vector<128x8xf32>
    %dot_general3A_180 = tpu.matmul %convert_element_type3A_55, %slice3A_177, %dot_general3A_179 {dimension_numbers = #tpu.dot_dimension_numbers<[1], [0], [0], [1], [0, 0, 1, 1], [], []>, transpose_lhs_hint = false} : vector<128x128xf32>, vector<128x8xf32>, vector<128x8xf32> -> vector<128x8xf32>
    %add3A_181 = vector.broadcast %add3A_172 : vector<1x8xf32> to vector<128x8xf32>
    %add3A_182 = arith.addf %dot_general3A_180, %add3A_181 : vector<128x8xf32>
    %swap3A_183 = arith.constant 640 : index
    %swap3A_184 = arith.constant 0 : index
    %swap3A_185 = vector.load %arg6[%swap3A_183, %swap3A_184] : memref<2048x8xf32, #tpu.memory_space<vmem>>, vector<128x8xf32>
    tpu.vector_store %arg6[%swap3A_183, %swap3A_184], %add3A_182 {strides = array<i32>} : memref<2048x8xf32, #tpu.memory_space<vmem>>, vector<128x8xf32>,
    %dot_general3A_186 = arith.constant dense<0.000000e+00> : vector<128x8xf32>
    %dot_general3A_187 = tpu.matmul %convert_element_type3A_55, %slice3A_178, %dot_general3A_186 {dimension_numbers = #tpu.dot_dimension_numbers<[1], [0], [0], [1], [0, 0, 1, 1], [], []>, transpose_lhs_hint = false} : vector<128x128xf32>, vector<128x8xf32>, vector<128x8xf32> -> vector<128x8xf32>
    %add3A_188 = vector.broadcast %add3A_176 : vector<1x8xf32> to vector<128x8xf32>
    %add3A_189 = arith.addf %dot_general3A_187, %add3A_188 : vector<128x8xf32>
    %swap3A_190 = arith.constant 640 : index
    %swap3A_191 = arith.constant 0 : index
    %swap3A_192 = vector.load %arg7[%swap3A_190, %swap3A_191] : memref<2048x8xf32, #tpu.memory_space<vmem>>, vector<128x8xf32>
    tpu.vector_store %arg7[%swap3A_190, %swap3A_191], %add3A_189 {strides = array<i32>} : memref<2048x8xf32, #tpu.memory_space<vmem>>, vector<128x8xf32>,
    %reduce_sum3A_193 = arith.constant dense<0.000000e+00> : vector<8xf32>
    %reduce_sum3A_194 = vector.multi_reduction <add>, %slice3A_177, %reduce_sum3A_193 [0] : vector<128x8xf32> to vector<8xf32>
    %broadcast_in_dim3A_195 = vector.shape_cast %reduce_sum3A_194 : vector<8xf32> to vector<1x8xf32>
    %add3A_196 = arith.addf %add3A_172, %broadcast_in_dim3A_195 : vector<1x8xf32>
    %reduce_sum3A_197 = arith.constant dense<0.000000e+00> : vector<8xf32>
    %reduce_sum3A_198 = vector.multi_reduction <add>, %slice3A_178, %reduce_sum3A_197 [0] : vector<128x8xf32> to vector<8xf32>
    %broadcast_in_dim3A_199 = vector.shape_cast %reduce_sum3A_198 : vector<8xf32> to vector<1x8xf32>
    %add3A_200 = arith.addf %add3A_176, %broadcast_in_dim3A_199 : vector<1x8xf32>
    %slice3A_201 = vector.extract_strided_slice %convert_element_type3A_47 {offsets = [768, 0], sizes = [128, 8], strides = [1, 1]} : vector<2048x8xf32> to vector<128x8xf32>
    %slice3A_202 = vector.extract_strided_slice %convert_element_type3A_51 {offsets = [768, 0], sizes = [128, 8], strides = [1, 1]} : vector<2048x8xf32> to vector<128x8xf32>
    %dot_general3A_203 = arith.constant dense<0.000000e+00> : vector<128x8xf32>
    %dot_general3A_204 = tpu.matmul %convert_element_type3A_55, %slice3A_201, %dot_general3A_203 {dimension_numbers = #tpu.dot_dimension_numbers<[1], [0], [0], [1], [0, 0, 1, 1], [], []>, transpose_lhs_hint = false} : vector<128x128xf32>, vector<128x8xf32>, vector<128x8xf32> -> vector<128x8xf32>
    %add3A_205 = vector.broadcast %add3A_196 : vector<1x8xf32> to vector<128x8xf32>
    %add3A_206 = arith.addf %dot_general3A_204, %add3A_205 : vector<128x8xf32>
    %swap3A_207 = arith.constant 768 : index
    %swap3A_208 = arith.constant 0 : index
    %swap3A_209 = vector.load %arg6[%swap3A_207, %swap3A_208] : memref<2048x8xf32, #tpu.memory_space<vmem>>, vector<128x8xf32>
    tpu.vector_store %arg6[%swap3A_207, %swap3A_208], %add3A_206 {strides = array<i32>} : memref<2048x8xf32, #tpu.memory_space<vmem>>, vector<128x8xf32>,
    %dot_general3A_210 = arith.constant dense<0.000000e+00> : vector<128x8xf32>
    %dot_general3A_211 = tpu.matmul %convert_element_type3A_55, %slice3A_202, %dot_general3A_210 {dimension_numbers = #tpu.dot_dimension_numbers<[1], [0], [0], [1], [0, 0, 1, 1], [], []>, transpose_lhs_hint = false} : vector<128x128xf32>, vector<128x8xf32>, vector<128x8xf32> -> vector<128x8xf32>
    %add3A_212 = vector.broadcast %add3A_200 : vector<1x8xf32> to vector<128x8xf32>
    %add3A_213 = arith.addf %dot_general3A_211, %add3A_212 : vector<128x8xf32>
    %swap3A_214 = arith.constant 768 : index
    %swap3A_215 = arith.constant 0 : index
    %swap3A_216 = vector.load %arg7[%swap3A_214, %swap3A_215] : memref<2048x8xf32, #tpu.memory_space<vmem>>, vector<128x8xf32>
    tpu.vector_store %arg7[%swap3A_214, %swap3A_215], %add3A_213 {strides = array<i32>} : memref<2048x8xf32, #tpu.memory_space<vmem>>, vector<128x8xf32>,
    %reduce_sum3A_217 = arith.constant dense<0.000000e+00> : vector<8xf32>
    %reduce_sum3A_218 = vector.multi_reduction <add>, %slice3A_201, %reduce_sum3A_217 [0] : vector<128x8xf32> to vector<8xf32>
    %broadcast_in_dim3A_219 = vector.shape_cast %reduce_sum3A_218 : vector<8xf32> to vector<1x8xf32>
    %add3A_220 = arith.addf %add3A_196, %broadcast_in_dim3A_219 : vector<1x8xf32>
    %reduce_sum3A_221 = arith.constant dense<0.000000e+00> : vector<8xf32>
    %reduce_sum3A_222 = vector.multi_reduction <add>, %slice3A_202, %reduce_sum3A_221 [0] : vector<128x8xf32> to vector<8xf32>
    %broadcast_in_dim3A_223 = vector.shape_cast %reduce_sum3A_222 : vector<8xf32> to vector<1x8xf32>
    %add3A_224 = arith.addf %add3A_200, %broadcast_in_dim3A_223 : vector<1x8xf32>
    %slice3A_225 = vector.extract_strided_slice %convert_element_type3A_47 {offsets = [896, 0], sizes = [128, 8], strides = [1, 1]} : vector<2048x8xf32> to vector<128x8xf32>
    %slice3A_226 = vector.extract_strided_slice %convert_element_type3A_51 {offsets = [896, 0], sizes = [128, 8], strides = [1, 1]} : vector<2048x8xf32> to vector<128x8xf32>
    %dot_general3A_227 = arith.constant dense<0.000000e+00> : vector<128x8xf32>
    %dot_general3A_228 = tpu.matmul %convert_element_type3A_55, %slice3A_225, %dot_general3A_227 {dimension_numbers = #tpu.dot_dimension_numbers<[1], [0], [0], [1], [0, 0, 1, 1], [], []>, transpose_lhs_hint = false} : vector<128x128xf32>, vector<128x8xf32>, vector<128x8xf32> -> vector<128x8xf32>
    %add3A_229 = vector.broadcast %add3A_220 : vector<1x8xf32> to vector<128x8xf32>
    %add3A_230 = arith.addf %dot_general3A_228, %add3A_229 : vector<128x8xf32>
    %swap3A_231 = arith.constant 896 : index
    %swap3A_232 = arith.constant 0 : index
    %swap3A_233 = vector.load %arg6[%swap3A_231, %swap3A_232] : memref<2048x8xf32, #tpu.memory_space<vmem>>, vector<128x8xf32>
    tpu.vector_store %arg6[%swap3A_231, %swap3A_232], %add3A_230 {strides = array<i32>} : memref<2048x8xf32, #tpu.memory_space<vmem>>, vector<128x8xf32>,
    %dot_general3A_234 = arith.constant dense<0.000000e+00> : vector<128x8xf32>
    %dot_general3A_235 = tpu.matmul %convert_element_type3A_55, %slice3A_226, %dot_general3A_234 {dimension_numbers = #tpu.dot_dimension_numbers<[1], [0], [0], [1], [0, 0, 1, 1], [], []>, transpose_lhs_hint = false} : vector<128x128xf32>, vector<128x8xf32>, vector<128x8xf32> -> vector<128x8xf32>
    %add3A_236 = vector.broadcast %add3A_224 : vector<1x8xf32> to vector<128x8xf32>
    %add3A_237 = arith.addf %dot_general3A_235, %add3A_236 : vector<128x8xf32>
    %swap3A_238 = arith.constant 896 : index
    %swap3A_239 = arith.constant 0 : index
    %swap3A_240 = vector.load %arg7[%swap3A_238, %swap3A_239] : memref<2048x8xf32, #tpu.memory_space<vmem>>, vector<128x8xf32>
    tpu.vector_store %arg7[%swap3A_238, %swap3A_239], %add3A_237 {strides = array<i32>} : memref<2048x8xf32, #tpu.memory_space<vmem>>, vector<128x8xf32>,
    %reduce_sum3A_241 = arith.constant dense<0.000000e+00> : vector<8xf32>
    %reduce_sum3A_242 = vector.multi_reduction <add>, %slice3A_225, %reduce_sum3A_241 [0] : vector<128x8xf32> to vector<8xf32>
    %broadcast_in_dim3A_243 = vector.shape_cast %reduce_sum3A_242 : vector<8xf32> to vector<1x8xf32>
    %add3A_244 = arith.addf %add3A_220, %broadcast_in_dim3A_243 : vector<1x8xf32>
    %reduce_sum3A_245 = arith.constant dense<0.000000e+00> : vector<8xf32>
    %reduce_sum3A_246 = vector.multi_reduction <add>, %slice3A_226, %reduce_sum3A_245 [0] : vector<128x8xf32> to vector<8xf32>
    %broadcast_in_dim3A_247 = vector.shape_cast %reduce_sum3A_246 : vector<8xf32> to vector<1x8xf32>
    %add3A_248 = arith.addf %add3A_224, %broadcast_in_dim3A_247 : vector<1x8xf32>
    %slice3A_249 = vector.extract_strided_slice %convert_element_type3A_47 {offsets = [1024, 0], sizes = [128, 8], strides = [1, 1]} : vector<2048x8xf32> to vector<128x8xf32>
    %slice3A_250 = vector.extract_strided_slice %convert_element_type3A_51 {offsets = [1024, 0], sizes = [128, 8], strides = [1, 1]} : vector<2048x8xf32> to vector<128x8xf32>
    %dot_general3A_251 = arith.constant dense<0.000000e+00> : vector<128x8xf32>
    %dot_general3A_252 = tpu.matmul %convert_element_type3A_55, %slice3A_249, %dot_general3A_251 {dimension_numbers = #tpu.dot_dimension_numbers<[1], [0], [0], [1], [0, 0, 1, 1], [], []>, transpose_lhs_hint = false} : vector<128x128xf32>, vector<128x8xf32>, vector<128x8xf32> -> vector<128x8xf32>
    %add3A_253 = vector.broadcast %add3A_244 : vector<1x8xf32> to vector<128x8xf32>
    %add3A_254 = arith.addf %dot_general3A_252, %add3A_253 : vector<128x8xf32>
    %swap3A_255 = arith.constant 1024 : index
    %swap3A_256 = arith.constant 0 : index
    %swap3A_257 = vector.load %arg6[%swap3A_255, %swap3A_256] : memref<2048x8xf32, #tpu.memory_space<vmem>>, vector<128x8xf32>
    tpu.vector_store %arg6[%swap3A_255, %swap3A_256], %add3A_254 {strides = array<i32>} : memref<2048x8xf32, #tpu.memory_space<vmem>>, vector<128x8xf32>,
    %dot_general3A_258 = arith.constant dense<0.000000e+00> : vector<128x8xf32>
    %dot_general3A_259 = tpu.matmul %convert_element_type3A_55, %slice3A_250, %dot_general3A_258 {dimension_numbers = #tpu.dot_dimension_numbers<[1], [0], [0], [1], [0, 0, 1, 1], [], []>, transpose_lhs_hint = false} : vector<128x128xf32>, vector<128x8xf32>, vector<128x8xf32> -> vector<128x8xf32>
    %add3A_260 = vector.broadcast %add3A_248 : vector<1x8xf32> to vector<128x8xf32>
    %add3A_261 = arith.addf %dot_general3A_259, %add3A_260 : vector<128x8xf32>
    %swap3A_262 = arith.constant 1024 : index
    %swap3A_263 = arith.constant 0 : index
    %swap3A_264 = vector.load %arg7[%swap3A_262, %swap3A_263] : memref<2048x8xf32, #tpu.memory_space<vmem>>, vector<128x8xf32>
    tpu.vector_store %arg7[%swap3A_262, %swap3A_263], %add3A_261 {strides = array<i32>} : memref<2048x8xf32, #tpu.memory_space<vmem>>, vector<128x8xf32>,
    %reduce_sum3A_265 = arith.constant dense<0.000000e+00> : vector<8xf32>
    %reduce_sum3A_266 = vector.multi_reduction <add>, %slice3A_249, %reduce_sum3A_265 [0] : vector<128x8xf32> to vector<8xf32>
    %broadcast_in_dim3A_267 = vector.shape_cast %reduce_sum3A_266 : vector<8xf32> to vector<1x8xf32>
    %add3A_268 = arith.addf %add3A_244, %broadcast_in_dim3A_267 : vector<1x8xf32>
    %reduce_sum3A_269 = arith.constant dense<0.000000e+00> : vector<8xf32>
    %reduce_sum3A_270 = vector.multi_reduction <add>, %slice3A_250, %reduce_sum3A_269 [0] : vector<128x8xf32> to vector<8xf32>
    %broadcast_in_dim3A_271 = vector.shape_cast %reduce_sum3A_270 : vector<8xf32> to vector<1x8xf32>
    %add3A_272 = arith.addf %add3A_248, %broadcast_in_dim3A_271 : vector<1x8xf32>
    %slice3A_273 = vector.extract_strided_slice %convert_element_type3A_47 {offsets = [1152, 0], sizes = [128, 8], strides = [1, 1]} : vector<2048x8xf32> to vector<128x8xf32>
    %slice3A_274 = vector.extract_strided_slice %convert_element_type3A_51 {offsets = [1152, 0], sizes = [128, 8], strides = [1, 1]} : vector<2048x8xf32> to vector<128x8xf32>
    %dot_general3A_275 = arith.constant dense<0.000000e+00> : vector<128x8xf32>
    %dot_general3A_276 = tpu.matmul %convert_element_type3A_55, %slice3A_273, %dot_general3A_275 {dimension_numbers = #tpu.dot_dimension_numbers<[1], [0], [0], [1], [0, 0, 1, 1], [], []>, transpose_lhs_hint = false} : vector<128x128xf32>, vector<128x8xf32>, vector<128x8xf32> -> vector<128x8xf32>
    %add3A_277 = vector.broadcast %add3A_268 : vector<1x8xf32> to vector<128x8xf32>
    %add3A_278 = arith.addf %dot_general3A_276, %add3A_277 : vector<128x8xf32>
    %swap3A_279 = arith.constant 1152 : index
    %swap3A_280 = arith.constant 0 : index
    %swap3A_281 = vector.load %arg6[%swap3A_279, %swap3A_280] : memref<2048x8xf32, #tpu.memory_space<vmem>>, vector<128x8xf32>
    tpu.vector_store %arg6[%swap3A_279, %swap3A_280], %add3A_278 {strides = array<i32>} : memref<2048x8xf32, #tpu.memory_space<vmem>>, vector<128x8xf32>,
    %dot_general3A_282 = arith.constant dense<0.000000e+00> : vector<128x8xf32>
    %dot_general3A_283 = tpu.matmul %convert_element_type3A_55, %slice3A_274, %dot_general3A_282 {dimension_numbers = #tpu.dot_dimension_numbers<[1], [0], [0], [1], [0, 0, 1, 1], [], []>, transpose_lhs_hint = false} : vector<128x128xf32>, vector<128x8xf32>, vector<128x8xf32> -> vector<128x8xf32>
    %add3A_284 = vector.broadcast %add3A_272 : vector<1x8xf32> to vector<128x8xf32>
    %add3A_285 = arith.addf %dot_general3A_283, %add3A_284 : vector<128x8xf32>
    %swap3A_286 = arith.constant 1152 : index
    %swap3A_287 = arith.constant 0 : index
    %swap3A_288 = vector.load %arg7[%swap3A_286, %swap3A_287] : memref<2048x8xf32, #tpu.memory_space<vmem>>, vector<128x8xf32>
    tpu.vector_store %arg7[%swap3A_286, %swap3A_287], %add3A_285 {strides = array<i32>} : memref<2048x8xf32, #tpu.memory_space<vmem>>, vector<128x8xf32>,
    %reduce_sum3A_289 = arith.constant dense<0.000000e+00> : vector<8xf32>
    %reduce_sum3A_290 = vector.multi_reduction <add>, %slice3A_273, %reduce_sum3A_289 [0] : vector<128x8xf32> to vector<8xf32>
    %broadcast_in_dim3A_291 = vector.shape_cast %reduce_sum3A_290 : vector<8xf32> to vector<1x8xf32>
    %add3A_292 = arith.addf %add3A_268, %broadcast_in_dim3A_291 : vector<1x8xf32>
    %reduce_sum3A_293 = arith.constant dense<0.000000e+00> : vector<8xf32>
    %reduce_sum3A_294 = vector.multi_reduction <add>, %slice3A_274, %reduce_sum3A_293 [0] : vector<128x8xf32> to vector<8xf32>
    %broadcast_in_dim3A_295 = vector.shape_cast %reduce_sum3A_294 : vector<8xf32> to vector<1x8xf32>
    %add3A_296 = arith.addf %add3A_272, %broadcast_in_dim3A_295 : vector<1x8xf32>
    %slice3A_297 = vector.extract_strided_slice %convert_element_type3A_47 {offsets = [1280, 0], sizes = [128, 8], strides = [1, 1]} : vector<2048x8xf32> to vector<128x8xf32>
    %slice3A_298 = vector.extract_strided_slice %convert_element_type3A_51 {offsets = [1280, 0], sizes = [128, 8], strides = [1, 1]} : vector<2048x8xf32> to vector<128x8xf32>
    %dot_general3A_299 = arith.constant dense<0.000000e+00> : vector<128x8xf32>
    %dot_general3A_300 = tpu.matmul %convert_element_type3A_55, %slice3A_297, %dot_general3A_299 {dimension_numbers = #tpu.dot_dimension_numbers<[1], [0], [0], [1], [0, 0, 1, 1], [], []>, transpose_lhs_hint = false} : vector<128x128xf32>, vector<128x8xf32>, vector<128x8xf32> -> vector<128x8xf32>
    %add3A_301 = vector.broadcast %add3A_292 : vector<1x8xf32> to vector<128x8xf32>
    %add3A_302 = arith.addf %dot_general3A_300, %add3A_301 : vector<128x8xf32>
    %swap3A_303 = arith.constant 1280 : index
    %swap3A_304 = arith.constant 0 : index
    %swap3A_305 = vector.load %arg6[%swap3A_303, %swap3A_304] : memref<2048x8xf32, #tpu.memory_space<vmem>>, vector<128x8xf32>
    tpu.vector_store %arg6[%swap3A_303, %swap3A_304], %add3A_302 {strides = array<i32>} : memref<2048x8xf32, #tpu.memory_space<vmem>>, vector<128x8xf32>,
    %dot_general3A_306 = arith.constant dense<0.000000e+00> : vector<128x8xf32>
    %dot_general3A_307 = tpu.matmul %convert_element_type3A_55, %slice3A_298, %dot_general3A_306 {dimension_numbers = #tpu.dot_dimension_numbers<[1], [0], [0], [1], [0, 0, 1, 1], [], []>, transpose_lhs_hint = false} : vector<128x128xf32>, vector<128x8xf32>, vector<128x8xf32> -> vector<128x8xf32>
    %add3A_308 = vector.broadcast %add3A_296 : vector<1x8xf32> to vector<128x8xf32>
    %add3A_309 = arith.addf %dot_general3A_307, %add3A_308 : vector<128x8xf32>
    %swap3A_310 = arith.constant 1280 : index
    %swap3A_311 = arith.constant 0 : index
    %swap3A_312 = vector.load %arg7[%swap3A_310, %swap3A_311] : memref<2048x8xf32, #tpu.memory_space<vmem>>, vector<128x8xf32>
    tpu.vector_store %arg7[%swap3A_310, %swap3A_311], %add3A_309 {strides = array<i32>} : memref<2048x8xf32, #tpu.memory_space<vmem>>, vector<128x8xf32>,
    %reduce_sum3A_313 = arith.constant dense<0.000000e+00> : vector<8xf32>
    %reduce_sum3A_314 = vector.multi_reduction <add>, %slice3A_297, %reduce_sum3A_313 [0] : vector<128x8xf32> to vector<8xf32>
    %broadcast_in_dim3A_315 = vector.shape_cast %reduce_sum3A_314 : vector<8xf32> to vector<1x8xf32>
    %add3A_316 = arith.addf %add3A_292, %broadcast_in_dim3A_315 : vector<1x8xf32>
    %reduce_sum3A_317 = arith.constant dense<0.000000e+00> : vector<8xf32>
    %reduce_sum3A_318 = vector.multi_reduction <add>, %slice3A_298, %reduce_sum3A_317 [0] : vector<128x8xf32> to vector<8xf32>
    %broadcast_in_dim3A_319 = vector.shape_cast %reduce_sum3A_318 : vector<8xf32> to vector<1x8xf32>
    %add3A_320 = arith.addf %add3A_296, %broadcast_in_dim3A_319 : vector<1x8xf32>
    %slice3A_321 = vector.extract_strided_slice %convert_element_type3A_47 {offsets = [1408, 0], sizes = [128, 8], strides = [1, 1]} : vector<2048x8xf32> to vector<128x8xf32>
    %slice3A_322 = vector.extract_strided_slice %convert_element_type3A_51 {offsets = [1408, 0], sizes = [128, 8], strides = [1, 1]} : vector<2048x8xf32> to vector<128x8xf32>
    %dot_general3A_323 = arith.constant dense<0.000000e+00> : vector<128x8xf32>
    %dot_general3A_324 = tpu.matmul %convert_element_type3A_55, %slice3A_321, %dot_general3A_323 {dimension_numbers = #tpu.dot_dimension_numbers<[1], [0], [0], [1], [0, 0, 1, 1], [], []>, transpose_lhs_hint = false} : vector<128x128xf32>, vector<128x8xf32>, vector<128x8xf32> -> vector<128x8xf32>
    %add3A_325 = vector.broadcast %add3A_316 : vector<1x8xf32> to vector<128x8xf32>
    %add3A_326 = arith.addf %dot_general3A_324, %add3A_325 : vector<128x8xf32>
    %swap3A_327 = arith.constant 1408 : index
    %swap3A_328 = arith.constant 0 : index
    %swap3A_329 = vector.load %arg6[%swap3A_327, %swap3A_328] : memref<2048x8xf32, #tpu.memory_space<vmem>>, vector<128x8xf32>
    tpu.vector_store %arg6[%swap3A_327, %swap3A_328], %add3A_326 {strides = array<i32>} : memref<2048x8xf32, #tpu.memory_space<vmem>>, vector<128x8xf32>,
    %dot_general3A_330 = arith.constant dense<0.000000e+00> : vector<128x8xf32>
    %dot_general3A_331 = tpu.matmul %convert_element_type3A_55, %slice3A_322, %dot_general3A_330 {dimension_numbers = #tpu.dot_dimension_numbers<[1], [0], [0], [1], [0, 0, 1, 1], [], []>, transpose_lhs_hint = false} : vector<128x128xf32>, vector<128x8xf32>, vector<128x8xf32> -> vector<128x8xf32>
    %add3A_332 = vector.broadcast %add3A_320 : vector<1x8xf32> to vector<128x8xf32>
    %add3A_333 = arith.addf %dot_general3A_331, %add3A_332 : vector<128x8xf32>
    %swap3A_334 = arith.constant 1408 : index
    %swap3A_335 = arith.constant 0 : index
    %swap3A_336 = vector.load %arg7[%swap3A_334, %swap3A_335] : memref<2048x8xf32, #tpu.memory_space<vmem>>, vector<128x8xf32>
    tpu.vector_store %arg7[%swap3A_334, %swap3A_335], %add3A_333 {strides = array<i32>} : memref<2048x8xf32, #tpu.memory_space<vmem>>, vector<128x8xf32>,
    %reduce_sum3A_337 = arith.constant dense<0.000000e+00> : vector<8xf32>
    %reduce_sum3A_338 = vector.multi_reduction <add>, %slice3A_321, %reduce_sum3A_337 [0] : vector<128x8xf32> to vector<8xf32>
    %broadcast_in_dim3A_339 = vector.shape_cast %reduce_sum3A_338 : vector<8xf32> to vector<1x8xf32>
    %add3A_340 = arith.addf %add3A_316, %broadcast_in_dim3A_339 : vector<1x8xf32>
    %reduce_sum3A_341 = arith.constant dense<0.000000e+00> : vector<8xf32>
    %reduce_sum3A_342 = vector.multi_reduction <add>, %slice3A_322, %reduce_sum3A_341 [0] : vector<128x8xf32> to vector<8xf32>
    %broadcast_in_dim3A_343 = vector.shape_cast %reduce_sum3A_342 : vector<8xf32> to vector<1x8xf32>
    %add3A_344 = arith.addf %add3A_320, %broadcast_in_dim3A_343 : vector<1x8xf32>
    %slice3A_345 = vector.extract_strided_slice %convert_element_type3A_47 {offsets = [1536, 0], sizes = [128, 8], strides = [1, 1]} : vector<2048x8xf32> to vector<128x8xf32>
    %slice3A_346 = vector.extract_strided_slice %convert_element_type3A_51 {offsets = [1536, 0], sizes = [128, 8], strides = [1, 1]} : vector<2048x8xf32> to vector<128x8xf32>
    %dot_general3A_347 = arith.constant dense<0.000000e+00> : vector<128x8xf32>
    %dot_general3A_348 = tpu.matmul %convert_element_type3A_55, %slice3A_345, %dot_general3A_347 {dimension_numbers = #tpu.dot_dimension_numbers<[1], [0], [0], [1], [0, 0, 1, 1], [], []>, transpose_lhs_hint = false} : vector<128x128xf32>, vector<128x8xf32>, vector<128x8xf32> -> vector<128x8xf32>
    %add3A_349 = vector.broadcast %add3A_340 : vector<1x8xf32> to vector<128x8xf32>
    %add3A_350 = arith.addf %dot_general3A_348, %add3A_349 : vector<128x8xf32>
    %swap3A_351 = arith.constant 1536 : index
    %swap3A_352 = arith.constant 0 : index
    %swap3A_353 = vector.load %arg6[%swap3A_351, %swap3A_352] : memref<2048x8xf32, #tpu.memory_space<vmem>>, vector<128x8xf32>
    tpu.vector_store %arg6[%swap3A_351, %swap3A_352], %add3A_350 {strides = array<i32>} : memref<2048x8xf32, #tpu.memory_space<vmem>>, vector<128x8xf32>,
    %dot_general3A_354 = arith.constant dense<0.000000e+00> : vector<128x8xf32>
    %dot_general3A_355 = tpu.matmul %convert_element_type3A_55, %slice3A_346, %dot_general3A_354 {dimension_numbers = #tpu.dot_dimension_numbers<[1], [0], [0], [1], [0, 0, 1, 1], [], []>, transpose_lhs_hint = false} : vector<128x128xf32>, vector<128x8xf32>, vector<128x8xf32> -> vector<128x8xf32>
    %add3A_356 = vector.broadcast %add3A_344 : vector<1x8xf32> to vector<128x8xf32>
    %add3A_357 = arith.addf %dot_general3A_355, %add3A_356 : vector<128x8xf32>
    %swap3A_358 = arith.constant 1536 : index
    %swap3A_359 = arith.constant 0 : index
    %swap3A_360 = vector.load %arg7[%swap3A_358, %swap3A_359] : memref<2048x8xf32, #tpu.memory_space<vmem>>, vector<128x8xf32>
    tpu.vector_store %arg7[%swap3A_358, %swap3A_359], %add3A_357 {strides = array<i32>} : memref<2048x8xf32, #tpu.memory_space<vmem>>, vector<128x8xf32>,
    %reduce_sum3A_361 = arith.constant dense<0.000000e+00> : vector<8xf32>
    %reduce_sum3A_362 = vector.multi_reduction <add>, %slice3A_345, %reduce_sum3A_361 [0] : vector<128x8xf32> to vector<8xf32>
    %broadcast_in_dim3A_363 = vector.shape_cast %reduce_sum3A_362 : vector<8xf32> to vector<1x8xf32>
    %add3A_364 = arith.addf %add3A_340, %broadcast_in_dim3A_363 : vector<1x8xf32>
    %reduce_sum3A_365 = arith.constant dense<0.000000e+00> : vector<8xf32>
    %reduce_sum3A_366 = vector.multi_reduction <add>, %slice3A_346, %reduce_sum3A_365 [0] : vector<128x8xf32> to vector<8xf32>
    %broadcast_in_dim3A_367 = vector.shape_cast %reduce_sum3A_366 : vector<8xf32> to vector<1x8xf32>
    %add3A_368 = arith.addf %add3A_344, %broadcast_in_dim3A_367 : vector<1x8xf32>
    %slice3A_369 = vector.extract_strided_slice %convert_element_type3A_47 {offsets = [1664, 0], sizes = [128, 8], strides = [1, 1]} : vector<2048x8xf32> to vector<128x8xf32>
    %slice3A_370 = vector.extract_strided_slice %convert_element_type3A_51 {offsets = [1664, 0], sizes = [128, 8], strides = [1, 1]} : vector<2048x8xf32> to vector<128x8xf32>
    %dot_general3A_371 = arith.constant dense<0.000000e+00> : vector<128x8xf32>
    %dot_general3A_372 = tpu.matmul %convert_element_type3A_55, %slice3A_369, %dot_general3A_371 {dimension_numbers = #tpu.dot_dimension_numbers<[1], [0], [0], [1], [0, 0, 1, 1], [], []>, transpose_lhs_hint = false} : vector<128x128xf32>, vector<128x8xf32>, vector<128x8xf32> -> vector<128x8xf32>
    %add3A_373 = vector.broadcast %add3A_364 : vector<1x8xf32> to vector<128x8xf32>
    %add3A_374 = arith.addf %dot_general3A_372, %add3A_373 : vector<128x8xf32>
    %swap3A_375 = arith.constant 1664 : index
    %swap3A_376 = arith.constant 0 : index
    %swap3A_377 = vector.load %arg6[%swap3A_375, %swap3A_376] : memref<2048x8xf32, #tpu.memory_space<vmem>>, vector<128x8xf32>
    tpu.vector_store %arg6[%swap3A_375, %swap3A_376], %add3A_374 {strides = array<i32>} : memref<2048x8xf32, #tpu.memory_space<vmem>>, vector<128x8xf32>,
    %dot_general3A_378 = arith.constant dense<0.000000e+00> : vector<128x8xf32>
    %dot_general3A_379 = tpu.matmul %convert_element_type3A_55, %slice3A_370, %dot_general3A_378 {dimension_numbers = #tpu.dot_dimension_numbers<[1], [0], [0], [1], [0, 0, 1, 1], [], []>, transpose_lhs_hint = false} : vector<128x128xf32>, vector<128x8xf32>, vector<128x8xf32> -> vector<128x8xf32>
    %add3A_380 = vector.broadcast %add3A_368 : vector<1x8xf32> to vector<128x8xf32>
    %add3A_381 = arith.addf %dot_general3A_379, %add3A_380 : vector<128x8xf32>
    %swap3A_382 = arith.constant 1664 : index
    %swap3A_383 = arith.constant 0 : index
    %swap3A_384 = vector.load %arg7[%swap3A_382, %swap3A_383] : memref<2048x8xf32, #tpu.memory_space<vmem>>, vector<128x8xf32>
    tpu.vector_store %arg7[%swap3A_382, %swap3A_383], %add3A_381 {strides = array<i32>} : memref<2048x8xf32, #tpu.memory_space<vmem>>, vector<128x8xf32>,
    %reduce_sum3A_385 = arith.constant dense<0.000000e+00> : vector<8xf32>
    %reduce_sum3A_386 = vector.multi_reduction <add>, %slice3A_369, %reduce_sum3A_385 [0] : vector<128x8xf32> to vector<8xf32>
    %broadcast_in_dim3A_387 = vector.shape_cast %reduce_sum3A_386 : vector<8xf32> to vector<1x8xf32>
    %add3A_388 = arith.addf %add3A_364, %broadcast_in_dim3A_387 : vector<1x8xf32>
    %reduce_sum3A_389 = arith.constant dense<0.000000e+00> : vector<8xf32>
    %reduce_sum3A_390 = vector.multi_reduction <add>, %slice3A_370, %reduce_sum3A_389 [0] : vector<128x8xf32> to vector<8xf32>
    %broadcast_in_dim3A_391 = vector.shape_cast %reduce_sum3A_390 : vector<8xf32> to vector<1x8xf32>
    %add3A_392 = arith.addf %add3A_368, %broadcast_in_dim3A_391 : vector<1x8xf32>
    %slice3A_393 = vector.extract_strided_slice %convert_element_type3A_47 {offsets = [1792, 0], sizes = [128, 8], strides = [1, 1]} : vector<2048x8xf32> to vector<128x8xf32>
    %slice3A_394 = vector.extract_strided_slice %convert_element_type3A_51 {offsets = [1792, 0], sizes = [128, 8], strides = [1, 1]} : vector<2048x8xf32> to vector<128x8xf32>
    %dot_general3A_395 = arith.constant dense<0.000000e+00> : vector<128x8xf32>
    %dot_general3A_396 = tpu.matmul %convert_element_type3A_55, %slice3A_393, %dot_general3A_395 {dimension_numbers = #tpu.dot_dimension_numbers<[1], [0], [0], [1], [0, 0, 1, 1], [], []>, transpose_lhs_hint = false} : vector<128x128xf32>, vector<128x8xf32>, vector<128x8xf32> -> vector<128x8xf32>
    %add3A_397 = vector.broadcast %add3A_388 : vector<1x8xf32> to vector<128x8xf32>
    %add3A_398 = arith.addf %dot_general3A_396, %add3A_397 : vector<128x8xf32>
    %swap3A_399 = arith.constant 1792 : index
    %swap3A_400 = arith.constant 0 : index
    %swap3A_401 = vector.load %arg6[%swap3A_399, %swap3A_400] : memref<2048x8xf32, #tpu.memory_space<vmem>>, vector<128x8xf32>
    tpu.vector_store %arg6[%swap3A_399, %swap3A_400], %add3A_398 {strides = array<i32>} : memref<2048x8xf32, #tpu.memory_space<vmem>>, vector<128x8xf32>,
    %dot_general3A_402 = arith.constant dense<0.000000e+00> : vector<128x8xf32>
    %dot_general3A_403 = tpu.matmul %convert_element_type3A_55, %slice3A_394, %dot_general3A_402 {dimension_numbers = #tpu.dot_dimension_numbers<[1], [0], [0], [1], [0, 0, 1, 1], [], []>, transpose_lhs_hint = false} : vector<128x128xf32>, vector<128x8xf32>, vector<128x8xf32> -> vector<128x8xf32>
    %add3A_404 = vector.broadcast %add3A_392 : vector<1x8xf32> to vector<128x8xf32>
    %add3A_405 = arith.addf %dot_general3A_403, %add3A_404 : vector<128x8xf32>
    %swap3A_406 = arith.constant 1792 : index
    %swap3A_407 = arith.constant 0 : index
    %swap3A_408 = vector.load %arg7[%swap3A_406, %swap3A_407] : memref<2048x8xf32, #tpu.memory_space<vmem>>, vector<128x8xf32>
    tpu.vector_store %arg7[%swap3A_406, %swap3A_407], %add3A_405 {strides = array<i32>} : memref<2048x8xf32, #tpu.memory_space<vmem>>, vector<128x8xf32>,
    %reduce_sum3A_409 = arith.constant dense<0.000000e+00> : vector<8xf32>
    %reduce_sum3A_410 = vector.multi_reduction <add>, %slice3A_393, %reduce_sum3A_409 [0] : vector<128x8xf32> to vector<8xf32>
    %broadcast_in_dim3A_411 = vector.shape_cast %reduce_sum3A_410 : vector<8xf32> to vector<1x8xf32>
    %add3A_412 = arith.addf %add3A_388, %broadcast_in_dim3A_411 : vector<1x8xf32>
    %reduce_sum3A_413 = arith.constant dense<0.000000e+00> : vector<8xf32>
    %reduce_sum3A_414 = vector.multi_reduction <add>, %slice3A_394, %reduce_sum3A_413 [0] : vector<128x8xf32> to vector<8xf32>
    %broadcast_in_dim3A_415 = vector.shape_cast %reduce_sum3A_414 : vector<8xf32> to vector<1x8xf32>
    %add3A_416 = arith.addf %add3A_392, %broadcast_in_dim3A_415 : vector<1x8xf32>
    %slice3A_417 = vector.extract_strided_slice %convert_element_type3A_47 {offsets = [1920, 0], sizes = [128, 8], strides = [1, 1]} : vector<2048x8xf32> to vector<128x8xf32>
    %slice3A_418 = vector.extract_strided_slice %convert_element_type3A_51 {offsets = [1920, 0], sizes = [128, 8], strides = [1, 1]} : vector<2048x8xf32> to vector<128x8xf32>
    %dot_general3A_419 = arith.constant dense<0.000000e+00> : vector<128x8xf32>
    %dot_general3A_420 = tpu.matmul %convert_element_type3A_55, %slice3A_417, %dot_general3A_419 {dimension_numbers = #tpu.dot_dimension_numbers<[1], [0], [0], [1], [0, 0, 1, 1], [], []>, transpose_lhs_hint = false} : vector<128x128xf32>, vector<128x8xf32>, vector<128x8xf32> -> vector<128x8xf32>
    %add3A_421 = vector.broadcast %add3A_412 : vector<1x8xf32> to vector<128x8xf32>
    %add3A_422 = arith.addf %dot_general3A_420, %add3A_421 : vector<128x8xf32>
    %swap3A_423 = arith.constant 1920 : index
    %swap3A_424 = arith.constant 0 : index
    %swap3A_425 = vector.load %arg6[%swap3A_423, %swap3A_424] : memref<2048x8xf32, #tpu.memory_space<vmem>>, vector<128x8xf32>
    tpu.vector_store %arg6[%swap3A_423, %swap3A_424], %add3A_422 {strides = array<i32>} : memref<2048x8xf32, #tpu.memory_space<vmem>>, vector<128x8xf32>,
    %dot_general3A_426 = arith.constant dense<0.000000e+00> : vector<128x8xf32>
    %dot_general3A_427 = tpu.matmul %convert_element_type3A_55, %slice3A_418, %dot_general3A_426 {dimension_numbers = #tpu.dot_dimension_numbers<[1], [0], [0], [1], [0, 0, 1, 1], [], []>, transpose_lhs_hint = false} : vector<128x128xf32>, vector<128x8xf32>, vector<128x8xf32> -> vector<128x8xf32>
    %add3A_428 = vector.broadcast %add3A_416 : vector<1x8xf32> to vector<128x8xf32>
    %add3A_429 = arith.addf %dot_general3A_427, %add3A_428 : vector<128x8xf32>
    %swap3A_430 = arith.constant 1920 : index
    %swap3A_431 = arith.constant 0 : index
    %swap3A_432 = vector.load %arg7[%swap3A_430, %swap3A_431] : memref<2048x8xf32, #tpu.memory_space<vmem>>, vector<128x8xf32>
    tpu.vector_store %arg7[%swap3A_430, %swap3A_431], %add3A_429 {strides = array<i32>} : memref<2048x8xf32, #tpu.memory_space<vmem>>, vector<128x8xf32>,
    %reduce_sum3A_433 = arith.constant dense<0.000000e+00> : vector<8xf32>
    %reduce_sum3A_434 = vector.multi_reduction <add>, %slice3A_417, %reduce_sum3A_433 [0] : vector<128x8xf32> to vector<8xf32>
    %broadcast_in_dim3A_435 = vector.shape_cast %reduce_sum3A_434 : vector<8xf32> to vector<1x8xf32>
    %add3A_436 = arith.addf %add3A_412, %broadcast_in_dim3A_435 : vector<1x8xf32>
    %reduce_sum3A_437 = arith.constant dense<0.000000e+00> : vector<8xf32>
    %reduce_sum3A_438 = vector.multi_reduction <add>, %slice3A_418, %reduce_sum3A_437 [0] : vector<128x8xf32> to vector<8xf32>
    %broadcast_in_dim3A_439 = vector.shape_cast %reduce_sum3A_438 : vector<8xf32> to vector<1x8xf32>
    %add3A_440 = arith.addf %add3A_416, %broadcast_in_dim3A_439 : vector<1x8xf32>
    %add3A_441 = arith.addf %add3A_436, %add3A_440 : vector<1x8xf32>
    %add3A_442 = arith.constant 1.270000e+02 : f32
    %add3A_443 = vector.broadcast %add3A_442 : f32 to vector<1x8xf32>
    %add3A_444 = arith.addf %add3A_441, %add3A_443 : vector<1x8xf32>
    %mul3A = arith.constant 7.812500e-03 : f32
    %mul3A_445 = vector.broadcast %mul3A : f32 to vector<1x8xf32>
    %mul3A_446 = arith.mulf %add3A_444, %mul3A_445 : vector<1x8xf32>
    %floor3A = math.floor %mul3A_446 : vector<1x8xf32>
    %mul3A_447 = arith.constant 1.280000e+02 : f32
    %mul3A_448 = vector.broadcast %mul3A_447 : f32 to vector<1x8xf32>
    %mul3A_449 = arith.mulf %floor3A, %mul3A_448 : vector<1x8xf32>
    %iota3A_450 = tpu.iota {dimensions = array<i32: 0>} : vector<8x8xi32>
    %iota3A_451 = tpu.iota {dimensions = array<i32: 1>} : vector<8x8xi32>
    %lt3A_452 = arith.cmpi slt, %iota3A_450, %iota3A_451 : vector<8x8xi32>
    %convert_element_type3A_453 = arith.extui %lt3A_452 : vector<8x8xi1> to vector<8x8xi32>
    %convert_element_type3A_454 = arith.sitofp %convert_element_type3A_453 : vector<8x8xi32> to vector<8x8xf32>
    %dot_general3A_455 = arith.constant dense<0.000000e+00> : vector<1x8xf32>
    %dot_general3A_456 = tpu.matmul %mul3A_449, %convert_element_type3A_454, %dot_general3A_455 {dimension_numbers = #tpu.dot_dimension_numbers<[1], [0], [0], [1], [0, 0, 1, 1], [], []>, transpose_lhs_hint = false} : vector<1x8xf32>, vector<8x8xf32>, vector<1x8xf32> -> vector<1x8xf32>
    %add3A_457 = arith.addf %dot_general3A_456, %mul3A_449 : vector<1x8xf32>
    %get3A_458 = arith.constant 0 : index
    %get3A_459 = arith.constant 0 : index
    %get3A_460 = vector.load %arg6[%get3A_458, %get3A_459] : memref<2048x8xf32, #tpu.memory_space<vmem>>, vector<2048x8xf32>
    %add3A_461 = vector.broadcast %dot_general3A_456 : vector<1x8xf32> to vector<2048x8xf32>
    %add3A_462 = arith.addf %add3A_461, %get3A_460 : vector<2048x8xf32>
    %mul3A_463 = arith.mulf %convert_element_type3A_47, %add3A_462 : vector<2048x8xf32>
    %reduce_sum3A_464 = arith.constant dense<0.000000e+00> : vector<2048xf32>
    %reduce_sum3A_465 = vector.multi_reduction <add>, %mul3A_463, %reduce_sum3A_464 [1] : vector<2048x8xf32> to vector<2048xf32>
    %broadcast_in_dim3A_466 = vector.shape_cast %reduce_sum3A_465 : vector<2048xf32> to vector<2048x1xf32>
    %add3A_467 = arith.addf %dot_general3A_456, %add3A_436 : vector<1x8xf32>
    %get3A_468 = arith.constant 0 : index
    %get3A_469 = arith.constant 0 : index
    %get3A_470 = vector.load %arg7[%get3A_468, %get3A_469] : memref<2048x8xf32, #tpu.memory_space<vmem>>, vector<2048x8xf32>
    %add3A_471 = vector.broadcast %add3A_467 : vector<1x8xf32> to vector<2048x8xf32>
    %add3A_472 = arith.addf %add3A_471, %get3A_470 : vector<2048x8xf32>
    %mul3A_473 = arith.mulf %convert_element_type3A_51, %add3A_472 : vector<2048x8xf32>
    %reduce_sum3A_474 = arith.constant dense<0.000000e+00> : vector<2048xf32>
    %reduce_sum3A_475 = vector.multi_reduction <add>, %mul3A_473, %reduce_sum3A_474 [1] : vector<2048x8xf32> to vector<2048xf32>
    %broadcast_in_dim3A_476 = vector.shape_cast %reduce_sum3A_475 : vector<2048xf32> to vector<2048x1xf32>
    %eq3A_477 = arith.constant 0 : i32
    %eq3A_478 = vector.broadcast %eq3A_477 : i32 to vector<2048x8xi32>
    %eq3A_479 = arith.cmpi eq, %iota3A_44, %eq3A_478 : vector<2048x8xi32>
    %jit3A_480 = arith.constant 0.000000e+00 : f32
    %broadcast_in_dim3A_481 = vector.shape_cast %broadcast_in_dim3A_466 : vector<2048x1xf32> to vector<2048x1xf32>
    %broadcast_in_dim3A_482 = vector.broadcast %broadcast_in_dim3A_481 : vector<2048x1xf32> to vector<2048x8xf32>
    %broadcast_in_dim3A_483 = vector.broadcast %jit3A_480 : f32 to vector<2048x8xf32>
    %select_n3A_484 = arith.select %eq3A_479, %broadcast_in_dim3A_482, %broadcast_in_dim3A_483 : vector<2048x8xi1>, vector<2048x8xf32>
    %eq3A_485 = arith.constant 1 : i32
    %eq3A_486 = vector.broadcast %eq3A_485 : i32 to vector<2048x8xi32>
    %eq3A_487 = arith.cmpi eq, %iota3A_44, %eq3A_486 : vector<2048x8xi32>
    %jit3A_488 = arith.constant 0.000000e+00 : f32
    %broadcast_in_dim3A_489 = vector.shape_cast %broadcast_in_dim3A_476 : vector<2048x1xf32> to vector<2048x1xf32>
    %broadcast_in_dim3A_490 = vector.broadcast %broadcast_in_dim3A_489 : vector<2048x1xf32> to vector<2048x8xf32>
    %broadcast_in_dim3A_491 = vector.broadcast %jit3A_488 : f32 to vector<2048x8xf32>
    %select_n3A_492 = arith.select %eq3A_487, %broadcast_in_dim3A_490, %broadcast_in_dim3A_491 : vector<2048x8xi1>, vector<2048x8xf32>
    %add3A_493 = arith.addf %select_n3A_484, %select_n3A_492 : vector<2048x8xf32>
    %eq3A_494 = arith.constant 2 : i32
    %eq3A_495 = vector.broadcast %eq3A_494 : i32 to vector<2048x8xi32>
    %eq3A_496 = arith.cmpi eq, %iota3A_44, %eq3A_495 : vector<2048x8xi32>
    %jit3A_497 = arith.constant 0.000000e+00 : f32
    %broadcast_in_dim3A_498 = vector.shape_cast %div3A_40 : vector<2048x1xf32> to vector<2048x1xf32>
    %broadcast_in_dim3A_499 = vector.broadcast %broadcast_in_dim3A_498 : vector<2048x1xf32> to vector<2048x8xf32>
    %broadcast_in_dim3A_500 = vector.broadcast %jit3A_497 : f32 to vector<2048x8xf32>
    %select_n3A_501 = arith.select %eq3A_496, %broadcast_in_dim3A_499, %broadcast_in_dim3A_500 : vector<2048x8xi1>, vector<2048x8xf32>
    %add3A_502 = arith.addf %add3A_493, %select_n3A_501 : vector<2048x8xf32>
    %eq3A_503 = arith.constant 3 : i32
    %eq3A_504 = vector.broadcast %eq3A_503 : i32 to vector<2048x8xi32>
    %eq3A_505 = arith.cmpi eq, %iota3A_44, %eq3A_504 : vector<2048x8xi32>
    %jit3A_506 = arith.constant 0.000000e+00 : f32
    %broadcast_in_dim3A_507 = vector.shape_cast %sub3A_43 : vector<2048x1xf32> to vector<2048x1xf32>
    %broadcast_in_dim3A_508 = vector.broadcast %broadcast_in_dim3A_507 : vector<2048x1xf32> to vector<2048x8xf32>
    %broadcast_in_dim3A_509 = vector.broadcast %jit3A_506 : f32 to vector<2048x8xf32>
    %select_n3A_510 = arith.select %eq3A_505, %broadcast_in_dim3A_508, %broadcast_in_dim3A_509 : vector<2048x8xi1>, vector<2048x8xf32>
    %add3A_511 = arith.addf %add3A_502, %select_n3A_510 : vector<2048x8xf32>
    %swap3A_512 = arith.constant 0 : index
    %swap3A_513 = arith.constant 0 : index
    %swap3A_514 = vector.load %arg4[%swap3A_512, %swap3A_513] : memref<2048x8xf32, #tpu.memory_space<vmem>>, vector<2048x8xf32>
    tpu.vector_store %arg4[%swap3A_512, %swap3A_513], %add3A_511 {strides = array<i32>} : memref<2048x8xf32, #tpu.memory_space<vmem>>, vector<2048x8xf32>,
    %iota3A_515 = tpu.iota {dimensions = array<i32: 1>} : vector<8x64xi32>
    %convert_element_type3A_516 = arith.sitofp %iota3A_515 : vector<8x64xi32> to vector<8x64xf32>
    %mul3A_517 = arith.constant 1.280000e+02 : f32
    %mul3A_518 = vector.broadcast %mul3A_517 : f32 to vector<8x64xf32>
    %mul3A_519 = arith.mulf %convert_element_type3A_516, %mul3A_518 : vector<8x64xf32>
    %broadcast_in_dim3A_520 = arith.constant 0.000000e+00 : f32
    %broadcast_in_dim3A_521 = vector.broadcast %broadcast_in_dim3A_520 : f32 to vector<8x64xf32>
    %slice3A_522 = vector.extract_strided_slice %add3A_457 {offsets = [0, 0], sizes = [1, 1], strides = [1, 1]} : vector<1x8xf32> to vector<1x1xf32>
    %squeeze3A = vector.extract %slice3A_522[0, 0] : f32 from vector<1x1xf32>
    %ge3A = vector.broadcast %squeeze3A : f32 to vector<8x64xf32>
    %ge3A_523 = arith.cmpf oge, %mul3A_519, %ge3A : vector<8x64xf32>
    %convert_element_type3A_524 = arith.extui %ge3A_523 : vector<8x64xi1> to vector<8x64xi32>
    %convert_element_type3A_525 = arith.sitofp %convert_element_type3A_524 : vector<8x64xi32> to vector<8x64xf32>
    %add3A_526 = arith.addf %broadcast_in_dim3A_521, %convert_element_type3A_525 : vector<8x64xf32>
    %slice3A_527 = vector.extract_strided_slice %add3A_457 {offsets = [0, 1], sizes = [1, 1], strides = [1, 1]} : vector<1x8xf32> to vector<1x1xf32>
    %squeeze3A_528 = vector.extract %slice3A_527[0, 0] : f32 from vector<1x1xf32>
    %ge3A_529 = vector.broadcast %squeeze3A_528 : f32 to vector<8x64xf32>
    %ge3A_530 = arith.cmpf oge, %mul3A_519, %ge3A_529 : vector<8x64xf32>
    %convert_element_type3A_531 = arith.extui %ge3A_530 : vector<8x64xi1> to vector<8x64xi32>
    %convert_element_type3A_532 = arith.sitofp %convert_element_type3A_531 : vector<8x64xi32> to vector<8x64xf32>
    %add3A_533 = arith.addf %add3A_526, %convert_element_type3A_532 : vector<8x64xf32>
    %slice3A_534 = vector.extract_strided_slice %add3A_457 {offsets = [0, 2], sizes = [1, 1], strides = [1, 1]} : vector<1x8xf32> to vector<1x1xf32>
    %squeeze3A_535 = vector.extract %slice3A_534[0, 0] : f32 from vector<1x1xf32>
    %ge3A_536 = vector.broadcast %squeeze3A_535 : f32 to vector<8x64xf32>
    %ge3A_537 = arith.cmpf oge, %mul3A_519, %ge3A_536 : vector<8x64xf32>
    %convert_element_type3A_538 = arith.extui %ge3A_537 : vector<8x64xi1> to vector<8x64xi32>
    %convert_element_type3A_539 = arith.sitofp %convert_element_type3A_538 : vector<8x64xi32> to vector<8x64xf32>
    %add3A_540 = arith.addf %add3A_533, %convert_element_type3A_539 : vector<8x64xf32>
    %slice3A_541 = vector.extract_strided_slice %add3A_457 {offsets = [0, 3], sizes = [1, 1], strides = [1, 1]} : vector<1x8xf32> to vector<1x1xf32>
    %squeeze3A_542 = vector.extract %slice3A_541[0, 0] : f32 from vector<1x1xf32>
    %ge3A_543 = vector.broadcast %squeeze3A_542 : f32 to vector<8x64xf32>
    %ge3A_544 = arith.cmpf oge, %mul3A_519, %ge3A_543 : vector<8x64xf32>
    %convert_element_type3A_545 = arith.extui %ge3A_544 : vector<8x64xi1> to vector<8x64xi32>
    %convert_element_type3A_546 = arith.sitofp %convert_element_type3A_545 : vector<8x64xi32> to vector<8x64xf32>
    %add3A_547 = arith.addf %add3A_540, %convert_element_type3A_546 : vector<8x64xf32>
    %slice3A_548 = vector.extract_strided_slice %add3A_457 {offsets = [0, 4], sizes = [1, 1], strides = [1, 1]} : vector<1x8xf32> to vector<1x1xf32>
    %squeeze3A_549 = vector.extract %slice3A_548[0, 0] : f32 from vector<1x1xf32>
    %ge3A_550 = vector.broadcast %squeeze3A_549 : f32 to vector<8x64xf32>
    %ge3A_551 = arith.cmpf oge, %mul3A_519, %ge3A_550 : vector<8x64xf32>
    %convert_element_type3A_552 = arith.extui %ge3A_551 : vector<8x64xi1> to vector<8x64xi32>
    %convert_element_type3A_553 = arith.sitofp %convert_element_type3A_552 : vector<8x64xi32> to vector<8x64xf32>
    %add3A_554 = arith.addf %add3A_547, %convert_element_type3A_553 : vector<8x64xf32>
    %slice3A_555 = vector.extract_strided_slice %add3A_457 {offsets = [0, 5], sizes = [1, 1], strides = [1, 1]} : vector<1x8xf32> to vector<1x1xf32>
    %squeeze3A_556 = vector.extract %slice3A_555[0, 0] : f32 from vector<1x1xf32>
    %ge3A_557 = vector.broadcast %squeeze3A_556 : f32 to vector<8x64xf32>
    %ge3A_558 = arith.cmpf oge, %mul3A_519, %ge3A_557 : vector<8x64xf32>
    %convert_element_type3A_559 = arith.extui %ge3A_558 : vector<8x64xi1> to vector<8x64xi32>
    %convert_element_type3A_560 = arith.sitofp %convert_element_type3A_559 : vector<8x64xi32> to vector<8x64xf32>
    %add3A_561 = arith.addf %add3A_554, %convert_element_type3A_560 : vector<8x64xf32>
    %slice3A_562 = vector.extract_strided_slice %add3A_457 {offsets = [0, 6], sizes = [1, 1], strides = [1, 1]} : vector<1x8xf32> to vector<1x1xf32>
    %squeeze3A_563 = vector.extract %slice3A_562[0, 0] : f32 from vector<1x1xf32>
    %ge3A_564 = vector.broadcast %squeeze3A_563 : f32 to vector<8x64xf32>
    %ge3A_565 = arith.cmpf oge, %mul3A_519, %ge3A_564 : vector<8x64xf32>
    %convert_element_type3A_566 = arith.extui %ge3A_565 : vector<8x64xi1> to vector<8x64xi32>
    %convert_element_type3A_567 = arith.sitofp %convert_element_type3A_566 : vector<8x64xi32> to vector<8x64xf32>
    %add3A_568 = arith.addf %add3A_561, %convert_element_type3A_567 : vector<8x64xf32>
    %slice3A_569 = vector.extract_strided_slice %add3A_457 {offsets = [0, 7], sizes = [1, 1], strides = [1, 1]} : vector<1x8xf32> to vector<1x1xf32>
    %squeeze3A_570 = vector.extract %slice3A_569[0, 0] : f32 from vector<1x1xf32>
    %ge3A_571 = vector.broadcast %squeeze3A_570 : f32 to vector<8x64xf32>
    %ge3A_572 = arith.cmpf oge, %mul3A_519, %ge3A_571 : vector<8x64xf32>
    %convert_element_type3A_573 = arith.extui %ge3A_572 : vector<8x64xi1> to vector<8x64xi32>
    %convert_element_type3A_574 = arith.sitofp %convert_element_type3A_573 : vector<8x64xi32> to vector<8x64xf32>
    %add3A_575 = arith.addf %add3A_568, %convert_element_type3A_574 : vector<8x64xf32>
    %min3A = arith.constant 7.000000e+00 : f32
    %min3A_576 = vector.broadcast %min3A : f32 to vector<8x64xf32>
    %min3A_577 = arith.minimumf %add3A_575, %min3A_576 : vector<8x64xf32>
    %swap3A_578 = arith.constant 0 : index
    %swap3A_579 = arith.constant 0 : index
    %swap3A_580 = vector.load %arg5[%swap3A_578, %swap3A_579] : memref<8x64xf32, #tpu.memory_space<vmem>>, vector<8x64xf32>
    tpu.vector_store %arg5[%swap3A_578, %swap3A_579], %min3A_577 {strides = array<i32>} : memref<8x64xf32, #tpu.memory_space<vmem>>, vector<8x64xf32>,
    return
  }
  func.func @transform_0(%arg0: i32) -> (i32, i32) {
    %c0_i32 = arith.constant 0 : i32
    %c0_i32_0 = arith.constant 0 : i32
    %c0_i32_1 = arith.constant 0 : i32
    return %c0_i32, %c0_i32_0 : i32, i32
  }
  func.func @transform_1(%arg0: i32) -> (i32, i32) {
    %c0_i32 = arith.constant 0 : i32
    %c0_i32_0 = arith.constant 0 : i32
    %c0_i32_1 = arith.constant 0 : i32
    return %c0_i32, %c0_i32_0 : i32, i32
  }
  func.func @transform_2(%arg0: i32) -> (i32, i32) {
    %c0_i32 = arith.constant 0 : i32
    %c0_i32_0 = arith.constant 0 : i32
    %c0_i32_1 = arith.constant 0 : i32
    return %c0_i32, %c0_i32_0 : i32, i32
  }
  func.func @transform_3(%arg0: i32) -> (i32, i32) {
    %c0_i32 = arith.constant 0 : i32
    %c0_i32_0 = arith.constant 0 : i32
    %c0_i32_1 = arith.constant 0 : i32
    return %c0_i32, %c0_i32_0 : i32, i32
  }
  func.func @transform_4(%arg0: i32) -> (i32, i32) {
    %c0_i32 = arith.constant 0 : i32
    %c0_i32_0 = arith.constant 0 : i32
    %c0_i32_1 = arith.constant 0 : i32
    return %c0_i32, %c0_i32_0 : i32, i32
  }
}

module attributes {stable_mosaic.version = 14 : i64} {
  func.func @_group_body(%arg0: i32, %arg1: i32, %arg2: memref<40xi32, #tpu.memory_space<smem>>, %arg3: memref<128x1024xf32, #tpu.memory_space<vmem>>, %arg4: memref<1x1x1024x1024xf32, #tpu.memory_space<vmem>>, %arg5: memref<8x1x4096xf32, #tpu.memory_space<vmem>>, %arg6: memref<8x4096x7xf32, #tpu.memory_space<vmem>>, %arg7: memref<8x1x128xf32, #tpu.memory_space<vmem>>, %arg8: memref<128x128xf32, #tpu.memory_space<vmem>>) attributes {dimension_semantics = [#tpu.dimension_semantics<arbitrary>, #tpu.dimension_semantics<arbitrary>], iteration_bounds = array<i64: 40, 4>, scalar_prefetch = 1 : i64, scratch_operands = 0 : i64, tpu.core_type = #tpu.core_type<tc>, window_params = [{transform_indices = @transform_0, window_bounds = array<i64: 128, 1024>}, {transform_indices = @transform_1, window_bounds = array<i64: 1, 1, 1024, 1024>}, {pipeline_mode = #tpu.pipeline_mode<synchronous>, transform_indices = @transform_2, window_bounds = array<i64: 8, 1, 4096>}, {pipeline_mode = #tpu.pipeline_mode<synchronous>, transform_indices = @transform_3, window_bounds = array<i64: 8, 4096, 7>}, {pipeline_mode = #tpu.pipeline_mode<synchronous>, transform_indices = @transform_4, window_bounds = array<i64: 8, 1, 128>}, {transform_indices = @transform_5, window_bounds = array<i64: 128, 128>}]} {
    %get3A = arith.index_cast %arg0 : i32 to index
    %get3A_0 = memref.load %arg2[%get3A] : memref<40xi32, #tpu.memory_space<smem>>
    %mul3A = arith.constant 1024 : i32
    %mul3A_1 = arith.muli %arg1, %mul3A : i32
    %get3A_2 = arith.constant 0 : index
    %get3A_3 = arith.constant 0 : index
    %get3A_4 = vector.load %arg3[%get3A_2, %get3A_3] : memref<128x1024xf32, #tpu.memory_space<vmem>>, vector<128x1024xf32>
    %get3A_5 = arith.constant 0 : index
    %get3A_6 = arith.constant 0 : index
    %get3A_7 = arith.constant 0 : index
    %get3A_8 = arith.constant 0 : index
    %get3A_9 = vector.load %arg4[%get3A_5, %get3A_6, %get3A_7, %get3A_8] : memref<1x1x1024x1024xf32, #tpu.memory_space<vmem>>, vector<1x1x1024x1024xf32>
    %get3A_10 = vector.shape_cast %get3A_9 : vector<1x1x1024x1024xf32> to vector<1024x1024xf32>
    %dot_general3A = arith.constant dense<0.000000e+00> : vector<128x1024xf32>
    %dot_general3A_11 = tpu.matmul %get3A_4, %get3A_10, %dot_general3A {dimension_numbers = #tpu.dot_dimension_numbers<[1], [0], [0], [1], [0, 0, 1, 1], [], []>, transpose_lhs_hint = false} : vector<128x1024xf32>, vector<1024x1024xf32>, vector<128x1024xf32> -> vector<128x1024xf32>
    %get3A_12 = arith.index_cast %get3A_0 : i32 to index
    %get3A_13 = arith.constant 0 : index
    %get3A_14 = arith.index_cast %mul3A_1 : i32 to index
    %get3A_15 = vector.load %arg5[%get3A_12, %get3A_13, %get3A_14] : memref<8x1x4096xf32, #tpu.memory_space<vmem>>, vector<1x1x1024xf32>
    %get3A_16 = vector.shape_cast %get3A_15 : vector<1x1x1024xf32> to vector<1024xf32>
    %broadcast_in_dim3A = vector.shape_cast %get3A_16 : vector<1024xf32> to vector<1x1024xf32>
    %add3A = vector.broadcast %broadcast_in_dim3A : vector<1x1024xf32> to vector<128x1024xf32>
    %add3A_17 = arith.addf %dot_general3A_11, %add3A : vector<128x1024xf32>
    %mul3A_18 = arith.mulf %add3A_17, %add3A_17 : vector<128x1024xf32>
    %mul3A_19 = arith.mulf %mul3A_18, %add3A_17 : vector<128x1024xf32>
    %mul3A_20 = arith.constant 5.000000e-01 : f32
    %mul3A_21 = vector.broadcast %mul3A_20 : f32 to vector<128x1024xf32>
    %mul3A_22 = arith.mulf %mul3A_21, %add3A_17 : vector<128x1024xf32>
    %mul3A_23 = arith.constant 4.471500e-02 : f32
    %mul3A_24 = vector.broadcast %mul3A_23 : f32 to vector<128x1024xf32>
    %mul3A_25 = arith.mulf %mul3A_24, %mul3A_19 : vector<128x1024xf32>
    %add3A_26 = arith.addf %add3A_17, %mul3A_25 : vector<128x1024xf32>
    %mul3A_27 = arith.constant 0.797884583 : f32
    %mul3A_28 = vector.broadcast %mul3A_27 : f32 to vector<128x1024xf32>
    %mul3A_29 = arith.mulf %mul3A_28, %add3A_26 : vector<128x1024xf32>
    %tanh3A = math.tanh %mul3A_29 : vector<128x1024xf32>
    %add3A_30 = arith.constant 1.000000e+00 : f32
    %add3A_31 = vector.broadcast %add3A_30 : f32 to vector<128x1024xf32>
    %add3A_32 = arith.addf %add3A_31, %tanh3A : vector<128x1024xf32>
    %mul3A_33 = arith.mulf %mul3A_22, %add3A_32 : vector<128x1024xf32>
    %get3A_34 = arith.index_cast %get3A_0 : i32 to index
    %get3A_35 = arith.index_cast %mul3A_1 : i32 to index
    %get3A_36 = arith.constant 0 : index
    %get3A_37 = vector.load %arg6[%get3A_34, %get3A_35, %get3A_36] : memref<8x4096x7xf32, #tpu.memory_space<vmem>>, vector<1x1024x7xf32>
    %get3A_38 = vector.shape_cast %get3A_37 : vector<1x1024x7xf32> to vector<1024x7xf32>
    %dot_general3A_39 = arith.constant dense<0.000000e+00> : vector<128x7xf32>
    %dot_general3A_40 = tpu.matmul %mul3A_33, %get3A_38, %dot_general3A_39 {dimension_numbers = #tpu.dot_dimension_numbers<[1], [0], [0], [1], [0, 0, 1, 1], [], []>, transpose_lhs_hint = false} : vector<128x1024xf32>, vector<1024x7xf32>, vector<128x7xf32> -> vector<128x7xf32>
    %eq3A = arith.constant 0 : i32
    %eq3A_41 = arith.cmpi eq, %arg1, %eq3A : i32
    %convert_element_type3A = arith.extui %eq3A_41 : i1 to i32
    %cond3A = arith.constant 0 : i32
    %cond3A_42 = arith.cmpi ne, %convert_element_type3A, %cond3A : i32
    scf.if %cond3A_42 {
      %broadcast_in_dim3A_49 = arith.constant 0.000000e+00 : f32
      %broadcast_in_dim3A_50 = vector.broadcast %broadcast_in_dim3A_49 : f32 to vector<128x128xf32>
      %get3A_51 = arith.index_cast %get3A_0 : i32 to index
      %get3A_52 = arith.constant 0 : index
      %get3A_53 = arith.constant 0 : index
      %get3A_54 = vector.load %arg7[%get3A_51, %get3A_52, %get3A_53] : memref<8x1x128xf32, #tpu.memory_space<vmem>>, vector<1x1x128xf32>
      %get3A_55 = vector.shape_cast %get3A_54 : vector<1x1x128xf32> to vector<128xf32>
      %broadcast_in_dim3A_56 = vector.shape_cast %get3A_55 : vector<128xf32> to vector<1x128xf32>
      %add3A_57 = vector.broadcast %broadcast_in_dim3A_56 : vector<1x128xf32> to vector<128x128xf32>
      %add3A_58 = arith.addf %broadcast_in_dim3A_50, %add3A_57 : vector<128x128xf32>
      %swap3A_59 = arith.constant 0 : index
      %swap3A_60 = arith.constant 0 : index
      %swap3A_61 = vector.load %arg8[%swap3A_59, %swap3A_60] : memref<128x128xf32, #tpu.memory_space<vmem>>, vector<128x128xf32>
      tpu.vector_store %arg8[%swap3A_59, %swap3A_60], %add3A_58 {strides = array<i32>} : memref<128x128xf32, #tpu.memory_space<vmem>>, vector<128x128xf32>,
    } else {
    }
    %get3A_43 = arith.constant 0 : index
    %get3A_44 = arith.constant 0 : index
    %get3A_45 = vector.load %arg8[%get3A_43, %get3A_44] : memref<128x128xf32, #tpu.memory_space<vmem>>, vector<128x7xf32>
    %add3A_46 = arith.addf %get3A_45, %dot_general3A_40 : vector<128x7xf32>
    %swap3A = arith.constant 0 : index
    %swap3A_47 = arith.constant 0 : index
    %swap3A_48 = vector.load %arg8[%swap3A, %swap3A_47] : memref<128x128xf32, #tpu.memory_space<vmem>>, vector<128x7xf32>
    tpu.vector_store %arg8[%swap3A, %swap3A_47], %add3A_46 {strides = array<i32>} : memref<128x128xf32, #tpu.memory_space<vmem>>, vector<128x7xf32>,
    return
  }
  func.func @transform_0(%arg0: i32, %arg1: i32, %arg2: memref<40xi32, #tpu.memory_space<smem>>) -> (i32, i32) {
    %c0_i32 = arith.constant 0 : i32
    %c0_i32_0 = arith.constant 0 : i32
    return %arg0, %c0_i32 : i32, i32
  }
  func.func @transform_1(%arg0: i32, %arg1: i32, %arg2: memref<40xi32, #tpu.memory_space<smem>>) -> (i32, i32, i32, i32) {
    %get3A = arith.index_cast %arg0 : i32 to index
    %get3A_0 = memref.load %arg2[%get3A] : memref<40xi32, #tpu.memory_space<smem>>
    %c0_i32 = arith.constant 0 : i32
    %c0_i32_1 = arith.constant 0 : i32
    %c0_i32_2 = arith.constant 0 : i32
    return %get3A_0, %c0_i32, %c0_i32_1, %arg1 : i32, i32, i32, i32
  }
  func.func @transform_2(%arg0: i32, %arg1: i32, %arg2: memref<40xi32, #tpu.memory_space<smem>>) -> (i32, i32, i32) {
    %c0_i32 = arith.constant 0 : i32
    %c0_i32_0 = arith.constant 0 : i32
    %c0_i32_1 = arith.constant 0 : i32
    %c0_i32_2 = arith.constant 0 : i32
    return %c0_i32, %c0_i32_0, %c0_i32_1 : i32, i32, i32
  }
  func.func @transform_3(%arg0: i32, %arg1: i32, %arg2: memref<40xi32, #tpu.memory_space<smem>>) -> (i32, i32, i32) {
    %c0_i32 = arith.constant 0 : i32
    %c0_i32_0 = arith.constant 0 : i32
    %c0_i32_1 = arith.constant 0 : i32
    %c0_i32_2 = arith.constant 0 : i32
    return %c0_i32, %c0_i32_0, %c0_i32_1 : i32, i32, i32
  }
  func.func @transform_4(%arg0: i32, %arg1: i32, %arg2: memref<40xi32, #tpu.memory_space<smem>>) -> (i32, i32, i32) {
    %c0_i32 = arith.constant 0 : i32
    %c0_i32_0 = arith.constant 0 : i32
    %c0_i32_1 = arith.constant 0 : i32
    %c0_i32_2 = arith.constant 0 : i32
    return %c0_i32, %c0_i32_0, %c0_i32_1 : i32, i32, i32
  }
  func.func @transform_5(%arg0: i32, %arg1: i32, %arg2: memref<40xi32, #tpu.memory_space<smem>>) -> (i32, i32) {
    %c0_i32 = arith.constant 0 : i32
    %c0_i32_0 = arith.constant 0 : i32
    return %arg0, %c0_i32 : i32, i32
  }
}

</mosaic_0001>

<sc_bundles>
// kernel: kernel.6.cloned.1.call-start
scs
__scs_entry_jumppad:
0x0: {  	(pc) =	sbr.rel $0x88, $3  }
0x1: {  	(tag) =	ssettag $0x0;
	lr =	simm.s32 $0x1  }
0x2: {  	[smem:$0x3F99] =	sst lr;
	_ =	strace $0xD0000000  }
0x3: {  	_ = 	snop  }
0x4: {  	_ = 	snop  }
0x5: {  	_ = 	snop  }
0x6: {  	_ = 	snop  }
0x7: {  	_ = 	snop  }
__scs_overlays_trampoline_lowered:
0x8: {  	[smem:$0x3FA8] =	sst s0  }
0x9: {  	[smem:$0x3FA9] =	sst s1  }
0xa: {  	[smem:$0x3FAA] =	sst s2  }
0xb: {  	[smem:$0x3FAB] =	sst s3  }
0xc: {  	[smem:$0x3FAC] =	sst s4  }
0xd: {  	[smem:$0x3FAD] =	sst s5  }
0xe: {  	[smem:$0x3FAE] =	sst s6  }
0xf: {  	[smem:$0x3FAF] =	sst s7  }
0x10: {  	[smem:$0x3FB0] =	sst s8  }
0x11: {  	[smem:$0x3FB1] =	sst s9;
	s0 =	simm.s32 @!p0 $0x0  }
0x12: {  	s1 =	sld [smem:$0x3F97];
	s0 =	simm.s32 @p0 $0x1  }
0x13: {  	[smem:$0x3FB2] =	sst s0;
	s0 =	simm.s32 @!p1 $0x0  }
0x14: {  	s2 =	sld [smem:$0x3F96];
	s0 =	simm.s32 @p1 $0x1  }
0x15: {  	[smem:$0x3FB3] =	sst s0;
	s0 =	simm.s32 @!p2 $0x0  }
0x16: {  	s3 =	sld [smem:$0x3FDB];
	s0 =	simm.s32 @p2 $0x1  }
0x17: {  	s4 =	simm.s32 $0x1BF5;
	[smem:$0x3FB5] =	sst s0  }
0x18: {  	s0 =	sld [smem:$0x3F98];
	_ =	swait.ge [sflag:s4], $0x0  }
0x19: {  	s7 =	sld [smem:$0x3F99]  }
0x1a: {  	s8 =	sadd.s32 $0xFFFFE003, lr  }
0x1b: {  	s9 =	sadd.s32 $0xFFFFFEF7, lr;
	s5 =	simm.s32 $0xFFFFFFFF;
	p2 =	slt.u32 s8, $0xFFFFF086  }
0x1c: {  	p1 =	slt.u32 s9, $0xF7A;
	s5 =	simm.s32 @!p2 $0x0  }
0x1d: {  	s5 =	simm.s32 @p1 $0x1;
	p0 =	seq.s32 s7, s2  }
0x1e: {  	s7 =	smul.u32 @!p0 $0xF7A, s2;
	p2 =	seq.s32 @!p0 s5, $0x0  }
0x1f: {  	s9 =	smul.u32 $0xF7A, s1;
	s8 =	simm.s32 @!p0 $0x1BF5;
	p2 =	por !p2, p0  }
0x20: {  	[sflag:s8] =	ssyncset.s32 @!p0 $0xFFFFF086;
	s6 =	sadd.s32 @!p0 s3, s7;
	s7 =	simm.s32 @!p0 $0x108  }
0x21: {  	s3 =	sadd.s32 s3, s9;
	s6 =	sadd.s32 @!p0 $0x88, s6;
	s7 =	simm.s32 @p2 $0x1082  }
0x22: {  	[simem:s7], [sflag:s8] =	dma.local @!p0 [hbm:s6], $0xF7A  }
0x23: {  	s9 =	sor.u32 $0xD0000000, s2;
	s6 =	simm.s32 $0x108;
	_ =	swait.ge @!p0 [sflag:s8], $0x0  }
0x24: {  	s3 =	sadd.s32 $0x88, s3;
	s6 =	simm.s32 @!p1 $0x1082;
	[sflag:s4] =	ssyncset.s32 $0xFFFFF086  }
0x25: {  	[simem:s6], [sflag:s4] =	dma.local [hbm:s3], $0xF7A  }
0x26: {  	[smem:$0x3F99] =	sst s1;
	(tag) =	ssettag s2;
	_ =	strace s9  }
0x27: {  	s1 =	sld [smem:$0x3FA9]  }
0x28: {  	s2 =	sld [smem:$0x3FAA]  }
0x29: {  	s4 =	sld [smem:$0x3FAC]  }
0x2a: {  	p0 =	seq.s32 s5, $0x0;
	s5 =	sld [smem:$0x3FAD]  }
0x2b: {  	s6 =	sld [smem:$0x3FAE]  }
0x2c: {  	s7 =	sld [smem:$0x3FAF]  }
0x2d: {  	s3 =	simm.s32 $0x108;
	s8 =	sld [smem:$0x3FB0]  }
0x2e: {  	s3 =	simm.s32 @!p0 $0x1082;
	s9 =	sld [smem:$0x3FB1]  }
0x2f: {  	lr =	sadd.s32 s0, s3;
	s0 =	sld [smem:$0x3FA8]  }
0x30: {  	s3 =	sld [smem:$0x3FAB]  }
0x31: {  	[smem:$0x3FB4] =	sst s10  }
0x32: {  	s10 =	sld [smem:$0x3FB2];
	_ =	sdelay $0x3  }
0x33: {  	p0 =	seq.s32 s10, $0x1;
	s10 =	sld [smem:$0x3FB4];
	_ =	sdelay $0x3  }
0x34: {  	[smem:$0x3FB4] =	sst s10  }
0x35: {  	s10 =	sld [smem:$0x3FB3];
	_ =	sdelay $0x3  }
0x36: {  	p1 =	seq.s32 s10, $0x1;
	s10 =	sld [smem:$0x3FB4];
	_ =	sdelay $0x3  }
0x37: {  	[smem:$0x3FB4] =	sst s10  }
0x38: {  	s10 =	sld [smem:$0x3FB5]  }
0x39: {  	_ = 	snop;
	(pc) =	sbr.ind lr, $3  }
0x3a: {  	_ = 	snop  }
0x3b: {  	_ = 	snop  }
0x3c: {  	p2 =	seq.s32 s10, $0x1;
	s10 =	sld [smem:$0x3FB4]  }
0x3d: {  	_ =	shalt  }
0x3e: {  	_ =	shalt  }
0x3f: {  	_ =	shalt  }
0x40: {  	_ =	shalt  }
0x41: {  	_ =	shalt  }
0x42: {  	_ =	shalt  }
0x43: {  	_ =	shalt  }
0x44: {  	_ =	shalt  }
0x45: {  	_ =	shalt  }
0x46: {  	_ =	shalt  }
0x47: {  	_ =	shalt  }
0x48: {  	_ =	shalt  }
0x49: {  	_ =	shalt  }
0x4a: {  	_ =	shalt  }
0x4b: {  	_ =	shalt  }
0x4c: {  	_ =	shalt  }
0x4d: {  	_ =	shalt  }
0x4e: {  	_ =	shalt  }
0x4f: {  	_ =	shalt  }
0x50: {  	_ =	shalt  }
0x51: {  	_ =	shalt  }
0x52: {  	_ =	shalt  }
0x53: {  	_ =	shalt  }
0x54: {  	_ =	shalt  }
0x55: {  	_ =	shalt  }
0x56: {  	_ =	shalt  }
0x57: {  	_ =	shalt  }
0x58: {  	_ =	shalt  }
0x59: {  	_ =	shalt  }
0x5a: {  	_ =	shalt  }
0x5b: {  	_ =	shalt  }
0x5c: {  	_ =	shalt  }
0x5d: {  	_ =	shalt  }
0x5e: {  	_ =	shalt  }
0x5f: {  	_ =	shalt  }
0x60: {  	_ =	shalt  }
0x61: {  	_ =	shalt  }
0x62: {  	_ =	shalt  }
0x63: {  	_ =	shalt  }
0x64: {  	_ =	shalt  }
0x65: {  	_ =	shalt  }
0x66: {  	_ =	shalt  }
0x67: {  	_ =	shalt  }
0x68: {  	_ =	shalt  }
0x69: {  	_ =	shalt  }
0x6a: {  	_ =	shalt  }
0x6b: {  	_ =	shalt  }
0x6c: {  	_ =	shalt  }
0x6d: {  	_ =	shalt  }
0x6e: {  	_ =	shalt  }
0x6f: {  	_ =	shalt  }
0x70: {  	_ =	shalt  }
0x71: {  	_ =	shalt  }
0x72: {  	_ =	shalt  }
0x73: {  	_ =	shalt  }
0x74: {  	_ =	shalt  }
0x75: {  	_ =	shalt  }
0x76: {  	_ =	shalt  }
0x77: {  	_ =	shalt  }
0x78: {  	_ =	shalt  }
0x79: {  	_ =	shalt  }
0x7a: {  	_ =	shalt  }
0x7b: {  	_ =	shalt  }
0x7c: {  	_ =	shalt  }
0x7d: {  	_ =	shalt  }
0x7e: {  	_ =	shalt  }
0x7f: {  	_ =	shalt  }
0x80: {  	_ =	shalt  }
0x81: {  	_ =	shalt  }
0x82: {  	_ =	shalt  }
0x83: {  	_ =	shalt  }
0x84: {  	_ =	shalt  }
0x85: {  	_ =	shalt  }
0x86: {  	_ =	shalt  }
0x87: {  	_ =	shalt  }
.Lfunc_end0:
.L_simem_size_0:
called_computation_lowered:
.L_overlay_start_0:
0x88: {  	s2 =	sld [smem:$0x3FD9]  }
0x89: {  	s3 =	sld [smem:$0x3FFE];
	_ =	sdelay $0x1  }
0x8a: {  	s1 =	srdreg.scid  }
0x8b: {  	s0 =	sand.u32 $0x1, s1  }
0x8c: {  	s17 =	sshll.u32 s0, $0xA;
	s2 =	sadd.s32 s3, s2  }
0x8d: {  	s2 =	sadd.s32 s2, s17  }
0x8e: {  	[smem:$0x3FC0] =	sst s2  }
0x8f: {  	_ = 	snop  }
0x90: {  	s2 =	sld [smem:$0x3FC9]  }
0x91: {  	s18 =	sld [smem:$0x3FD0];
	(tm) =	ssettm $0x1  }
0x92: {  	s4 =	sld [smem:$0x3FFB];
	_ =	sdelay $0x3  }
0x93: {  	_ =	strace s4  }
0x94: {  	s4 =	sld [smem:$0x3FFC];
	_ =	sdelay $0x3  }
0x95: {  	_ =	strace s4  }
0x96: {  	s4 =	sld [smem:$0x3FFD];
	_ =	sdelay $0x3  }
0x97: {  	_ =	strace s4  }
0x98: {  	_ =	strace $0x8FFFFFFF  }
0x99: {  	s19 =	sld [smem:$0x3FDB];
	_ =	sdelay $0x1  }
0x9a: {  	s5 =	simm.s32 $_scs_section_size  }
0x9b: {  	s6 =	simm.s32 $_size__tile_overlayer_lowered;
	s7 =	simm.s32 $_tile_overlayer_lowered  }
0x9c: {  	s22 =	simm.s32 $0x1BFF;
	s21 =	sshll.u32 s7, $0x1;
	s4 =	sadd.s32 s5, s19  }
0x9d: {  	s8 =	simm.s32 $0x0;
	s20 =	sshll.u32 s6, $0x1;
	s6 =	sadd.s32 s21, s4  }
0x9e: {  	[timem:s8], [sflag:s22] =	dma.local [hbm:s6], s20  }
0x9f: {  	_ =	swait.ge [sflag:s22], s20  }
0xa0: {  	s5 =	ssub.s32 $0x0, s20;
	[sflag:s22] =	ssyncset.done $0x0  }
0xa1: {  	[sflag:s22] =	ssyncadd.s32 s5;
	_ =	sdelay $0x1  }
0xa2: {  	s23 =	simm.s32 $0x1B8B  }
0xa3: {  	_ =	swait.ge [sflag:s23], $0x1  }
0xa4: {  	[sflag:s23] =	ssyncset.done $0x0  }
0xa5: {  	s25 =	simm.s32 $0x1B8E;
	s24 =	sld [smem:$0x3FFE];
	[sflag:s23] =	ssyncadd.s32 $0xFFFFFFFF  }
0xa6: {  	s26 =	simm.s32 $execute0_lowered;
	[smem:$0x3FD2] =	sst s25  }
0xa7: {  	s6 =	sshll.u32 s26, $0x1;
	_ =	strace $0x80000046;
	[dreg:$0x1] =	wrdreg $0xFFFFFFFF  }
0xa8: {  	s28 =	simm.s32 $_size_execute0_lowered;
	s4 =	sadd.s32 s4, s6;
	[dreg:$0x0] =	wrdreg $0x0  }
0xa9: {  	s6 =	sshll.u32 s28, $0x1;
	[dreg:$0x2] =	wrdreg s4  }
0xaa: {  	[dreg:$0x3] =	wrdreg s6  }
0xab: {  	[dreg:$0x4] =	wrdreg $0xC0  }
0xac: {  	_ =	task [dreg:s8], $0x5FFFF  }
0xad: {  	[dreg:$0x1] =	wrdreg $0xFFFFFFFF  }
0xae: {  	[dreg:$0x0] =	wrdreg $0x60  }
0xaf: {  	[dreg:$0x2] =	wrdreg s2  }
0xb0: {  	[dreg:$0x3] =	wrdreg s24  }
0xb1: {  	[dreg:$0x4] =	wrdreg s18  }
0xb2: {  	[dreg:$0x5] =	wrdreg $0x9  }
0xb3: {  	_ =	task.clear_ibuf [dreg:s8], $0x6FFFF;
	_ =	strace $0x90000046  }
0xb4: {  	s29 =	simm.s32 $0x9;
	_ =	strace $0x80000048  }
0xb5: {  	_ =	swait.ge [sflag:s29], $0x1  }
0xb6: {  	[sflag:s29] =	ssyncadd.s32 $0xFFFFFFFF  }
0xb7: {  	_ =	strace $0x90000048  }
0xb8: {  	_ =	sfence  }
0xb9: {  	s30 =	sld [smem:$0x0];
	_ =	sdelay $0x2  }
0xba: {  	s31 =	sshll.u32 s1, $0xD;
	s1 =	sshrl.u32 s1, $0x2  }
0xbb: {  	s3 =	sand.u32 $0x4000, s31;
	s1 =	sadd.s32 s1, s30  }
0xbc: {  	s0 =	sor.u32 s3, s0;
	s1 =	sshll.u32 s1, $0x11  }
0xbd: {  	s0 =	sor.u32 s1, s0  }
0xbe: {  	s0 =	sadd.s32 $0x8F2B, s0  }
0xbf: {  	[sflag:s0] =	ssyncadd.remote.s32 $0x1  }
0xc0: {  	_ =	sfence.sel $0xFFFF  }
0xc1: {  	[dreg:$0x0] =	wrdreg $0xFFFFFFFF;
	(pc) =	sbr.abs _section_cstart, $3  }
0xc2: {  	[dreg:$0x1] =	wrdreg $0xFFFFFFFF  }
0xc3: {  	_ =	task.clear_ibuf [dreg:s8], $0x2FFFF;
	_ =	strace $0x9FFFFFFF  }
0xc4: {  	(tm) =	ssettm $0x7FFFFFFF  }
0xc5: {  	_ =	shalt  }
tec
execute0_lowered:
.L_overlay_start_1:
0x0: {  	(tag) =	ssettag $0x1  }
0x1: {  	s0 =	rddreg [dreg:$0x0]  }
0x2: {  	s1 =	rddreg [dreg:$0x1]  }
0x3: {  	s4 =	rddreg [dreg:$0x2]  }
0x4: {  	s2 =	srdreg.scid;
	s5 =	stileid.u32  }
0x5: {  	s26 =	simm.s32 $0x80;
	s22 =	simm.s32 $0x1900;
	s23 =	simm.s32 $0x2100  }
0x6: {  	s28 =	simm.s32 $0x4100;
	s29 =	simm.s32 $0x4900;
	s30 =	simm.s32 $0x5100  }
0x7: {  	s31 =	simm.s32 $0x5900;
	s10 =	simm.s32 $0x7100;
	s11 =	simm.s32 $0x7900  }
0x8: {  	s12 =	simm.s32 $0x8100;
	s13 =	simm.s32 $0x8900;
	s14 =	simm.s32 $0x9100  }
0x9: {  	s15 =	simm.s32 $0x9900;
	s16 =	simm.s32 $0xA100;
	s17 =	simm.s32 $0xA900  }
0xa: {  	s19 =	simm.s32 $0xB900;
	s3 =	sand.u32 $0x1, s2;
	s2 =	simm.s32 $0x0  }
0xb: {  	s5 =	sshll.u32 s5, $0x7;
	s6 =	sshll.u32 s3, $0x6;
	[smem:$0x7FF] =	sst s2  }
0xc: {  	s24 =	ssub.s32 $0x2, s3;
	s3 =	sadd.s32 $0x200, s1;
	s5 =	sor.u32 s6, s5  }
0xd: {  	_ =	strace $0x80000047;
	s8 =	sshrl.u32 s24, $0x1;
	s6 =	sadd.s32 $0x500, s1  }
0xe: {  	[dreg:$0x7] =	wrdreg s26;
	s26 =	simm.s32 $0x3900;
	s7 =	sshrl.u32 s5, $0x3  }
0xf: {  	s5 =	sshll.u32 s5, $0x7;
	s25 =	ssub.s32 s24, s8;
	s8 =	simm.s32 $0x3  }
0x10: {  	s24 =	simm.s32 $0x2900;
	s9 =	sadd.s32 s1, s7;
	s4 =	sadd.s32 s4, s7  }
0x11: {  	v2 =	vlaneseq.u32;
	s0 =	sadd.s32 s0, s5;
	s5 =	sadd.s32 $0x400, s1;
	[dreg:$0x4] =	wrdreg s9  }
0x12: {  	vm0 =	vmmov $0xffff;
	v1 =	vshrl.u32 v2, $0x3;
	s7 =	smax.u32 s25, $0x1;
	s25 =	simm.s32 $0x3100;
	[dreg:$0x5] =	wrdreg s4  }
0x13: {  	v0 =	vand.u32 $0x7, v2;
	v2 =	vor.u32 $0x8, v2;
	v1 =	vmul.u32 $0x8, v1;
	[dreg:$0x6] =	wrdreg s0;
	s4 =	sadd.s32 $0x300, s1;
	s9 =	simm.s32 $0xB100  }
.LBB2_1:
0x14: {  	s20 =	rddreg [dreg:$0x4]  }
0x15: {  	[tilespmem:s2], [sflag:$0x3] =	stream.linear.gather [hbm4b:s20+s2], $0x40, $0x38;
	[tilespmem:$0x10100] =	vst v63  }
0x16: {  	_ =	swait.ge [sflag:s8], $0x40  }
0x17: {  	s0 =	rddreg [dreg:$0x5];
	[sflag:s8] =	ssyncset.done $0x0  }
0x18: {  	s21 =	rddreg [dreg:$0x7];
	[sflag:s8] =	ssyncadd.s32 $0xFFFFFFC0  }
0x19: {  	[tilespmem:s21], [sflag:$0x3] =	stream.linear.gather [hbm4b:s0+s2], $0x40, $0x38;
	[tilespmem:$0x10100] =	vst v63  }
0x1a: {  	_ =	swait.ge [sflag:s8], $0x40  }
0x1b: {  	[sflag:s8] =	ssyncset.done $0x0  }
0x1c: {  	s18 =	simm.s32 $0x100;
	s1 =	rddreg [dreg:$0x6];
	[sflag:s8] =	ssyncadd.s32 $0xFFFFFFC0  }
0x1d: {  	[tilespmem:s18], [sflag:$0x3] =	stream.linear.gather [hbm4b:s1+s2], $0x10000, $0x38;
	[tilespmem:$0x10100] =	vst v63  }
0x1e: {  	_ =	swait.ge [sflag:s8], $0x10000  }
0x1f: {  	[sflag:s8] =	ssyncset.done $0x0  }
0x20: {  	[sflag:s8] =	ssyncadd.s32 $0xFFFF0000  }
0x21: {  	v3 =	vld [tilespmem:$0x0];
	_ =	sdelay $0x4  }
0x22: {  	v4 =	vshll.u32 v3, $0x3  }
0x23: {  	v3 =	vand.u32 $0x7, v3;
	v4 =	vand.u32 $0xFFFFFFC0, v4  }
0x24: {  	v3 =	vor.u32 v3, v4  }
0x25: {  	v4 =	vperm.xlane v3, v0;
	_ =	sdelay $0x1  }
0x26: {  	v4 =	vadd.s32 v1, v4;
	_ =	sdelay $0x4  }
0x27: {  	[hbm4b:s3+s2] =	stream.indirect_vreg.scatter [tilespmem:s18], [sflag:$0x1], $0x80, v4, vm0, $0xb8;
	[tilespmem:$0x10100] =	vst v63  }
0x28: {  	s20 =	simm.s32 $0x900;
	v3 =	vperm.xlane v3, v2  }
0x29: {  	[hbm4b:s4+s2] =	stream.indirect_vreg.scatter [tilespmem:s20], [sflag:$0x1], $0x80, v4, vm0, $0xb8;
	[tilespmem:$0x10100] =	vst v63  }
0x2a: {  	s21 =	simm.s32 $0x1100;
	v3 =	vadd.s32 v1, v3  }
0x2b: {  	[hbm4b:s5+s2] =	stream.indirect_vreg.scatter [tilespmem:s21], [sflag:$0x1], $0x80, v4, vm0, $0xb8;
	[tilespmem:$0x10100] =	vst v63  }
0x2c: {  	_ = 	snop  }
0x2d: {  	[hbm4b:s6+s2] =	stream.indirect_vreg.scatter [tilespmem:s22], [sflag:$0x1], $0x80, v4, vm0, $0xb8;
	[tilespmem:$0x10100] =	vst v63  }
0x2e: {  	_ = 	snop  }
0x2f: {  	[hbm4b:s3+s2] =	stream.indirect_vreg.scatter [tilespmem:s23], [sflag:$0x1], $0x80, v3, vm0, $0xb8;
	[tilespmem:$0x10100] =	vst v63  }
0x30: {  	_ = 	snop  }
0x31: {  	[hbm4b:s4+s2] =	stream.indirect_vreg.scatter [tilespmem:s24], [sflag:$0x1], $0x80, v3, vm0, $0xb8;
	[tilespmem:$0x10100] =	vst v63  }
0x32: {  	_ = 	snop  }
0x33: {  	[hbm4b:s5+s2] =	stream.indirect_vreg.scatter [tilespmem:s25], [sflag:$0x1], $0x80, v3, vm0, $0xb8;
	[tilespmem:$0x10100] =	vst v63  }
0x34: {  	_ = 	snop  }
0x35: {  	[hbm4b:s6+s2] =	stream.indirect_vreg.scatter [tilespmem:s26], [sflag:$0x1], $0x80, v3, vm0, $0xb8;
	[tilespmem:$0x10100] =	vst v63  }
0x36: {  	v3 =	vld [tilespmem:$0x10];
	_ =	sdelay $0x4  }
0x37: {  	v57 =	vshll.u32 v3, $0x3  }
0x38: {  	v3 =	vand.u32 $0x7, v3;
	v4 =	vand.u32 $0xFFFFFFC0, v57  }
0x39: {  	v3 =	vor.u32 v3, v4  }
0x3a: {  	v4 =	vperm.xlane v3, v0;
	_ =	sdelay $0x1  }
0x3b: {  	v4 =	vadd.s32 v1, v4;
	_ =	sdelay $0x4  }
0x3c: {  	[hbm4b:s3+s2] =	stream.indirect_vreg.scatter [tilespmem:s28], [sflag:$0x1], $0x80, v4, vm0, $0xb8;
	[tilespmem:$0x10100] =	vst v63  }
0x3d: {  	v3 =	vperm.xlane v3, v2  }
0x3e: {  	[hbm4b:s4+s2] =	stream.indirect_vreg.scatter [tilespmem:s29], [sflag:$0x1], $0x80, v4, vm0, $0xb8;
	[tilespmem:$0x10100] =	vst v63  }
0x3f: {  	v3 =	vadd.s32 v1, v3  }
0x40: {  	[hbm4b:s5+s2] =	stream.indirect_vreg.scatter [tilespmem:s30], [sflag:$0x1], $0x80, v4, vm0, $0xb8;
	[tilespmem:$0x10100] =	vst v63  }
0x41: {  	_ = 	snop  }
0x42: {  	[hbm4b:s6+s2] =	stream.indirect_vreg.scatter [tilespmem:s31], [sflag:$0x1], $0x80, v4, vm0, $0xb8;
	[tilespmem:$0x10100] =	vst v63  }
0x43: {  	s0 =	simm.s32 $0x6100  }
0x44: {  	[hbm4b:s3+s2] =	stream.indirect_vreg.scatter [tilespmem:s0], [sflag:$0x1], $0x80, v3, vm0, $0xb8;
	[tilespmem:$0x10100] =	vst v63  }
0x45: {  	s1 =	simm.s32 $0x6900  }
0x46: {  	[hbm4b:s4+s2] =	stream.indirect_vreg.scatter [tilespmem:s1], [sflag:$0x1], $0x80, v3, vm0, $0xb8;
	[tilespmem:$0x10100] =	vst v63  }
0x47: {  	_ = 	snop  }
0x48: {  	[hbm4b:s5+s2] =	stream.indirect_vreg.scatter [tilespmem:s10], [sflag:$0x1], $0x80, v3, vm0, $0xb8;
	[tilespmem:$0x10100] =	vst v63  }
0x49: {  	_ = 	snop  }
0x4a: {  	[hbm4b:s6+s2] =	stream.indirect_vreg.scatter [tilespmem:s11], [sflag:$0x1], $0x80, v3, vm0, $0xb8;
	[tilespmem:$0x10100] =	vst v63  }
0x4b: {  	v3 =	vld [tilespmem:$0x20];
	_ =	sdelay $0x4  }
0x4c: {  	v58 =	vshll.u32 v3, $0x3  }
0x4d: {  	v3 =	vand.u32 $0x7, v3;
	v4 =	vand.u32 $0xFFFFFFC0, v58  }
0x4e: {  	v3 =	vor.u32 v3, v4  }
0x4f: {  	v4 =	vperm.xlane v3, v0;
	_ =	sdelay $0x1  }
0x50: {  	v4 =	vadd.s32 v1, v4;
	_ =	sdelay $0x4  }
0x51: {  	[hbm4b:s3+s2] =	stream.indirect_vreg.scatter [tilespmem:s12], [sflag:$0x1], $0x80, v4, vm0, $0xb8;
	[tilespmem:$0x10100] =	vst v63  }
0x52: {  	v3 =	vperm.xlane v3, v2  }
0x53: {  	[hbm4b:s4+s2] =	stream.indirect_vreg.scatter [tilespmem:s13], [sflag:$0x1], $0x80, v4, vm0, $0xb8;
	[tilespmem:$0x10100] =	vst v63  }
0x54: {  	v3 =	vadd.s32 v1, v3  }
0x55: {  	[hbm4b:s5+s2] =	stream.indirect_vreg.scatter [tilespmem:s14], [sflag:$0x1], $0x80, v4, vm0, $0xb8;
	[tilespmem:$0x10100] =	vst v63  }
0x56: {  	_ = 	snop  }
0x57: {  	[hbm4b:s6+s2] =	stream.indirect_vreg.scatter [tilespmem:s15], [sflag:$0x1], $0x80, v4, vm0, $0xb8;
	[tilespmem:$0x10100] =	vst v63  }
0x58: {  	_ = 	snop  }
0x59: {  	[hbm4b:s3+s2] =	stream.indirect_vreg.scatter [tilespmem:s16], [sflag:$0x1], $0x80, v3, vm0, $0xb8;
	[tilespmem:$0x10100] =	vst v63  }
0x5a: {  	_ = 	snop  }
0x5b: {  	[hbm4b:s4+s2] =	stream.indirect_vreg.scatter [tilespmem:s17], [sflag:$0x1], $0x80, v3, vm0, $0xb8;
	[tilespmem:$0x10100] =	vst v63  }
0x5c: {  	_ = 	snop  }
0x5d: {  	[hbm4b:s5+s2] =	stream.indirect_vreg.scatter [tilespmem:s9], [sflag:$0x1], $0x80, v3, vm0, $0xb8;
	[tilespmem:$0x10100] =	vst v63  }
0x5e: {  	_ = 	snop  }
0x5f: {  	[hbm4b:s6+s2] =	stream.indirect_vreg.scatter [tilespmem:s19], [sflag:$0x1], $0x80, v3, vm0, $0xb8;
	[tilespmem:$0x10100] =	vst v63  }
0x60: {  	v3 =	vld [tilespmem:$0x30];
	_ =	sdelay $0x4  }
0x61: {  	v59 =	vshll.u32 v3, $0x3  }
0x62: {  	v3 =	vand.u32 $0x7, v3;
	v4 =	vand.u32 $0xFFFFFFC0, v59  }
0x63: {  	v3 =	vor.u32 v3, v4  }
0x64: {  	v4 =	vperm.xlane v3, v0;
	_ =	sdelay $0x1  }
0x65: {  	v4 =	vadd.s32 v1, v4;
	_ =	sdelay $0x3  }
0x66: {  	s0 =	simm.s32 $0xC100  }
0x67: {  	[hbm4b:s3+s2] =	stream.indirect_vreg.scatter [tilespmem:s0], [sflag:$0x1], $0x80, v4, vm0, $0xb8;
	[tilespmem:$0x10100] =	vst v63  }
0x68: {  	v3 =	vperm.xlane v3, v2;
	s0 =	simm.s32 $0xC900  }
0x69: {  	[hbm4b:s4+s2] =	stream.indirect_vreg.scatter [tilespmem:s0], [sflag:$0x1], $0x80, v4, vm0, $0xb8;
	[tilespmem:$0x10100] =	vst v63  }
0x6a: {  	v3 =	vadd.s32 v1, v3;
	s0 =	simm.s32 $0xD100  }
0x6b: {  	[hbm4b:s5+s2] =	stream.indirect_vreg.scatter [tilespmem:s0], [sflag:$0x1], $0x80, v4, vm0, $0xb8;
	[tilespmem:$0x10100] =	vst v63  }
0x6c: {  	s0 =	simm.s32 $0xD900  }
0x6d: {  	[hbm4b:s6+s2] =	stream.indirect_vreg.scatter [tilespmem:s0], [sflag:$0x1], $0x80, v4, vm0, $0xb8;
	[tilespmem:$0x10100] =	vst v63  }
0x6e: {  	s0 =	simm.s32 $0xE100  }
0x6f: {  	[hbm4b:s3+s2] =	stream.indirect_vreg.scatter [tilespmem:s0], [sflag:$0x1], $0x80, v3, vm0, $0xb8;
	[tilespmem:$0x10100] =	vst v63  }
0x70: {  	s0 =	simm.s32 $0xE900  }
0x71: {  	[hbm4b:s4+s2] =	stream.indirect_vreg.scatter [tilespmem:s0], [sflag:$0x1], $0x80, v3, vm0, $0xb8;
	[tilespmem:$0x10100] =	vst v63  }
0x72: {  	s0 =	simm.s32 $0xF100  }
0x73: {  	[hbm4b:s5+s2] =	stream.indirect_vreg.scatter [tilespmem:s0], [sflag:$0x1], $0x80, v3, vm0, $0xb8;
	[tilespmem:$0x10100] =	vst v63  }
0x74: {  	s0 =	simm.s32 $0xF900  }
0x75: {  	[hbm4b:s6+s2] =	stream.indirect_vreg.scatter [tilespmem:s0], [sflag:$0x1], $0x80, v3, vm0, $0xb8;
	[tilespmem:$0x10100] =	vst v63  }
0x76: {  	v3 =	vld [tilespmem:$0x80];
	_ =	sdelay $0x4  }
0x77: {  	v60 =	vshll.u32 v3, $0x3  }
0x78: {  	v3 =	vand.u32 $0x7, v3;
	v4 =	vand.u32 $0xFFFFFFC0, v60  }
0x79: {  	v3 =	vor.u32 v3, v4  }
0x7a: {  	v4 =	vperm.xlane v3, v0;
	_ =	sdelay $0x1  }
0x7b: {  	v4 =	vadd.s32 v1, v4;
	_ =	sdelay $0x4  }
0x7c: {  	[hbm4b:s3+s2] =	stream.indirect_vreg.scatter [tilespmem:s18], [sflag:$0x2], $0x80, v4, vm0, $0xb8;
	[tilespmem:$0x10100] =	vst v63  }
0x7d: {  	v3 =	vperm.xlane v3, v2  }
0x7e: {  	[hbm4b:s4+s2] =	stream.indirect_vreg.scatter [tilespmem:s20], [sflag:$0x2], $0x80, v4, vm0, $0xb8;
	[tilespmem:$0x10100] =	vst v63  }
0x7f: {  	v3 =	vadd.s32 v1, v3  }
0x80: {  	[hbm4b:s5+s2] =	stream.indirect_vreg.scatter [tilespmem:s21], [sflag:$0x2], $0x80, v4, vm0, $0xb8;
	[tilespmem:$0x10100] =	vst v63  }
0x81: {  	_ = 	snop  }
0x82: {  	[hbm4b:s6+s2] =	stream.indirect_vreg.scatter [tilespmem:s22], [sflag:$0x2], $0x80, v4, vm0, $0xb8;
	[tilespmem:$0x10100] =	vst v63  }
0x83: {  	_ = 	snop  }
0x84: {  	[hbm4b:s3+s2] =	stream.indirect_vreg.scatter [tilespmem:s23], [sflag:$0x2], $0x80, v3, vm0, $0xb8;
	[tilespmem:$0x10100] =	vst v63  }
0x85: {  	_ = 	snop  }
0x86: {  	[hbm4b:s4+s2] =	stream.indirect_vreg.scatter [tilespmem:s24], [sflag:$0x2], $0x80, v3, vm0, $0xb8;
	[tilespmem:$0x10100] =	vst v63  }
0x87: {  	_ = 	snop  }
0x88: {  	[hbm4b:s5+s2] =	stream.indirect_vreg.scatter [tilespmem:s25], [sflag:$0x2], $0x80, v3, vm0, $0xb8;
	[tilespmem:$0x10100] =	vst v63  }
0x89: {  	_ = 	snop  }
0x8a: {  	[hbm4b:s6+s2] =	stream.indirect_vreg.scatter [tilespmem:s26], [sflag:$0x2], $0x80, v3, vm0, $0xb8;
	[tilespmem:$0x10100] =	vst v63  }
0x8b: {  	v3 =	vld [tilespmem:$0x90];
	_ =	sdelay $0x4  }
0x8c: {  	v61 =	vshll.u32 v3, $0x3  }
0x8d: {  	v3 =	vand.u32 $0x7, v3;
	v4 =	vand.u32 $0xFFFFFFC0, v61  }
0x8e: {  	v3 =	vor.u32 v3, v4  }
0x8f: {  	v4 =	vperm.xlane v3, v0;
	_ =	sdelay $0x1  }
0x90: {  	v4 =	vadd.s32 v1, v4;
	_ =	sdelay $0x4  }
0x91: {  	[hbm4b:s3+s2] =	stream.indirect_vreg.scatter [tilespmem:s28], [sflag:$0x2], $0x80, v4, vm0, $0xb8;
	[tilespmem:$0x10100] =	vst v63  }
0x92: {  	v3 =	vperm.xlane v3, v2  }
0x93: {  	[hbm4b:s4+s2] =	stream.indirect_vreg.scatter [tilespmem:s29], [sflag:$0x2], $0x80, v4, vm0, $0xb8;
	[tilespmem:$0x10100] =	vst v63  }
0x94: {  	v3 =	vadd.s32 v1, v3  }
0x95: {  	[hbm4b:s5+s2] =	stream.indirect_vreg.scatter [tilespmem:s30], [sflag:$0x2], $0x80, v4, vm0, $0xb8;
	[tilespmem:$0x10100] =	vst v63  }
0x96: {  	_ = 	snop  }
0x97: {  	[hbm4b:s6+s2] =	stream.indirect_vreg.scatter [tilespmem:s31], [sflag:$0x2], $0x80, v4, vm0, $0xb8;
	[tilespmem:$0x10100] =	vst v63  }
0x98: {  	s21 =	simm.s32 $0x6100  }
0x99: {  	[hbm4b:s3+s2] =	stream.indirect_vreg.scatter [tilespmem:s21], [sflag:$0x2], $0x80, v3, vm0, $0xb8;
	[tilespmem:$0x10100] =	vst v63  }
0x9a: {  	_ = 	snop  }
0x9b: {  	[hbm4b:s4+s2] =	stream.indirect_vreg.scatter [tilespmem:s1], [sflag:$0x2], $0x80, v3, vm0, $0xb8;
	[tilespmem:$0x10100] =	vst v63  }
0x9c: {  	_ = 	snop  }
0x9d: {  	[hbm4b:s5+s2] =	stream.indirect_vreg.scatter [tilespmem:s10], [sflag:$0x2], $0x80, v3, vm0, $0xb8;
	[tilespmem:$0x10100] =	vst v63  }
0x9e: {  	_ = 	snop  }
0x9f: {  	[hbm4b:s6+s2] =	stream.indirect_vreg.scatter [tilespmem:s11], [sflag:$0x2], $0x80, v3, vm0, $0xb8;
	[tilespmem:$0x10100] =	vst v63  }
0xa0: {  	v3 =	vld [tilespmem:$0xA0];
	_ =	sdelay $0x4  }
0xa1: {  	v62 =	vshll.u32 v3, $0x3  }
0xa2: {  	v3 =	vand.u32 $0x7, v3;
	v4 =	vand.u32 $0xFFFFFFC0, v62  }
0xa3: {  	v3 =	vor.u32 v3, v4  }
0xa4: {  	v4 =	vperm.xlane v3, v0;
	_ =	sdelay $0x1  }
0xa5: {  	v4 =	vadd.s32 v1, v4;
	_ =	sdelay $0x4  }
0xa6: {  	[hbm4b:s3+s2] =	stream.indirect_vreg.scatter [tilespmem:s12], [sflag:$0x2], $0x80, v4, vm0, $0xb8;
	[tilespmem:$0x10100] =	vst v63  }
0xa7: {  	v3 =	vperm.xlane v3, v2  }
0xa8: {  	[hbm4b:s4+s2] =	stream.indirect_vreg.scatter [tilespmem:s13], [sflag:$0x2], $0x80, v4, vm0, $0xb8;
	[tilespmem:$0x10100] =	vst v63  }
0xa9: {  	v3 =	vadd.s32 v1, v3  }
0xaa: {  	[hbm4b:s5+s2] =	stream.indirect_vreg.scatter [tilespmem:s14], [sflag:$0x2], $0x80, v4, vm0, $0xb8;
	[tilespmem:$0x10100] =	vst v63  }
0xab: {  	_ = 	snop  }
0xac: {  	[hbm4b:s6+s2] =	stream.indirect_vreg.scatter [tilespmem:s15], [sflag:$0x2], $0x80, v4, vm0, $0xb8;
	[tilespmem:$0x10100] =	vst v63  }
0xad: {  	_ = 	snop  }
0xae: {  	[hbm4b:s3+s2] =	stream.indirect_vreg.scatter [tilespmem:s16], [sflag:$0x2], $0x80, v3, vm0, $0xb8;
	[tilespmem:$0x10100] =	vst v63  }
0xaf: {  	_ = 	snop  }
0xb0: {  	[hbm4b:s4+s2] =	stream.indirect_vreg.scatter [tilespmem:s17], [sflag:$0x2], $0x80, v3, vm0, $0xb8;
	[tilespmem:$0x10100] =	vst v63  }
0xb1: {  	_ = 	snop  }
0xb2: {  	[hbm4b:s5+s2] =	stream.indirect_vreg.scatter [tilespmem:s9], [sflag:$0x2], $0x80, v3, vm0, $0xb8;
	[tilespmem:$0x10100] =	vst v63  }
0xb3: {  	_ = 	snop  }
0xb4: {  	[hbm4b:s6+s2] =	stream.indirect_vreg.scatter [tilespmem:s19], [sflag:$0x2], $0x80, v3, vm0, $0xb8;
	[tilespmem:$0x10100] =	vst v63  }
0xb5: {  	v3 =	vld [tilespmem:$0xB0];
	_ =	sdelay $0x4  }
0xb6: {  	v63 =	vshll.u32 v3, $0x3  }
0xb7: {  	v3 =	vand.u32 $0x7, v3;
	v4 =	vand.u32 $0xFFFFFFC0, v63  }
0xb8: {  	v3 =	vor.u32 v3, v4  }
0xb9: {  	v4 =	vperm.xlane v3, v0;
	_ =	sdelay $0x1  }
0xba: {  	v4 =	vadd.s32 v1, v4;
	_ =	sdelay $0x3  }
0xbb: {  	s18 =	simm.s32 $0xC100  }
0xbc: {  	[hbm4b:s3+s2] =	stream.indirect_vreg.scatter [tilespmem:s18], [sflag:$0x2], $0x80, v4, vm0, $0xb8;
	[tilespmem:$0x10100] =	vst v63  }
0xbd: {  	s20 =	simm.s32 $0xC900;
	v3 =	vperm.xlane v3, v2  }
0xbe: {  	[hbm4b:s4+s2] =	stream.indirect_vreg.scatter [tilespmem:s20], [sflag:$0x2], $0x80, v4, vm0, $0xb8;
	[tilespmem:$0x10100] =	vst v63  }
0xbf: {  	s21 =	simm.s32 $0xD100;
	v3 =	vadd.s32 v1, v3  }
0xc0: {  	[hbm4b:s5+s2] =	stream.indirect_vreg.scatter [tilespmem:s21], [sflag:$0x2], $0x80, v4, vm0, $0xb8;
	[tilespmem:$0x10100] =	vst v63  }
0xc1: {  	s18 =	simm.s32 $0xD900  }
0xc2: {  	[hbm4b:s6+s2] =	stream.indirect_vreg.scatter [tilespmem:s18], [sflag:$0x2], $0x80, v4, vm0, $0xb8;
	[tilespmem:$0x10100] =	vst v63  }
0xc3: {  	s20 =	simm.s32 $0xE100  }
0xc4: {  	[hbm4b:s3+s2] =	stream.indirect_vreg.scatter [tilespmem:s20], [sflag:$0x2], $0x80, v3, vm0, $0xb8;
	[tilespmem:$0x10100] =	vst v63  }
0xc5: {  	s21 =	simm.s32 $0xE900  }
0xc6: {  	[hbm4b:s4+s2] =	stream.indirect_vreg.scatter [tilespmem:s21], [sflag:$0x2], $0x80, v3, vm0, $0xb8;
	[tilespmem:$0x10100] =	vst v63  }
0xc7: {  	s18 =	simm.s32 $0xF100  }
0xc8: {  	[hbm4b:s5+s2] =	stream.indirect_vreg.scatter [tilespmem:s18], [sflag:$0x2], $0x80, v3, vm0, $0xb8;
	[tilespmem:$0x10100] =	vst v63  }
0xc9: {  	s20 =	simm.s32 $0x1  }
0xca: {  	[hbm4b:s6+s2] =	stream.indirect_vreg.scatter [tilespmem:s0], [sflag:$0x2], $0x80, v3, vm0, $0xb8;
	[tilespmem:$0x10100] =	vst v63  }
0xcb: {  	p0 =	sne.s32 s7, $0x1;
	_ =	swait.ge [sflag:s20], $0x10000  }
.Ltmp0:
0xcc: {  	[sflag:s20] =	ssyncset.done $0x0;
	(pc) =	sbr.rel @p0 .LBB2_1-.Ltmp0, $4  }
0xcd: {  	s21 =	simm.s32 $0x2;
	[sflag:s20] =	ssyncadd.s32 $0xFFFF0000  }
0xce: {  	_ =	swait.ge [sflag:s21], $0x10000  }
0xcf: {  	[sflag:s21] =	ssyncset.done $0x0  }
0xd0: {  	s7 =	sadd.s32 $0xFFFFFFFF, s7;
	[sflag:s21] =	ssyncadd.s32 $0xFFFF0000  }
0xd1: {  	_ =	sfence.sel $0x180000  }
0xd2: {  	[bflag:$0x0] =	sbarrier.arrive $0xFFFF  }
0xd3: {  	_ =	strace $0x90000047  }
0xd4: {  	s0 =	stileid.u32;
	[bflag:$0x2] =	sbarrier.arrive $0xFFFF  }
0xd5: {  	p0 =	sne.s32 s0, $0x0;
	s0 =	rddreg [dreg:$0x3]  }
0xd6: {  	s0 =	sadd.s32 @!p0 $0x100000, s0  }
0xd7: {  	[sflag:s0] =	ssyncadd.tile.s32 @!p0 $0x1;
	_ =	shalt  }
.Lfunc_end2:
_tile_overlayer_lowered:
.L_overlay_start_2:
0xd8: {  	(tag) =	ssettag $0x2  }
0xd9: {  	s0 =	rddreg [dreg:$0x0];
	s2 =	stileid.u32  }
0xda: {  	s1 =	rddreg [dreg:$0x1];
	p0 =	sne.s32 s2, $0x0  }
0xdb: {  	s3 =	rddreg [dreg:$0x2];
	[bflag:$0x3] =	sbarrier.arrive $0xFFFF;
	s2 =	simm.s32 @!p0 $0x1C03  }
0xdc: {  	[timem:s3], [sflag:s2] =	dma.local @!p0 [hbm:s0], s1  }
0xdd: {  	s0 =	simm.s32 @!p0 $0x3  }
0xde: {  	_ =	swait.ge @!p0 [sflag:s0], s1  }
0xdf: {  	s1 =	ssub.s32 @!p0 $0x0, s1;
	[sflag:s0] =	ssyncset.done @!p0 $0x0  }
0xe0: {  	[sflag:s0] =	ssyncadd.s32 @!p0 s1  }
0xe1: {  	[bflag:$0x3] =	sbarrier.arrive $0xFFFF  }
0xe2: {  	_ =	shalt  }

// kernel: kernel.9.cloned.1.call-start
scs
__scs_entry_jumppad:
0x0: {  	(pc) =	sbr.rel $0x88, $3  }
0x1: {  	(tag) =	ssettag $0x0;
	lr =	simm.s32 $0x1  }
0x2: {  	[smem:$0x3F99] =	sst lr;
	_ =	strace $0xD0000000  }
0x3: {  	_ = 	snop  }
0x4: {  	_ = 	snop  }
0x5: {  	_ = 	snop  }
0x6: {  	_ = 	snop  }
0x7: {  	_ = 	snop  }
__scs_overlays_trampoline_lowered:
0x8: {  	[smem:$0x3FA8] =	sst s0  }
0x9: {  	[smem:$0x3FA9] =	sst s1  }
0xa: {  	[smem:$0x3FAA] =	sst s2  }
0xb: {  	[smem:$0x3FAB] =	sst s3  }
0xc: {  	[smem:$0x3FAC] =	sst s4  }
0xd: {  	[smem:$0x3FAD] =	sst s5  }
0xe: {  	[smem:$0x3FAE] =	sst s6  }
0xf: {  	[smem:$0x3FAF] =	sst s7  }
0x10: {  	[smem:$0x3FB0] =	sst s8  }
0x11: {  	[smem:$0x3FB1] =	sst s9;
	s0 =	simm.s32 @!p0 $0x0  }
0x12: {  	s1 =	sld [smem:$0x3F97];
	s0 =	simm.s32 @p0 $0x1  }
0x13: {  	[smem:$0x3FB2] =	sst s0;
	s0 =	simm.s32 @!p1 $0x0  }
0x14: {  	s2 =	sld [smem:$0x3F96];
	s0 =	simm.s32 @p1 $0x1  }
0x15: {  	[smem:$0x3FB3] =	sst s0;
	s0 =	simm.s32 @!p2 $0x0  }
0x16: {  	s3 =	sld [smem:$0x3FDB];
	s0 =	simm.s32 @p2 $0x1  }
0x17: {  	s4 =	simm.s32 $0x1BF5;
	[smem:$0x3FB5] =	sst s0  }
0x18: {  	s0 =	sld [smem:$0x3F98];
	_ =	swait.ge [sflag:s4], $0x0  }
0x19: {  	s7 =	sld [smem:$0x3F99]  }
0x1a: {  	s8 =	sadd.s32 $0xFFFFE003, lr  }
0x1b: {  	s9 =	sadd.s32 $0xFFFFFEF7, lr;
	s5 =	simm.s32 $0xFFFFFFFF;
	p2 =	slt.u32 s8, $0xFFFFF086  }
0x1c: {  	p1 =	slt.u32 s9, $0xF7A;
	s5 =	simm.s32 @!p2 $0x0  }
0x1d: {  	s5 =	simm.s32 @p1 $0x1;
	p0 =	seq.s32 s7, s2  }
0x1e: {  	s7 =	smul.u32 @!p0 $0xF7A, s2;
	p2 =	seq.s32 @!p0 s5, $0x0  }
0x1f: {  	s9 =	smul.u32 $0xF7A, s1;
	s8 =	simm.s32 @!p0 $0x1BF5;
	p2 =	por !p2, p0  }
0x20: {  	[sflag:s8] =	ssyncset.s32 @!p0 $0xFFFFF086;
	s6 =	sadd.s32 @!p0 s3, s7;
	s7 =	simm.s32 @!p0 $0x108  }
0x21: {  	s3 =	sadd.s32 s3, s9;
	s6 =	sadd.s32 @!p0 $0x88, s6;
	s7 =	simm.s32 @p2 $0x1082  }
0x22: {  	[simem:s7], [sflag:s8] =	dma.local @!p0 [hbm:s6], $0xF7A  }
0x23: {  	s9 =	sor.u32 $0xD0000000, s2;
	s6 =	simm.s32 $0x108;
	_ =	swait.ge @!p0 [sflag:s8], $0x0  }
0x24: {  	s3 =	sadd.s32 $0x88, s3;
	s6 =	simm.s32 @!p1 $0x1082;
	[sflag:s4] =	ssyncset.s32 $0xFFFFF086  }
0x25: {  	[simem:s6], [sflag:s4] =	dma.local [hbm:s3], $0xF7A  }
0x26: {  	[smem:$0x3F99] =	sst s1;
	(tag) =	ssettag s2;
	_ =	strace s9  }
0x27: {  	s1 =	sld [smem:$0x3FA9]  }
0x28: {  	s2 =	sld [smem:$0x3FAA]  }
0x29: {  	s4 =	sld [smem:$0x3FAC]  }
0x2a: {  	p0 =	seq.s32 s5, $0x0;
	s5 =	sld [smem:$0x3FAD]  }
0x2b: {  	s6 =	sld [smem:$0x3FAE]  }
0x2c: {  	s7 =	sld [smem:$0x3FAF]  }
0x2d: {  	s3 =	simm.s32 $0x108;
	s8 =	sld [smem:$0x3FB0]  }
0x2e: {  	s3 =	simm.s32 @!p0 $0x1082;
	s9 =	sld [smem:$0x3FB1]  }
0x2f: {  	lr =	sadd.s32 s0, s3;
	s0 =	sld [smem:$0x3FA8]  }
0x30: {  	s3 =	sld [smem:$0x3FAB]  }
0x31: {  	[smem:$0x3FB4] =	sst s10  }
0x32: {  	s10 =	sld [smem:$0x3FB2];
	_ =	sdelay $0x3  }
0x33: {  	p0 =	seq.s32 s10, $0x1;
	s10 =	sld [smem:$0x3FB4];
	_ =	sdelay $0x3  }
0x34: {  	[smem:$0x3FB4] =	sst s10  }
0x35: {  	s10 =	sld [smem:$0x3FB3];
	_ =	sdelay $0x3  }
0x36: {  	p1 =	seq.s32 s10, $0x1;
	s10 =	sld [smem:$0x3FB4];
	_ =	sdelay $0x3  }
0x37: {  	[smem:$0x3FB4] =	sst s10  }
0x38: {  	s10 =	sld [smem:$0x3FB5]  }
0x39: {  	_ = 	snop;
	(pc) =	sbr.ind lr, $3  }
0x3a: {  	_ = 	snop  }
0x3b: {  	_ = 	snop  }
0x3c: {  	p2 =	seq.s32 s10, $0x1;
	s10 =	sld [smem:$0x3FB4]  }
0x3d: {  	_ =	shalt  }
0x3e: {  	_ =	shalt  }
0x3f: {  	_ =	shalt  }
0x40: {  	_ =	shalt  }
0x41: {  	_ =	shalt  }
0x42: {  	_ =	shalt  }
0x43: {  	_ =	shalt  }
0x44: {  	_ =	shalt  }
0x45: {  	_ =	shalt  }
0x46: {  	_ =	shalt  }
0x47: {  	_ =	shalt  }
0x48: {  	_ =	shalt  }
0x49: {  	_ =	shalt  }
0x4a: {  	_ =	shalt  }
0x4b: {  	_ =	shalt  }
0x4c: {  	_ =	shalt  }
0x4d: {  	_ =	shalt  }
0x4e: {  	_ =	shalt  }
0x4f: {  	_ =	shalt  }
0x50: {  	_ =	shalt  }
0x51: {  	_ =	shalt  }
0x52: {  	_ =	shalt  }
0x53: {  	_ =	shalt  }
0x54: {  	_ =	shalt  }
0x55: {  	_ =	shalt  }
0x56: {  	_ =	shalt  }
0x57: {  	_ =	shalt  }
0x58: {  	_ =	shalt  }
0x59: {  	_ =	shalt  }
0x5a: {  	_ =	shalt  }
0x5b: {  	_ =	shalt  }
0x5c: {  	_ =	shalt  }
0x5d: {  	_ =	shalt  }
0x5e: {  	_ =	shalt  }
0x5f: {  	_ =	shalt  }
0x60: {  	_ =	shalt  }
0x61: {  	_ =	shalt  }
0x62: {  	_ =	shalt  }
0x63: {  	_ =	shalt  }
0x64: {  	_ =	shalt  }
0x65: {  	_ =	shalt  }
0x66: {  	_ =	shalt  }
0x67: {  	_ =	shalt  }
0x68: {  	_ =	shalt  }
0x69: {  	_ =	shalt  }
0x6a: {  	_ =	shalt  }
0x6b: {  	_ =	shalt  }
0x6c: {  	_ =	shalt  }
0x6d: {  	_ =	shalt  }
0x6e: {  	_ =	shalt  }
0x6f: {  	_ =	shalt  }
0x70: {  	_ =	shalt  }
0x71: {  	_ =	shalt  }
0x72: {  	_ =	shalt  }
0x73: {  	_ =	shalt  }
0x74: {  	_ =	shalt  }
0x75: {  	_ =	shalt  }
0x76: {  	_ =	shalt  }
0x77: {  	_ =	shalt  }
0x78: {  	_ =	shalt  }
0x79: {  	_ =	shalt  }
0x7a: {  	_ =	shalt  }
0x7b: {  	_ =	shalt  }
0x7c: {  	_ =	shalt  }
0x7d: {  	_ =	shalt  }
0x7e: {  	_ =	shalt  }
0x7f: {  	_ =	shalt  }
0x80: {  	_ =	shalt  }
0x81: {  	_ =	shalt  }
0x82: {  	_ =	shalt  }
0x83: {  	_ =	shalt  }
0x84: {  	_ =	shalt  }
0x85: {  	_ =	shalt  }
0x86: {  	_ =	shalt  }
0x87: {  	_ =	shalt  }
.Lfunc_end0:
.L_simem_size_0:
called_computation.1_lowered:
.L_overlay_start_0:
0x88: {  	s2 =	sld [smem:$0x3FD9]  }
0x89: {  	s3 =	sld [smem:$0x3FFE];
	_ =	sdelay $0x1  }
0x8a: {  	s1 =	srdreg.scid  }
0x8b: {  	s0 =	sand.u32 $0x1, s1  }
0x8c: {  	s17 =	sshll.u32 s0, $0xA;
	s2 =	sadd.s32 s3, s2  }
0x8d: {  	s2 =	sadd.s32 s2, s17  }
0x8e: {  	[smem:$0x3FC0] =	sst s2  }
0x8f: {  	_ = 	snop  }
0x90: {  	s2 =	sld [smem:$0x3FD0];
	(tm) =	ssettm $0x1  }
0x91: {  	s18 =	sld [smem:$0x3FFB];
	_ =	sdelay $0x3  }
0x92: {  	_ =	strace s18  }
0x93: {  	s3 =	sld [smem:$0x3FFC];
	_ =	sdelay $0x3  }
0x94: {  	_ =	strace s3  }
0x95: {  	s3 =	sld [smem:$0x3FFD];
	_ =	sdelay $0x3  }
0x96: {  	_ =	strace s3  }
0x97: {  	_ =	strace $0x8FFFFFFF  }
0x98: {  	s19 =	sld [smem:$0x3FDB];
	_ =	sdelay $0x1  }
0x99: {  	s4 =	simm.s32 $_scs_section_size  }
0x9a: {  	s5 =	simm.s32 $_size__tile_overlayer_lowered;
	s6 =	simm.s32 $_tile_overlayer_lowered  }
0x9b: {  	s22 =	simm.s32 $0x1BFF;
	s21 =	sshll.u32 s6, $0x1;
	s3 =	sadd.s32 s4, s19  }
0x9c: {  	s7 =	simm.s32 $0x0;
	s20 =	sshll.u32 s5, $0x1;
	s5 =	sadd.s32 s21, s3  }
0x9d: {  	[timem:s7], [sflag:s22] =	dma.local [hbm:s5], s20  }
0x9e: {  	_ =	swait.ge [sflag:s22], s20  }
0x9f: {  	s4 =	ssub.s32 $0x0, s20;
	[sflag:s22] =	ssyncset.done $0x0  }
0xa0: {  	[sflag:s22] =	ssyncadd.s32 s4;
	_ =	sdelay $0x1  }
0xa1: {  	s23 =	simm.s32 $0x1B8B  }
0xa2: {  	_ =	swait.ge [sflag:s23], $0x1  }
0xa3: {  	[sflag:s23] =	ssyncset.done $0x0  }
0xa4: {  	s25 =	simm.s32 $0x1B8E;
	s24 =	sld [smem:$0x3FFE];
	[sflag:s23] =	ssyncadd.s32 $0xFFFFFFFF  }
0xa5: {  	s26 =	simm.s32 $execute0_lowered;
	[smem:$0x3FD2] =	sst s25  }
0xa6: {  	s5 =	sshll.u32 s26, $0x1;
	_ =	strace $0x80000049;
	[dreg:$0x1] =	wrdreg $0xFFFFFFFF  }
0xa7: {  	s28 =	simm.s32 $_size_execute0_lowered;
	s3 =	sadd.s32 s3, s5;
	[dreg:$0x0] =	wrdreg $0x0  }
0xa8: {  	s5 =	sshll.u32 s28, $0x1;
	[dreg:$0x2] =	wrdreg s3  }
0xa9: {  	[dreg:$0x3] =	wrdreg s5  }
0xaa: {  	[dreg:$0x4] =	wrdreg $0xC0  }
0xab: {  	_ =	task [dreg:s7], $0x5FFFF  }
0xac: {  	[dreg:$0x1] =	wrdreg $0xFFFFFFFF  }
0xad: {  	[dreg:$0x0] =	wrdreg $0x60  }
0xae: {  	[dreg:$0x2] =	wrdreg s24  }
0xaf: {  	[dreg:$0x3] =	wrdreg s2  }
0xb0: {  	[dreg:$0x4] =	wrdreg $0x9  }
0xb1: {  	_ =	task.clear_ibuf [dreg:s7], $0x5FFFF;
	_ =	strace $0x90000049  }
0xb2: {  	s29 =	simm.s32 $0x9;
	_ =	strace $0x8000004B  }
0xb3: {  	_ =	swait.ge [sflag:s29], $0x1  }
0xb4: {  	[sflag:s29] =	ssyncadd.s32 $0xFFFFFFFF  }
0xb5: {  	_ =	strace $0x9000004B  }
0xb6: {  	_ =	sfence  }
0xb7: {  	s30 =	sld [smem:$0x0];
	_ =	sdelay $0x2  }
0xb8: {  	s31 =	sshll.u32 s1, $0xD;
	s1 =	sshrl.u32 s1, $0x2  }
0xb9: {  	s3 =	sand.u32 $0x4000, s31;
	s1 =	sadd.s32 s1, s30  }
0xba: {  	s0 =	sor.u32 s3, s0;
	s1 =	sshll.u32 s1, $0x11  }
0xbb: {  	s0 =	sor.u32 s1, s0  }
0xbc: {  	s0 =	sadd.s32 $0x8F2B, s0  }
0xbd: {  	[sflag:s0] =	ssyncadd.remote.s32 $0x1  }
0xbe: {  	_ =	sfence.sel $0xFFFF  }
0xbf: {  	[dreg:$0x0] =	wrdreg $0xFFFFFFFF;
	(pc) =	sbr.abs _section_cstart, $3  }
0xc0: {  	[dreg:$0x1] =	wrdreg $0xFFFFFFFF  }
0xc1: {  	_ =	task.clear_ibuf [dreg:s7], $0x2FFFF;
	_ =	strace $0x9FFFFFFF  }
0xc2: {  	(tm) =	ssettm $0x7FFFFFFF  }
0xc3: {  	_ =	shalt  }
tec
execute0_lowered:
.L_overlay_start_1:
0x0: {  	(tag) =	ssettag $0x1  }
0x1: {  	s4 =	rddreg [dreg:$0x0]  }
0x2: {  	s5 =	rddreg [dreg:$0x1]  }
0x3: {  	s0 =	rddreg [dreg:$0x2]  }
0x4: {  	s3 =	srdreg.scid;
	s2 =	simm.s32 $0x0;
	s1 =	stileid.u32  }
0x5: {  	s11 =	simm.s32 $0x2;
	s12 =	simm.s32 $0x80;
	s13 =	simm.s32 $0x100  }
0x6: {  	s14 =	simm.s32 $0x180;
	s15 =	simm.s32 $0x200;
	s16 =	simm.s32 $0x40  }
0x7: {  	s17 =	simm.s32 $0x2200;
	s18 =	simm.s32 $0x4200;
	s19 =	simm.s32 $0x1  }
0x8: {  	s20 =	simm.s32 $0x6200;
	s6 =	sand.u32 $0x1, s3;
	[smem:$0x7FF] =	sst s2  }
0x9: {  	s30 =	sshll.u32 s1, $0x7;
	s3 =	sadd.s32 $0x200, s4;
	s7 =	sshll.u32 s6, $0x6  }
0xa: {  	_ =	strace $0x8000004A;
	s6 =	ssub.s32 $0x2, s6;
	s7 =	sor.u32 s7, s30  }
0xb: {  	s31 =	sshrl.u32 s6, $0x1;
	s8 =	sshll.u32 s7, $0x4;
	s7 =	sshrl.u32 s7, $0x3  }
0xc: {  	s10 =	ssub.s32 s6, s31;
	s9 =	sadd.s32 s8, s4;
	s4 =	sadd.s32 s4, s7  }
0xd: {  	s5 =	sadd.s32 s5, s7;
	s10 =	smax.u32 s10, $0x1;
	s6 =	sadd.s32 $0xA8400, s4  }
0xe: {  	s7 =	sadd.s32 $0xA8200, s4;
	s8 =	sadd.s32 $0xA0200, s9;
	s9 =	sadd.s32 $0x14200, s9  }
.LBB2_1:
0xf: {  	[tilespmem:s2], [sflag:$0x2] =	stream.linear.gather [hbm4b:s4+s2], $0x40, $0x38;
	[tilespmem:$0x8200] =	vst v63  }
0x10: {  	_ =	swait.ge [sflag:s11], $0x40  }
0x11: {  	[sflag:s11] =	ssyncset.done $0x0  }
0x12: {  	[sflag:s11] =	ssyncadd.s32 $0xFFFFFFC0  }
0x13: {  	[tilespmem:s12], [sflag:$0x2] =	stream.linear.gather [hbm4b:s5+s2], $0x40, $0x38;
	[tilespmem:$0x8200] =	vst v63  }
0x14: {  	_ =	swait.ge [sflag:s11], $0x40  }
0x15: {  	[sflag:s11] =	ssyncset.done $0x0  }
0x16: {  	[sflag:s11] =	ssyncadd.s32 $0xFFFFFFC0  }
0x17: {  	[tilespmem:s13], [sflag:$0x2] =	stream.linear.gather [hbm4b:s6+s2], $0x40, $0x38;
	[tilespmem:$0x8200] =	vst v63  }
0x18: {  	_ =	swait.ge [sflag:s11], $0x40  }
0x19: {  	[sflag:s11] =	ssyncset.done $0x0  }
0x1a: {  	[sflag:s11] =	ssyncadd.s32 $0xFFFFFFC0  }
0x1b: {  	[tilespmem:s14], [sflag:$0x2] =	stream.linear.gather [hbm4b:s7+s2], $0x40, $0x38;
	[tilespmem:$0x8200] =	vst v63  }
0x1c: {  	_ =	swait.ge [sflag:s11], $0x40  }
0x1d: {  	[sflag:s11] =	ssyncset.done $0x0  }
0x1e: {  	[sflag:s11] =	ssyncadd.s32 $0xFFFFFFC0  }
0x1f: {  	[tilespmem:s15], [sflag:$0x2] =	stream.linear.gather [hbm4b:s8+s2], $0x2000, $0x38;
	[tilespmem:$0x8200] =	vst v63  }
0x20: {  	_ =	swait.ge [sflag:s11], $0x2000  }
0x21: {  	[sflag:s11] =	ssyncset.done $0x0  }
0x22: {  	[sflag:s11] =	ssyncadd.s32 $0xFFFFE000  }
0x23: {  	[tilespmem:s17], [sflag:$0x1] =	stream.indirect.gather [hbm4b:s3+s16], $0x80, s2, s16, $0xb8;
	[tilespmem:$0x8200] =	vst v63  }
0x24: {  	_ = 	snop  }
0x25: {  	[tilespmem:s18], [sflag:$0x1] =	stream.indirect.gather [hbm4b:s3+s16], $0x80, s12, s16, $0xb8;
	[tilespmem:$0x8200] =	vst v63  }
0x26: {  	_ =	swait.ge [sflag:s19], $0x2000  }
0x27: {  	[sflag:s19] =	ssyncset.done $0x0  }
0x28: {  	[sflag:s19] =	ssyncadd.s32 $0xFFFFE000  }
0x29: {  	_ =	swait.ge [sflag:s19], $0x2000  }
0x2a: {  	[sflag:s19] =	ssyncset.done $0x0  }
0x2b: {  	[sflag:s19] =	ssyncadd.s32 $0xFFFFE000  }
0x2c: {  	v16 =	vld [tilespmem:$0x100]  }
0x2d: {  	v17 =	vld [tilespmem:$0x180]  }
0x2e: {  	v18 =	vld [tilespmem:$0x2200]  }
0x2f: {  	v24 =	vld [tilespmem:$0x4200]  }
0x30: {  	v29 =	vld [tilespmem:$0x200]  }
0x31: {  	v30 =	vld [tilespmem:$0x2280]  }
0x32: {  	v31 =	vld [tilespmem:$0x4280]  }
0x33: {  	v32 =	vld [tilespmem:$0x280]  }
0x34: {  	v39 =	vld [tilespmem:$0x2300]  }
0x35: {  	v40 =	vld [tilespmem:$0x4300]  }
0x36: {  	v41 =	vld [tilespmem:$0x300]  }
0x37: {  	v42 =	vld [tilespmem:$0x2380]  }
0x38: {  	v43 =	vld [tilespmem:$0x4380]  }
0x39: {  	v50 =	vld [tilespmem:$0x380]  }
0x3a: {  	v44 =	vld [tilespmem:$0x2400]  }
0x3b: {  	v49 =	vld [tilespmem:$0x4400]  }
0x3c: {  	v53 =	vld [tilespmem:$0x400]  }
0x3d: {  	v52 =	vld [tilespmem:$0x2480]  }
0x3e: {  	v59 =	vld [tilespmem:$0x4480]  }
0x3f: {  	v60 =	vld [tilespmem:$0x480]  }
0x40: {  	v62 =	vld [tilespmem:$0x2500]  }
0x41: {  	v63 =	vld [tilespmem:$0x4500]  }
0x42: {  	v19 =	vld [tilespmem:$0x500]  }
0x43: {  	v8 =	vld [tilespmem:$0x2580]  }
0x44: {  	v9 =	vld [tilespmem:$0x4580]  }
0x45: {  	v22 =	vld [tilespmem:$0x580]  }
0x46: {  	v10 =	vld [tilespmem:$0x2600]  }
0x47: {  	v11 =	vld [tilespmem:$0x4600]  }
0x48: {  	v25 =	vld [tilespmem:$0x600]  }
0x49: {  	v12 =	vld [tilespmem:$0x2680]  }
0x4a: {  	v13 =	vld [tilespmem:$0x4680]  }
0x4b: {  	v28 =	vld [tilespmem:$0x680]  }
0x4c: {  	v14 =	vld [tilespmem:$0x2700]  }
0x4d: {  	v15 =	vld [tilespmem:$0x4700]  }
0x4e: {  	v35 =	vld [tilespmem:$0x700]  }
0x4f: {  	v20 =	vld [tilespmem:$0x2780]  }
0x50: {  	v21 =	vld [tilespmem:$0x4780]  }
0x51: {  	v37 =	vld [tilespmem:$0x780]  }
0x52: {  	v51 =	vld [tilespmem:$0x2800]  }
0x53: {  	v23 =	vld [tilespmem:$0x4800]  }
0x54: {  	v61 =	vld [tilespmem:$0x800]  }
0x55: {  	v26 =	vld [tilespmem:$0x2880]  }
0x56: {  	v27 =	vld [tilespmem:$0x4880]  }
0x57: {  	v48 =	vld [tilespmem:$0x880]  }
0x58: {  	v34 =	vld [tilespmem:$0x2900]  }
0x59: {  	v33 =	vld [tilespmem:$0x4900]  }
0x5a: {  	v0 =	vld [tilespmem:$0x900]  }
0x5b: {  	v6 =	vld [tilespmem:$0xB80]  }
0x5c: {  	v54 =	vld [tilespmem:$0x2980]  }
0x5d: {  	v7 =	vld [tilespmem:$0x2C00]  }
0x5e: {  	v36 =	vld [tilespmem:$0x4980]  }
0x5f: {  	v46 =	vld [tilespmem:$0x980]  }
0x60: {  	[tilespmem:$0x1FE20] =	vst v6;
	v6 =	vld [tilespmem:$0x4C00]  }
0x61: {  	v4 =	vld [tilespmem:$0x110]  }
0x62: {  	[tilespmem:$0x1FDD0] =	vst v7;
	v7 =	vld [tilespmem:$0xC00]  }
0x63: {  	v5 =	vld [tilespmem:$0x190]  }
0x64: {  	v45 =	vld [tilespmem:$0x2A00]  }
0x65: {  	[tilespmem:$0x1FDE0] =	vst v6;
	v6 =	vld [tilespmem:$0x2C80]  }
0x66: {  	v38 =	vld [tilespmem:$0x4A00]  }
0x67: {  	[tilespmem:$0x1FE70] =	vst v7;
	v7 =	vld [tilespmem:$0x4C80]  }
0x68: {  	v47 =	vld [tilespmem:$0xA00]  }
0x69: {  	v55 =	vld [tilespmem:$0xA80]  }
0x6a: {  	[tilespmem:$0x1FDF0] =	vst v6;
	v6 =	vld [tilespmem:$0xC80]  }
0x6b: {  	v57 =	vld [tilespmem:$0x2B00]  }
0x6c: {  	[tilespmem:$0x1FE00] =	vst v7;
	v7 =	vld [tilespmem:$0x2D00]  }
0x6d: {  	v58 =	vld [tilespmem:$0x4B00]  }
0x6e: {  	v2 =	vld [tilespmem:$0x2D80];
	[tilespmem:$0x1FD90] =	vst v0  }
0x6f: {  	[tilespmem:$0x1FE80] =	vst v6;
	v6 =	vld [tilespmem:$0x4D00]  }
0x70: {  	v56 =	vld [tilespmem:$0xB00];
	[tilespmem:$0x1FDA0] =	vst v46  }
0x71: {  	[tilespmem:$0x1FE30] =	vst v7;
	v7 =	vld [tilespmem:$0xD00]  }
0x72: {  	[tilespmem:$0x1FDB0] =	vst v47;
	v46 =	vld [tilespmem:$0x2A80]  }
0x73: {  	v47 =	vld [tilespmem:$0x4A80];
	[tilespmem:$0x1FE50] =	vst v2;
	v2 =	vbroadcast v16, $0x1;
	v3 =	vbroadcast v17, $0x1  }
0x74: {  	v0 =	vbroadcast v16, $0x0;
	[tilespmem:$0x1FE40] =	vst v6;
	v6 =	vld [tilespmem:$0x4D80]  }
0x75: {  	[tilespmem:$0x1FDC0] =	vst v55;
	v55 =	vld [tilespmem:$0x2B80];
	v2 =	vmul.f32 v30, v2;
	v3 =	vmul.f32 v31, v3  }
0x76: {  	[tilespmem:$0x1FEA0] =	vst v7;
	v7 =	vmul.f32 v18, v0;
	v18 =	vld [tilespmem:$0xD80]  }
0x77: {  	v1 =	vbroadcast v17, $0x0;
	v31 =	vld [tilespmem:$0xE00];
	v2 =	vadd.f32 v3, v2  }
0x78: {  	[tilespmem:$0x1FE10] =	vst v56;
	v56 =	vld [tilespmem:$0x4B80];
	v3 =	vbroadcast v16, $0x4  }
0x79: {  	v30 =	vld [tilespmem:$0x4E00];
	v2 =	vadd.f32 v2, v32;
	v32 =	vbroadcast v16, $0x5;
	[tilespmem:$0x1FE60] =	vst v6;
	v6 =	vmul.f32 v24, v1  }
0x7a: {  	v0 =	vbroadcast v16, $0x3;
	v24 =	vld [tilespmem:$0x2E00];
	v1 =	vbroadcast v17, $0x3  }
0x7b: {  	v3 =	vmul.f32 v44, v3;
	v44 =	vld [tilespmem:$0x4F00];
	[tilespmem:$0x1FEB0] =	vst v18;
	v18 =	vbroadcast v16, $0x2;
	v6 =	vadd.f32 v6, v7  }
0x7c: {  	[tilespmem:$0x1FEC0] =	vst v31;
	v31 =	vld [tilespmem:$0xE80];
	v0 =	vmul.f32 v42, v0;
	v1 =	vmul.f32 v43, v1  }
0x7d: {  	v7 =	vmul.f32 v39, v18;
	v39 =	vld [tilespmem:$0x2E80];
	v29 =	vadd.f32 v6, v29  }
0x7e: {  	v6 =	vbroadcast v17, $0x4;
	v0 =	vadd.f32 v1, v0;
	v1 =	vmul.f32 v52, v32;
	v32 =	vld [tilespmem:$0xF00]  }
0x7f: {  	v42 =	vbroadcast v17, $0x6;
	v43 =	vld [tilespmem:$0x4E80];
	[tilespmem:$0x1FE90] =	vst v24;
	v24 =	vbroadcast v17, $0x2  }
0x80: {  	v52 =	vld [tilespmem:$0x4F80];
	[tilespmem:$0x1FF00] =	vst v29;
	v29 =	vbroadcast v17, $0x5;
	v6 =	vmul.f32 v49, v6;
	v0 =	vadd.f32 v0, v50  }
0x81: {  	[tilespmem:$0x1FED0] =	vst v31;
	v49 =	vld [tilespmem:$0x2F80];
	v50 =	vbroadcast v16, $0x7;
	v18 =	vmul.f32 v40, v24  }
0x82: {  	v40 =	vld [tilespmem:$0x2F00];
	v31 =	vmul.f32 v59, v29;
	[tilespmem:$0x1FF30] =	vst v0;
	v59 =	vbroadcast v17, $0x7;
	v3 =	vadd.f32 v6, v3  }
0x83: {  	v29 =	vmul.f32 v63, v42;
	v0 =	vmul.f32 v8, v50;
	v7 =	vadd.f32 v18, v7;
	[tilespmem:$0x1FEE0] =	vst v32;
	v32 =	vld [tilespmem:$0xF80]  }
0x84: {  	v50 =	vld [tilespmem:$0x3000];
	v42 =	vbroadcast v16, $0x8;
	v63 =	vbroadcast v17, $0x9;
	v3 =	vadd.f32 v3, v53  }
0x85: {  	v1 =	vadd.f32 v31, v1;
	v53 =	vld [tilespmem:$0x5000];
	v7 =	vadd.f32 v7, v41;
	v41 =	vbroadcast v16, $0x6  }
0x86: {  	v18 =	vmul.f32 v13, v63;
	v63 =	vld [tilespmem:$0x5100];
	[tilespmem:$0x1FF40] =	vst v3;
	v3 =	vmul.f32 v10, v42  }
0x87: {  	v1 =	vadd.f32 v1, v60;
	v42 =	vbroadcast v17, $0xB;
	v60 =	vld [tilespmem:$0x3100];
	v6 =	vmul.f32 v62, v41  }
0x88: {  	v41 =	vmul.f32 v9, v59;
	v59 =	vbroadcast v17, $0x8;
	[tilespmem:$0x1FEF0] =	vst v32;
	v32 =	vld [tilespmem:$0x1000]  }
0x89: {  	v62 =	vbroadcast v16, $0x9;
	v13 =	vmul.f32 v21, v42;
	v42 =	vld [tilespmem:$0x1100]  }
0x8a: {  	[tilespmem:$0x1FF20] =	vst v7;
	v7 =	vmul.f32 v11, v59;
	v59 =	vld [tilespmem:$0x3080]  }
0x8b: {  	[tilespmem:$0x1FF50] =	vst v1;
	v6 =	vadd.f32 v29, v6;
	v1 =	vmul.f32 v12, v62;
	v62 =	vld [tilespmem:$0x5080]  }
0x8c: {  	v24 =	vbroadcast v16, $0xA;
	v0 =	vadd.f32 v41, v0;
	v41 =	vld [tilespmem:$0x1080]  }
0x8d: {  	v31 =	vbroadcast v16, $0xB;
	v11 =	vld [tilespmem:$0x3300];
	v6 =	vadd.f32 v6, v19;
	v3 =	vadd.f32 v7, v3  }
0x8e: {  	v21 =	vbroadcast v16, $0xD;
	v29 =	vbroadcast v17, $0xA;
	v1 =	vadd.f32 v18, v1;
	v19 =	vld [tilespmem:$0x5180]  }
0x8f: {  	v18 =	vld [tilespmem:$0x3200];
	[tilespmem:$0x1FF60] =	vst v6;
	v6 =	vmul.f32 v14, v24;
	v3 =	vadd.f32 v3, v25;
	v14 =	vbroadcast v16, $0xC  }
0x90: {  	v0 =	vadd.f32 v0, v22;
	v12 =	vmul.f32 v15, v29;
	v15 =	vbroadcast v17, $0xC;
	v24 =	vld [tilespmem:$0x3180]  }
0x91: {  	v22 =	vbroadcast v17, $0xD;
	v1 =	vadd.f32 v1, v28;
	[tilespmem:$0x1FF80] =	vst v3;
	v3 =	vmul.f32 v51, v14;
	v51 =	vld [tilespmem:$0x1180]  }
0x92: {  	[tilespmem:$0x1FF70] =	vst v0;
	v0 =	vmul.f32 v20, v31;
	v28 =	vmul.f32 v26, v21;
	v6 =	vadd.f32 v12, v6;
	v12 =	vld [tilespmem:$0x120]  }
0x93: {  	v9 =	vmul.f32 v27, v22;
	v27 =	vbroadcast v5, $0x3;
	[tilespmem:$0x1FF90] =	vst v1;
	v1 =	vld [tilespmem:$0x1A0]  }
0x94: {  	v31 =	vbroadcast v16, $0xE;
	v14 =	vbroadcast v16, $0xF;
	v16 =	vld [tilespmem:$0x3280]  }
0x95: {  	v25 =	vmul.f32 v23, v15;
	v23 =	vadd.f32 v9, v28;
	v28 =	vmul.f32 v56, v27;
	v56 =	vld [tilespmem:$0x3400]  }
0x96: {  	[tilespmem:$0x1FF10] =	vst v2;
	v21 =	vbroadcast v17, $0xF;
	v2 =	vadd.f32 v13, v0;
	v27 =	vld [tilespmem:$0x1FE60]  }
0x97: {  	v22 =	vmul.f32 v34, v31;
	v29 =	vadd.f32 v6, v35;
	v35 =	vbroadcast v17, $0xE;
	v17 =	vld [tilespmem:$0x5200]  }
0x98: {  	v31 =	vbroadcast v4, $0x0;
	v3 =	vadd.f32 v25, v3;
	v25 =	vmul.f32 v54, v14;
	v54 =	vld [tilespmem:$0x1200]  }
0x99: {  	v14 =	vld [tilespmem:$0x5280]  }
0x9a: {  	v13 =	vadd.f32 v2, v37;
	v37 =	vmul.f32 v45, v31;
	v31 =	vld [tilespmem:$0x1FDB0]  }
0x9b: {  	v26 =	vmul.f32 v36, v21;
	v6 =	vld [tilespmem:$0x1FE10]  }
0x9c: {  	[tilespmem:$0x1FFA0] =	vst v29;
	v29 =	vadd.f32 v3, v61;
	v3 =	vld [tilespmem:$0x5300]  }
0x9d: {  	v36 =	vbroadcast v5, $0x1;
	v8 =	vadd.f32 v26, v25;
	v25 =	vld [tilespmem:$0x1FDA0]  }
0x9e: {  	v10 =	vmul.f32 v33, v35;
	v35 =	vbroadcast v4, $0x1;
	v61 =	vld [tilespmem:$0x1300]  }
0x9f: {  	v15 =	vbroadcast v5, $0x2;
	v33 =	vbroadcast v5, $0x0;
	[tilespmem:$0x1FFC0] =	vst v29;
	v29 =	vld [tilespmem:$0x1280]  }
0xa0: {  	v45 =	vmul.f32 v46, v35;
	v46 =	vmul.f32 v47, v36;
	v47 =	vld [tilespmem:$0x1FD90]  }
0xa1: {  	v10 =	vadd.f32 v10, v22;
	v38 =	vmul.f32 v38, v33;
	v22 =	vmul.f32 v58, v15;
	v58 =	vld [tilespmem:$0x5380]  }
0xa2: {  	v35 =	vld [tilespmem:$0x1FDC0]  }
0xa3: {  	v20 =	vadd.f32 v38, v37;
	v38 =	vld [tilespmem:$0x1FDD0]  }
0xa4: {  	v34 =	vadd.f32 v23, v48;
	v48 =	vbroadcast v4, $0x2;
	v9 =	vadd.f32 v46, v45;
	v45 =	vld [tilespmem:$0x1FDE0]  }
0xa5: {  	v46 =	vld [tilespmem:$0x1FDF0]  }
0xa6: {  	v0 =	vadd.f32 v10, v47;
	v10 =	vmul.f32 v57, v48;
	v57 =	vld [tilespmem:$0x3380]  }
0xa7: {  	v23 =	vadd.f32 v20, v31;
	v31 =	vbroadcast v5, $0x8;
	v47 =	vld [tilespmem:$0x5400]  }
0xa8: {  	v26 =	vbroadcast v4, $0x3;
	v48 =	vld [tilespmem:$0x1FE00]  }
0xa9: {  	[tilespmem:$0x1FFD0] =	vst v34;
	v34 =	vbroadcast v5, $0x4;
	v30 =	vmul.f32 v30, v31;
	v31 =	vld [tilespmem:$0x3580]  }
0xaa: {  	v36 =	vbroadcast v4, $0x5;
	[tilespmem:$0x1FFE0] =	vst v0;
	v0 =	vadd.f32 v8, v25;
	v8 =	vmul.f32 v55, v26;
	v55 =	vld [tilespmem:$0x1380]  }
0xab: {  	v10 =	vadd.f32 v22, v10;
	v22 =	vmul.f32 v45, v34;
	v45 =	vld [tilespmem:$0x1400]  }
0xac: {  	v33 =	vbroadcast v4, $0x4;
	v21 =	vadd.f32 v9, v35;
	v9 =	vmul.f32 v46, v36;
	v46 =	vld [tilespmem:$0x1FE30]  }
0xad: {  	v26 =	vadd.f32 v10, v6;
	v6 =	vld [tilespmem:$0x1FE40]  }
0xae: {  	v20 =	vmul.f32 v38, v33;
	v36 =	vld [tilespmem:$0x1FE20];
	v38 =	vbroadcast v5, $0x7  }
0xaf: {  	v7 =	vbroadcast v4, $0x6;
	v37 =	vbroadcast v5, $0x5;
	v34 =	vld [tilespmem:$0x5480]  }
0xb0: {  	[tilespmem:$0x1FFB0] =	vst v13;
	v15 =	vbroadcast v5, $0x6;
	v8 =	vadd.f32 v28, v8;
	v33 =	vmul.f32 v27, v38;
	v28 =	vld [tilespmem:$0x1FE70]  }
0xb1: {  	[tilespmem:$0x1FFF0] =	vst v0;
	v38 =	vld [tilespmem:$0x1FE80];
	v0 =	vbroadcast v5, $0xB;
	v13 =	vmul.f32 v48, v37  }
0xb2: {  	v48 =	vld [tilespmem:$0x3480];
	v10 =	vmul.f32 v46, v7;
	v7 =	vmul.f32 v6, v15  }
0xb3: {  	v2 =	vmul.f32 v52, v0;
	v52 =	vld [tilespmem:$0x3680]  }
0xb4: {  	v10 =	vadd.f32 v7, v10;
	v7 =	vld [tilespmem:$0x1FE90]  }
0xb5: {  	v20 =	vadd.f32 v22, v20;
	v9 =	vadd.f32 v13, v9;
	v13 =	vld [tilespmem:$0x1FE50]  }
0xb6: {  	[tilespmem:$0x6B00] =	vst v26;
	v26 =	vld [tilespmem:$0x1B80]  }
0xb7: {  	v46 =	vld [tilespmem:$0x3500];
	v28 =	vadd.f32 v20, v28;
	v20 =	vbroadcast v4, $0x8  }
0xb8: {  	v37 =	vbroadcast v4, $0x7;
	v0 =	vbroadcast v5, $0xD;
	v25 =	vadd.f32 v8, v36;
	v8 =	vld [tilespmem:$0x1FEA0]  }
0xb9: {  	v6 =	vbroadcast v5, $0x9;
	v22 =	vmul.f32 v7, v20;
	v20 =	vld [tilespmem:$0x1FEB0]  }
0xba: {  	v36 =	vld [tilespmem:$0x5500];
	v27 =	vadd.f32 v9, v38;
	v9 =	vbroadcast v4, $0x9;
	v13 =	vmul.f32 v13, v37  }
0xbb: {  	v35 =	vmul.f32 v43, v6;
	v6 =	vld [tilespmem:$0x1FEC0]  }
0xbc: {  	v0 =	vmul.f32 v62, v0;
	v9 =	vmul.f32 v39, v9;
	v13 =	vadd.f32 v33, v13;
	v7 =	vld [tilespmem:$0x1FED0]  }
0xbd: {  	v62 =	vbroadcast v5, $0xE;
	v15 =	vld [tilespmem:$0x1480];
	v33 =	vadd.f32 v10, v8;
	v10 =	vbroadcast v4, $0xA  }
0xbe: {  	v38 =	vld [tilespmem:$0x1500];
	v9 =	vadd.f32 v35, v9;
	v20 =	vadd.f32 v13, v20;
	v13 =	vbroadcast v4, $0xB  }
0xbf: {  	[tilespmem:$0x6B80] =	vst v25;
	v25 =	vld [tilespmem:$0x5D00];
	v35 =	vbroadcast v4, $0xC;
	v22 =	vadd.f32 v30, v22;
	v30 =	vmul.f32 v40, v10  }
0xc0: {  	v39 =	vld [tilespmem:$0x5580];
	v40 =	vbroadcast v5, $0xC;
	v13 =	vmul.f32 v49, v13  }
0xc1: {  	v43 =	vld [tilespmem:$0x1580];
	v49 =	vadd.f32 v22, v6;
	v22 =	vadd.f32 v9, v7;
	v9 =	vbroadcast v4, $0xD  }
0xc2: {  	[tilespmem:$0x6C80] =	vst v27;
	v27 =	vld [tilespmem:$0x3C00];
	v35 =	vmul.f32 v50, v35;
	v40 =	vmul.f32 v53, v40  }
0xc3: {  	[tilespmem:$0x6C00] =	vst v28;
	v28 =	vld [tilespmem:$0x1C80];
	v9 =	vmul.f32 v59, v9;
	v59 =	vbroadcast v4, $0xE  }
0xc4: {  	v37 =	vbroadcast v5, $0xA;
	v8 =	vld [tilespmem:$0x3600]  }
0xc5: {  	v40 =	vadd.f32 v40, v35;
	v35 =	vmul.f32 v60, v59;
	v59 =	vmul.f32 v63, v62;
	v63 =	vld [tilespmem:$0x1FF00]  }
0xc6: {  	v37 =	vmul.f32 v44, v37;
	v44 =	vld [tilespmem:$0x5600]  }
0xc7: {  	v50 =	vld [tilespmem:$0x1FEF0]  }
0xc8: {  	[tilespmem:$0x6D00] =	vst v33;
	v33 =	vld [tilespmem:$0x5C00]  }
0xc9: {  	v10 =	vld [tilespmem:$0x1600]  }
0xca: {  	[tilespmem:$0x6200] =	vst v63;
	v63 =	vld [tilespmem:$0x1FF10]  }
0xcb: {  	v30 =	vadd.f32 v37, v30;
	v37 =	vld [tilespmem:$0x1680]  }
0xcc: {  	v53 =	vld [tilespmem:$0x3700]  }
0xcd: {  	v6 =	vld [tilespmem:$0x5680]  }
0xce: {  	v7 =	vld [tilespmem:$0x5700]  }
0xcf: {  	[tilespmem:$0x6280] =	vst v63;
	v63 =	vld [tilespmem:$0x1FF20]  }
0xd0: {  	[tilespmem:$0x6D80] =	vst v20;
	v20 =	vld [tilespmem:$0x1D80]  }
0xd1: {  	v32 =	vadd.f32 v40, v32;
	v2 =	vadd.f32 v2, v13;
	v13 =	vld [tilespmem:$0x1FEE0]  }
0xd2: {  	[tilespmem:$0x6E80] =	vst v22;
	v22 =	vld [tilespmem:$0x5C80]  }
0xd3: {  	[tilespmem:$0x7000] =	vst v32;
	v32 =	vld [tilespmem:$0x6080]  }
0xd4: {  	[tilespmem:$0x6300] =	vst v63;
	v63 =	vld [tilespmem:$0x1FF40]  }
0xd5: {  	v50 =	vadd.f32 v2, v50;
	v60 =	vld [tilespmem:$0x3780]  }
0xd6: {  	v2 =	vbroadcast v4, $0xF;
	v4 =	vbroadcast v5, $0xF;
	v0 =	vadd.f32 v0, v9;
	v9 =	vld [tilespmem:$0x1780]  }
0xd7: {  	v62 =	vld [tilespmem:$0x3800]  }
0xd8: {  	v5 =	vbroadcast v12, $0x0;
	v4 =	vmul.f32 v19, v4;
	v19 =	vld [tilespmem:$0x5780]  }
0xd9: {  	v2 =	vmul.f32 v24, v2;
	v24 =	vbroadcast v1, $0x0;
	v40 =	vadd.f32 v0, v41;
	[tilespmem:$0x6400] =	vst v63;
	v63 =	vld [tilespmem:$0x1FF50]  }
0xda: {  	v0 =	vbroadcast v12, $0x1;
	v41 =	vbroadcast v1, $0x1;
	v35 =	vadd.f32 v59, v35;
	v59 =	vld [tilespmem:$0x5800]  }
0xdb: {  	v5 =	vmul.f32 v18, v5;
	v30 =	vadd.f32 v30, v13;
	v13 =	vld [tilespmem:$0x1700];
	v18 =	vmul.f32 v17, v24  }
0xdc: {  	v2 =	vadd.f32 v4, v2;
	v0 =	vmul.f32 v16, v0;
	v4 =	vmul.f32 v14, v41;
	v17 =	vld [tilespmem:$0x1800]  }
0xdd: {  	v35 =	vadd.f32 v35, v42;
	v14 =	vbroadcast v12, $0x2;
	v16 =	vbroadcast v1, $0x2;
	v41 =	vld [tilespmem:$0x3880]  }
0xde: {  	v42 =	vbroadcast v1, $0x3;
	v24 =	vadd.f32 v2, v51;
	v2 =	vbroadcast v12, $0x3;
	[tilespmem:$0x6480] =	vst v63;
	v63 =	vld [tilespmem:$0x1FF70]  }
0xdf: {  	[tilespmem:$0x7080] =	vst v40;
	v40 =	vld [tilespmem:$0x1E00];
	v5 =	vadd.f32 v18, v5;
	v11 =	vmul.f32 v11, v14;
	v3 =	vmul.f32 v3, v16  }
0xe0: {  	[tilespmem:$0x6F00] =	vst v30;
	v30 =	vld [tilespmem:$0x1D00];
	v0 =	vadd.f32 v4, v0;
	v18 =	vmul.f32 v58, v42;
	v2 =	vmul.f32 v57, v2  }
0xe1: {  	v51 =	vld [tilespmem:$0x5880];
	v4 =	vadd.f32 v5, v54;
	v54 =	vbroadcast v12, $0x4;
	v57 =	vbroadcast v1, $0x4  }
0xe2: {  	v14 =	vld [tilespmem:$0x1880];
	v5 =	vadd.f32 v0, v29;
	v0 =	vbroadcast v12, $0x5;
	v29 =	vbroadcast v1, $0x5  }
0xe3: {  	v3 =	vadd.f32 v3, v11;
	v54 =	vmul.f32 v56, v54;
	v47 =	vmul.f32 v47, v57;
	[tilespmem:$0x6580] =	vst v63;
	v63 =	vld [tilespmem:$0x1FF80]  }
0xe4: {  	v42 =	vld [tilespmem:$0x3900];
	v2 =	vadd.f32 v18, v2;
	v18 =	vmul.f32 v48, v0;
	v29 =	vmul.f32 v34, v29  }
0xe5: {  	v58 =	vld [tilespmem:$0x5900];
	v11 =	vadd.f32 v3, v61;
	v3 =	vbroadcast v12, $0x6;
	v48 =	vbroadcast v1, $0x6  }
0xe6: {  	v16 =	vld [tilespmem:$0x1FF30];
	v61 =	vbroadcast v1, $0x7;
	v0 =	vadd.f32 v2, v55;
	v55 =	vbroadcast v12, $0x7  }
0xe7: {  	[tilespmem:$0x7100] =	vst v35;
	v35 =	vld [tilespmem:$0x3D80];
	v47 =	vadd.f32 v47, v54;
	v46 =	vmul.f32 v46, v3;
	v36 =	vmul.f32 v36, v48  }
0xe8: {  	v29 =	vadd.f32 v29, v18;
	v39 =	vmul.f32 v39, v61;
	v31 =	vmul.f32 v31, v55;
	[tilespmem:$0x6600] =	vst v63;
	v63 =	vld [tilespmem:$0x1FFC0]  }
0xe9: {  	v55 =	vld [tilespmem:$0x1FFA0];
	v18 =	vadd.f32 v47, v45;
	v45 =	vbroadcast v12, $0x8;
	v47 =	vbroadcast v1, $0x8  }
0xea: {  	[tilespmem:$0x7180] =	vst v24;
	v24 =	vld [tilespmem:$0x3E00];
	v15 =	vadd.f32 v29, v15;
	v29 =	vbroadcast v12, $0x9;
	v36 =	vadd.f32 v36, v46  }
0xeb: {  	v56 =	vld [tilespmem:$0x3980];
	v46 =	vbroadcast v1, $0xA;
	v8 =	vmul.f32 v8, v45;
	v31 =	vadd.f32 v39, v31  }
0xec: {  	v34 =	vld [tilespmem:$0x5980];
	v44 =	vmul.f32 v44, v47;
	v29 =	vmul.f32 v52, v29;
	v36 =	vadd.f32 v36, v38  }
0xed: {  	v38 =	vbroadcast v12, $0xA;
	v31 =	vadd.f32 v31, v43;
	v43 =	vbroadcast v12, $0xB;
	[tilespmem:$0x6800] =	vst v63;
	v63 =	vld [tilespmem:$0x1FFD0]  }
0xee: {  	v2 =	vld [tilespmem:$0x130];
	v7 =	vmul.f32 v7, v46;
	[tilespmem:$0x6700] =	vst v55;
	v55 =	vbroadcast v1, $0x9  }
0xef: {  	[tilespmem:$0x6A80] =	vst v21;
	v57 =	vld [tilespmem:$0x1FF60];
	v8 =	vadd.f32 v44, v8;
	v21 =	vmul.f32 v60, v43;
	v60 =	vbroadcast v12, $0xC  }
0xf0: {  	[tilespmem:$0x6A00] =	vst v23;
	v45 =	vld [tilespmem:$0x3A80];
	v52 =	vbroadcast v12, $0xD;
	v23 =	vmul.f32 v53, v38  }
0xf1: {  	[tilespmem:$0x6E00] =	vst v49;
	v3 =	vld [tilespmem:$0x1B0];
	v8 =	vadd.f32 v8, v10;
	v6 =	vmul.f32 v6, v55;
	v10 =	vmul.f32 v62, v60  }
0xf2: {  	v62 =	vmul.f32 v41, v52;
	v41 =	vbroadcast v1, $0xE;
	[tilespmem:$0x6880] =	vst v63;
	v63 =	vld [tilespmem:$0x1FFF0]  }
0xf3: {  	[tilespmem:$0x6380] =	vst v16;
	v16 =	vld [tilespmem:$0x1900];
	v49 =	vbroadcast v2, $0x0;
	v52 =	vbroadcast v2, $0x1;
	v6 =	vadd.f32 v6, v29  }
0xf4: {  	v54 =	vld [tilespmem:$0x1FF90];
	v53 =	vbroadcast v1, $0xD;
	v7 =	vadd.f32 v7, v23;
	v46 =	vmul.f32 v58, v41  }
0xf5: {  	v48 =	vld [tilespmem:$0x3A00];
	v58 =	vmul.f32 v45, v52;
	v6 =	vadd.f32 v6, v37;
	v37 =	vbroadcast v12, $0xE  }
0xf6: {  	v39 =	vld [tilespmem:$0x5A80];
	v52 =	vbroadcast v3, $0x4;
	v12 =	vbroadcast v12, $0xF  }
0xf7: {  	v44 =	vld [tilespmem:$0x5B80];
	v7 =	vadd.f32 v7, v13;
	v13 =	vmul.f32 v42, v37;
	[tilespmem:$0x6980] =	vst v63;
	v63 =	vbroadcast v1, $0xB  }
0xf8: {  	v55 =	vld [tilespmem:$0x1FFE0];
	v12 =	vmul.f32 v56, v12;
	v42 =	vbroadcast v3, $0x3  }
0xf9: {  	[tilespmem:$0x6680] =	vst v54;
	v54 =	vld [tilespmem:$0x5A00];
	v19 =	vmul.f32 v19, v63;
	v63 =	vbroadcast v1, $0xC  }
0xfa: {  	v61 =	vld [tilespmem:$0x1FFB0];
	v37 =	vbroadcast v3, $0xC;
	v1 =	vbroadcast v1, $0xF  }
0xfb: {  	[tilespmem:$0x6500] =	vst v57;
	v57 =	vld [tilespmem:$0x1980];
	v60 =	vmul.f32 v59, v63;
	v63 =	vmul.f32 v51, v53  }
0xfc: {  	[tilespmem:$0x6F80] =	vst v50;
	v38 =	vld [tilespmem:$0x5B00];
	v13 =	vadd.f32 v46, v13;
	v51 =	vbroadcast v3, $0x0;
	v53 =	vbroadcast v3, $0x1  }
0xfd: {  	[tilespmem:$0x6900] =	vst v55;
	v55 =	vld [tilespmem:$0x3B00];
	v50 =	vmul.f32 v44, v42;
	v19 =	vadd.f32 v19, v21;
	v1 =	vmul.f32 v34, v1  }
0xfe: {  	v43 =	vld [tilespmem:$0x3B80];
	v10 =	vadd.f32 v60, v10;
	v56 =	vmul.f32 v54, v51;
	v59 =	vmul.f32 v39, v53  }
0xff: {  	v23 =	vld [tilespmem:$0x3C80];
	v21 =	vadd.f32 v63, v62;
	v60 =	vbroadcast v2, $0x2;
	v62 =	vbroadcast v3, $0x2  }
0x100: {  	v47 =	vld [tilespmem:$0x1A80];
	v13 =	vadd.f32 v13, v16;
	v63 =	vbroadcast v2, $0x3;
	v51 =	vbroadcast v2, $0x4  }
0x101: {  	[tilespmem:$0x6780] =	vst v61;
	v61 =	vld [tilespmem:$0x1A00];
	v54 =	vbroadcast v2, $0x5;
	v10 =	vadd.f32 v10, v17;
	v17 =	vmul.f32 v48, v49  }
0x102: {  	[tilespmem:$0x7200] =	vst v4;
	v34 =	vld [tilespmem:$0x3D00];
	v1 =	vadd.f32 v1, v12;
	v16 =	vmul.f32 v55, v60;
	v46 =	vmul.f32 v38, v62  }
0x103: {  	[tilespmem:$0x7280] =	vst v5;
	v29 =	vld [tilespmem:$0x1B00];
	v9 =	vadd.f32 v19, v9;
	v49 =	vmul.f32 v43, v63;
	v55 =	vbroadcast v3, $0x5  }
0x104: {  	[tilespmem:$0x7300] =	vst v11;
	v42 =	vld [tilespmem:$0x5F00];
	v1 =	vadd.f32 v1, v57;
	v11 =	vmul.f32 v27, v51;
	v5 =	vmul.f32 v23, v54  }
0x105: {  	[tilespmem:$0x7380] =	vst v0;
	v19 =	vld [tilespmem:$0x1C00];
	v48 =	vadd.f32 v59, v58;
	v60 =	vbroadcast v2, $0x6;
	v62 =	vbroadcast v2, $0x7  }
0x106: {  	[tilespmem:$0x7400] =	vst v18;
	v39 =	vld [tilespmem:$0x5D80];
	v63 =	vbroadcast v3, $0x7;
	v45 =	vadd.f32 v56, v17;
	v56 =	vmul.f32 v33, v52  }
0x107: {  	[tilespmem:$0x7480] =	vst v15;
	v53 =	vld [tilespmem:$0x5E00];
	v0 =	vadd.f32 v48, v47;
	v58 =	vmul.f32 v22, v55;
	v38 =	vmul.f32 v34, v60  }
0x108: {  	[tilespmem:$0x7500] =	vst v36;
	v57 =	vld [tilespmem:$0x3E80];
	v16 =	vadd.f32 v46, v16;
	v43 =	vmul.f32 v35, v62;
	v46 =	vbroadcast v2, $0x8  }
0x109: {  	[tilespmem:$0x7580] =	vst v31;
	v59 =	vld [tilespmem:$0x5E80];
	v12 =	vadd.f32 v50, v49;
	v47 =	vbroadcast v3, $0x8;
	v49 =	vbroadcast v2, $0x9  }
0x10a: {  	[tilespmem:$0x7600] =	vst v8;
	v27 =	vld [tilespmem:$0x1E80];
	v50 =	vbroadcast v3, $0x9;
	v62 =	vbroadcast v3, $0xB  }
0x10b: {  	[tilespmem:$0x7700] =	vst v7;
	v14 =	vadd.f32 v21, v14;
	v51 =	vld [tilespmem:$0x5F80];
	v44 =	vmul.f32 v39, v63;
	v39 =	vbroadcast v2, $0xD  }
0x10c: {  	[tilespmem:$0x7680] =	vst v6;
	v23 =	vld [tilespmem:$0x1F00];
	v4 =	vadd.f32 v45, v61;
	v16 =	vadd.f32 v16, v29;
	v61 =	vbroadcast v3, $0x6  }
0x10d: {  	[tilespmem:$0x7900] =	vst v13;
	v33 =	vld [tilespmem:$0x3F00];
	v12 =	vadd.f32 v12, v26;
	v8 =	vmul.f32 v24, v46;
	v53 =	vmul.f32 v53, v47  }
0x10e: {  	[tilespmem:$0x7780] =	vst v9;
	v48 =	vld [tilespmem:$0x3F80];
	v5 =	vadd.f32 v58, v5;
	v58 =	vbroadcast v3, $0xA;
	v9 =	vmul.f32 v57, v49  }
0x10f: {  	[tilespmem:$0x7800] =	vst v10;
	v63 =	vld [tilespmem:$0x4080];
	v36 =	vadd.f32 v56, v11;
	v55 =	vmul.f32 v59, v50;
	v57 =	vbroadcast v2, $0xA  }
0x110: {  	[tilespmem:$0x7880] =	vst v14;
	v56 =	vld [tilespmem:$0x4000];
	v6 =	vadd.f32 v44, v43;
	v34 =	vmul.f32 v51, v62;
	v51 =	vbroadcast v2, $0xE  }
0x111: {  	[tilespmem:$0x7980] =	vst v1;
	v35 =	vld [tilespmem:$0x4100];
	v41 =	vmul.f32 v25, v61;
	v45 =	vadd.f32 v36, v19;
	v61 =	vbroadcast v2, $0xB  }
0x112: {  	[tilespmem:$0x7A80] =	vst v0;
	v59 =	vld [tilespmem:$0x6000];
	v29 =	vadd.f32 v53, v8;
	v31 =	vmul.f32 v42, v58;
	v36 =	vbroadcast v2, $0xC  }
0x113: {  	v54 =	vld [tilespmem:$0x1F80];
	[tilespmem:$0x7A00] =	vst v4;
	v2 =	vbroadcast v2, $0xF;
	v60 =	vadd.f32 v6, v20;
	v52 =	vadd.f32 v41, v38  }
0x114: {  	[tilespmem:$0x7B00] =	vst v16;
	v6 =	vmul.f32 v48, v61;
	v4 =	vadd.f32 v29, v40;
	v38 =	vld [tilespmem:$0x6100];
	v40 =	vbroadcast v3, $0xD  }
0x115: {  	v5 =	vadd.f32 v5, v28;
	[tilespmem:$0x7B80] =	vst v12;
	v41 =	vld [tilespmem:$0x4180];
	v47 =	vmul.f32 v63, v39;
	v43 =	vmul.f32 v56, v36  }
0x116: {  	[tilespmem:$0x7C00] =	vst v45;
	v45 =	vld [tilespmem:$0x6180];
	v10 =	vadd.f32 v52, v30;
	v30 =	vmul.f32 v33, v57;
	v33 =	vadd.f32 v55, v9  }
0x117: {  	[tilespmem:$0x7C80] =	vst v5;
	v48 =	vld [tilespmem:$0x2000];
	v56 =	vmul.f32 v35, v51;
	v44 =	vmul.f32 v59, v37;
	v46 =	vadd.f32 v34, v6  }
0x118: {  	v50 =	vld [tilespmem:$0x2080];
	[tilespmem:$0x7D80] =	vst v60;
	v49 =	vmul.f32 v32, v40;
	v52 =	vbroadcast v3, $0xE;
	v0 =	vadd.f32 v33, v27  }
0x119: {  	v3 =	vbroadcast v3, $0xF;
	[tilespmem:$0x7E00] =	vst v4;
	v42 =	vadd.f32 v31, v30;
	v53 =	vadd.f32 v46, v54;
	v54 =	vld [tilespmem:$0x2100]  }
0x11a: {  	v58 =	vld [tilespmem:$0x2180];
	[tilespmem:$0x7D00] =	vst v10;
	v55 =	vadd.f32 v44, v43;
	v59 =	vadd.f32 v49, v47;
	v57 =	vmul.f32 v38, v52  }
0x11b: {  	v2 =	vmul.f32 v41, v2;
	v3 =	vmul.f32 v45, v3;
	v7 =	vadd.f32 v42, v23;
	[tilespmem:$0x7E80] =	vst v0  }
0x11c: {  	v4 =	vadd.f32 v55, v48;
	[tilespmem:$0x7F80] =	vst v53;
	v60 =	vadd.f32 v57, v56  }
0x11d: {  	v0 =	vadd.f32 v59, v50;
	v61 =	vadd.f32 v3, v2;
	[tilespmem:$0x7F00] =	vst v7  }
0x11e: {  	[tilespmem:$0x8000] =	vst v4;
	v62 =	vadd.f32 v60, v54  }
0x11f: {  	[tilespmem:$0x8080] =	vst v0;
	v63 =	vadd.f32 v61, v58  }
0x120: {  	p0 =	sne.s32 s10, $0x1;
	[tilespmem:$0x8100] =	vst v62  }
.Ltmp0:
0x121: {  	[tilespmem:$0x8180] =	vst v63;
	(pc) =	sbr.rel @p0 .LBB2_1-.Ltmp0, $4  }
0x122: {  	[hbm4b:s9+s2] =	stream.linear.scatter [tilespmem:s20], [sflag:$0x2], $0x2000, $0x38;
	[tilespmem:$0x8200] =	vst v63  }
0x123: {  	_ =	swait.ge [sflag:s11], $0x2000  }
0x124: {  	[sflag:s11] =	ssyncset.done $0x0  }
0x125: {  	s10 =	sadd.s32 $0xFFFFFFFF, s10;
	[sflag:s11] =	ssyncadd.s32 $0xFFFFE000  }
0x126: {  	_ =	sfence.sel $0x180000  }
0x127: {  	[bflag:$0x0] =	sbarrier.arrive $0xFFFF  }
0x128: {  	p0 =	sne.s32 s1, $0x0;
	_ =	strace $0x9000004A  }
0x129: {  	s0 =	sadd.s32 @!p0 $0x100000, s0;
	[bflag:$0x2] =	sbarrier.arrive $0xFFFF  }
0x12a: {  	[sflag:s0] =	ssyncadd.tile.s32 @!p0 $0x1;
	_ =	shalt  }
.Lfunc_end2:
_tile_overlayer_lowered:
.L_overlay_start_2:
0x12b: {  	(tag) =	ssettag $0x2  }
0x12c: {  	s0 =	rddreg [dreg:$0x0];
	s2 =	stileid.u32  }
0x12d: {  	s1 =	rddreg [dreg:$0x1];
	p0 =	sne.s32 s2, $0x0  }
0x12e: {  	s3 =	rddreg [dreg:$0x2];
	[bflag:$0x3] =	sbarrier.arrive $0xFFFF;
	s2 =	simm.s32 @!p0 $0x1C02  }
0x12f: {  	[timem:s3], [sflag:s2] =	dma.local @!p0 [hbm:s0], s1  }
0x130: {  	s0 =	simm.s32 @!p0 $0x2  }
0x131: {  	_ =	swait.ge @!p0 [sflag:s0], s1  }
0x132: {  	s1 =	ssub.s32 @!p0 $0x0, s1;
	[sflag:s0] =	ssyncset.done @!p0 $0x0  }
0x133: {  	[sflag:s0] =	ssyncadd.s32 @!p0 s1  }
0x134: {  	[bflag:$0x3] =	sbarrier.arrive $0xFFFF  }
0x135: {  	_ =	shalt  }

</sc_bundles>
